<compile_context>
chip_gen: v7x
topology: tpu7x:2x2x1
jax: 0.10.2.dev20260603
libtpu: 0.0.44.dev20260713+nightly
codegen_flags: <defaults>
</compile_context>

<pallas_src>
import functools

import jax
import jax.numpy as jnp
from jax import lax
from jax.experimental import pallas as pl
from jax.experimental.pallas import tpu as pltpu
from jax.experimental.pallas import tpu_sc as plsc

N_NODES = 10000
DIM = 128
N_EDGES = 320000
KAPPA_C = 0.95
EPS_C = 1e-05

NUM_CORES = 2
NUM_SUBCORES = 16
NUM_WORKERS = NUM_CORES * NUM_SUBCORES

ACC_ROWS = 10240
ROWS_PER_TILE = ACC_ROWS // NUM_SUBCORES
EDGES_PER_WORKER = N_EDGES // NUM_WORKERS
CHUNK = 40
NCHUNKS = EDGES_PER_WORKER // CHUNK
NBUF = 5
NGROUPS = NCHUNKS // NBUF

_mesh = plsc.VectorSubcoreMesh(core_axis_name="c", subcore_axis_name="s")


@functools.partial(
    pl.kernel,
    mesh=_mesh,
    out_type=jax.ShapeDtypeStruct((NUM_CORES, ACC_ROWS, DIM), jnp.float32),
    scratch_types=[
        pltpu.VMEM_SHARED((ACC_ROWS, DIM), jnp.float32),
        pltpu.VMEM((NBUF, 2, CHUNK), jnp.int32),
        pltpu.VMEM((NBUF, 2, CHUNK), jnp.int32),
        pltpu.VMEM((NBUF, CHUNK, DIM), jnp.float32),
        pltpu.SemaphoreType.DMA((NBUF,)),
        pltpu.SemaphoreType.DMA((NBUF,)),
        pltpu.SemaphoreType.DMA((NBUF,)),
        pltpu.SemaphoreType.DMA((NBUF,)),
        pltpu.SemaphoreType.DMA,
    ],
)
def _sc_aggregate(src_hbm, dst_hbm, emb_hbm, zeros_hbm, out_hbm,
                  acc, srcv, dstv, rows, gsem, ssem, isem, idem, zsem):
    c = lax.axis_index("c")
    s = lax.axis_index("s")
    wid = c * NUM_SUBCORES + s
    ebase = wid * EDGES_PER_WORKER

    row0 = s * ROWS_PER_TILE
    pltpu.async_copy(zeros_hbm, acc.at[pl.ds(row0, ROWS_PER_TILE)], zsem)

    def load_idx_sync(ch, b, par):
        off = ebase + ch * CHUNK
        pltpu.sync_copy(src_hbm.at[pl.ds(off, CHUNK)], srcv.at[b, par])
        pltpu.sync_copy(dst_hbm.at[pl.ds(off, CHUNK)], dstv.at[b, par])

    def load_idx_async(ch, b, par):
        off = ebase + ch * CHUNK
        pltpu.async_copy(src_hbm.at[pl.ds(off, CHUNK)], srcv.at[b, par],
                         isem.at[b])
        pltpu.async_copy(dst_hbm.at[pl.ds(off, CHUNK)], dstv.at[b, par],
                         idem.at[b])

    def wait_idx(b, par):
        pltpu.make_async_copy(src_hbm.at[pl.ds(0, CHUNK)],
                              srcv.at[b, par], isem.at[b]).wait()
        pltpu.make_async_copy(dst_hbm.at[pl.ds(0, CHUNK)],
                              dstv.at[b, par], idem.at[b]).wait()

    def start_gather(b, par):
        pltpu.async_copy(emb_hbm.at[srcv.at[b, par]], rows.at[b], gsem.at[b])

    def wait_gather(b):
        pltpu.make_async_copy(emb_hbm.at[srcv.at[0, 0]], rows.at[b],
                              gsem.at[b]).wait()

    def start_scatter(b, par):
        pltpu.async_copy(rows.at[b], acc.at[dstv.at[b, par]], ssem.at[b],
                         add=True)

    def wait_scatter(b):
        pltpu.make_async_copy(rows.at[b], acc.at[dstv.at[0, 0]],
                              ssem.at[b]).wait()

    for k in range(NBUF):
        load_idx_sync(k, k, 0)
    load_idx_async(NBUF, 0, 1)
    load_idx_async(NBUF + 1, 1, 1)
    pltpu.make_async_copy(zeros_hbm, acc.at[pl.ds(row0, ROWS_PER_TILE)],
                          zsem).wait()
    plsc.subcore_barrier()
    for k in range(NBUF - 1):
        start_gather(k, 0)

    def step(g, k, pg, pg1, with_swait, with_gather, with_idx,
             skip_idx_wait=False):
        wait_gather(k)
        start_scatter(k, pg)
        km = (k - 1) % NBUF
        if with_swait:
            wait_scatter(km)
        if with_gather:
            gp = pg if k == 0 else pg1
            if not skip_idx_wait:
                wait_idx(km, gp)
            start_gather(km, gp)
        if with_idx:
            ip = pg1 if k < 3 else pg
            load_idx_async(NBUF * g + k + 7, (k + 2) % NBUF, ip)

    for k in range(NBUF):
        step(0, k, 0, 1, k > 0, True, True, skip_idx_wait=(k == 0))

    def gbody(g, _):
        pg = lax.rem(g, 2)
        pg1 = 1 - pg
        for k in range(NBUF):
            step(g, k, pg, pg1, True, True, True)
        return ()

    lax.fori_loop(1, NGROUPS - 2, gbody, ())

    g48 = NGROUPS - 2
    p48 = g48 % 2
    for k in range(NBUF):
        step(g48, k, p48, 1 - p48, True, True, k < 3)
    g49 = NGROUPS - 1
    p49 = g49 % 2
    for k in range(NBUF):
        step(g49, k, p49, 1 - p49, True, k == 0, False)
    wait_scatter(NBUF - 1)

    plsc.subcore_barrier()

    pltpu.sync_copy(acc.at[pl.ds(row0, ROWS_PER_TILE)],
                    out_hbm.at[c, pl.ds(row0, ROWS_PER_TILE)])


ROW_BLOCK = 1000
GRID = N_NODES // ROW_BLOCK


def _tc_body(p_ref, f_ref, pre_ref, o_ref):
    f = f_ref[...]
    w = lax.dot_general(f, f, (((0,), (0,)), ((), ())),
                        preferred_element_type=jnp.float32)
    w = w / (jnp.sqrt(jnp.sum(w * w)) + EPS_C)
    agg = p_ref[0] + p_ref[1]
    o_ref[...] = KAPPA_C * lax.dot_general(
        agg, w, (((1,), (0,)), ((), ())),
        preferred_element_type=jnp.float32) + pre_ref[...]


_tc_call = pl.pallas_call(
    _tc_body,
    grid=(GRID,),
    in_specs=[
        pl.BlockSpec((NUM_CORES, ROW_BLOCK, DIM), lambda i: (0, i, 0)),
        pl.BlockSpec((DIM, DIM), lambda i: (0, 0)),
        pl.BlockSpec((ROW_BLOCK, DIM), lambda i: (i, 0)),
    ],
    out_specs=pl.BlockSpec((ROW_BLOCK, DIM), lambda i: (i, 0)),
    out_shape=jax.ShapeDtypeStruct((N_NODES, DIM), jnp.float32),
)


def kernel(features, edge_index, embeddings, F_param, pretrained_embeddings):
    del features
    zeros = jnp.zeros((ROWS_PER_TILE, DIM), jnp.float32)
    partials = _sc_aggregate(edge_index[1], edge_index[0], embeddings, zeros)
    return _tc_call(partials, F_param, pretrained_embeddings)

# --- scband reference (transcript-rebuilt; emitter-appended) ---
"""Pipeline reference for scband-sub-ignn-v2-30064771072225 (READ-ONLY COPY).

The authoritative reference and input builder live on the scoring server;
editing this copy changes nothing except your own understanding.
"""

import jax, jax.numpy as jnp
import numpy as np

N = 10000
D = 128
E = 320000
KAPPA = 0.95
EPS = 1e-05


def setup_inputs(seed: int = 0) -> dict:
    key = jax.random.key(seed)
    k1, k2, k3, k4, k5 = jax.random.split(key, 5)
    features = jax.random.normal(k1, (N, D), dtype=jnp.float32)
    edge_index = jax.random.randint(k2, (2, E), 0, N, dtype=jnp.int32)
    # learned parameter: self.embeddings = 0.01 * rand(num_nodes, out_channels)
    embeddings = 0.01 * jax.random.uniform(k3, (N, D), dtype=jnp.float32)
    # learned parameter: self.F = rand(out_channels, out_channels)
    F_param = jax.random.uniform(k4, (D, D), dtype=jnp.float32)
    # init arg tensor: pretrained_embeddings [num_nodes, out_channels]
    pretrained_embeddings = 0.1 * jax.random.normal(k5, (N, D), dtype=jnp.float32)
    return {
        "features": features,
        "edge_index": edge_index,
        "embeddings": embeddings,
        "F_param": F_param,
        "pretrained_embeddings": pretrained_embeddings,
    }


def _project(F_param):
    # torch: F.T @ F / (norm(F.T @ F) + eps); with uniform init norm >> 1 so the
    # normalized branch is always taken.
    W = F_param.T @ F_param
    n = jnp.linalg.norm(W)
    return W / (n + EPS)


def reference(features, edge_index, embeddings, F_param, pretrained_embeddings):
    weight = _project(F_param)
    dst = edge_index[0]
    src = edge_index[1]
    # sparse_adj @ embeddings  (binary COO adjacency): gather rows then scatter-add
    gathered = jnp.take(embeddings, src, axis=0)
    agg = jax.ops.segment_sum(gathered, dst, num_segments=N)
    outputs = KAPPA * (agg @ weight) + pretrained_embeddings
    return outputs

if __name__ == "__main__":
    import jax
    _d = setup_inputs()
    print(jax.jit(kernel)(*tuple(_d.values())))

</pallas_src>

<mosaic_0001>
#map = affine_map<(d0, d1) -> (0)>
#map1 = affine_map<(d0, d1) -> (0, 0)>
#map2 = affine_map<(d0, d1) -> (0, 0, 0)>
module attributes {stable_mosaic.version = 14 : i64} {
  func.func @_sc_aggregate(%arg0: i32, %arg1: i32, %arg2: memref<320000xi32, #tpu.memory_space<hbm>>, %arg3: memref<320000xi32, #tpu.memory_space<hbm>>, %arg4: memref<10000x128xf32, #tpu.memory_space<hbm>>, %arg5: memref<640x128xf32, #tpu.memory_space<hbm>>, %arg6: memref<2x10240x128xf32, #tpu.memory_space<hbm>>, %arg7: memref<10240x128xf32, #tpu.memory_space<vmem_shared>>, %arg8: memref<5x2x40xi32, #tpu.memory_space<vmem>>, %arg9: memref<5x2x40xi32, #tpu.memory_space<vmem>>, %arg10: memref<5x40x128xf32, #tpu.memory_space<vmem>>, %arg11: memref<5x!tpu.dma_semaphore, #tpu.memory_space<semaphore_mem>>, %arg12: memref<5x!tpu.dma_semaphore, #tpu.memory_space<semaphore_mem>>, %arg13: memref<5x!tpu.dma_semaphore, #tpu.memory_space<semaphore_mem>>, %arg14: memref<5x!tpu.dma_semaphore, #tpu.memory_space<semaphore_mem>>, %arg15: memref<!tpu.dma_semaphore, #tpu.memory_space<semaphore_mem>>) attributes {dimension_semantics = [#tpu.dimension_semantics<core_parallel>, #tpu.dimension_semantics<subcore_parallel>], iteration_bounds = array<i64: 2, 16>, scalar_prefetch = 0 : i64, scratch_operands = 9 : i64, tpu.core_type = #tpu.core_type<sc_vector_subcore>, window_params = [{transform_indices = #map}, {transform_indices = #map}, {transform_indices = #map1}, {transform_indices = #map1}, {transform_indices = #map2}]} {
    %mul3A = arith.constant 16 : i32
    %mul3A_0 = arith.muli %arg0, %mul3A : i32
    %add3A = arith.addi %mul3A_0, %arg1 : i32
    %mul3A_1 = arith.constant 10000 : i32
    %mul3A_2 = arith.muli %add3A, %mul3A_1 : i32
    %mul3A_3 = arith.constant 640 : i32
    %mul3A_4 = arith.muli %arg1, %mul3A_3 : i32
    %dma_start3A = arith.constant 0 : i32
    %dma_start3A_5 = tpu.memref_slice %arg7[%mul3A_4, %dma_start3A] : memref<10240x128xf32, #tpu.memory_space<vmem_shared>> -> memref<640x128xf32, #tpu.memory_space<vmem_shared>>
    tpu.enqueue_dma source(%arg5 : memref<640x128xf32, #tpu.memory_space<hbm>>) target(%dma_start3A_5 : memref<640x128xf32, #tpu.memory_space<vmem_shared>>) target_semaphore(%arg15 : memref<!tpu.dma_semaphore, #tpu.memory_space<semaphore_mem>>)
    %add3A_6 = arith.constant 0 : i32
    %add3A_7 = arith.addi %mul3A_2, %add3A_6 : i32
    %run_scoped3A = arith.constant 0 : i32
    %run_scoped3A_8 = arith.constant 0 : i32
    "tpu.region"() ({
      %run_scoped3A_1581 = tpu.sem_alloc : memref<!tpu.dma_semaphore, #tpu.memory_space<semaphore_mem>>
      %dma_start3A_1582 = arith.constant 0 : i32
      %dma_start3A_1583 = tpu.memref_slice %arg8[%run_scoped3A, %run_scoped3A_8, %dma_start3A_1582] : memref<5x2x40xi32, #tpu.memory_space<vmem>> -> memref<1x1x40xi32, #tpu.memory_space<vmem>>
      %dma_start3A_1584 = tpu.memref_squeeze %dma_start3A_1583 : memref<1x1x40xi32, #tpu.memory_space<vmem>> -> memref<40xi32, #tpu.memory_space<vmem>>
      %dma_start3A_1585 = tpu.memref_slice %arg2[%add3A_7] : memref<320000xi32, #tpu.memory_space<hbm>> -> memref<40xi32, #tpu.memory_space<hbm>>
      %dma_start3A_1586 = arith.constant 0 : i32
      %dma_start3A_1587 = tpu.memref_slice %arg8[%run_scoped3A, %run_scoped3A_8, %dma_start3A_1586] : memref<5x2x40xi32, #tpu.memory_space<vmem>> -> memref<1x1x40xi32, #tpu.memory_space<vmem>>
      %dma_start3A_1588 = tpu.memref_squeeze %dma_start3A_1587 : memref<1x1x40xi32, #tpu.memory_space<vmem>> -> memref<40xi32, #tpu.memory_space<vmem>>
      %dma_start3A_1589 = tpu.memref_slice %arg2[%add3A_7] : memref<320000xi32, #tpu.memory_space<hbm>> -> memref<40xi32, #tpu.memory_space<hbm>>
      tpu.enqueue_dma source(%dma_start3A_1589 : memref<40xi32, #tpu.memory_space<hbm>>) target(%dma_start3A_1588 : memref<40xi32, #tpu.memory_space<vmem>>) target_semaphore(%run_scoped3A_1581 : memref<!tpu.dma_semaphore, #tpu.memory_space<semaphore_mem>>)
      %dma_wait3A_1590 = arith.constant 0 : i32
      %dma_wait3A_1591 = tpu.memref_slice %arg8[%run_scoped3A, %run_scoped3A_8, %dma_wait3A_1590] : memref<5x2x40xi32, #tpu.memory_space<vmem>> -> memref<1x1x40xi32, #tpu.memory_space<vmem>>
      %dma_wait3A_1592 = tpu.memref_squeeze %dma_wait3A_1591 : memref<1x1x40xi32, #tpu.memory_space<vmem>> -> memref<40xi32, #tpu.memory_space<vmem>>
      %dma_wait3A_1593 = tpu.memref_slice %arg2[%add3A_7] : memref<320000xi32, #tpu.memory_space<hbm>> -> memref<40xi32, #tpu.memory_space<hbm>>
      %dma_wait3A_1594 = arith.constant 0 : i32
      %dma_wait3A_1595 = tpu.memref_slice %arg8[%run_scoped3A, %run_scoped3A_8, %dma_wait3A_1594] : memref<5x2x40xi32, #tpu.memory_space<vmem>> -> memref<1x1x40xi32, #tpu.memory_space<vmem>>
      %dma_wait3A_1596 = tpu.memref_squeeze %dma_wait3A_1595 : memref<1x1x40xi32, #tpu.memory_space<vmem>> -> memref<40xi32, #tpu.memory_space<vmem>>
      %dma_wait3A_1597 = tpu.memref_slice %arg2[%add3A_7] : memref<320000xi32, #tpu.memory_space<hbm>> -> memref<40xi32, #tpu.memory_space<hbm>>
      tpu.wait_dma2 semaphore(%run_scoped3A_1581 : memref<!tpu.dma_semaphore, #tpu.memory_space<semaphore_mem>>) src(%dma_wait3A_1597 : memref<40xi32, #tpu.memory_space<hbm>>) dst(%dma_wait3A_1596 : memref<40xi32, #tpu.memory_space<vmem>>)
      tpu.yield
    }) : () -> ()
    %run_scoped3A_9 = arith.constant 0 : i32
    %run_scoped3A_10 = arith.constant 0 : i32
    "tpu.region"() ({
      %run_scoped3A_1581 = tpu.sem_alloc : memref<!tpu.dma_semaphore, #tpu.memory_space<semaphore_mem>>
      %dma_start3A_1582 = arith.constant 0 : i32
      %dma_start3A_1583 = tpu.memref_slice %arg9[%run_scoped3A_9, %run_scoped3A_10, %dma_start3A_1582] : memref<5x2x40xi32, #tpu.memory_space<vmem>> -> memref<1x1x40xi32, #tpu.memory_space<vmem>>
      %dma_start3A_1584 = tpu.memref_squeeze %dma_start3A_1583 : memref<1x1x40xi32, #tpu.memory_space<vmem>> -> memref<40xi32, #tpu.memory_space<vmem>>
      %dma_start3A_1585 = tpu.memref_slice %arg3[%add3A_7] : memref<320000xi32, #tpu.memory_space<hbm>> -> memref<40xi32, #tpu.memory_space<hbm>>
      %dma_start3A_1586 = arith.constant 0 : i32
      %dma_start3A_1587 = tpu.memref_slice %arg9[%run_scoped3A_9, %run_scoped3A_10, %dma_start3A_1586] : memref<5x2x40xi32, #tpu.memory_space<vmem>> -> memref<1x1x40xi32, #tpu.memory_space<vmem>>
      %dma_start3A_1588 = tpu.memref_squeeze %dma_start3A_1587 : memref<1x1x40xi32, #tpu.memory_space<vmem>> -> memref<40xi32, #tpu.memory_space<vmem>>
      %dma_start3A_1589 = tpu.memref_slice %arg3[%add3A_7] : memref<320000xi32, #tpu.memory_space<hbm>> -> memref<40xi32, #tpu.memory_space<hbm>>
      tpu.enqueue_dma source(%dma_start3A_1589 : memref<40xi32, #tpu.memory_space<hbm>>) target(%dma_start3A_1588 : memref<40xi32, #tpu.memory_space<vmem>>) target_semaphore(%run_scoped3A_1581 : memref<!tpu.dma_semaphore, #tpu.memory_space<semaphore_mem>>)
      %dma_wait3A_1590 = arith.constant 0 : i32
      %dma_wait3A_1591 = tpu.memref_slice %arg9[%run_scoped3A_9, %run_scoped3A_10, %dma_wait3A_1590] : memref<5x2x40xi32, #tpu.memory_space<vmem>> -> memref<1x1x40xi32, #tpu.memory_space<vmem>>
      %dma_wait3A_1592 = tpu.memref_squeeze %dma_wait3A_1591 : memref<1x1x40xi32, #tpu.memory_space<vmem>> -> memref<40xi32, #tpu.memory_space<vmem>>
      %dma_wait3A_1593 = tpu.memref_slice %arg3[%add3A_7] : memref<320000xi32, #tpu.memory_space<hbm>> -> memref<40xi32, #tpu.memory_space<hbm>>
      %dma_wait3A_1594 = arith.constant 0 : i32
      %dma_wait3A_1595 = tpu.memref_slice %arg9[%run_scoped3A_9, %run_scoped3A_10, %dma_wait3A_1594] : memref<5x2x40xi32, #tpu.memory_space<vmem>> -> memref<1x1x40xi32, #tpu.memory_space<vmem>>
      %dma_wait3A_1596 = tpu.memref_squeeze %dma_wait3A_1595 : memref<1x1x40xi32, #tpu.memory_space<vmem>> -> memref<40xi32, #tpu.memory_space<vmem>>
      %dma_wait3A_1597 = tpu.memref_slice %arg3[%add3A_7] : memref<320000xi32, #tpu.memory_space<hbm>> -> memref<40xi32, #tpu.memory_space<hbm>>
      tpu.wait_dma2 semaphore(%run_scoped3A_1581 : memref<!tpu.dma_semaphore, #tpu.memory_space<semaphore_mem>>) src(%dma_wait3A_1597 : memref<40xi32, #tpu.memory_space<hbm>>) dst(%dma_wait3A_1596 : memref<40xi32, #tpu.memory_space<vmem>>)
      tpu.yield
    }) : () -> ()
    %add3A_11 = arith.constant 40 : i32
    %add3A_12 = arith.addi %mul3A_2, %add3A_11 : i32
    %run_scoped3A_13 = arith.constant 1 : i32
    %run_scoped3A_14 = arith.constant 0 : i32
    "tpu.region"() ({
      %run_scoped3A_1581 = tpu.sem_alloc : memref<!tpu.dma_semaphore, #tpu.memory_space<semaphore_mem>>
      %dma_start3A_1582 = arith.constant 0 : i32
      %dma_start3A_1583 = tpu.memref_slice %arg8[%run_scoped3A_13, %run_scoped3A_14, %dma_start3A_1582] : memref<5x2x40xi32, #tpu.memory_space<vmem>> -> memref<1x1x40xi32, #tpu.memory_space<vmem>>
      %dma_start3A_1584 = tpu.memref_squeeze %dma_start3A_1583 : memref<1x1x40xi32, #tpu.memory_space<vmem>> -> memref<40xi32, #tpu.memory_space<vmem>>
      %dma_start3A_1585 = tpu.memref_slice %arg2[%add3A_12] : memref<320000xi32, #tpu.memory_space<hbm>> -> memref<40xi32, #tpu.memory_space<hbm>>
      %dma_start3A_1586 = arith.constant 0 : i32
      %dma_start3A_1587 = tpu.memref_slice %arg8[%run_scoped3A_13, %run_scoped3A_14, %dma_start3A_1586] : memref<5x2x40xi32, #tpu.memory_space<vmem>> -> memref<1x1x40xi32, #tpu.memory_space<vmem>>
      %dma_start3A_1588 = tpu.memref_squeeze %dma_start3A_1587 : memref<1x1x40xi32, #tpu.memory_space<vmem>> -> memref<40xi32, #tpu.memory_space<vmem>>
      %dma_start3A_1589 = tpu.memref_slice %arg2[%add3A_12] : memref<320000xi32, #tpu.memory_space<hbm>> -> memref<40xi32, #tpu.memory_space<hbm>>
      tpu.enqueue_dma source(%dma_start3A_1589 : memref<40xi32, #tpu.memory_space<hbm>>) target(%dma_start3A_1588 : memref<40xi32, #tpu.memory_space<vmem>>) target_semaphore(%run_scoped3A_1581 : memref<!tpu.dma_semaphore, #tpu.memory_space<semaphore_mem>>)
      %dma_wait3A_1590 = arith.constant 0 : i32
      %dma_wait3A_1591 = tpu.memref_slice %arg8[%run_scoped3A_13, %run_scoped3A_14, %dma_wait3A_1590] : memref<5x2x40xi32, #tpu.memory_space<vmem>> -> memref<1x1x40xi32, #tpu.memory_space<vmem>>
      %dma_wait3A_1592 = tpu.memref_squeeze %dma_wait3A_1591 : memref<1x1x40xi32, #tpu.memory_space<vmem>> -> memref<40xi32, #tpu.memory_space<vmem>>
      %dma_wait3A_1593 = tpu.memref_slice %arg2[%add3A_12] : memref<320000xi32, #tpu.memory_space<hbm>> -> memref<40xi32, #tpu.memory_space<hbm>>
      %dma_wait3A_1594 = arith.constant 0 : i32
      %dma_wait3A_1595 = tpu.memref_slice %arg8[%run_scoped3A_13, %run_scoped3A_14, %dma_wait3A_1594] : memref<5x2x40xi32, #tpu.memory_space<vmem>> -> memref<1x1x40xi32, #tpu.memory_space<vmem>>
      %dma_wait3A_1596 = tpu.memref_squeeze %dma_wait3A_1595 : memref<1x1x40xi32, #tpu.memory_space<vmem>> -> memref<40xi32, #tpu.memory_space<vmem>>
      %dma_wait3A_1597 = tpu.memref_slice %arg2[%add3A_12] : memref<320000xi32, #tpu.memory_space<hbm>> -> memref<40xi32, #tpu.memory_space<hbm>>
      tpu.wait_dma2 semaphore(%run_scoped3A_1581 : memref<!tpu.dma_semaphore, #tpu.memory_space<semaphore_mem>>) src(%dma_wait3A_1597 : memref<40xi32, #tpu.memory_space<hbm>>) dst(%dma_wait3A_1596 : memref<40xi32, #tpu.memory_space<vmem>>)
      tpu.yield
    }) : () -> ()
    %run_scoped3A_15 = arith.constant 1 : i32
    %run_scoped3A_16 = arith.constant 0 : i32
    "tpu.region"() ({
      %run_scoped3A_1581 = tpu.sem_alloc : memref<!tpu.dma_semaphore, #tpu.memory_space<semaphore_mem>>
      %dma_start3A_1582 = arith.constant 0 : i32
      %dma_start3A_1583 = tpu.memref_slice %arg9[%run_scoped3A_15, %run_scoped3A_16, %dma_start3A_1582] : memref<5x2x40xi32, #tpu.memory_space<vmem>> -> memref<1x1x40xi32, #tpu.memory_space<vmem>>
      %dma_start3A_1584 = tpu.memref_squeeze %dma_start3A_1583 : memref<1x1x40xi32, #tpu.memory_space<vmem>> -> memref<40xi32, #tpu.memory_space<vmem>>
      %dma_start3A_1585 = tpu.memref_slice %arg3[%add3A_12] : memref<320000xi32, #tpu.memory_space<hbm>> -> memref<40xi32, #tpu.memory_space<hbm>>
      %dma_start3A_1586 = arith.constant 0 : i32
      %dma_start3A_1587 = tpu.memref_slice %arg9[%run_scoped3A_15, %run_scoped3A_16, %dma_start3A_1586] : memref<5x2x40xi32, #tpu.memory_space<vmem>> -> memref<1x1x40xi32, #tpu.memory_space<vmem>>
      %dma_start3A_1588 = tpu.memref_squeeze %dma_start3A_1587 : memref<1x1x40xi32, #tpu.memory_space<vmem>> -> memref<40xi32, #tpu.memory_space<vmem>>
      %dma_start3A_1589 = tpu.memref_slice %arg3[%add3A_12] : memref<320000xi32, #tpu.memory_space<hbm>> -> memref<40xi32, #tpu.memory_space<hbm>>
      tpu.enqueue_dma source(%dma_start3A_1589 : memref<40xi32, #tpu.memory_space<hbm>>) target(%dma_start3A_1588 : memref<40xi32, #tpu.memory_space<vmem>>) target_semaphore(%run_scoped3A_1581 : memref<!tpu.dma_semaphore, #tpu.memory_space<semaphore_mem>>)
      %dma_wait3A_1590 = arith.constant 0 : i32
      %dma_wait3A_1591 = tpu.memref_slice %arg9[%run_scoped3A_15, %run_scoped3A_16, %dma_wait3A_1590] : memref<5x2x40xi32, #tpu.memory_space<vmem>> -> memref<1x1x40xi32, #tpu.memory_space<vmem>>
      %dma_wait3A_1592 = tpu.memref_squeeze %dma_wait3A_1591 : memref<1x1x40xi32, #tpu.memory_space<vmem>> -> memref<40xi32, #tpu.memory_space<vmem>>
      %dma_wait3A_1593 = tpu.memref_slice %arg3[%add3A_12] : memref<320000xi32, #tpu.memory_space<hbm>> -> memref<40xi32, #tpu.memory_space<hbm>>
      %dma_wait3A_1594 = arith.constant 0 : i32
      %dma_wait3A_1595 = tpu.memref_slice %arg9[%run_scoped3A_15, %run_scoped3A_16, %dma_wait3A_1594] : memref<5x2x40xi32, #tpu.memory_space<vmem>> -> memref<1x1x40xi32, #tpu.memory_space<vmem>>
      %dma_wait3A_1596 = tpu.memref_squeeze %dma_wait3A_1595 : memref<1x1x40xi32, #tpu.memory_space<vmem>> -> memref<40xi32, #tpu.memory_space<vmem>>
      %dma_wait3A_1597 = tpu.memref_slice %arg3[%add3A_12] : memref<320000xi32, #tpu.memory_space<hbm>> -> memref<40xi32, #tpu.memory_space<hbm>>
      tpu.wait_dma2 semaphore(%run_scoped3A_1581 : memref<!tpu.dma_semaphore, #tpu.memory_space<semaphore_mem>>) src(%dma_wait3A_1597 : memref<40xi32, #tpu.memory_space<hbm>>) dst(%dma_wait3A_1596 : memref<40xi32, #tpu.memory_space<vmem>>)
      tpu.yield
    }) : () -> ()
    %add3A_17 = arith.constant 80 : i32
    %add3A_18 = arith.addi %mul3A_2, %add3A_17 : i32
    %run_scoped3A_19 = arith.constant 2 : i32
    %run_scoped3A_20 = arith.constant 0 : i32
    "tpu.region"() ({
      %run_scoped3A_1581 = tpu.sem_alloc : memref<!tpu.dma_semaphore, #tpu.memory_space<semaphore_mem>>
      %dma_start3A_1582 = arith.constant 0 : i32
      %dma_start3A_1583 = tpu.memref_slice %arg8[%run_scoped3A_19, %run_scoped3A_20, %dma_start3A_1582] : memref<5x2x40xi32, #tpu.memory_space<vmem>> -> memref<1x1x40xi32, #tpu.memory_space<vmem>>
      %dma_start3A_1584 = tpu.memref_squeeze %dma_start3A_1583 : memref<1x1x40xi32, #tpu.memory_space<vmem>> -> memref<40xi32, #tpu.memory_space<vmem>>
      %dma_start3A_1585 = tpu.memref_slice %arg2[%add3A_18] : memref<320000xi32, #tpu.memory_space<hbm>> -> memref<40xi32, #tpu.memory_space<hbm>>
      %dma_start3A_1586 = arith.constant 0 : i32
      %dma_start3A_1587 = tpu.memref_slice %arg8[%run_scoped3A_19, %run_scoped3A_20, %dma_start3A_1586] : memref<5x2x40xi32, #tpu.memory_space<vmem>> -> memref<1x1x40xi32, #tpu.memory_space<vmem>>
      %dma_start3A_1588 = tpu.memref_squeeze %dma_start3A_1587 : memref<1x1x40xi32, #tpu.memory_space<vmem>> -> memref<40xi32, #tpu.memory_space<vmem>>
      %dma_start3A_1589 = tpu.memref_slice %arg2[%add3A_18] : memref<320000xi32, #tpu.memory_space<hbm>> -> memref<40xi32, #tpu.memory_space<hbm>>
      tpu.enqueue_dma source(%dma_start3A_1589 : memref<40xi32, #tpu.memory_space<hbm>>) target(%dma_start3A_1588 : memref<40xi32, #tpu.memory_space<vmem>>) target_semaphore(%run_scoped3A_1581 : memref<!tpu.dma_semaphore, #tpu.memory_space<semaphore_mem>>)
      %dma_wait3A_1590 = arith.constant 0 : i32
      %dma_wait3A_1591 = tpu.memref_slice %arg8[%run_scoped3A_19, %run_scoped3A_20, %dma_wait3A_1590] : memref<5x2x40xi32, #tpu.memory_space<vmem>> -> memref<1x1x40xi32, #tpu.memory_space<vmem>>
      %dma_wait3A_1592 = tpu.memref_squeeze %dma_wait3A_1591 : memref<1x1x40xi32, #tpu.memory_space<vmem>> -> memref<40xi32, #tpu.memory_space<vmem>>
      %dma_wait3A_1593 = tpu.memref_slice %arg2[%add3A_18] : memref<320000xi32, #tpu.memory_space<hbm>> -> memref<40xi32, #tpu.memory_space<hbm>>
      %dma_wait3A_1594 = arith.constant 0 : i32
      %dma_wait3A_1595 = tpu.memref_slice %arg8[%run_scoped3A_19, %run_scoped3A_20, %dma_wait3A_1594] : memref<5x2x40xi32, #tpu.memory_space<vmem>> -> memref<1x1x40xi32, #tpu.memory_space<vmem>>
      %dma_wait3A_1596 = tpu.memref_squeeze %dma_wait3A_1595 : memref<1x1x40xi32, #tpu.memory_space<vmem>> -> memref<40xi32, #tpu.memory_space<vmem>>
      %dma_wait3A_1597 = tpu.memref_slice %arg2[%add3A_18] : memref<320000xi32, #tpu.memory_space<hbm>> -> memref<40xi32, #tpu.memory_space<hbm>>
      tpu.wait_dma2 semaphore(%run_scoped3A_1581 : memref<!tpu.dma_semaphore, #tpu.memory_space<semaphore_mem>>) src(%dma_wait3A_1597 : memref<40xi32, #tpu.memory_space<hbm>>) dst(%dma_wait3A_1596 : memref<40xi32, #tpu.memory_space<vmem>>)
      tpu.yield
    }) : () -> ()
    %run_scoped3A_21 = arith.constant 2 : i32
    %run_scoped3A_22 = arith.constant 0 : i32
    "tpu.region"() ({
      %run_scoped3A_1581 = tpu.sem_alloc : memref<!tpu.dma_semaphore, #tpu.memory_space<semaphore_mem>>
      %dma_start3A_1582 = arith.constant 0 : i32
      %dma_start3A_1583 = tpu.memref_slice %arg9[%run_scoped3A_21, %run_scoped3A_22, %dma_start3A_1582] : memref<5x2x40xi32, #tpu.memory_space<vmem>> -> memref<1x1x40xi32, #tpu.memory_space<vmem>>
      %dma_start3A_1584 = tpu.memref_squeeze %dma_start3A_1583 : memref<1x1x40xi32, #tpu.memory_space<vmem>> -> memref<40xi32, #tpu.memory_space<vmem>>
      %dma_start3A_1585 = tpu.memref_slice %arg3[%add3A_18] : memref<320000xi32, #tpu.memory_space<hbm>> -> memref<40xi32, #tpu.memory_space<hbm>>
      %dma_start3A_1586 = arith.constant 0 : i32
      %dma_start3A_1587 = tpu.memref_slice %arg9[%run_scoped3A_21, %run_scoped3A_22, %dma_start3A_1586] : memref<5x2x40xi32, #tpu.memory_space<vmem>> -> memref<1x1x40xi32, #tpu.memory_space<vmem>>
      %dma_start3A_1588 = tpu.memref_squeeze %dma_start3A_1587 : memref<1x1x40xi32, #tpu.memory_space<vmem>> -> memref<40xi32, #tpu.memory_space<vmem>>
      %dma_start3A_1589 = tpu.memref_slice %arg3[%add3A_18] : memref<320000xi32, #tpu.memory_space<hbm>> -> memref<40xi32, #tpu.memory_space<hbm>>
      tpu.enqueue_dma source(%dma_start3A_1589 : memref<40xi32, #tpu.memory_space<hbm>>) target(%dma_start3A_1588 : memref<40xi32, #tpu.memory_space<vmem>>) target_semaphore(%run_scoped3A_1581 : memref<!tpu.dma_semaphore, #tpu.memory_space<semaphore_mem>>)
      %dma_wait3A_1590 = arith.constant 0 : i32
      %dma_wait3A_1591 = tpu.memref_slice %arg9[%run_scoped3A_21, %run_scoped3A_22, %dma_wait3A_1590] : memref<5x2x40xi32, #tpu.memory_space<vmem>> -> memref<1x1x40xi32, #tpu.memory_space<vmem>>
      %dma_wait3A_1592 = tpu.memref_squeeze %dma_wait3A_1591 : memref<1x1x40xi32, #tpu.memory_space<vmem>> -> memref<40xi32, #tpu.memory_space<vmem>>
      %dma_wait3A_1593 = tpu.memref_slice %arg3[%add3A_18] : memref<320000xi32, #tpu.memory_space<hbm>> -> memref<40xi32, #tpu.memory_space<hbm>>
      %dma_wait3A_1594 = arith.constant 0 : i32
      %dma_wait3A_1595 = tpu.memref_slice %arg9[%run_scoped3A_21, %run_scoped3A_22, %dma_wait3A_1594] : memref<5x2x40xi32, #tpu.memory_space<vmem>> -> memref<1x1x40xi32, #tpu.memory_space<vmem>>
      %dma_wait3A_1596 = tpu.memref_squeeze %dma_wait3A_1595 : memref<1x1x40xi32, #tpu.memory_space<vmem>> -> memref<40xi32, #tpu.memory_space<vmem>>
      %dma_wait3A_1597 = tpu.memref_slice %arg3[%add3A_18] : memref<320000xi32, #tpu.memory_space<hbm>> -> memref<40xi32, #tpu.memory_space<hbm>>
      tpu.wait_dma2 semaphore(%run_scoped3A_1581 : memref<!tpu.dma_semaphore, #tpu.memory_space<semaphore_mem>>) src(%dma_wait3A_1597 : memref<40xi32, #tpu.memory_space<hbm>>) dst(%dma_wait3A_1596 : memref<40xi32, #tpu.memory_space<vmem>>)
      tpu.yield
    }) : () -> ()
    %add3A_23 = arith.constant 120 : i32
    %add3A_24 = arith.addi %mul3A_2, %add3A_23 : i32
    %run_scoped3A_25 = arith.constant 3 : i32
    %run_scoped3A_26 = arith.constant 0 : i32
    "tpu.region"() ({
      %run_scoped3A_1581 = tpu.sem_alloc : memref<!tpu.dma_semaphore, #tpu.memory_space<semaphore_mem>>
      %dma_start3A_1582 = arith.constant 0 : i32
      %dma_start3A_1583 = tpu.memref_slice %arg8[%run_scoped3A_25, %run_scoped3A_26, %dma_start3A_1582] : memref<5x2x40xi32, #tpu.memory_space<vmem>> -> memref<1x1x40xi32, #tpu.memory_space<vmem>>
      %dma_start3A_1584 = tpu.memref_squeeze %dma_start3A_1583 : memref<1x1x40xi32, #tpu.memory_space<vmem>> -> memref<40xi32, #tpu.memory_space<vmem>>
      %dma_start3A_1585 = tpu.memref_slice %arg2[%add3A_24] : memref<320000xi32, #tpu.memory_space<hbm>> -> memref<40xi32, #tpu.memory_space<hbm>>
      %dma_start3A_1586 = arith.constant 0 : i32
      %dma_start3A_1587 = tpu.memref_slice %arg8[%run_scoped3A_25, %run_scoped3A_26, %dma_start3A_1586] : memref<5x2x40xi32, #tpu.memory_space<vmem>> -> memref<1x1x40xi32, #tpu.memory_space<vmem>>
      %dma_start3A_1588 = tpu.memref_squeeze %dma_start3A_1587 : memref<1x1x40xi32, #tpu.memory_space<vmem>> -> memref<40xi32, #tpu.memory_space<vmem>>
      %dma_start3A_1589 = tpu.memref_slice %arg2[%add3A_24] : memref<320000xi32, #tpu.memory_space<hbm>> -> memref<40xi32, #tpu.memory_space<hbm>>
      tpu.enqueue_dma source(%dma_start3A_1589 : memref<40xi32, #tpu.memory_space<hbm>>) target(%dma_start3A_1588 : memref<40xi32, #tpu.memory_space<vmem>>) target_semaphore(%run_scoped3A_1581 : memref<!tpu.dma_semaphore, #tpu.memory_space<semaphore_mem>>)
      %dma_wait3A_1590 = arith.constant 0 : i32
      %dma_wait3A_1591 = tpu.memref_slice %arg8[%run_scoped3A_25, %run_scoped3A_26, %dma_wait3A_1590] : memref<5x2x40xi32, #tpu.memory_space<vmem>> -> memref<1x1x40xi32, #tpu.memory_space<vmem>>
      %dma_wait3A_1592 = tpu.memref_squeeze %dma_wait3A_1591 : memref<1x1x40xi32, #tpu.memory_space<vmem>> -> memref<40xi32, #tpu.memory_space<vmem>>
      %dma_wait3A_1593 = tpu.memref_slice %arg2[%add3A_24] : memref<320000xi32, #tpu.memory_space<hbm>> -> memref<40xi32, #tpu.memory_space<hbm>>
      %dma_wait3A_1594 = arith.constant 0 : i32
      %dma_wait3A_1595 = tpu.memref_slice %arg8[%run_scoped3A_25, %run_scoped3A_26, %dma_wait3A_1594] : memref<5x2x40xi32, #tpu.memory_space<vmem>> -> memref<1x1x40xi32, #tpu.memory_space<vmem>>
      %dma_wait3A_1596 = tpu.memref_squeeze %dma_wait3A_1595 : memref<1x1x40xi32, #tpu.memory_space<vmem>> -> memref<40xi32, #tpu.memory_space<vmem>>
      %dma_wait3A_1597 = tpu.memref_slice %arg2[%add3A_24] : memref<320000xi32, #tpu.memory_space<hbm>> -> memref<40xi32, #tpu.memory_space<hbm>>
      tpu.wait_dma2 semaphore(%run_scoped3A_1581 : memref<!tpu.dma_semaphore, #tpu.memory_space<semaphore_mem>>) src(%dma_wait3A_1597 : memref<40xi32, #tpu.memory_space<hbm>>) dst(%dma_wait3A_1596 : memref<40xi32, #tpu.memory_space<vmem>>)
      tpu.yield
    }) : () -> ()
    %run_scoped3A_27 = arith.constant 3 : i32
    %run_scoped3A_28 = arith.constant 0 : i32
    "tpu.region"() ({
      %run_scoped3A_1581 = tpu.sem_alloc : memref<!tpu.dma_semaphore, #tpu.memory_space<semaphore_mem>>
      %dma_start3A_1582 = arith.constant 0 : i32
      %dma_start3A_1583 = tpu.memref_slice %arg9[%run_scoped3A_27, %run_scoped3A_28, %dma_start3A_1582] : memref<5x2x40xi32, #tpu.memory_space<vmem>> -> memref<1x1x40xi32, #tpu.memory_space<vmem>>
      %dma_start3A_1584 = tpu.memref_squeeze %dma_start3A_1583 : memref<1x1x40xi32, #tpu.memory_space<vmem>> -> memref<40xi32, #tpu.memory_space<vmem>>
      %dma_start3A_1585 = tpu.memref_slice %arg3[%add3A_24] : memref<320000xi32, #tpu.memory_space<hbm>> -> memref<40xi32, #tpu.memory_space<hbm>>
      %dma_start3A_1586 = arith.constant 0 : i32
      %dma_start3A_1587 = tpu.memref_slice %arg9[%run_scoped3A_27, %run_scoped3A_28, %dma_start3A_1586] : memref<5x2x40xi32, #tpu.memory_space<vmem>> -> memref<1x1x40xi32, #tpu.memory_space<vmem>>
      %dma_start3A_1588 = tpu.memref_squeeze %dma_start3A_1587 : memref<1x1x40xi32, #tpu.memory_space<vmem>> -> memref<40xi32, #tpu.memory_space<vmem>>
      %dma_start3A_1589 = tpu.memref_slice %arg3[%add3A_24] : memref<320000xi32, #tpu.memory_space<hbm>> -> memref<40xi32, #tpu.memory_space<hbm>>
      tpu.enqueue_dma source(%dma_start3A_1589 : memref<40xi32, #tpu.memory_space<hbm>>) target(%dma_start3A_1588 : memref<40xi32, #tpu.memory_space<vmem>>) target_semaphore(%run_scoped3A_1581 : memref<!tpu.dma_semaphore, #tpu.memory_space<semaphore_mem>>)
      %dma_wait3A_1590 = arith.constant 0 : i32
      %dma_wait3A_1591 = tpu.memref_slice %arg9[%run_scoped3A_27, %run_scoped3A_28, %dma_wait3A_1590] : memref<5x2x40xi32, #tpu.memory_space<vmem>> -> memref<1x1x40xi32, #tpu.memory_space<vmem>>
      %dma_wait3A_1592 = tpu.memref_squeeze %dma_wait3A_1591 : memref<1x1x40xi32, #tpu.memory_space<vmem>> -> memref<40xi32, #tpu.memory_space<vmem>>
      %dma_wait3A_1593 = tpu.memref_slice %arg3[%add3A_24] : memref<320000xi32, #tpu.memory_space<hbm>> -> memref<40xi32, #tpu.memory_space<hbm>>
      %dma_wait3A_1594 = arith.constant 0 : i32
      %dma_wait3A_1595 = tpu.memref_slice %arg9[%run_scoped3A_27, %run_scoped3A_28, %dma_wait3A_1594] : memref<5x2x40xi32, #tpu.memory_space<vmem>> -> memref<1x1x40xi32, #tpu.memory_space<vmem>>
      %dma_wait3A_1596 = tpu.memref_squeeze %dma_wait3A_1595 : memref<1x1x40xi32, #tpu.memory_space<vmem>> -> memref<40xi32, #tpu.memory_space<vmem>>
      %dma_wait3A_1597 = tpu.memref_slice %arg3[%add3A_24] : memref<320000xi32, #tpu.memory_space<hbm>> -> memref<40xi32, #tpu.memory_space<hbm>>
      tpu.wait_dma2 semaphore(%run_scoped3A_1581 : memref<!tpu.dma_semaphore, #tpu.memory_space<semaphore_mem>>) src(%dma_wait3A_1597 : memref<40xi32, #tpu.memory_space<hbm>>) dst(%dma_wait3A_1596 : memref<40xi32, #tpu.memory_space<vmem>>)
      tpu.yield
    }) : () -> ()
    %add3A_29 = arith.constant 160 : i32
    %add3A_30 = arith.addi %mul3A_2, %add3A_29 : i32
    %run_scoped3A_31 = arith.constant 4 : i32
    %run_scoped3A_32 = arith.constant 0 : i32
    "tpu.region"() ({
      %run_scoped3A_1581 = tpu.sem_alloc : memref<!tpu.dma_semaphore, #tpu.memory_space<semaphore_mem>>
      %dma_start3A_1582 = arith.constant 0 : i32
      %dma_start3A_1583 = tpu.memref_slice %arg8[%run_scoped3A_31, %run_scoped3A_32, %dma_start3A_1582] : memref<5x2x40xi32, #tpu.memory_space<vmem>> -> memref<1x1x40xi32, #tpu.memory_space<vmem>>
      %dma_start3A_1584 = tpu.memref_squeeze %dma_start3A_1583 : memref<1x1x40xi32, #tpu.memory_space<vmem>> -> memref<40xi32, #tpu.memory_space<vmem>>
      %dma_start3A_1585 = tpu.memref_slice %arg2[%add3A_30] : memref<320000xi32, #tpu.memory_space<hbm>> -> memref<40xi32, #tpu.memory_space<hbm>>
      %dma_start3A_1586 = arith.constant 0 : i32
      %dma_start3A_1587 = tpu.memref_slice %arg8[%run_scoped3A_31, %run_scoped3A_32, %dma_start3A_1586] : memref<5x2x40xi32, #tpu.memory_space<vmem>> -> memref<1x1x40xi32, #tpu.memory_space<vmem>>
      %dma_start3A_1588 = tpu.memref_squeeze %dma_start3A_1587 : memref<1x1x40xi32, #tpu.memory_space<vmem>> -> memref<40xi32, #tpu.memory_space<vmem>>
      %dma_start3A_1589 = tpu.memref_slice %arg2[%add3A_30] : memref<320000xi32, #tpu.memory_space<hbm>> -> memref<40xi32, #tpu.memory_space<hbm>>
      tpu.enqueue_dma source(%dma_start3A_1589 : memref<40xi32, #tpu.memory_space<hbm>>) target(%dma_start3A_1588 : memref<40xi32, #tpu.memory_space<vmem>>) target_semaphore(%run_scoped3A_1581 : memref<!tpu.dma_semaphore, #tpu.memory_space<semaphore_mem>>)
      %dma_wait3A_1590 = arith.constant 0 : i32
      %dma_wait3A_1591 = tpu.memref_slice %arg8[%run_scoped3A_31, %run_scoped3A_32, %dma_wait3A_1590] : memref<5x2x40xi32, #tpu.memory_space<vmem>> -> memref<1x1x40xi32, #tpu.memory_space<vmem>>
      %dma_wait3A_1592 = tpu.memref_squeeze %dma_wait3A_1591 : memref<1x1x40xi32, #tpu.memory_space<vmem>> -> memref<40xi32, #tpu.memory_space<vmem>>
      %dma_wait3A_1593 = tpu.memref_slice %arg2[%add3A_30] : memref<320000xi32, #tpu.memory_space<hbm>> -> memref<40xi32, #tpu.memory_space<hbm>>
      %dma_wait3A_1594 = arith.constant 0 : i32
      %dma_wait3A_1595 = tpu.memref_slice %arg8[%run_scoped3A_31, %run_scoped3A_32, %dma_wait3A_1594] : memref<5x2x40xi32, #tpu.memory_space<vmem>> -> memref<1x1x40xi32, #tpu.memory_space<vmem>>
      %dma_wait3A_1596 = tpu.memref_squeeze %dma_wait3A_1595 : memref<1x1x40xi32, #tpu.memory_space<vmem>> -> memref<40xi32, #tpu.memory_space<vmem>>
      %dma_wait3A_1597 = tpu.memref_slice %arg2[%add3A_30] : memref<320000xi32, #tpu.memory_space<hbm>> -> memref<40xi32, #tpu.memory_space<hbm>>
      tpu.wait_dma2 semaphore(%run_scoped3A_1581 : memref<!tpu.dma_semaphore, #tpu.memory_space<semaphore_mem>>) src(%dma_wait3A_1597 : memref<40xi32, #tpu.memory_space<hbm>>) dst(%dma_wait3A_1596 : memref<40xi32, #tpu.memory_space<vmem>>)
      tpu.yield
    }) : () -> ()
    %run_scoped3A_33 = arith.constant 4 : i32
    %run_scoped3A_34 = arith.constant 0 : i32
    "tpu.region"() ({
      %run_scoped3A_1581 = tpu.sem_alloc : memref<!tpu.dma_semaphore, #tpu.memory_space<semaphore_mem>>
      %dma_start3A_1582 = arith.constant 0 : i32
      %dma_start3A_1583 = tpu.memref_slice %arg9[%run_scoped3A_33, %run_scoped3A_34, %dma_start3A_1582] : memref<5x2x40xi32, #tpu.memory_space<vmem>> -> memref<1x1x40xi32, #tpu.memory_space<vmem>>
      %dma_start3A_1584 = tpu.memref_squeeze %dma_start3A_1583 : memref<1x1x40xi32, #tpu.memory_space<vmem>> -> memref<40xi32, #tpu.memory_space<vmem>>
      %dma_start3A_1585 = tpu.memref_slice %arg3[%add3A_30] : memref<320000xi32, #tpu.memory_space<hbm>> -> memref<40xi32, #tpu.memory_space<hbm>>
      %dma_start3A_1586 = arith.constant 0 : i32
      %dma_start3A_1587 = tpu.memref_slice %arg9[%run_scoped3A_33, %run_scoped3A_34, %dma_start3A_1586] : memref<5x2x40xi32, #tpu.memory_space<vmem>> -> memref<1x1x40xi32, #tpu.memory_space<vmem>>
      %dma_start3A_1588 = tpu.memref_squeeze %dma_start3A_1587 : memref<1x1x40xi32, #tpu.memory_space<vmem>> -> memref<40xi32, #tpu.memory_space<vmem>>
      %dma_start3A_1589 = tpu.memref_slice %arg3[%add3A_30] : memref<320000xi32, #tpu.memory_space<hbm>> -> memref<40xi32, #tpu.memory_space<hbm>>
      tpu.enqueue_dma source(%dma_start3A_1589 : memref<40xi32, #tpu.memory_space<hbm>>) target(%dma_start3A_1588 : memref<40xi32, #tpu.memory_space<vmem>>) target_semaphore(%run_scoped3A_1581 : memref<!tpu.dma_semaphore, #tpu.memory_space<semaphore_mem>>)
      %dma_wait3A_1590 = arith.constant 0 : i32
      %dma_wait3A_1591 = tpu.memref_slice %arg9[%run_scoped3A_33, %run_scoped3A_34, %dma_wait3A_1590] : memref<5x2x40xi32, #tpu.memory_space<vmem>> -> memref<1x1x40xi32, #tpu.memory_space<vmem>>
      %dma_wait3A_1592 = tpu.memref_squeeze %dma_wait3A_1591 : memref<1x1x40xi32, #tpu.memory_space<vmem>> -> memref<40xi32, #tpu.memory_space<vmem>>
      %dma_wait3A_1593 = tpu.memref_slice %arg3[%add3A_30] : memref<320000xi32, #tpu.memory_space<hbm>> -> memref<40xi32, #tpu.memory_space<hbm>>
      %dma_wait3A_1594 = arith.constant 0 : i32
      %dma_wait3A_1595 = tpu.memref_slice %arg9[%run_scoped3A_33, %run_scoped3A_34, %dma_wait3A_1594] : memref<5x2x40xi32, #tpu.memory_space<vmem>> -> memref<1x1x40xi32, #tpu.memory_space<vmem>>
      %dma_wait3A_1596 = tpu.memref_squeeze %dma_wait3A_1595 : memref<1x1x40xi32, #tpu.memory_space<vmem>> -> memref<40xi32, #tpu.memory_space<vmem>>
      %dma_wait3A_1597 = tpu.memref_slice %arg3[%add3A_30] : memref<320000xi32, #tpu.memory_space<hbm>> -> memref<40xi32, #tpu.memory_space<hbm>>
      tpu.wait_dma2 semaphore(%run_scoped3A_1581 : memref<!tpu.dma_semaphore, #tpu.memory_space<semaphore_mem>>) src(%dma_wait3A_1597 : memref<40xi32, #tpu.memory_space<hbm>>) dst(%dma_wait3A_1596 : memref<40xi32, #tpu.memory_space<vmem>>)
      tpu.yield
    }) : () -> ()
    %add3A_35 = arith.constant 200 : i32
    %add3A_36 = arith.addi %mul3A_2, %add3A_35 : i32
    %dma_start3A_37 = arith.constant 0 : i32
    %dma_start3A_38 = arith.constant 1 : i32
    %dma_start3A_39 = arith.constant 0 : i32
    %dma_start3A_40 = arith.constant 0 : i32
    %dma_start3A_41 = tpu.memref_slice %arg8[%dma_start3A_37, %dma_start3A_38, %dma_start3A_40] : memref<5x2x40xi32, #tpu.memory_space<vmem>> -> memref<1x1x40xi32, #tpu.memory_space<vmem>>
    %dma_start3A_42 = tpu.memref_squeeze %dma_start3A_41 : memref<1x1x40xi32, #tpu.memory_space<vmem>> -> memref<40xi32, #tpu.memory_space<vmem>>
    %dma_start3A_43 = tpu.memref_slice %arg2[%add3A_36] : memref<320000xi32, #tpu.memory_space<hbm>> -> memref<40xi32, #tpu.memory_space<hbm>>
    %dma_start3A_44 = tpu.memref_slice %arg13[%dma_start3A_39] : memref<5x!tpu.dma_semaphore, #tpu.memory_space<semaphore_mem>> -> memref<1x!tpu.dma_semaphore, #tpu.memory_space<semaphore_mem>>
    %dma_start3A_45 = tpu.memref_squeeze %dma_start3A_44 : memref<1x!tpu.dma_semaphore, #tpu.memory_space<semaphore_mem>> -> memref<!tpu.dma_semaphore, #tpu.memory_space<semaphore_mem>>
    %dma_start3A_46 = arith.constant 0 : i32
    %dma_start3A_47 = tpu.memref_slice %arg8[%dma_start3A_37, %dma_start3A_38, %dma_start3A_46] : memref<5x2x40xi32, #tpu.memory_space<vmem>> -> memref<1x1x40xi32, #tpu.memory_space<vmem>>
    %dma_start3A_48 = tpu.memref_squeeze %dma_start3A_47 : memref<1x1x40xi32, #tpu.memory_space<vmem>> -> memref<40xi32, #tpu.memory_space<vmem>>
    %dma_start3A_49 = tpu.memref_slice %arg2[%add3A_36] : memref<320000xi32, #tpu.memory_space<hbm>> -> memref<40xi32, #tpu.memory_space<hbm>>
    tpu.enqueue_dma source(%dma_start3A_49 : memref<40xi32, #tpu.memory_space<hbm>>) target(%dma_start3A_48 : memref<40xi32, #tpu.memory_space<vmem>>) target_semaphore(%dma_start3A_45 : memref<!tpu.dma_semaphore, #tpu.memory_space<semaphore_mem>>)
    %dma_start3A_50 = arith.constant 0 : i32
    %dma_start3A_51 = arith.constant 1 : i32
    %dma_start3A_52 = arith.constant 0 : i32
    %dma_start3A_53 = arith.constant 0 : i32
    %dma_start3A_54 = tpu.memref_slice %arg9[%dma_start3A_50, %dma_start3A_51, %dma_start3A_53] : memref<5x2x40xi32, #tpu.memory_space<vmem>> -> memref<1x1x40xi32, #tpu.memory_space<vmem>>
    %dma_start3A_55 = tpu.memref_squeeze %dma_start3A_54 : memref<1x1x40xi32, #tpu.memory_space<vmem>> -> memref<40xi32, #tpu.memory_space<vmem>>
    %dma_start3A_56 = tpu.memref_slice %arg3[%add3A_36] : memref<320000xi32, #tpu.memory_space<hbm>> -> memref<40xi32, #tpu.memory_space<hbm>>
    %dma_start3A_57 = tpu.memref_slice %arg14[%dma_start3A_52] : memref<5x!tpu.dma_semaphore, #tpu.memory_space<semaphore_mem>> -> memref<1x!tpu.dma_semaphore, #tpu.memory_space<semaphore_mem>>
    %dma_start3A_58 = tpu.memref_squeeze %dma_start3A_57 : memref<1x!tpu.dma_semaphore, #tpu.memory_space<semaphore_mem>> -> memref<!tpu.dma_semaphore, #tpu.memory_space<semaphore_mem>>
    %dma_start3A_59 = arith.constant 0 : i32
    %dma_start3A_60 = tpu.memref_slice %arg9[%dma_start3A_50, %dma_start3A_51, %dma_start3A_59] : memref<5x2x40xi32, #tpu.memory_space<vmem>> -> memref<1x1x40xi32, #tpu.memory_space<vmem>>
    %dma_start3A_61 = tpu.memref_squeeze %dma_start3A_60 : memref<1x1x40xi32, #tpu.memory_space<vmem>> -> memref<40xi32, #tpu.memory_space<vmem>>
    %dma_start3A_62 = tpu.memref_slice %arg3[%add3A_36] : memref<320000xi32, #tpu.memory_space<hbm>> -> memref<40xi32, #tpu.memory_space<hbm>>
    tpu.enqueue_dma source(%dma_start3A_62 : memref<40xi32, #tpu.memory_space<hbm>>) target(%dma_start3A_61 : memref<40xi32, #tpu.memory_space<vmem>>) target_semaphore(%dma_start3A_58 : memref<!tpu.dma_semaphore, #tpu.memory_space<semaphore_mem>>)
    %add3A_63 = arith.constant 240 : i32
    %add3A_64 = arith.addi %mul3A_2, %add3A_63 : i32
    %dma_start3A_65 = arith.constant 1 : i32
    %dma_start3A_66 = arith.constant 1 : i32
    %dma_start3A_67 = arith.constant 1 : i32
    %dma_start3A_68 = arith.constant 0 : i32
    %dma_start3A_69 = tpu.memref_slice %arg8[%dma_start3A_65, %dma_start3A_66, %dma_start3A_68] : memref<5x2x40xi32, #tpu.memory_space<vmem>> -> memref<1x1x40xi32, #tpu.memory_space<vmem>>
    %dma_start3A_70 = tpu.memref_squeeze %dma_start3A_69 : memref<1x1x40xi32, #tpu.memory_space<vmem>> -> memref<40xi32, #tpu.memory_space<vmem>>
    %dma_start3A_71 = tpu.memref_slice %arg2[%add3A_64] : memref<320000xi32, #tpu.memory_space<hbm>> -> memref<40xi32, #tpu.memory_space<hbm>>
    %dma_start3A_72 = tpu.memref_slice %arg13[%dma_start3A_67] : memref<5x!tpu.dma_semaphore, #tpu.memory_space<semaphore_mem>> -> memref<1x!tpu.dma_semaphore, #tpu.memory_space<semaphore_mem>>
    %dma_start3A_73 = tpu.memref_squeeze %dma_start3A_72 : memref<1x!tpu.dma_semaphore, #tpu.memory_space<semaphore_mem>> -> memref<!tpu.dma_semaphore, #tpu.memory_space<semaphore_mem>>
    %dma_start3A_74 = arith.constant 0 : i32
    %dma_start3A_75 = tpu.memref_slice %arg8[%dma_start3A_65, %dma_start3A_66, %dma_start3A_74] : memref<5x2x40xi32, #tpu.memory_space<vmem>> -> memref<1x1x40xi32, #tpu.memory_space<vmem>>
    %dma_start3A_76 = tpu.memref_squeeze %dma_start3A_75 : memref<1x1x40xi32, #tpu.memory_space<vmem>> -> memref<40xi32, #tpu.memory_space<vmem>>
    %dma_start3A_77 = tpu.memref_slice %arg2[%add3A_64] : memref<320000xi32, #tpu.memory_space<hbm>> -> memref<40xi32, #tpu.memory_space<hbm>>
    tpu.enqueue_dma source(%dma_start3A_77 : memref<40xi32, #tpu.memory_space<hbm>>) target(%dma_start3A_76 : memref<40xi32, #tpu.memory_space<vmem>>) target_semaphore(%dma_start3A_73 : memref<!tpu.dma_semaphore, #tpu.memory_space<semaphore_mem>>)
    %dma_start3A_78 = arith.constant 1 : i32
    %dma_start3A_79 = arith.constant 1 : i32
    %dma_start3A_80 = arith.constant 1 : i32
    %dma_start3A_81 = arith.constant 0 : i32
    %dma_start3A_82 = tpu.memref_slice %arg9[%dma_start3A_78, %dma_start3A_79, %dma_start3A_81] : memref<5x2x40xi32, #tpu.memory_space<vmem>> -> memref<1x1x40xi32, #tpu.memory_space<vmem>>
    %dma_start3A_83 = tpu.memref_squeeze %dma_start3A_82 : memref<1x1x40xi32, #tpu.memory_space<vmem>> -> memref<40xi32, #tpu.memory_space<vmem>>
    %dma_start3A_84 = tpu.memref_slice %arg3[%add3A_64] : memref<320000xi32, #tpu.memory_space<hbm>> -> memref<40xi32, #tpu.memory_space<hbm>>
    %dma_start3A_85 = tpu.memref_slice %arg14[%dma_start3A_80] : memref<5x!tpu.dma_semaphore, #tpu.memory_space<semaphore_mem>> -> memref<1x!tpu.dma_semaphore, #tpu.memory_space<semaphore_mem>>
    %dma_start3A_86 = tpu.memref_squeeze %dma_start3A_85 : memref<1x!tpu.dma_semaphore, #tpu.memory_space<semaphore_mem>> -> memref<!tpu.dma_semaphore, #tpu.memory_space<semaphore_mem>>
    %dma_start3A_87 = arith.constant 0 : i32
    %dma_start3A_88 = tpu.memref_slice %arg9[%dma_start3A_78, %dma_start3A_79, %dma_start3A_87] : memref<5x2x40xi32, #tpu.memory_space<vmem>> -> memref<1x1x40xi32, #tpu.memory_space<vmem>>
    %dma_start3A_89 = tpu.memref_squeeze %dma_start3A_88 : memref<1x1x40xi32, #tpu.memory_space<vmem>> -> memref<40xi32, #tpu.memory_space<vmem>>
    %dma_start3A_90 = tpu.memref_slice %arg3[%add3A_64] : memref<320000xi32, #tpu.memory_space<hbm>> -> memref<40xi32, #tpu.memory_space<hbm>>
    tpu.enqueue_dma source(%dma_start3A_90 : memref<40xi32, #tpu.memory_space<hbm>>) target(%dma_start3A_89 : memref<40xi32, #tpu.memory_space<vmem>>) target_semaphore(%dma_start3A_86 : memref<!tpu.dma_semaphore, #tpu.memory_space<semaphore_mem>>)
    %dma_wait3A = arith.constant 0 : i32
    %dma_wait3A_91 = tpu.memref_slice %arg7[%mul3A_4, %dma_wait3A] : memref<10240x128xf32, #tpu.memory_space<vmem_shared>> -> memref<640x128xf32, #tpu.memory_space<vmem_shared>>
    tpu.wait_dma2 semaphore(%arg15 : memref<!tpu.dma_semaphore, #tpu.memory_space<semaphore_mem>>) src(%arg5 : memref<640x128xf32, #tpu.memory_space<hbm>>) dst(%dma_wait3A_91 : memref<640x128xf32, #tpu.memory_space<vmem_shared>>)
    %barrier3A = arith.constant 0 : index
    tpu.barrier barrier_id(%barrier3A)
    %dma_start3A_92 = arith.constant 0 : i32
    %dma_start3A_93 = arith.constant 0 : i32
    %dma_start3A_94 = arith.constant 0 : i32
    %dma_start3A_95 = arith.constant 0 : i32
    %dma_start3A_96 = arith.constant 0 : i32
    %dma_start3A_97 = arith.constant 0 : i32
    %dma_start3A_98 = tpu.memref_slice %arg10[%dma_start3A_94, %dma_start3A_96, %dma_start3A_97] : memref<5x40x128xf32, #tpu.memory_space<vmem>> -> memref<1x40x128xf32, #tpu.memory_space<vmem>>
    %dma_start3A_99 = tpu.memref_squeeze %dma_start3A_98 : memref<1x40x128xf32, #tpu.memory_space<vmem>> -> memref<40x128xf32, #tpu.memory_space<vmem>>
    %dma_start3A_100 = arith.constant 0 : i32
    %dma_start3A_101 = tpu.memref_slice %arg8[%dma_start3A_92, %dma_start3A_93, %dma_start3A_100] : memref<5x2x40xi32, #tpu.memory_space<vmem>> -> memref<1x1x40xi32, #tpu.memory_space<vmem>>
    %dma_start3A_102 = tpu.memref_squeeze %dma_start3A_101 : memref<1x1x40xi32, #tpu.memory_space<vmem>> -> memref<40xi32, #tpu.memory_space<vmem>>
    %dma_start3A_103 = arith.constant 0 : i32
    %dma_start3A_104 = arith.constant 0 : i32
    %dma_start3A_105 = tpu.memref_slice %arg4[%dma_start3A_103, %dma_start3A_104] : memref<10000x128xf32, #tpu.memory_space<hbm>> -> memref<10000x128xf32, #tpu.memory_space<hbm>>
    %dma_start3A_106 = tpu.memref_slice %arg11[%dma_start3A_95] : memref<5x!tpu.dma_semaphore, #tpu.memory_space<semaphore_mem>> -> memref<1x!tpu.dma_semaphore, #tpu.memory_space<semaphore_mem>>
    %dma_start3A_107 = tpu.memref_squeeze %dma_start3A_106 : memref<1x!tpu.dma_semaphore, #tpu.memory_space<semaphore_mem>> -> memref<!tpu.dma_semaphore, #tpu.memory_space<semaphore_mem>>
    tpu.enqueue_indirect_dma source(%dma_start3A_105 : memref<10000x128xf32, #tpu.memory_space<hbm>>) target(%dma_start3A_99 : memref<40x128xf32, #tpu.memory_space<vmem>>) offsets(%dma_start3A_102 : memref<40xi32, #tpu.memory_space<vmem>>) semaphore(%dma_start3A_107 : memref<!tpu.dma_semaphore, #tpu.memory_space<semaphore_mem>>)
    %dma_start3A_108 = arith.constant 1 : i32
    %dma_start3A_109 = arith.constant 0 : i32
    %dma_start3A_110 = arith.constant 1 : i32
    %dma_start3A_111 = arith.constant 1 : i32
    %dma_start3A_112 = arith.constant 0 : i32
    %dma_start3A_113 = arith.constant 0 : i32
    %dma_start3A_114 = tpu.memref_slice %arg10[%dma_start3A_110, %dma_start3A_112, %dma_start3A_113] : memref<5x40x128xf32, #tpu.memory_space<vmem>> -> memref<1x40x128xf32, #tpu.memory_space<vmem>>
    %dma_start3A_115 = tpu.memref_squeeze %dma_start3A_114 : memref<1x40x128xf32, #tpu.memory_space<vmem>> -> memref<40x128xf32, #tpu.memory_space<vmem>>
    %dma_start3A_116 = arith.constant 0 : i32
    %dma_start3A_117 = tpu.memref_slice %arg8[%dma_start3A_108, %dma_start3A_109, %dma_start3A_116] : memref<5x2x40xi32, #tpu.memory_space<vmem>> -> memref<1x1x40xi32, #tpu.memory_space<vmem>>
    %dma_start3A_118 = tpu.memref_squeeze %dma_start3A_117 : memref<1x1x40xi32, #tpu.memory_space<vmem>> -> memref<40xi32, #tpu.memory_space<vmem>>
    %dma_start3A_119 = arith.constant 0 : i32
    %dma_start3A_120 = arith.constant 0 : i32
    %dma_start3A_121 = tpu.memref_slice %arg4[%dma_start3A_119, %dma_start3A_120] : memref<10000x128xf32, #tpu.memory_space<hbm>> -> memref<10000x128xf32, #tpu.memory_space<hbm>>
    %dma_start3A_122 = tpu.memref_slice %arg11[%dma_start3A_111] : memref<5x!tpu.dma_semaphore, #tpu.memory_space<semaphore_mem>> -> memref<1x!tpu.dma_semaphore, #tpu.memory_space<semaphore_mem>>
    %dma_start3A_123 = tpu.memref_squeeze %dma_start3A_122 : memref<1x!tpu.dma_semaphore, #tpu.memory_space<semaphore_mem>> -> memref<!tpu.dma_semaphore, #tpu.memory_space<semaphore_mem>>
    tpu.enqueue_indirect_dma source(%dma_start3A_121 : memref<10000x128xf32, #tpu.memory_space<hbm>>) target(%dma_start3A_115 : memref<40x128xf32, #tpu.memory_space<vmem>>) offsets(%dma_start3A_118 : memref<40xi32, #tpu.memory_space<vmem>>) semaphore(%dma_start3A_123 : memref<!tpu.dma_semaphore, #tpu.memory_space<semaphore_mem>>)
    %dma_start3A_124 = arith.constant 2 : i32
    %dma_start3A_125 = arith.constant 0 : i32
    %dma_start3A_126 = arith.constant 2 : i32
    %dma_start3A_127 = arith.constant 2 : i32
    %dma_start3A_128 = arith.constant 0 : i32
    %dma_start3A_129 = arith.constant 0 : i32
    %dma_start3A_130 = tpu.memref_slice %arg10[%dma_start3A_126, %dma_start3A_128, %dma_start3A_129] : memref<5x40x128xf32, #tpu.memory_space<vmem>> -> memref<1x40x128xf32, #tpu.memory_space<vmem>>
    %dma_start3A_131 = tpu.memref_squeeze %dma_start3A_130 : memref<1x40x128xf32, #tpu.memory_space<vmem>> -> memref<40x128xf32, #tpu.memory_space<vmem>>
    %dma_start3A_132 = arith.constant 0 : i32
    %dma_start3A_133 = tpu.memref_slice %arg8[%dma_start3A_124, %dma_start3A_125, %dma_start3A_132] : memref<5x2x40xi32, #tpu.memory_space<vmem>> -> memref<1x1x40xi32, #tpu.memory_space<vmem>>
    %dma_start3A_134 = tpu.memref_squeeze %dma_start3A_133 : memref<1x1x40xi32, #tpu.memory_space<vmem>> -> memref<40xi32, #tpu.memory_space<vmem>>
    %dma_start3A_135 = arith.constant 0 : i32
    %dma_start3A_136 = arith.constant 0 : i32
    %dma_start3A_137 = tpu.memref_slice %arg4[%dma_start3A_135, %dma_start3A_136] : memref<10000x128xf32, #tpu.memory_space<hbm>> -> memref<10000x128xf32, #tpu.memory_space<hbm>>
    %dma_start3A_138 = tpu.memref_slice %arg11[%dma_start3A_127] : memref<5x!tpu.dma_semaphore, #tpu.memory_space<semaphore_mem>> -> memref<1x!tpu.dma_semaphore, #tpu.memory_space<semaphore_mem>>
    %dma_start3A_139 = tpu.memref_squeeze %dma_start3A_138 : memref<1x!tpu.dma_semaphore, #tpu.memory_space<semaphore_mem>> -> memref<!tpu.dma_semaphore, #tpu.memory_space<semaphore_mem>>
    tpu.enqueue_indirect_dma source(%dma_start3A_137 : memref<10000x128xf32, #tpu.memory_space<hbm>>) target(%dma_start3A_131 : memref<40x128xf32, #tpu.memory_space<vmem>>) offsets(%dma_start3A_134 : memref<40xi32, #tpu.memory_space<vmem>>) semaphore(%dma_start3A_139 : memref<!tpu.dma_semaphore, #tpu.memory_space<semaphore_mem>>)
    %dma_start3A_140 = arith.constant 3 : i32
    %dma_start3A_141 = arith.constant 0 : i32
    %dma_start3A_142 = arith.constant 3 : i32
    %dma_start3A_143 = arith.constant 3 : i32
    %dma_start3A_144 = arith.constant 0 : i32
    %dma_start3A_145 = arith.constant 0 : i32
    %dma_start3A_146 = tpu.memref_slice %arg10[%dma_start3A_142, %dma_start3A_144, %dma_start3A_145] : memref<5x40x128xf32, #tpu.memory_space<vmem>> -> memref<1x40x128xf32, #tpu.memory_space<vmem>>
    %dma_start3A_147 = tpu.memref_squeeze %dma_start3A_146 : memref<1x40x128xf32, #tpu.memory_space<vmem>> -> memref<40x128xf32, #tpu.memory_space<vmem>>
    %dma_start3A_148 = arith.constant 0 : i32
    %dma_start3A_149 = tpu.memref_slice %arg8[%dma_start3A_140, %dma_start3A_141, %dma_start3A_148] : memref<5x2x40xi32, #tpu.memory_space<vmem>> -> memref<1x1x40xi32, #tpu.memory_space<vmem>>
    %dma_start3A_150 = tpu.memref_squeeze %dma_start3A_149 : memref<1x1x40xi32, #tpu.memory_space<vmem>> -> memref<40xi32, #tpu.memory_space<vmem>>
    %dma_start3A_151 = arith.constant 0 : i32
    %dma_start3A_152 = arith.constant 0 : i32
    %dma_start3A_153 = tpu.memref_slice %arg4[%dma_start3A_151, %dma_start3A_152] : memref<10000x128xf32, #tpu.memory_space<hbm>> -> memref<10000x128xf32, #tpu.memory_space<hbm>>
    %dma_start3A_154 = tpu.memref_slice %arg11[%dma_start3A_143] : memref<5x!tpu.dma_semaphore, #tpu.memory_space<semaphore_mem>> -> memref<1x!tpu.dma_semaphore, #tpu.memory_space<semaphore_mem>>
    %dma_start3A_155 = tpu.memref_squeeze %dma_start3A_154 : memref<1x!tpu.dma_semaphore, #tpu.memory_space<semaphore_mem>> -> memref<!tpu.dma_semaphore, #tpu.memory_space<semaphore_mem>>
    tpu.enqueue_indirect_dma source(%dma_start3A_153 : memref<10000x128xf32, #tpu.memory_space<hbm>>) target(%dma_start3A_147 : memref<40x128xf32, #tpu.memory_space<vmem>>) offsets(%dma_start3A_150 : memref<40xi32, #tpu.memory_space<vmem>>) semaphore(%dma_start3A_155 : memref<!tpu.dma_semaphore, #tpu.memory_space<semaphore_mem>>)
    %dma_wait3A_156 = arith.constant 0 : i32
    %dma_wait3A_157 = arith.constant 0 : i32
    %dma_wait3A_158 = arith.constant 0 : i32
    %dma_wait3A_159 = arith.constant 0 : i32
    %dma_wait3A_160 = arith.constant 0 : i32
    %dma_wait3A_161 = arith.constant 0 : i32
    %dma_wait3A_162 = tpu.memref_slice %arg10[%dma_wait3A_158, %dma_wait3A_160, %dma_wait3A_161] : memref<5x40x128xf32, #tpu.memory_space<vmem>> -> memref<1x40x128xf32, #tpu.memory_space<vmem>>
    %dma_wait3A_163 = tpu.memref_squeeze %dma_wait3A_162 : memref<1x40x128xf32, #tpu.memory_space<vmem>> -> memref<40x128xf32, #tpu.memory_space<vmem>>
    %dma_wait3A_164 = arith.constant 0 : i32
    %dma_wait3A_165 = tpu.memref_slice %arg8[%dma_wait3A_156, %dma_wait3A_157, %dma_wait3A_164] : memref<5x2x40xi32, #tpu.memory_space<vmem>> -> memref<1x1x40xi32, #tpu.memory_space<vmem>>
    %dma_wait3A_166 = tpu.memref_squeeze %dma_wait3A_165 : memref<1x1x40xi32, #tpu.memory_space<vmem>> -> memref<40xi32, #tpu.memory_space<vmem>>
    %dma_wait3A_167 = arith.constant 0 : i32
    %dma_wait3A_168 = arith.constant 0 : i32
    %dma_wait3A_169 = tpu.memref_slice %arg4[%dma_wait3A_167, %dma_wait3A_168] : memref<10000x128xf32, #tpu.memory_space<hbm>> -> memref<10000x128xf32, #tpu.memory_space<hbm>>
    %dma_wait3A_170 = tpu.memref_slice %arg11[%dma_wait3A_159] : memref<5x!tpu.dma_semaphore, #tpu.memory_space<semaphore_mem>> -> memref<1x!tpu.dma_semaphore, #tpu.memory_space<semaphore_mem>>
    %dma_wait3A_171 = tpu.memref_squeeze %dma_wait3A_170 : memref<1x!tpu.dma_semaphore, #tpu.memory_space<semaphore_mem>> -> memref<!tpu.dma_semaphore, #tpu.memory_space<semaphore_mem>>
    tpu.wait_indirect_dma semaphore(%dma_wait3A_171 : memref<!tpu.dma_semaphore, #tpu.memory_space<semaphore_mem>>) src(%dma_wait3A_169 : memref<10000x128xf32, #tpu.memory_space<hbm>>) dst(%dma_wait3A_163 : memref<40x128xf32, #tpu.memory_space<vmem>>)
    %dma_start3A_172 = arith.constant 0 : i32
    %dma_start3A_173 = arith.constant 0 : i32
    %dma_start3A_174 = arith.constant 0 : i32
    %dma_start3A_175 = arith.constant 0 : i32
    %dma_start3A_176 = arith.constant 0 : i32
    %dma_start3A_177 = arith.constant 0 : i32
    %dma_start3A_178 = tpu.memref_slice %arg10[%dma_start3A_172, %dma_start3A_176, %dma_start3A_177] : memref<5x40x128xf32, #tpu.memory_space<vmem>> -> memref<1x40x128xf32, #tpu.memory_space<vmem>>
    %dma_start3A_179 = tpu.memref_squeeze %dma_start3A_178 : memref<1x40x128xf32, #tpu.memory_space<vmem>> -> memref<40x128xf32, #tpu.memory_space<vmem>>
    %dma_start3A_180 = arith.constant 0 : i32
    %dma_start3A_181 = tpu.memref_slice %arg9[%dma_start3A_173, %dma_start3A_174, %dma_start3A_180] : memref<5x2x40xi32, #tpu.memory_space<vmem>> -> memref<1x1x40xi32, #tpu.memory_space<vmem>>
    %dma_start3A_182 = tpu.memref_squeeze %dma_start3A_181 : memref<1x1x40xi32, #tpu.memory_space<vmem>> -> memref<40xi32, #tpu.memory_space<vmem>>
    %dma_start3A_183 = arith.constant 0 : i32
    %dma_start3A_184 = arith.constant 0 : i32
    %dma_start3A_185 = tpu.memref_slice %arg7[%dma_start3A_183, %dma_start3A_184] : memref<10240x128xf32, #tpu.memory_space<vmem_shared>> -> memref<10240x128xf32, #tpu.memory_space<vmem_shared>>
    %dma_start3A_186 = tpu.memref_slice %arg12[%dma_start3A_175] : memref<5x!tpu.dma_semaphore, #tpu.memory_space<semaphore_mem>> -> memref<1x!tpu.dma_semaphore, #tpu.memory_space<semaphore_mem>>
    %dma_start3A_187 = tpu.memref_squeeze %dma_start3A_186 : memref<1x!tpu.dma_semaphore, #tpu.memory_space<semaphore_mem>> -> memref<!tpu.dma_semaphore, #tpu.memory_space<semaphore_mem>>
    tpu.enqueue_indirect_dma source(%dma_start3A_179 : memref<40x128xf32, #tpu.memory_space<vmem>>) target(%dma_start3A_185 : memref<10240x128xf32, #tpu.memory_space<vmem_shared>>) offsets(%dma_start3A_182 : memref<40xi32, #tpu.memory_space<vmem>>) semaphore(%dma_start3A_187 : memref<!tpu.dma_semaphore, #tpu.memory_space<semaphore_mem>>) {add = true}
    %dma_start3A_188 = arith.constant 4 : i32
    %dma_start3A_189 = arith.constant 0 : i32
    %dma_start3A_190 = arith.constant 4 : i32
    %dma_start3A_191 = arith.constant 4 : i32
    %dma_start3A_192 = arith.constant 0 : i32
    %dma_start3A_193 = arith.constant 0 : i32
    %dma_start3A_194 = tpu.memref_slice %arg10[%dma_start3A_190, %dma_start3A_192, %dma_start3A_193] : memref<5x40x128xf32, #tpu.memory_space<vmem>> -> memref<1x40x128xf32, #tpu.memory_space<vmem>>
    %dma_start3A_195 = tpu.memref_squeeze %dma_start3A_194 : memref<1x40x128xf32, #tpu.memory_space<vmem>> -> memref<40x128xf32, #tpu.memory_space<vmem>>
    %dma_start3A_196 = arith.constant 0 : i32
    %dma_start3A_197 = tpu.memref_slice %arg8[%dma_start3A_188, %dma_start3A_189, %dma_start3A_196] : memref<5x2x40xi32, #tpu.memory_space<vmem>> -> memref<1x1x40xi32, #tpu.memory_space<vmem>>
    %dma_start3A_198 = tpu.memref_squeeze %dma_start3A_197 : memref<1x1x40xi32, #tpu.memory_space<vmem>> -> memref<40xi32, #tpu.memory_space<vmem>>
    %dma_start3A_199 = arith.constant 0 : i32
    %dma_start3A_200 = arith.constant 0 : i32
    %dma_start3A_201 = tpu.memref_slice %arg4[%dma_start3A_199, %dma_start3A_200] : memref<10000x128xf32, #tpu.memory_space<hbm>> -> memref<10000x128xf32, #tpu.memory_space<hbm>>
    %dma_start3A_202 = tpu.memref_slice %arg11[%dma_start3A_191] : memref<5x!tpu.dma_semaphore, #tpu.memory_space<semaphore_mem>> -> memref<1x!tpu.dma_semaphore, #tpu.memory_space<semaphore_mem>>
    %dma_start3A_203 = tpu.memref_squeeze %dma_start3A_202 : memref<1x!tpu.dma_semaphore, #tpu.memory_space<semaphore_mem>> -> memref<!tpu.dma_semaphore, #tpu.memory_space<semaphore_mem>>
    tpu.enqueue_indirect_dma source(%dma_start3A_201 : memref<10000x128xf32, #tpu.memory_space<hbm>>) target(%dma_start3A_195 : memref<40x128xf32, #tpu.memory_space<vmem>>) offsets(%dma_start3A_198 : memref<40xi32, #tpu.memory_space<vmem>>) semaphore(%dma_start3A_203 : memref<!tpu.dma_semaphore, #tpu.memory_space<semaphore_mem>>)
    %add3A_204 = arith.constant 280 : i32
    %add3A_205 = arith.addi %mul3A_2, %add3A_204 : i32
    %dma_start3A_206 = arith.constant 2 : i32
    %dma_start3A_207 = arith.constant 1 : i32
    %dma_start3A_208 = arith.constant 2 : i32
    %dma_start3A_209 = arith.constant 0 : i32
    %dma_start3A_210 = tpu.memref_slice %arg8[%dma_start3A_206, %dma_start3A_207, %dma_start3A_209] : memref<5x2x40xi32, #tpu.memory_space<vmem>> -> memref<1x1x40xi32, #tpu.memory_space<vmem>>
    %dma_start3A_211 = tpu.memref_squeeze %dma_start3A_210 : memref<1x1x40xi32, #tpu.memory_space<vmem>> -> memref<40xi32, #tpu.memory_space<vmem>>
    %dma_start3A_212 = tpu.memref_slice %arg2[%add3A_205] : memref<320000xi32, #tpu.memory_space<hbm>> -> memref<40xi32, #tpu.memory_space<hbm>>
    %dma_start3A_213 = tpu.memref_slice %arg13[%dma_start3A_208] : memref<5x!tpu.dma_semaphore, #tpu.memory_space<semaphore_mem>> -> memref<1x!tpu.dma_semaphore, #tpu.memory_space<semaphore_mem>>
    %dma_start3A_214 = tpu.memref_squeeze %dma_start3A_213 : memref<1x!tpu.dma_semaphore, #tpu.memory_space<semaphore_mem>> -> memref<!tpu.dma_semaphore, #tpu.memory_space<semaphore_mem>>
    %dma_start3A_215 = arith.constant 0 : i32
    %dma_start3A_216 = tpu.memref_slice %arg8[%dma_start3A_206, %dma_start3A_207, %dma_start3A_215] : memref<5x2x40xi32, #tpu.memory_space<vmem>> -> memref<1x1x40xi32, #tpu.memory_space<vmem>>
    %dma_start3A_217 = tpu.memref_squeeze %dma_start3A_216 : memref<1x1x40xi32, #tpu.memory_space<vmem>> -> memref<40xi32, #tpu.memory_space<vmem>>
    %dma_start3A_218 = tpu.memref_slice %arg2[%add3A_205] : memref<320000xi32, #tpu.memory_space<hbm>> -> memref<40xi32, #tpu.memory_space<hbm>>
    tpu.enqueue_dma source(%dma_start3A_218 : memref<40xi32, #tpu.memory_space<hbm>>) target(%dma_start3A_217 : memref<40xi32, #tpu.memory_space<vmem>>) target_semaphore(%dma_start3A_214 : memref<!tpu.dma_semaphore, #tpu.memory_space<semaphore_mem>>)
    %dma_start3A_219 = arith.constant 2 : i32
    %dma_start3A_220 = arith.constant 1 : i32
    %dma_start3A_221 = arith.constant 2 : i32
    %dma_start3A_222 = arith.constant 0 : i32
    %dma_start3A_223 = tpu.memref_slice %arg9[%dma_start3A_219, %dma_start3A_220, %dma_start3A_222] : memref<5x2x40xi32, #tpu.memory_space<vmem>> -> memref<1x1x40xi32, #tpu.memory_space<vmem>>
    %dma_start3A_224 = tpu.memref_squeeze %dma_start3A_223 : memref<1x1x40xi32, #tpu.memory_space<vmem>> -> memref<40xi32, #tpu.memory_space<vmem>>
    %dma_start3A_225 = tpu.memref_slice %arg3[%add3A_205] : memref<320000xi32, #tpu.memory_space<hbm>> -> memref<40xi32, #tpu.memory_space<hbm>>
    %dma_start3A_226 = tpu.memref_slice %arg14[%dma_start3A_221] : memref<5x!tpu.dma_semaphore, #tpu.memory_space<semaphore_mem>> -> memref<1x!tpu.dma_semaphore, #tpu.memory_space<semaphore_mem>>
    %dma_start3A_227 = tpu.memref_squeeze %dma_start3A_226 : memref<1x!tpu.dma_semaphore, #tpu.memory_space<semaphore_mem>> -> memref<!tpu.dma_semaphore, #tpu.memory_space<semaphore_mem>>
    %dma_start3A_228 = arith.constant 0 : i32
    %dma_start3A_229 = tpu.memref_slice %arg9[%dma_start3A_219, %dma_start3A_220, %dma_start3A_228] : memref<5x2x40xi32, #tpu.memory_space<vmem>> -> memref<1x1x40xi32, #tpu.memory_space<vmem>>
    %dma_start3A_230 = tpu.memref_squeeze %dma_start3A_229 : memref<1x1x40xi32, #tpu.memory_space<vmem>> -> memref<40xi32, #tpu.memory_space<vmem>>
    %dma_start3A_231 = tpu.memref_slice %arg3[%add3A_205] : memref<320000xi32, #tpu.memory_space<hbm>> -> memref<40xi32, #tpu.memory_space<hbm>>
    tpu.enqueue_dma source(%dma_start3A_231 : memref<40xi32, #tpu.memory_space<hbm>>) target(%dma_start3A_230 : memref<40xi32, #tpu.memory_space<vmem>>) target_semaphore(%dma_start3A_227 : memref<!tpu.dma_semaphore, #tpu.memory_space<semaphore_mem>>)
    %dma_wait3A_232 = arith.constant 0 : i32
    %dma_wait3A_233 = arith.constant 0 : i32
    %dma_wait3A_234 = arith.constant 1 : i32
    %dma_wait3A_235 = arith.constant 1 : i32
    %dma_wait3A_236 = arith.constant 0 : i32
    %dma_wait3A_237 = arith.constant 0 : i32
    %dma_wait3A_238 = tpu.memref_slice %arg10[%dma_wait3A_234, %dma_wait3A_236, %dma_wait3A_237] : memref<5x40x128xf32, #tpu.memory_space<vmem>> -> memref<1x40x128xf32, #tpu.memory_space<vmem>>
    %dma_wait3A_239 = tpu.memref_squeeze %dma_wait3A_238 : memref<1x40x128xf32, #tpu.memory_space<vmem>> -> memref<40x128xf32, #tpu.memory_space<vmem>>
    %dma_wait3A_240 = arith.constant 0 : i32
    %dma_wait3A_241 = tpu.memref_slice %arg8[%dma_wait3A_232, %dma_wait3A_233, %dma_wait3A_240] : memref<5x2x40xi32, #tpu.memory_space<vmem>> -> memref<1x1x40xi32, #tpu.memory_space<vmem>>
    %dma_wait3A_242 = tpu.memref_squeeze %dma_wait3A_241 : memref<1x1x40xi32, #tpu.memory_space<vmem>> -> memref<40xi32, #tpu.memory_space<vmem>>
    %dma_wait3A_243 = arith.constant 0 : i32
    %dma_wait3A_244 = arith.constant 0 : i32
    %dma_wait3A_245 = tpu.memref_slice %arg4[%dma_wait3A_243, %dma_wait3A_244] : memref<10000x128xf32, #tpu.memory_space<hbm>> -> memref<10000x128xf32, #tpu.memory_space<hbm>>
    %dma_wait3A_246 = tpu.memref_slice %arg11[%dma_wait3A_235] : memref<5x!tpu.dma_semaphore, #tpu.memory_space<semaphore_mem>> -> memref<1x!tpu.dma_semaphore, #tpu.memory_space<semaphore_mem>>
    %dma_wait3A_247 = tpu.memref_squeeze %dma_wait3A_246 : memref<1x!tpu.dma_semaphore, #tpu.memory_space<semaphore_mem>> -> memref<!tpu.dma_semaphore, #tpu.memory_space<semaphore_mem>>
    tpu.wait_indirect_dma semaphore(%dma_wait3A_247 : memref<!tpu.dma_semaphore, #tpu.memory_space<semaphore_mem>>) src(%dma_wait3A_245 : memref<10000x128xf32, #tpu.memory_space<hbm>>) dst(%dma_wait3A_239 : memref<40x128xf32, #tpu.memory_space<vmem>>)
    %dma_start3A_248 = arith.constant 1 : i32
    %dma_start3A_249 = arith.constant 1 : i32
    %dma_start3A_250 = arith.constant 0 : i32
    %dma_start3A_251 = arith.constant 1 : i32
    %dma_start3A_252 = arith.constant 0 : i32
    %dma_start3A_253 = arith.constant 0 : i32
    %dma_start3A_254 = tpu.memref_slice %arg10[%dma_start3A_248, %dma_start3A_252, %dma_start3A_253] : memref<5x40x128xf32, #tpu.memory_space<vmem>> -> memref<1x40x128xf32, #tpu.memory_space<vmem>>
    %dma_start3A_255 = tpu.memref_squeeze %dma_start3A_254 : memref<1x40x128xf32, #tpu.memory_space<vmem>> -> memref<40x128xf32, #tpu.memory_space<vmem>>
    %dma_start3A_256 = arith.constant 0 : i32
    %dma_start3A_257 = tpu.memref_slice %arg9[%dma_start3A_249, %dma_start3A_250, %dma_start3A_256] : memref<5x2x40xi32, #tpu.memory_space<vmem>> -> memref<1x1x40xi32, #tpu.memory_space<vmem>>
    %dma_start3A_258 = tpu.memref_squeeze %dma_start3A_257 : memref<1x1x40xi32, #tpu.memory_space<vmem>> -> memref<40xi32, #tpu.memory_space<vmem>>
    %dma_start3A_259 = arith.constant 0 : i32
    %dma_start3A_260 = arith.constant 0 : i32
    %dma_start3A_261 = tpu.memref_slice %arg7[%dma_start3A_259, %dma_start3A_260] : memref<10240x128xf32, #tpu.memory_space<vmem_shared>> -> memref<10240x128xf32, #tpu.memory_space<vmem_shared>>
    %dma_start3A_262 = tpu.memref_slice %arg12[%dma_start3A_251] : memref<5x!tpu.dma_semaphore, #tpu.memory_space<semaphore_mem>> -> memref<1x!tpu.dma_semaphore, #tpu.memory_space<semaphore_mem>>
    %dma_start3A_263 = tpu.memref_squeeze %dma_start3A_262 : memref<1x!tpu.dma_semaphore, #tpu.memory_space<semaphore_mem>> -> memref<!tpu.dma_semaphore, #tpu.memory_space<semaphore_mem>>
    tpu.enqueue_indirect_dma source(%dma_start3A_255 : memref<40x128xf32, #tpu.memory_space<vmem>>) target(%dma_start3A_261 : memref<10240x128xf32, #tpu.memory_space<vmem_shared>>) offsets(%dma_start3A_258 : memref<40xi32, #tpu.memory_space<vmem>>) semaphore(%dma_start3A_263 : memref<!tpu.dma_semaphore, #tpu.memory_space<semaphore_mem>>) {add = true}
    %dma_wait3A_264 = arith.constant 0 : i32
    %dma_wait3A_265 = arith.constant 0 : i32
    %dma_wait3A_266 = arith.constant 0 : i32
    %dma_wait3A_267 = arith.constant 0 : i32
    %dma_wait3A_268 = arith.constant 0 : i32
    %dma_wait3A_269 = arith.constant 0 : i32
    %dma_wait3A_270 = tpu.memref_slice %arg10[%dma_wait3A_264, %dma_wait3A_268, %dma_wait3A_269] : memref<5x40x128xf32, #tpu.memory_space<vmem>> -> memref<1x40x128xf32, #tpu.memory_space<vmem>>
    %dma_wait3A_271 = tpu.memref_squeeze %dma_wait3A_270 : memref<1x40x128xf32, #tpu.memory_space<vmem>> -> memref<40x128xf32, #tpu.memory_space<vmem>>
    %dma_wait3A_272 = arith.constant 0 : i32
    %dma_wait3A_273 = tpu.memref_slice %arg9[%dma_wait3A_265, %dma_wait3A_266, %dma_wait3A_272] : memref<5x2x40xi32, #tpu.memory_space<vmem>> -> memref<1x1x40xi32, #tpu.memory_space<vmem>>
    %dma_wait3A_274 = tpu.memref_squeeze %dma_wait3A_273 : memref<1x1x40xi32, #tpu.memory_space<vmem>> -> memref<40xi32, #tpu.memory_space<vmem>>
    %dma_wait3A_275 = arith.constant 0 : i32
    %dma_wait3A_276 = arith.constant 0 : i32
    %dma_wait3A_277 = tpu.memref_slice %arg7[%dma_wait3A_275, %dma_wait3A_276] : memref<10240x128xf32, #tpu.memory_space<vmem_shared>> -> memref<10240x128xf32, #tpu.memory_space<vmem_shared>>
    %dma_wait3A_278 = tpu.memref_slice %arg12[%dma_wait3A_267] : memref<5x!tpu.dma_semaphore, #tpu.memory_space<semaphore_mem>> -> memref<1x!tpu.dma_semaphore, #tpu.memory_space<semaphore_mem>>
    %dma_wait3A_279 = tpu.memref_squeeze %dma_wait3A_278 : memref<1x!tpu.dma_semaphore, #tpu.memory_space<semaphore_mem>> -> memref<!tpu.dma_semaphore, #tpu.memory_space<semaphore_mem>>
    tpu.wait_indirect_dma semaphore(%dma_wait3A_279 : memref<!tpu.dma_semaphore, #tpu.memory_space<semaphore_mem>>) src(%dma_wait3A_271 : memref<40x128xf32, #tpu.memory_space<vmem>>) dst(%dma_wait3A_277 : memref<10240x128xf32, #tpu.memory_space<vmem_shared>>)
    %dma_wait3A_280 = arith.constant 0 : i32
    %dma_wait3A_281 = arith.constant 1 : i32
    %dma_wait3A_282 = arith.constant 0 : i32
    %dma_wait3A_283 = arith.constant 0 : i32
    %dma_wait3A_284 = tpu.memref_slice %arg8[%dma_wait3A_280, %dma_wait3A_281, %dma_wait3A_283] : memref<5x2x40xi32, #tpu.memory_space<vmem>> -> memref<1x1x40xi32, #tpu.memory_space<vmem>>
    %dma_wait3A_285 = tpu.memref_squeeze %dma_wait3A_284 : memref<1x1x40xi32, #tpu.memory_space<vmem>> -> memref<40xi32, #tpu.memory_space<vmem>>
    %dma_wait3A_286 = arith.constant 0 : i32
    %dma_wait3A_287 = tpu.memref_slice %arg2[%dma_wait3A_286] : memref<320000xi32, #tpu.memory_space<hbm>> -> memref<40xi32, #tpu.memory_space<hbm>>
    %dma_wait3A_288 = tpu.memref_slice %arg13[%dma_wait3A_282] : memref<5x!tpu.dma_semaphore, #tpu.memory_space<semaphore_mem>> -> memref<1x!tpu.dma_semaphore, #tpu.memory_space<semaphore_mem>>
    %dma_wait3A_289 = tpu.memref_squeeze %dma_wait3A_288 : memref<1x!tpu.dma_semaphore, #tpu.memory_space<semaphore_mem>> -> memref<!tpu.dma_semaphore, #tpu.memory_space<semaphore_mem>>
    %dma_wait3A_290 = arith.constant 0 : i32
    %dma_wait3A_291 = tpu.memref_slice %arg8[%dma_wait3A_280, %dma_wait3A_281, %dma_wait3A_290] : memref<5x2x40xi32, #tpu.memory_space<vmem>> -> memref<1x1x40xi32, #tpu.memory_space<vmem>>
    %dma_wait3A_292 = tpu.memref_squeeze %dma_wait3A_291 : memref<1x1x40xi32, #tpu.memory_space<vmem>> -> memref<40xi32, #tpu.memory_space<vmem>>
    %dma_wait3A_293 = arith.constant 0 : i32
    %dma_wait3A_294 = tpu.memref_slice %arg2[%dma_wait3A_293] : memref<320000xi32, #tpu.memory_space<hbm>> -> memref<40xi32, #tpu.memory_space<hbm>>
    tpu.wait_dma2 semaphore(%dma_wait3A_289 : memref<!tpu.dma_semaphore, #tpu.memory_space<semaphore_mem>>) src(%dma_wait3A_294 : memref<40xi32, #tpu.memory_space<hbm>>) dst(%dma_wait3A_292 : memref<40xi32, #tpu.memory_space<vmem>>)
    %dma_wait3A_295 = arith.constant 0 : i32
    %dma_wait3A_296 = arith.constant 1 : i32
    %dma_wait3A_297 = arith.constant 0 : i32
    %dma_wait3A_298 = arith.constant 0 : i32
    %dma_wait3A_299 = tpu.memref_slice %arg9[%dma_wait3A_295, %dma_wait3A_296, %dma_wait3A_298] : memref<5x2x40xi32, #tpu.memory_space<vmem>> -> memref<1x1x40xi32, #tpu.memory_space<vmem>>
    %dma_wait3A_300 = tpu.memref_squeeze %dma_wait3A_299 : memref<1x1x40xi32, #tpu.memory_space<vmem>> -> memref<40xi32, #tpu.memory_space<vmem>>
    %dma_wait3A_301 = arith.constant 0 : i32
    %dma_wait3A_302 = tpu.memref_slice %arg3[%dma_wait3A_301] : memref<320000xi32, #tpu.memory_space<hbm>> -> memref<40xi32, #tpu.memory_space<hbm>>
    %dma_wait3A_303 = tpu.memref_slice %arg14[%dma_wait3A_297] : memref<5x!tpu.dma_semaphore, #tpu.memory_space<semaphore_mem>> -> memref<1x!tpu.dma_semaphore, #tpu.memory_space<semaphore_mem>>
    %dma_wait3A_304 = tpu.memref_squeeze %dma_wait3A_303 : memref<1x!tpu.dma_semaphore, #tpu.memory_space<semaphore_mem>> -> memref<!tpu.dma_semaphore, #tpu.memory_space<semaphore_mem>>
    %dma_wait3A_305 = arith.constant 0 : i32
    %dma_wait3A_306 = tpu.memref_slice %arg9[%dma_wait3A_295, %dma_wait3A_296, %dma_wait3A_305] : memref<5x2x40xi32, #tpu.memory_space<vmem>> -> memref<1x1x40xi32, #tpu.memory_space<vmem>>
    %dma_wait3A_307 = tpu.memref_squeeze %dma_wait3A_306 : memref<1x1x40xi32, #tpu.memory_space<vmem>> -> memref<40xi32, #tpu.memory_space<vmem>>
    %dma_wait3A_308 = arith.constant 0 : i32
    %dma_wait3A_309 = tpu.memref_slice %arg3[%dma_wait3A_308] : memref<320000xi32, #tpu.memory_space<hbm>> -> memref<40xi32, #tpu.memory_space<hbm>>
    tpu.wait_dma2 semaphore(%dma_wait3A_304 : memref<!tpu.dma_semaphore, #tpu.memory_space<semaphore_mem>>) src(%dma_wait3A_309 : memref<40xi32, #tpu.memory_space<hbm>>) dst(%dma_wait3A_307 : memref<40xi32, #tpu.memory_space<vmem>>)
    %dma_start3A_310 = arith.constant 0 : i32
    %dma_start3A_311 = arith.constant 1 : i32
    %dma_start3A_312 = arith.constant 0 : i32
    %dma_start3A_313 = arith.constant 0 : i32
    %dma_start3A_314 = arith.constant 0 : i32
    %dma_start3A_315 = arith.constant 0 : i32
    %dma_start3A_316 = tpu.memref_slice %arg10[%dma_start3A_312, %dma_start3A_314, %dma_start3A_315] : memref<5x40x128xf32, #tpu.memory_space<vmem>> -> memref<1x40x128xf32, #tpu.memory_space<vmem>>
    %dma_start3A_317 = tpu.memref_squeeze %dma_start3A_316 : memref<1x40x128xf32, #tpu.memory_space<vmem>> -> memref<40x128xf32, #tpu.memory_space<vmem>>
    %dma_start3A_318 = arith.constant 0 : i32
    %dma_start3A_319 = tpu.memref_slice %arg8[%dma_start3A_310, %dma_start3A_311, %dma_start3A_318] : memref<5x2x40xi32, #tpu.memory_space<vmem>> -> memref<1x1x40xi32, #tpu.memory_space<vmem>>
    %dma_start3A_320 = tpu.memref_squeeze %dma_start3A_319 : memref<1x1x40xi32, #tpu.memory_space<vmem>> -> memref<40xi32, #tpu.memory_space<vmem>>
    %dma_start3A_321 = arith.constant 0 : i32
    %dma_start3A_322 = arith.constant 0 : i32
    %dma_start3A_323 = tpu.memref_slice %arg4[%dma_start3A_321, %dma_start3A_322] : memref<10000x128xf32, #tpu.memory_space<hbm>> -> memref<10000x128xf32, #tpu.memory_space<hbm>>
    %dma_start3A_324 = tpu.memref_slice %arg11[%dma_start3A_313] : memref<5x!tpu.dma_semaphore, #tpu.memory_space<semaphore_mem>> -> memref<1x!tpu.dma_semaphore, #tpu.memory_space<semaphore_mem>>
    %dma_start3A_325 = tpu.memref_squeeze %dma_start3A_324 : memref<1x!tpu.dma_semaphore, #tpu.memory_space<semaphore_mem>> -> memref<!tpu.dma_semaphore, #tpu.memory_space<semaphore_mem>>
    tpu.enqueue_indirect_dma source(%dma_start3A_323 : memref<10000x128xf32, #tpu.memory_space<hbm>>) target(%dma_start3A_317 : memref<40x128xf32, #tpu.memory_space<vmem>>) offsets(%dma_start3A_320 : memref<40xi32, #tpu.memory_space<vmem>>) semaphore(%dma_start3A_325 : memref<!tpu.dma_semaphore, #tpu.memory_space<semaphore_mem>>)
    %add3A_326 = arith.constant 320 : i32
    %add3A_327 = arith.addi %mul3A_2, %add3A_326 : i32
    %dma_start3A_328 = arith.constant 3 : i32
    %dma_start3A_329 = arith.constant 1 : i32
    %dma_start3A_330 = arith.constant 3 : i32
    %dma_start3A_331 = arith.constant 0 : i32
    %dma_start3A_332 = tpu.memref_slice %arg8[%dma_start3A_328, %dma_start3A_329, %dma_start3A_331] : memref<5x2x40xi32, #tpu.memory_space<vmem>> -> memref<1x1x40xi32, #tpu.memory_space<vmem>>
    %dma_start3A_333 = tpu.memref_squeeze %dma_start3A_332 : memref<1x1x40xi32, #tpu.memory_space<vmem>> -> memref<40xi32, #tpu.memory_space<vmem>>
    %dma_start3A_334 = tpu.memref_slice %arg2[%add3A_327] : memref<320000xi32, #tpu.memory_space<hbm>> -> memref<40xi32, #tpu.memory_space<hbm>>
    %dma_start3A_335 = tpu.memref_slice %arg13[%dma_start3A_330] : memref<5x!tpu.dma_semaphore, #tpu.memory_space<semaphore_mem>> -> memref<1x!tpu.dma_semaphore, #tpu.memory_space<semaphore_mem>>
    %dma_start3A_336 = tpu.memref_squeeze %dma_start3A_335 : memref<1x!tpu.dma_semaphore, #tpu.memory_space<semaphore_mem>> -> memref<!tpu.dma_semaphore, #tpu.memory_space<semaphore_mem>>
    %dma_start3A_337 = arith.constant 0 : i32
    %dma_start3A_338 = tpu.memref_slice %arg8[%dma_start3A_328, %dma_start3A_329, %dma_start3A_337] : memref<5x2x40xi32, #tpu.memory_space<vmem>> -> memref<1x1x40xi32, #tpu.memory_space<vmem>>
    %dma_start3A_339 = tpu.memref_squeeze %dma_start3A_338 : memref<1x1x40xi32, #tpu.memory_space<vmem>> -> memref<40xi32, #tpu.memory_space<vmem>>
    %dma_start3A_340 = tpu.memref_slice %arg2[%add3A_327] : memref<320000xi32, #tpu.memory_space<hbm>> -> memref<40xi32, #tpu.memory_space<hbm>>
    tpu.enqueue_dma source(%dma_start3A_340 : memref<40xi32, #tpu.memory_space<hbm>>) target(%dma_start3A_339 : memref<40xi32, #tpu.memory_space<vmem>>) target_semaphore(%dma_start3A_336 : memref<!tpu.dma_semaphore, #tpu.memory_space<semaphore_mem>>)
    %dma_start3A_341 = arith.constant 3 : i32
    %dma_start3A_342 = arith.constant 1 : i32
    %dma_start3A_343 = arith.constant 3 : i32
    %dma_start3A_344 = arith.constant 0 : i32
    %dma_start3A_345 = tpu.memref_slice %arg9[%dma_start3A_341, %dma_start3A_342, %dma_start3A_344] : memref<5x2x40xi32, #tpu.memory_space<vmem>> -> memref<1x1x40xi32, #tpu.memory_space<vmem>>
    %dma_start3A_346 = tpu.memref_squeeze %dma_start3A_345 : memref<1x1x40xi32, #tpu.memory_space<vmem>> -> memref<40xi32, #tpu.memory_space<vmem>>
    %dma_start3A_347 = tpu.memref_slice %arg3[%add3A_327] : memref<320000xi32, #tpu.memory_space<hbm>> -> memref<40xi32, #tpu.memory_space<hbm>>
    %dma_start3A_348 = tpu.memref_slice %arg14[%dma_start3A_343] : memref<5x!tpu.dma_semaphore, #tpu.memory_space<semaphore_mem>> -> memref<1x!tpu.dma_semaphore, #tpu.memory_space<semaphore_mem>>
    %dma_start3A_349 = tpu.memref_squeeze %dma_start3A_348 : memref<1x!tpu.dma_semaphore, #tpu.memory_space<semaphore_mem>> -> memref<!tpu.dma_semaphore, #tpu.memory_space<semaphore_mem>>
    %dma_start3A_350 = arith.constant 0 : i32
    %dma_start3A_351 = tpu.memref_slice %arg9[%dma_start3A_341, %dma_start3A_342, %dma_start3A_350] : memref<5x2x40xi32, #tpu.memory_space<vmem>> -> memref<1x1x40xi32, #tpu.memory_space<vmem>>
    %dma_start3A_352 = tpu.memref_squeeze %dma_start3A_351 : memref<1x1x40xi32, #tpu.memory_space<vmem>> -> memref<40xi32, #tpu.memory_space<vmem>>
    %dma_start3A_353 = tpu.memref_slice %arg3[%add3A_327] : memref<320000xi32, #tpu.memory_space<hbm>> -> memref<40xi32, #tpu.memory_space<hbm>>
    tpu.enqueue_dma source(%dma_start3A_353 : memref<40xi32, #tpu.memory_space<hbm>>) target(%dma_start3A_352 : memref<40xi32, #tpu.memory_space<vmem>>) target_semaphore(%dma_start3A_349 : memref<!tpu.dma_semaphore, #tpu.memory_space<semaphore_mem>>)
    %dma_wait3A_354 = arith.constant 0 : i32
    %dma_wait3A_355 = arith.constant 0 : i32
    %dma_wait3A_356 = arith.constant 2 : i32
    %dma_wait3A_357 = arith.constant 2 : i32
    %dma_wait3A_358 = arith.constant 0 : i32
    %dma_wait3A_359 = arith.constant 0 : i32
    %dma_wait3A_360 = tpu.memref_slice %arg10[%dma_wait3A_356, %dma_wait3A_358, %dma_wait3A_359] : memref<5x40x128xf32, #tpu.memory_space<vmem>> -> memref<1x40x128xf32, #tpu.memory_space<vmem>>
    %dma_wait3A_361 = tpu.memref_squeeze %dma_wait3A_360 : memref<1x40x128xf32, #tpu.memory_space<vmem>> -> memref<40x128xf32, #tpu.memory_space<vmem>>
    %dma_wait3A_362 = arith.constant 0 : i32
    %dma_wait3A_363 = tpu.memref_slice %arg8[%dma_wait3A_354, %dma_wait3A_355, %dma_wait3A_362] : memref<5x2x40xi32, #tpu.memory_space<vmem>> -> memref<1x1x40xi32, #tpu.memory_space<vmem>>
    %dma_wait3A_364 = tpu.memref_squeeze %dma_wait3A_363 : memref<1x1x40xi32, #tpu.memory_space<vmem>> -> memref<40xi32, #tpu.memory_space<vmem>>
    %dma_wait3A_365 = arith.constant 0 : i32
    %dma_wait3A_366 = arith.constant 0 : i32
    %dma_wait3A_367 = tpu.memref_slice %arg4[%dma_wait3A_365, %dma_wait3A_366] : memref<10000x128xf32, #tpu.memory_space<hbm>> -> memref<10000x128xf32, #tpu.memory_space<hbm>>
    %dma_wait3A_368 = tpu.memref_slice %arg11[%dma_wait3A_357] : memref<5x!tpu.dma_semaphore, #tpu.memory_space<semaphore_mem>> -> memref<1x!tpu.dma_semaphore, #tpu.memory_space<semaphore_mem>>
    %dma_wait3A_369 = tpu.memref_squeeze %dma_wait3A_368 : memref<1x!tpu.dma_semaphore, #tpu.memory_space<semaphore_mem>> -> memref<!tpu.dma_semaphore, #tpu.memory_space<semaphore_mem>>
    tpu.wait_indirect_dma semaphore(%dma_wait3A_369 : memref<!tpu.dma_semaphore, #tpu.memory_space<semaphore_mem>>) src(%dma_wait3A_367 : memref<10000x128xf32, #tpu.memory_space<hbm>>) dst(%dma_wait3A_361 : memref<40x128xf32, #tpu.memory_space<vmem>>)
    %dma_start3A_370 = arith.constant 2 : i32
    %dma_start3A_371 = arith.constant 2 : i32
    %dma_start3A_372 = arith.constant 0 : i32
    %dma_start3A_373 = arith.constant 2 : i32
    %dma_start3A_374 = arith.constant 0 : i32
    %dma_start3A_375 = arith.constant 0 : i32
    %dma_start3A_376 = tpu.memref_slice %arg10[%dma_start3A_370, %dma_start3A_374, %dma_start3A_375] : memref<5x40x128xf32, #tpu.memory_space<vmem>> -> memref<1x40x128xf32, #tpu.memory_space<vmem>>
    %dma_start3A_377 = tpu.memref_squeeze %dma_start3A_376 : memref<1x40x128xf32, #tpu.memory_space<vmem>> -> memref<40x128xf32, #tpu.memory_space<vmem>>
    %dma_start3A_378 = arith.constant 0 : i32
    %dma_start3A_379 = tpu.memref_slice %arg9[%dma_start3A_371, %dma_start3A_372, %dma_start3A_378] : memref<5x2x40xi32, #tpu.memory_space<vmem>> -> memref<1x1x40xi32, #tpu.memory_space<vmem>>
    %dma_start3A_380 = tpu.memref_squeeze %dma_start3A_379 : memref<1x1x40xi32, #tpu.memory_space<vmem>> -> memref<40xi32, #tpu.memory_space<vmem>>
    %dma_start3A_381 = arith.constant 0 : i32
    %dma_start3A_382 = arith.constant 0 : i32
    %dma_start3A_383 = tpu.memref_slice %arg7[%dma_start3A_381, %dma_start3A_382] : memref<10240x128xf32, #tpu.memory_space<vmem_shared>> -> memref<10240x128xf32, #tpu.memory_space<vmem_shared>>
    %dma_start3A_384 = tpu.memref_slice %arg12[%dma_start3A_373] : memref<5x!tpu.dma_semaphore, #tpu.memory_space<semaphore_mem>> -> memref<1x!tpu.dma_semaphore, #tpu.memory_space<semaphore_mem>>
    %dma_start3A_385 = tpu.memref_squeeze %dma_start3A_384 : memref<1x!tpu.dma_semaphore, #tpu.memory_space<semaphore_mem>> -> memref<!tpu.dma_semaphore, #tpu.memory_space<semaphore_mem>>
    tpu.enqueue_indirect_dma source(%dma_start3A_377 : memref<40x128xf32, #tpu.memory_space<vmem>>) target(%dma_start3A_383 : memref<10240x128xf32, #tpu.memory_space<vmem_shared>>) offsets(%dma_start3A_380 : memref<40xi32, #tpu.memory_space<vmem>>) semaphore(%dma_start3A_385 : memref<!tpu.dma_semaphore, #tpu.memory_space<semaphore_mem>>) {add = true}
    %dma_wait3A_386 = arith.constant 1 : i32
    %dma_wait3A_387 = arith.constant 0 : i32
    %dma_wait3A_388 = arith.constant 0 : i32
    %dma_wait3A_389 = arith.constant 1 : i32
    %dma_wait3A_390 = arith.constant 0 : i32
    %dma_wait3A_391 = arith.constant 0 : i32
    %dma_wait3A_392 = tpu.memref_slice %arg10[%dma_wait3A_386, %dma_wait3A_390, %dma_wait3A_391] : memref<5x40x128xf32, #tpu.memory_space<vmem>> -> memref<1x40x128xf32, #tpu.memory_space<vmem>>
    %dma_wait3A_393 = tpu.memref_squeeze %dma_wait3A_392 : memref<1x40x128xf32, #tpu.memory_space<vmem>> -> memref<40x128xf32, #tpu.memory_space<vmem>>
    %dma_wait3A_394 = arith.constant 0 : i32
    %dma_wait3A_395 = tpu.memref_slice %arg9[%dma_wait3A_387, %dma_wait3A_388, %dma_wait3A_394] : memref<5x2x40xi32, #tpu.memory_space<vmem>> -> memref<1x1x40xi32, #tpu.memory_space<vmem>>
    %dma_wait3A_396 = tpu.memref_squeeze %dma_wait3A_395 : memref<1x1x40xi32, #tpu.memory_space<vmem>> -> memref<40xi32, #tpu.memory_space<vmem>>
    %dma_wait3A_397 = arith.constant 0 : i32
    %dma_wait3A_398 = arith.constant 0 : i32
    %dma_wait3A_399 = tpu.memref_slice %arg7[%dma_wait3A_397, %dma_wait3A_398] : memref<10240x128xf32, #tpu.memory_space<vmem_shared>> -> memref<10240x128xf32, #tpu.memory_space<vmem_shared>>
    %dma_wait3A_400 = tpu.memref_slice %arg12[%dma_wait3A_389] : memref<5x!tpu.dma_semaphore, #tpu.memory_space<semaphore_mem>> -> memref<1x!tpu.dma_semaphore, #tpu.memory_space<semaphore_mem>>
    %dma_wait3A_401 = tpu.memref_squeeze %dma_wait3A_400 : memref<1x!tpu.dma_semaphore, #tpu.memory_space<semaphore_mem>> -> memref<!tpu.dma_semaphore, #tpu.memory_space<semaphore_mem>>
    tpu.wait_indirect_dma semaphore(%dma_wait3A_401 : memref<!tpu.dma_semaphore, #tpu.memory_space<semaphore_mem>>) src(%dma_wait3A_393 : memref<40x128xf32, #tpu.memory_space<vmem>>) dst(%dma_wait3A_399 : memref<10240x128xf32, #tpu.memory_space<vmem_shared>>)
    %dma_wait3A_402 = arith.constant 1 : i32
    %dma_wait3A_403 = arith.constant 1 : i32
    %dma_wait3A_404 = arith.constant 1 : i32
    %dma_wait3A_405 = arith.constant 0 : i32
    %dma_wait3A_406 = tpu.memref_slice %arg8[%dma_wait3A_402, %dma_wait3A_403, %dma_wait3A_405] : memref<5x2x40xi32, #tpu.memory_space<vmem>> -> memref<1x1x40xi32, #tpu.memory_space<vmem>>
    %dma_wait3A_407 = tpu.memref_squeeze %dma_wait3A_406 : memref<1x1x40xi32, #tpu.memory_space<vmem>> -> memref<40xi32, #tpu.memory_space<vmem>>
    %dma_wait3A_408 = arith.constant 0 : i32
    %dma_wait3A_409 = tpu.memref_slice %arg2[%dma_wait3A_408] : memref<320000xi32, #tpu.memory_space<hbm>> -> memref<40xi32, #tpu.memory_space<hbm>>
    %dma_wait3A_410 = tpu.memref_slice %arg13[%dma_wait3A_404] : memref<5x!tpu.dma_semaphore, #tpu.memory_space<semaphore_mem>> -> memref<1x!tpu.dma_semaphore, #tpu.memory_space<semaphore_mem>>
    %dma_wait3A_411 = tpu.memref_squeeze %dma_wait3A_410 : memref<1x!tpu.dma_semaphore, #tpu.memory_space<semaphore_mem>> -> memref<!tpu.dma_semaphore, #tpu.memory_space<semaphore_mem>>
    %dma_wait3A_412 = arith.constant 0 : i32
    %dma_wait3A_413 = tpu.memref_slice %arg8[%dma_wait3A_402, %dma_wait3A_403, %dma_wait3A_412] : memref<5x2x40xi32, #tpu.memory_space<vmem>> -> memref<1x1x40xi32, #tpu.memory_space<vmem>>
    %dma_wait3A_414 = tpu.memref_squeeze %dma_wait3A_413 : memref<1x1x40xi32, #tpu.memory_space<vmem>> -> memref<40xi32, #tpu.memory_space<vmem>>
    %dma_wait3A_415 = arith.constant 0 : i32
    %dma_wait3A_416 = tpu.memref_slice %arg2[%dma_wait3A_415] : memref<320000xi32, #tpu.memory_space<hbm>> -> memref<40xi32, #tpu.memory_space<hbm>>
    tpu.wait_dma2 semaphore(%dma_wait3A_411 : memref<!tpu.dma_semaphore, #tpu.memory_space<semaphore_mem>>) src(%dma_wait3A_416 : memref<40xi32, #tpu.memory_space<hbm>>) dst(%dma_wait3A_414 : memref<40xi32, #tpu.memory_space<vmem>>)
    %dma_wait3A_417 = arith.constant 1 : i32
    %dma_wait3A_418 = arith.constant 1 : i32
    %dma_wait3A_419 = arith.constant 1 : i32
    %dma_wait3A_420 = arith.constant 0 : i32
    %dma_wait3A_421 = tpu.memref_slice %arg9[%dma_wait3A_417, %dma_wait3A_418, %dma_wait3A_420] : memref<5x2x40xi32, #tpu.memory_space<vmem>> -> memref<1x1x40xi32, #tpu.memory_space<vmem>>
    %dma_wait3A_422 = tpu.memref_squeeze %dma_wait3A_421 : memref<1x1x40xi32, #tpu.memory_space<vmem>> -> memref<40xi32, #tpu.memory_space<vmem>>
    %dma_wait3A_423 = arith.constant 0 : i32
    %dma_wait3A_424 = tpu.memref_slice %arg3[%dma_wait3A_423] : memref<320000xi32, #tpu.memory_space<hbm>> -> memref<40xi32, #tpu.memory_space<hbm>>
    %dma_wait3A_425 = tpu.memref_slice %arg14[%dma_wait3A_419] : memref<5x!tpu.dma_semaphore, #tpu.memory_space<semaphore_mem>> -> memref<1x!tpu.dma_semaphore, #tpu.memory_space<semaphore_mem>>
    %dma_wait3A_426 = tpu.memref_squeeze %dma_wait3A_425 : memref<1x!tpu.dma_semaphore, #tpu.memory_space<semaphore_mem>> -> memref<!tpu.dma_semaphore, #tpu.memory_space<semaphore_mem>>
    %dma_wait3A_427 = arith.constant 0 : i32
    %dma_wait3A_428 = tpu.memref_slice %arg9[%dma_wait3A_417, %dma_wait3A_418, %dma_wait3A_427] : memref<5x2x40xi32, #tpu.memory_space<vmem>> -> memref<1x1x40xi32, #tpu.memory_space<vmem>>
    %dma_wait3A_429 = tpu.memref_squeeze %dma_wait3A_428 : memref<1x1x40xi32, #tpu.memory_space<vmem>> -> memref<40xi32, #tpu.memory_space<vmem>>
    %dma_wait3A_430 = arith.constant 0 : i32
    %dma_wait3A_431 = tpu.memref_slice %arg3[%dma_wait3A_430] : memref<320000xi32, #tpu.memory_space<hbm>> -> memref<40xi32, #tpu.memory_space<hbm>>
    tpu.wait_dma2 semaphore(%dma_wait3A_426 : memref<!tpu.dma_semaphore, #tpu.memory_space<semaphore_mem>>) src(%dma_wait3A_431 : memref<40xi32, #tpu.memory_space<hbm>>) dst(%dma_wait3A_429 : memref<40xi32, #tpu.memory_space<vmem>>)
    %dma_start3A_432 = arith.constant 1 : i32
    %dma_start3A_433 = arith.constant 1 : i32
    %dma_start3A_434 = arith.constant 1 : i32
    %dma_start3A_435 = arith.constant 1 : i32
    %dma_start3A_436 = arith.constant 0 : i32
    %dma_start3A_437 = arith.constant 0 : i32
    %dma_start3A_438 = tpu.memref_slice %arg10[%dma_start3A_434, %dma_start3A_436, %dma_start3A_437] : memref<5x40x128xf32, #tpu.memory_space<vmem>> -> memref<1x40x128xf32, #tpu.memory_space<vmem>>
    %dma_start3A_439 = tpu.memref_squeeze %dma_start3A_438 : memref<1x40x128xf32, #tpu.memory_space<vmem>> -> memref<40x128xf32, #tpu.memory_space<vmem>>
    %dma_start3A_440 = arith.constant 0 : i32
    %dma_start3A_441 = tpu.memref_slice %arg8[%dma_start3A_432, %dma_start3A_433, %dma_start3A_440] : memref<5x2x40xi32, #tpu.memory_space<vmem>> -> memref<1x1x40xi32, #tpu.memory_space<vmem>>
    %dma_start3A_442 = tpu.memref_squeeze %dma_start3A_441 : memref<1x1x40xi32, #tpu.memory_space<vmem>> -> memref<40xi32, #tpu.memory_space<vmem>>
    %dma_start3A_443 = arith.constant 0 : i32
    %dma_start3A_444 = arith.constant 0 : i32
    %dma_start3A_445 = tpu.memref_slice %arg4[%dma_start3A_443, %dma_start3A_444] : memref<10000x128xf32, #tpu.memory_space<hbm>> -> memref<10000x128xf32, #tpu.memory_space<hbm>>
    %dma_start3A_446 = tpu.memref_slice %arg11[%dma_start3A_435] : memref<5x!tpu.dma_semaphore, #tpu.memory_space<semaphore_mem>> -> memref<1x!tpu.dma_semaphore, #tpu.memory_space<semaphore_mem>>
    %dma_start3A_447 = tpu.memref_squeeze %dma_start3A_446 : memref<1x!tpu.dma_semaphore, #tpu.memory_space<semaphore_mem>> -> memref<!tpu.dma_semaphore, #tpu.memory_space<semaphore_mem>>
    tpu.enqueue_indirect_dma source(%dma_start3A_445 : memref<10000x128xf32, #tpu.memory_space<hbm>>) target(%dma_start3A_439 : memref<40x128xf32, #tpu.memory_space<vmem>>) offsets(%dma_start3A_442 : memref<40xi32, #tpu.memory_space<vmem>>) semaphore(%dma_start3A_447 : memref<!tpu.dma_semaphore, #tpu.memory_space<semaphore_mem>>)
    %add3A_448 = arith.constant 360 : i32
    %add3A_449 = arith.addi %mul3A_2, %add3A_448 : i32
    %dma_start3A_450 = arith.constant 4 : i32
    %dma_start3A_451 = arith.constant 1 : i32
    %dma_start3A_452 = arith.constant 4 : i32
    %dma_start3A_453 = arith.constant 0 : i32
    %dma_start3A_454 = tpu.memref_slice %arg8[%dma_start3A_450, %dma_start3A_451, %dma_start3A_453] : memref<5x2x40xi32, #tpu.memory_space<vmem>> -> memref<1x1x40xi32, #tpu.memory_space<vmem>>
    %dma_start3A_455 = tpu.memref_squeeze %dma_start3A_454 : memref<1x1x40xi32, #tpu.memory_space<vmem>> -> memref<40xi32, #tpu.memory_space<vmem>>
    %dma_start3A_456 = tpu.memref_slice %arg2[%add3A_449] : memref<320000xi32, #tpu.memory_space<hbm>> -> memref<40xi32, #tpu.memory_space<hbm>>
    %dma_start3A_457 = tpu.memref_slice %arg13[%dma_start3A_452] : memref<5x!tpu.dma_semaphore, #tpu.memory_space<semaphore_mem>> -> memref<1x!tpu.dma_semaphore, #tpu.memory_space<semaphore_mem>>
    %dma_start3A_458 = tpu.memref_squeeze %dma_start3A_457 : memref<1x!tpu.dma_semaphore, #tpu.memory_space<semaphore_mem>> -> memref<!tpu.dma_semaphore, #tpu.memory_space<semaphore_mem>>
    %dma_start3A_459 = arith.constant 0 : i32
    %dma_start3A_460 = tpu.memref_slice %arg8[%dma_start3A_450, %dma_start3A_451, %dma_start3A_459] : memref<5x2x40xi32, #tpu.memory_space<vmem>> -> memref<1x1x40xi32, #tpu.memory_space<vmem>>
    %dma_start3A_461 = tpu.memref_squeeze %dma_start3A_460 : memref<1x1x40xi32, #tpu.memory_space<vmem>> -> memref<40xi32, #tpu.memory_space<vmem>>
    %dma_start3A_462 = tpu.memref_slice %arg2[%add3A_449] : memref<320000xi32, #tpu.memory_space<hbm>> -> memref<40xi32, #tpu.memory_space<hbm>>
    tpu.enqueue_dma source(%dma_start3A_462 : memref<40xi32, #tpu.memory_space<hbm>>) target(%dma_start3A_461 : memref<40xi32, #tpu.memory_space<vmem>>) target_semaphore(%dma_start3A_458 : memref<!tpu.dma_semaphore, #tpu.memory_space<semaphore_mem>>)
    %dma_start3A_463 = arith.constant 4 : i32
    %dma_start3A_464 = arith.constant 1 : i32
    %dma_start3A_465 = arith.constant 4 : i32
    %dma_start3A_466 = arith.constant 0 : i32
    %dma_start3A_467 = tpu.memref_slice %arg9[%dma_start3A_463, %dma_start3A_464, %dma_start3A_466] : memref<5x2x40xi32, #tpu.memory_space<vmem>> -> memref<1x1x40xi32, #tpu.memory_space<vmem>>
    %dma_start3A_468 = tpu.memref_squeeze %dma_start3A_467 : memref<1x1x40xi32, #tpu.memory_space<vmem>> -> memref<40xi32, #tpu.memory_space<vmem>>
    %dma_start3A_469 = tpu.memref_slice %arg3[%add3A_449] : memref<320000xi32, #tpu.memory_space<hbm>> -> memref<40xi32, #tpu.memory_space<hbm>>
    %dma_start3A_470 = tpu.memref_slice %arg14[%dma_start3A_465] : memref<5x!tpu.dma_semaphore, #tpu.memory_space<semaphore_mem>> -> memref<1x!tpu.dma_semaphore, #tpu.memory_space<semaphore_mem>>
    %dma_start3A_471 = tpu.memref_squeeze %dma_start3A_470 : memref<1x!tpu.dma_semaphore, #tpu.memory_space<semaphore_mem>> -> memref<!tpu.dma_semaphore, #tpu.memory_space<semaphore_mem>>
    %dma_start3A_472 = arith.constant 0 : i32
    %dma_start3A_473 = tpu.memref_slice %arg9[%dma_start3A_463, %dma_start3A_464, %dma_start3A_472] : memref<5x2x40xi32, #tpu.memory_space<vmem>> -> memref<1x1x40xi32, #tpu.memory_space<vmem>>
    %dma_start3A_474 = tpu.memref_squeeze %dma_start3A_473 : memref<1x1x40xi32, #tpu.memory_space<vmem>> -> memref<40xi32, #tpu.memory_space<vmem>>
    %dma_start3A_475 = tpu.memref_slice %arg3[%add3A_449] : memref<320000xi32, #tpu.memory_space<hbm>> -> memref<40xi32, #tpu.memory_space<hbm>>
    tpu.enqueue_dma source(%dma_start3A_475 : memref<40xi32, #tpu.memory_space<hbm>>) target(%dma_start3A_474 : memref<40xi32, #tpu.memory_space<vmem>>) target_semaphore(%dma_start3A_471 : memref<!tpu.dma_semaphore, #tpu.memory_space<semaphore_mem>>)
    %dma_wait3A_476 = arith.constant 0 : i32
    %dma_wait3A_477 = arith.constant 0 : i32
    %dma_wait3A_478 = arith.constant 3 : i32
    %dma_wait3A_479 = arith.constant 3 : i32
    %dma_wait3A_480 = arith.constant 0 : i32
    %dma_wait3A_481 = arith.constant 0 : i32
    %dma_wait3A_482 = tpu.memref_slice %arg10[%dma_wait3A_478, %dma_wait3A_480, %dma_wait3A_481] : memref<5x40x128xf32, #tpu.memory_space<vmem>> -> memref<1x40x128xf32, #tpu.memory_space<vmem>>
    %dma_wait3A_483 = tpu.memref_squeeze %dma_wait3A_482 : memref<1x40x128xf32, #tpu.memory_space<vmem>> -> memref<40x128xf32, #tpu.memory_space<vmem>>
    %dma_wait3A_484 = arith.constant 0 : i32
    %dma_wait3A_485 = tpu.memref_slice %arg8[%dma_wait3A_476, %dma_wait3A_477, %dma_wait3A_484] : memref<5x2x40xi32, #tpu.memory_space<vmem>> -> memref<1x1x40xi32, #tpu.memory_space<vmem>>
    %dma_wait3A_486 = tpu.memref_squeeze %dma_wait3A_485 : memref<1x1x40xi32, #tpu.memory_space<vmem>> -> memref<40xi32, #tpu.memory_space<vmem>>
    %dma_wait3A_487 = arith.constant 0 : i32
    %dma_wait3A_488 = arith.constant 0 : i32
    %dma_wait3A_489 = tpu.memref_slice %arg4[%dma_wait3A_487, %dma_wait3A_488] : memref<10000x128xf32, #tpu.memory_space<hbm>> -> memref<10000x128xf32, #tpu.memory_space<hbm>>
    %dma_wait3A_490 = tpu.memref_slice %arg11[%dma_wait3A_479] : memref<5x!tpu.dma_semaphore, #tpu.memory_space<semaphore_mem>> -> memref<1x!tpu.dma_semaphore, #tpu.memory_space<semaphore_mem>>
    %dma_wait3A_491 = tpu.memref_squeeze %dma_wait3A_490 : memref<1x!tpu.dma_semaphore, #tpu.memory_space<semaphore_mem>> -> memref<!tpu.dma_semaphore, #tpu.memory_space<semaphore_mem>>
    tpu.wait_indirect_dma semaphore(%dma_wait3A_491 : memref<!tpu.dma_semaphore, #tpu.memory_space<semaphore_mem>>) src(%dma_wait3A_489 : memref<10000x128xf32, #tpu.memory_space<hbm>>) dst(%dma_wait3A_483 : memref<40x128xf32, #tpu.memory_space<vmem>>)
    %dma_start3A_492 = arith.constant 3 : i32
    %dma_start3A_493 = arith.constant 3 : i32
    %dma_start3A_494 = arith.constant 0 : i32
    %dma_start3A_495 = arith.constant 3 : i32
    %dma_start3A_496 = arith.constant 0 : i32
    %dma_start3A_497 = arith.constant 0 : i32
    %dma_start3A_498 = tpu.memref_slice %arg10[%dma_start3A_492, %dma_start3A_496, %dma_start3A_497] : memref<5x40x128xf32, #tpu.memory_space<vmem>> -> memref<1x40x128xf32, #tpu.memory_space<vmem>>
    %dma_start3A_499 = tpu.memref_squeeze %dma_start3A_498 : memref<1x40x128xf32, #tpu.memory_space<vmem>> -> memref<40x128xf32, #tpu.memory_space<vmem>>
    %dma_start3A_500 = arith.constant 0 : i32
    %dma_start3A_501 = tpu.memref_slice %arg9[%dma_start3A_493, %dma_start3A_494, %dma_start3A_500] : memref<5x2x40xi32, #tpu.memory_space<vmem>> -> memref<1x1x40xi32, #tpu.memory_space<vmem>>
    %dma_start3A_502 = tpu.memref_squeeze %dma_start3A_501 : memref<1x1x40xi32, #tpu.memory_space<vmem>> -> memref<40xi32, #tpu.memory_space<vmem>>
    %dma_start3A_503 = arith.constant 0 : i32
    %dma_start3A_504 = arith.constant 0 : i32
    %dma_start3A_505 = tpu.memref_slice %arg7[%dma_start3A_503, %dma_start3A_504] : memref<10240x128xf32, #tpu.memory_space<vmem_shared>> -> memref<10240x128xf32, #tpu.memory_space<vmem_shared>>
    %dma_start3A_506 = tpu.memref_slice %arg12[%dma_start3A_495] : memref<5x!tpu.dma_semaphore, #tpu.memory_space<semaphore_mem>> -> memref<1x!tpu.dma_semaphore, #tpu.memory_space<semaphore_mem>>
    %dma_start3A_507 = tpu.memref_squeeze %dma_start3A_506 : memref<1x!tpu.dma_semaphore, #tpu.memory_space<semaphore_mem>> -> memref<!tpu.dma_semaphore, #tpu.memory_space<semaphore_mem>>
    tpu.enqueue_indirect_dma source(%dma_start3A_499 : memref<40x128xf32, #tpu.memory_space<vmem>>) target(%dma_start3A_505 : memref<10240x128xf32, #tpu.memory_space<vmem_shared>>) offsets(%dma_start3A_502 : memref<40xi32, #tpu.memory_space<vmem>>) semaphore(%dma_start3A_507 : memref<!tpu.dma_semaphore, #tpu.memory_space<semaphore_mem>>) {add = true}
    %dma_wait3A_508 = arith.constant 2 : i32
    %dma_wait3A_509 = arith.constant 0 : i32
    %dma_wait3A_510 = arith.constant 0 : i32
    %dma_wait3A_511 = arith.constant 2 : i32
    %dma_wait3A_512 = arith.constant 0 : i32
    %dma_wait3A_513 = arith.constant 0 : i32
    %dma_wait3A_514 = tpu.memref_slice %arg10[%dma_wait3A_508, %dma_wait3A_512, %dma_wait3A_513] : memref<5x40x128xf32, #tpu.memory_space<vmem>> -> memref<1x40x128xf32, #tpu.memory_space<vmem>>
    %dma_wait3A_515 = tpu.memref_squeeze %dma_wait3A_514 : memref<1x40x128xf32, #tpu.memory_space<vmem>> -> memref<40x128xf32, #tpu.memory_space<vmem>>
    %dma_wait3A_516 = arith.constant 0 : i32
    %dma_wait3A_517 = tpu.memref_slice %arg9[%dma_wait3A_509, %dma_wait3A_510, %dma_wait3A_516] : memref<5x2x40xi32, #tpu.memory_space<vmem>> -> memref<1x1x40xi32, #tpu.memory_space<vmem>>
    %dma_wait3A_518 = tpu.memref_squeeze %dma_wait3A_517 : memref<1x1x40xi32, #tpu.memory_space<vmem>> -> memref<40xi32, #tpu.memory_space<vmem>>
    %dma_wait3A_519 = arith.constant 0 : i32
    %dma_wait3A_520 = arith.constant 0 : i32
    %dma_wait3A_521 = tpu.memref_slice %arg7[%dma_wait3A_519, %dma_wait3A_520] : memref<10240x128xf32, #tpu.memory_space<vmem_shared>> -> memref<10240x128xf32, #tpu.memory_space<vmem_shared>>
    %dma_wait3A_522 = tpu.memref_slice %arg12[%dma_wait3A_511] : memref<5x!tpu.dma_semaphore, #tpu.memory_space<semaphore_mem>> -> memref<1x!tpu.dma_semaphore, #tpu.memory_space<semaphore_mem>>
    %dma_wait3A_523 = tpu.memref_squeeze %dma_wait3A_522 : memref<1x!tpu.dma_semaphore, #tpu.memory_space<semaphore_mem>> -> memref<!tpu.dma_semaphore, #tpu.memory_space<semaphore_mem>>
    tpu.wait_indirect_dma semaphore(%dma_wait3A_523 : memref<!tpu.dma_semaphore, #tpu.memory_space<semaphore_mem>>) src(%dma_wait3A_515 : memref<40x128xf32, #tpu.memory_space<vmem>>) dst(%dma_wait3A_521 : memref<10240x128xf32, #tpu.memory_space<vmem_shared>>)
    %dma_wait3A_524 = arith.constant 2 : i32
    %dma_wait3A_525 = arith.constant 1 : i32
    %dma_wait3A_526 = arith.constant 2 : i32
    %dma_wait3A_527 = arith.constant 0 : i32
    %dma_wait3A_528 = tpu.memref_slice %arg8[%dma_wait3A_524, %dma_wait3A_525, %dma_wait3A_527] : memref<5x2x40xi32, #tpu.memory_space<vmem>> -> memref<1x1x40xi32, #tpu.memory_space<vmem>>
    %dma_wait3A_529 = tpu.memref_squeeze %dma_wait3A_528 : memref<1x1x40xi32, #tpu.memory_space<vmem>> -> memref<40xi32, #tpu.memory_space<vmem>>
    %dma_wait3A_530 = arith.constant 0 : i32
    %dma_wait3A_531 = tpu.memref_slice %arg2[%dma_wait3A_530] : memref<320000xi32, #tpu.memory_space<hbm>> -> memref<40xi32, #tpu.memory_space<hbm>>
    %dma_wait3A_532 = tpu.memref_slice %arg13[%dma_wait3A_526] : memref<5x!tpu.dma_semaphore, #tpu.memory_space<semaphore_mem>> -> memref<1x!tpu.dma_semaphore, #tpu.memory_space<semaphore_mem>>
    %dma_wait3A_533 = tpu.memref_squeeze %dma_wait3A_532 : memref<1x!tpu.dma_semaphore, #tpu.memory_space<semaphore_mem>> -> memref<!tpu.dma_semaphore, #tpu.memory_space<semaphore_mem>>
    %dma_wait3A_534 = arith.constant 0 : i32
    %dma_wait3A_535 = tpu.memref_slice %arg8[%dma_wait3A_524, %dma_wait3A_525, %dma_wait3A_534] : memref<5x2x40xi32, #tpu.memory_space<vmem>> -> memref<1x1x40xi32, #tpu.memory_space<vmem>>
    %dma_wait3A_536 = tpu.memref_squeeze %dma_wait3A_535 : memref<1x1x40xi32, #tpu.memory_space<vmem>> -> memref<40xi32, #tpu.memory_space<vmem>>
    %dma_wait3A_537 = arith.constant 0 : i32
    %dma_wait3A_538 = tpu.memref_slice %arg2[%dma_wait3A_537] : memref<320000xi32, #tpu.memory_space<hbm>> -> memref<40xi32, #tpu.memory_space<hbm>>
    tpu.wait_dma2 semaphore(%dma_wait3A_533 : memref<!tpu.dma_semaphore, #tpu.memory_space<semaphore_mem>>) src(%dma_wait3A_538 : memref<40xi32, #tpu.memory_space<hbm>>) dst(%dma_wait3A_536 : memref<40xi32, #tpu.memory_space<vmem>>)
    %dma_wait3A_539 = arith.constant 2 : i32
    %dma_wait3A_540 = arith.constant 1 : i32
    %dma_wait3A_541 = arith.constant 2 : i32
    %dma_wait3A_542 = arith.constant 0 : i32
    %dma_wait3A_543 = tpu.memref_slice %arg9[%dma_wait3A_539, %dma_wait3A_540, %dma_wait3A_542] : memref<5x2x40xi32, #tpu.memory_space<vmem>> -> memref<1x1x40xi32, #tpu.memory_space<vmem>>
    %dma_wait3A_544 = tpu.memref_squeeze %dma_wait3A_543 : memref<1x1x40xi32, #tpu.memory_space<vmem>> -> memref<40xi32, #tpu.memory_space<vmem>>
    %dma_wait3A_545 = arith.constant 0 : i32
    %dma_wait3A_546 = tpu.memref_slice %arg3[%dma_wait3A_545] : memref<320000xi32, #tpu.memory_space<hbm>> -> memref<40xi32, #tpu.memory_space<hbm>>
    %dma_wait3A_547 = tpu.memref_slice %arg14[%dma_wait3A_541] : memref<5x!tpu.dma_semaphore, #tpu.memory_space<semaphore_mem>> -> memref<1x!tpu.dma_semaphore, #tpu.memory_space<semaphore_mem>>
    %dma_wait3A_548 = tpu.memref_squeeze %dma_wait3A_547 : memref<1x!tpu.dma_semaphore, #tpu.memory_space<semaphore_mem>> -> memref<!tpu.dma_semaphore, #tpu.memory_space<semaphore_mem>>
    %dma_wait3A_549 = arith.constant 0 : i32
    %dma_wait3A_550 = tpu.memref_slice %arg9[%dma_wait3A_539, %dma_wait3A_540, %dma_wait3A_549] : memref<5x2x40xi32, #tpu.memory_space<vmem>> -> memref<1x1x40xi32, #tpu.memory_space<vmem>>
    %dma_wait3A_551 = tpu.memref_squeeze %dma_wait3A_550 : memref<1x1x40xi32, #tpu.memory_space<vmem>> -> memref<40xi32, #tpu.memory_space<vmem>>
    %dma_wait3A_552 = arith.constant 0 : i32
    %dma_wait3A_553 = tpu.memref_slice %arg3[%dma_wait3A_552] : memref<320000xi32, #tpu.memory_space<hbm>> -> memref<40xi32, #tpu.memory_space<hbm>>
    tpu.wait_dma2 semaphore(%dma_wait3A_548 : memref<!tpu.dma_semaphore, #tpu.memory_space<semaphore_mem>>) src(%dma_wait3A_553 : memref<40xi32, #tpu.memory_space<hbm>>) dst(%dma_wait3A_551 : memref<40xi32, #tpu.memory_space<vmem>>)
    %dma_start3A_554 = arith.constant 2 : i32
    %dma_start3A_555 = arith.constant 1 : i32
    %dma_start3A_556 = arith.constant 2 : i32
    %dma_start3A_557 = arith.constant 2 : i32
    %dma_start3A_558 = arith.constant 0 : i32
    %dma_start3A_559 = arith.constant 0 : i32
    %dma_start3A_560 = tpu.memref_slice %arg10[%dma_start3A_556, %dma_start3A_558, %dma_start3A_559] : memref<5x40x128xf32, #tpu.memory_space<vmem>> -> memref<1x40x128xf32, #tpu.memory_space<vmem>>
    %dma_start3A_561 = tpu.memref_squeeze %dma_start3A_560 : memref<1x40x128xf32, #tpu.memory_space<vmem>> -> memref<40x128xf32, #tpu.memory_space<vmem>>
    %dma_start3A_562 = arith.constant 0 : i32
    %dma_start3A_563 = tpu.memref_slice %arg8[%dma_start3A_554, %dma_start3A_555, %dma_start3A_562] : memref<5x2x40xi32, #tpu.memory_space<vmem>> -> memref<1x1x40xi32, #tpu.memory_space<vmem>>
    %dma_start3A_564 = tpu.memref_squeeze %dma_start3A_563 : memref<1x1x40xi32, #tpu.memory_space<vmem>> -> memref<40xi32, #tpu.memory_space<vmem>>
    %dma_start3A_565 = arith.constant 0 : i32
    %dma_start3A_566 = arith.constant 0 : i32
    %dma_start3A_567 = tpu.memref_slice %arg4[%dma_start3A_565, %dma_start3A_566] : memref<10000x128xf32, #tpu.memory_space<hbm>> -> memref<10000x128xf32, #tpu.memory_space<hbm>>
    %dma_start3A_568 = tpu.memref_slice %arg11[%dma_start3A_557] : memref<5x!tpu.dma_semaphore, #tpu.memory_space<semaphore_mem>> -> memref<1x!tpu.dma_semaphore, #tpu.memory_space<semaphore_mem>>
    %dma_start3A_569 = tpu.memref_squeeze %dma_start3A_568 : memref<1x!tpu.dma_semaphore, #tpu.memory_space<semaphore_mem>> -> memref<!tpu.dma_semaphore, #tpu.memory_space<semaphore_mem>>
    tpu.enqueue_indirect_dma source(%dma_start3A_567 : memref<10000x128xf32, #tpu.memory_space<hbm>>) target(%dma_start3A_561 : memref<40x128xf32, #tpu.memory_space<vmem>>) offsets(%dma_start3A_564 : memref<40xi32, #tpu.memory_space<vmem>>) semaphore(%dma_start3A_569 : memref<!tpu.dma_semaphore, #tpu.memory_space<semaphore_mem>>)
    %add3A_570 = arith.constant 400 : i32
    %add3A_571 = arith.addi %mul3A_2, %add3A_570 : i32
    %dma_start3A_572 = arith.constant 0 : i32
    %dma_start3A_573 = arith.constant 0 : i32
    %dma_start3A_574 = arith.constant 0 : i32
    %dma_start3A_575 = arith.constant 0 : i32
    %dma_start3A_576 = tpu.memref_slice %arg8[%dma_start3A_572, %dma_start3A_573, %dma_start3A_575] : memref<5x2x40xi32, #tpu.memory_space<vmem>> -> memref<1x1x40xi32, #tpu.memory_space<vmem>>
    %dma_start3A_577 = tpu.memref_squeeze %dma_start3A_576 : memref<1x1x40xi32, #tpu.memory_space<vmem>> -> memref<40xi32, #tpu.memory_space<vmem>>
    %dma_start3A_578 = tpu.memref_slice %arg2[%add3A_571] : memref<320000xi32, #tpu.memory_space<hbm>> -> memref<40xi32, #tpu.memory_space<hbm>>
    %dma_start3A_579 = tpu.memref_slice %arg13[%dma_start3A_574] : memref<5x!tpu.dma_semaphore, #tpu.memory_space<semaphore_mem>> -> memref<1x!tpu.dma_semaphore, #tpu.memory_space<semaphore_mem>>
    %dma_start3A_580 = tpu.memref_squeeze %dma_start3A_579 : memref<1x!tpu.dma_semaphore, #tpu.memory_space<semaphore_mem>> -> memref<!tpu.dma_semaphore, #tpu.memory_space<semaphore_mem>>
    %dma_start3A_581 = arith.constant 0 : i32
    %dma_start3A_582 = tpu.memref_slice %arg8[%dma_start3A_572, %dma_start3A_573, %dma_start3A_581] : memref<5x2x40xi32, #tpu.memory_space<vmem>> -> memref<1x1x40xi32, #tpu.memory_space<vmem>>
    %dma_start3A_583 = tpu.memref_squeeze %dma_start3A_582 : memref<1x1x40xi32, #tpu.memory_space<vmem>> -> memref<40xi32, #tpu.memory_space<vmem>>
    %dma_start3A_584 = tpu.memref_slice %arg2[%add3A_571] : memref<320000xi32, #tpu.memory_space<hbm>> -> memref<40xi32, #tpu.memory_space<hbm>>
    tpu.enqueue_dma source(%dma_start3A_584 : memref<40xi32, #tpu.memory_space<hbm>>) target(%dma_start3A_583 : memref<40xi32, #tpu.memory_space<vmem>>) target_semaphore(%dma_start3A_580 : memref<!tpu.dma_semaphore, #tpu.memory_space<semaphore_mem>>)
    %dma_start3A_585 = arith.constant 0 : i32
    %dma_start3A_586 = arith.constant 0 : i32
    %dma_start3A_587 = arith.constant 0 : i32
    %dma_start3A_588 = arith.constant 0 : i32
    %dma_start3A_589 = tpu.memref_slice %arg9[%dma_start3A_585, %dma_start3A_586, %dma_start3A_588] : memref<5x2x40xi32, #tpu.memory_space<vmem>> -> memref<1x1x40xi32, #tpu.memory_space<vmem>>
    %dma_start3A_590 = tpu.memref_squeeze %dma_start3A_589 : memref<1x1x40xi32, #tpu.memory_space<vmem>> -> memref<40xi32, #tpu.memory_space<vmem>>
    %dma_start3A_591 = tpu.memref_slice %arg3[%add3A_571] : memref<320000xi32, #tpu.memory_space<hbm>> -> memref<40xi32, #tpu.memory_space<hbm>>
    %dma_start3A_592 = tpu.memref_slice %arg14[%dma_start3A_587] : memref<5x!tpu.dma_semaphore, #tpu.memory_space<semaphore_mem>> -> memref<1x!tpu.dma_semaphore, #tpu.memory_space<semaphore_mem>>
    %dma_start3A_593 = tpu.memref_squeeze %dma_start3A_592 : memref<1x!tpu.dma_semaphore, #tpu.memory_space<semaphore_mem>> -> memref<!tpu.dma_semaphore, #tpu.memory_space<semaphore_mem>>
    %dma_start3A_594 = arith.constant 0 : i32
    %dma_start3A_595 = tpu.memref_slice %arg9[%dma_start3A_585, %dma_start3A_586, %dma_start3A_594] : memref<5x2x40xi32, #tpu.memory_space<vmem>> -> memref<1x1x40xi32, #tpu.memory_space<vmem>>
    %dma_start3A_596 = tpu.memref_squeeze %dma_start3A_595 : memref<1x1x40xi32, #tpu.memory_space<vmem>> -> memref<40xi32, #tpu.memory_space<vmem>>
    %dma_start3A_597 = tpu.memref_slice %arg3[%add3A_571] : memref<320000xi32, #tpu.memory_space<hbm>> -> memref<40xi32, #tpu.memory_space<hbm>>
    tpu.enqueue_dma source(%dma_start3A_597 : memref<40xi32, #tpu.memory_space<hbm>>) target(%dma_start3A_596 : memref<40xi32, #tpu.memory_space<vmem>>) target_semaphore(%dma_start3A_593 : memref<!tpu.dma_semaphore, #tpu.memory_space<semaphore_mem>>)
    %dma_wait3A_598 = arith.constant 0 : i32
    %dma_wait3A_599 = arith.constant 0 : i32
    %dma_wait3A_600 = arith.constant 4 : i32
    %dma_wait3A_601 = arith.constant 4 : i32
    %dma_wait3A_602 = arith.constant 0 : i32
    %dma_wait3A_603 = arith.constant 0 : i32
    %dma_wait3A_604 = tpu.memref_slice %arg10[%dma_wait3A_600, %dma_wait3A_602, %dma_wait3A_603] : memref<5x40x128xf32, #tpu.memory_space<vmem>> -> memref<1x40x128xf32, #tpu.memory_space<vmem>>
    %dma_wait3A_605 = tpu.memref_squeeze %dma_wait3A_604 : memref<1x40x128xf32, #tpu.memory_space<vmem>> -> memref<40x128xf32, #tpu.memory_space<vmem>>
    %dma_wait3A_606 = arith.constant 0 : i32
    %dma_wait3A_607 = tpu.memref_slice %arg8[%dma_wait3A_598, %dma_wait3A_599, %dma_wait3A_606] : memref<5x2x40xi32, #tpu.memory_space<vmem>> -> memref<1x1x40xi32, #tpu.memory_space<vmem>>
    %dma_wait3A_608 = tpu.memref_squeeze %dma_wait3A_607 : memref<1x1x40xi32, #tpu.memory_space<vmem>> -> memref<40xi32, #tpu.memory_space<vmem>>
    %dma_wait3A_609 = arith.constant 0 : i32
    %dma_wait3A_610 = arith.constant 0 : i32
    %dma_wait3A_611 = tpu.memref_slice %arg4[%dma_wait3A_609, %dma_wait3A_610] : memref<10000x128xf32, #tpu.memory_space<hbm>> -> memref<10000x128xf32, #tpu.memory_space<hbm>>
    %dma_wait3A_612 = tpu.memref_slice %arg11[%dma_wait3A_601] : memref<5x!tpu.dma_semaphore, #tpu.memory_space<semaphore_mem>> -> memref<1x!tpu.dma_semaphore, #tpu.memory_space<semaphore_mem>>
    %dma_wait3A_613 = tpu.memref_squeeze %dma_wait3A_612 : memref<1x!tpu.dma_semaphore, #tpu.memory_space<semaphore_mem>> -> memref<!tpu.dma_semaphore, #tpu.memory_space<semaphore_mem>>
    tpu.wait_indirect_dma semaphore(%dma_wait3A_613 : memref<!tpu.dma_semaphore, #tpu.memory_space<semaphore_mem>>) src(%dma_wait3A_611 : memref<10000x128xf32, #tpu.memory_space<hbm>>) dst(%dma_wait3A_605 : memref<40x128xf32, #tpu.memory_space<vmem>>)
    %dma_start3A_614 = arith.constant 4 : i32
    %dma_start3A_615 = arith.constant 4 : i32
    %dma_start3A_616 = arith.constant 0 : i32
    %dma_start3A_617 = arith.constant 4 : i32
    %dma_start3A_618 = arith.constant 0 : i32
    %dma_start3A_619 = arith.constant 0 : i32
    %dma_start3A_620 = tpu.memref_slice %arg10[%dma_start3A_614, %dma_start3A_618, %dma_start3A_619] : memref<5x40x128xf32, #tpu.memory_space<vmem>> -> memref<1x40x128xf32, #tpu.memory_space<vmem>>
    %dma_start3A_621 = tpu.memref_squeeze %dma_start3A_620 : memref<1x40x128xf32, #tpu.memory_space<vmem>> -> memref<40x128xf32, #tpu.memory_space<vmem>>
    %dma_start3A_622 = arith.constant 0 : i32
    %dma_start3A_623 = tpu.memref_slice %arg9[%dma_start3A_615, %dma_start3A_616, %dma_start3A_622] : memref<5x2x40xi32, #tpu.memory_space<vmem>> -> memref<1x1x40xi32, #tpu.memory_space<vmem>>
    %dma_start3A_624 = tpu.memref_squeeze %dma_start3A_623 : memref<1x1x40xi32, #tpu.memory_space<vmem>> -> memref<40xi32, #tpu.memory_space<vmem>>
    %dma_start3A_625 = arith.constant 0 : i32
    %dma_start3A_626 = arith.constant 0 : i32
    %dma_start3A_627 = tpu.memref_slice %arg7[%dma_start3A_625, %dma_start3A_626] : memref<10240x128xf32, #tpu.memory_space<vmem_shared>> -> memref<10240x128xf32, #tpu.memory_space<vmem_shared>>
    %dma_start3A_628 = tpu.memref_slice %arg12[%dma_start3A_617] : memref<5x!tpu.dma_semaphore, #tpu.memory_space<semaphore_mem>> -> memref<1x!tpu.dma_semaphore, #tpu.memory_space<semaphore_mem>>
    %dma_start3A_629 = tpu.memref_squeeze %dma_start3A_628 : memref<1x!tpu.dma_semaphore, #tpu.memory_space<semaphore_mem>> -> memref<!tpu.dma_semaphore, #tpu.memory_space<semaphore_mem>>
    tpu.enqueue_indirect_dma source(%dma_start3A_621 : memref<40x128xf32, #tpu.memory_space<vmem>>) target(%dma_start3A_627 : memref<10240x128xf32, #tpu.memory_space<vmem_shared>>) offsets(%dma_start3A_624 : memref<40xi32, #tpu.memory_space<vmem>>) semaphore(%dma_start3A_629 : memref<!tpu.dma_semaphore, #tpu.memory_space<semaphore_mem>>) {add = true}
    %dma_wait3A_630 = arith.constant 3 : i32
    %dma_wait3A_631 = arith.constant 0 : i32
    %dma_wait3A_632 = arith.constant 0 : i32
    %dma_wait3A_633 = arith.constant 3 : i32
    %dma_wait3A_634 = arith.constant 0 : i32
    %dma_wait3A_635 = arith.constant 0 : i32
    %dma_wait3A_636 = tpu.memref_slice %arg10[%dma_wait3A_630, %dma_wait3A_634, %dma_wait3A_635] : memref<5x40x128xf32, #tpu.memory_space<vmem>> -> memref<1x40x128xf32, #tpu.memory_space<vmem>>
    %dma_wait3A_637 = tpu.memref_squeeze %dma_wait3A_636 : memref<1x40x128xf32, #tpu.memory_space<vmem>> -> memref<40x128xf32, #tpu.memory_space<vmem>>
    %dma_wait3A_638 = arith.constant 0 : i32
    %dma_wait3A_639 = tpu.memref_slice %arg9[%dma_wait3A_631, %dma_wait3A_632, %dma_wait3A_638] : memref<5x2x40xi32, #tpu.memory_space<vmem>> -> memref<1x1x40xi32, #tpu.memory_space<vmem>>
    %dma_wait3A_640 = tpu.memref_squeeze %dma_wait3A_639 : memref<1x1x40xi32, #tpu.memory_space<vmem>> -> memref<40xi32, #tpu.memory_space<vmem>>
    %dma_wait3A_641 = arith.constant 0 : i32
    %dma_wait3A_642 = arith.constant 0 : i32
    %dma_wait3A_643 = tpu.memref_slice %arg7[%dma_wait3A_641, %dma_wait3A_642] : memref<10240x128xf32, #tpu.memory_space<vmem_shared>> -> memref<10240x128xf32, #tpu.memory_space<vmem_shared>>
    %dma_wait3A_644 = tpu.memref_slice %arg12[%dma_wait3A_633] : memref<5x!tpu.dma_semaphore, #tpu.memory_space<semaphore_mem>> -> memref<1x!tpu.dma_semaphore, #tpu.memory_space<semaphore_mem>>
    %dma_wait3A_645 = tpu.memref_squeeze %dma_wait3A_644 : memref<1x!tpu.dma_semaphore, #tpu.memory_space<semaphore_mem>> -> memref<!tpu.dma_semaphore, #tpu.memory_space<semaphore_mem>>
    tpu.wait_indirect_dma semaphore(%dma_wait3A_645 : memref<!tpu.dma_semaphore, #tpu.memory_space<semaphore_mem>>) src(%dma_wait3A_637 : memref<40x128xf32, #tpu.memory_space<vmem>>) dst(%dma_wait3A_643 : memref<10240x128xf32, #tpu.memory_space<vmem_shared>>)
    %dma_wait3A_646 = arith.constant 3 : i32
    %dma_wait3A_647 = arith.constant 1 : i32
    %dma_wait3A_648 = arith.constant 3 : i32
    %dma_wait3A_649 = arith.constant 0 : i32
    %dma_wait3A_650 = tpu.memref_slice %arg8[%dma_wait3A_646, %dma_wait3A_647, %dma_wait3A_649] : memref<5x2x40xi32, #tpu.memory_space<vmem>> -> memref<1x1x40xi32, #tpu.memory_space<vmem>>
    %dma_wait3A_651 = tpu.memref_squeeze %dma_wait3A_650 : memref<1x1x40xi32, #tpu.memory_space<vmem>> -> memref<40xi32, #tpu.memory_space<vmem>>
    %dma_wait3A_652 = arith.constant 0 : i32
    %dma_wait3A_653 = tpu.memref_slice %arg2[%dma_wait3A_652] : memref<320000xi32, #tpu.memory_space<hbm>> -> memref<40xi32, #tpu.memory_space<hbm>>
    %dma_wait3A_654 = tpu.memref_slice %arg13[%dma_wait3A_648] : memref<5x!tpu.dma_semaphore, #tpu.memory_space<semaphore_mem>> -> memref<1x!tpu.dma_semaphore, #tpu.memory_space<semaphore_mem>>
    %dma_wait3A_655 = tpu.memref_squeeze %dma_wait3A_654 : memref<1x!tpu.dma_semaphore, #tpu.memory_space<semaphore_mem>> -> memref<!tpu.dma_semaphore, #tpu.memory_space<semaphore_mem>>
    %dma_wait3A_656 = arith.constant 0 : i32
    %dma_wait3A_657 = tpu.memref_slice %arg8[%dma_wait3A_646, %dma_wait3A_647, %dma_wait3A_656] : memref<5x2x40xi32, #tpu.memory_space<vmem>> -> memref<1x1x40xi32, #tpu.memory_space<vmem>>
    %dma_wait3A_658 = tpu.memref_squeeze %dma_wait3A_657 : memref<1x1x40xi32, #tpu.memory_space<vmem>> -> memref<40xi32, #tpu.memory_space<vmem>>
    %dma_wait3A_659 = arith.constant 0 : i32
    %dma_wait3A_660 = tpu.memref_slice %arg2[%dma_wait3A_659] : memref<320000xi32, #tpu.memory_space<hbm>> -> memref<40xi32, #tpu.memory_space<hbm>>
    tpu.wait_dma2 semaphore(%dma_wait3A_655 : memref<!tpu.dma_semaphore, #tpu.memory_space<semaphore_mem>>) src(%dma_wait3A_660 : memref<40xi32, #tpu.memory_space<hbm>>) dst(%dma_wait3A_658 : memref<40xi32, #tpu.memory_space<vmem>>)
    %dma_wait3A_661 = arith.constant 3 : i32
    %dma_wait3A_662 = arith.constant 1 : i32
    %dma_wait3A_663 = arith.constant 3 : i32
    %dma_wait3A_664 = arith.constant 0 : i32
    %dma_wait3A_665 = tpu.memref_slice %arg9[%dma_wait3A_661, %dma_wait3A_662, %dma_wait3A_664] : memref<5x2x40xi32, #tpu.memory_space<vmem>> -> memref<1x1x40xi32, #tpu.memory_space<vmem>>
    %dma_wait3A_666 = tpu.memref_squeeze %dma_wait3A_665 : memref<1x1x40xi32, #tpu.memory_space<vmem>> -> memref<40xi32, #tpu.memory_space<vmem>>
    %dma_wait3A_667 = arith.constant 0 : i32
    %dma_wait3A_668 = tpu.memref_slice %arg3[%dma_wait3A_667] : memref<320000xi32, #tpu.memory_space<hbm>> -> memref<40xi32, #tpu.memory_space<hbm>>
    %dma_wait3A_669 = tpu.memref_slice %arg14[%dma_wait3A_663] : memref<5x!tpu.dma_semaphore, #tpu.memory_space<semaphore_mem>> -> memref<1x!tpu.dma_semaphore, #tpu.memory_space<semaphore_mem>>
    %dma_wait3A_670 = tpu.memref_squeeze %dma_wait3A_669 : memref<1x!tpu.dma_semaphore, #tpu.memory_space<semaphore_mem>> -> memref<!tpu.dma_semaphore, #tpu.memory_space<semaphore_mem>>
    %dma_wait3A_671 = arith.constant 0 : i32
    %dma_wait3A_672 = tpu.memref_slice %arg9[%dma_wait3A_661, %dma_wait3A_662, %dma_wait3A_671] : memref<5x2x40xi32, #tpu.memory_space<vmem>> -> memref<1x1x40xi32, #tpu.memory_space<vmem>>
    %dma_wait3A_673 = tpu.memref_squeeze %dma_wait3A_672 : memref<1x1x40xi32, #tpu.memory_space<vmem>> -> memref<40xi32, #tpu.memory_space<vmem>>
    %dma_wait3A_674 = arith.constant 0 : i32
    %dma_wait3A_675 = tpu.memref_slice %arg3[%dma_wait3A_674] : memref<320000xi32, #tpu.memory_space<hbm>> -> memref<40xi32, #tpu.memory_space<hbm>>
    tpu.wait_dma2 semaphore(%dma_wait3A_670 : memref<!tpu.dma_semaphore, #tpu.memory_space<semaphore_mem>>) src(%dma_wait3A_675 : memref<40xi32, #tpu.memory_space<hbm>>) dst(%dma_wait3A_673 : memref<40xi32, #tpu.memory_space<vmem>>)
    %dma_start3A_676 = arith.constant 3 : i32
    %dma_start3A_677 = arith.constant 1 : i32
    %dma_start3A_678 = arith.constant 3 : i32
    %dma_start3A_679 = arith.constant 3 : i32
    %dma_start3A_680 = arith.constant 0 : i32
    %dma_start3A_681 = arith.constant 0 : i32
    %dma_start3A_682 = tpu.memref_slice %arg10[%dma_start3A_678, %dma_start3A_680, %dma_start3A_681] : memref<5x40x128xf32, #tpu.memory_space<vmem>> -> memref<1x40x128xf32, #tpu.memory_space<vmem>>
    %dma_start3A_683 = tpu.memref_squeeze %dma_start3A_682 : memref<1x40x128xf32, #tpu.memory_space<vmem>> -> memref<40x128xf32, #tpu.memory_space<vmem>>
    %dma_start3A_684 = arith.constant 0 : i32
    %dma_start3A_685 = tpu.memref_slice %arg8[%dma_start3A_676, %dma_start3A_677, %dma_start3A_684] : memref<5x2x40xi32, #tpu.memory_space<vmem>> -> memref<1x1x40xi32, #tpu.memory_space<vmem>>
    %dma_start3A_686 = tpu.memref_squeeze %dma_start3A_685 : memref<1x1x40xi32, #tpu.memory_space<vmem>> -> memref<40xi32, #tpu.memory_space<vmem>>
    %dma_start3A_687 = arith.constant 0 : i32
    %dma_start3A_688 = arith.constant 0 : i32
    %dma_start3A_689 = tpu.memref_slice %arg4[%dma_start3A_687, %dma_start3A_688] : memref<10000x128xf32, #tpu.memory_space<hbm>> -> memref<10000x128xf32, #tpu.memory_space<hbm>>
    %dma_start3A_690 = tpu.memref_slice %arg11[%dma_start3A_679] : memref<5x!tpu.dma_semaphore, #tpu.memory_space<semaphore_mem>> -> memref<1x!tpu.dma_semaphore, #tpu.memory_space<semaphore_mem>>
    %dma_start3A_691 = tpu.memref_squeeze %dma_start3A_690 : memref<1x!tpu.dma_semaphore, #tpu.memory_space<semaphore_mem>> -> memref<!tpu.dma_semaphore, #tpu.memory_space<semaphore_mem>>
    tpu.enqueue_indirect_dma source(%dma_start3A_689 : memref<10000x128xf32, #tpu.memory_space<hbm>>) target(%dma_start3A_683 : memref<40x128xf32, #tpu.memory_space<vmem>>) offsets(%dma_start3A_686 : memref<40xi32, #tpu.memory_space<vmem>>) semaphore(%dma_start3A_691 : memref<!tpu.dma_semaphore, #tpu.memory_space<semaphore_mem>>)
    %add3A_692 = arith.constant 440 : i32
    %add3A_693 = arith.addi %mul3A_2, %add3A_692 : i32
    %dma_start3A_694 = arith.constant 1 : i32
    %dma_start3A_695 = arith.constant 0 : i32
    %dma_start3A_696 = arith.constant 1 : i32
    %dma_start3A_697 = arith.constant 0 : i32
    %dma_start3A_698 = tpu.memref_slice %arg8[%dma_start3A_694, %dma_start3A_695, %dma_start3A_697] : memref<5x2x40xi32, #tpu.memory_space<vmem>> -> memref<1x1x40xi32, #tpu.memory_space<vmem>>
    %dma_start3A_699 = tpu.memref_squeeze %dma_start3A_698 : memref<1x1x40xi32, #tpu.memory_space<vmem>> -> memref<40xi32, #tpu.memory_space<vmem>>
    %dma_start3A_700 = tpu.memref_slice %arg2[%add3A_693] : memref<320000xi32, #tpu.memory_space<hbm>> -> memref<40xi32, #tpu.memory_space<hbm>>
    %dma_start3A_701 = tpu.memref_slice %arg13[%dma_start3A_696] : memref<5x!tpu.dma_semaphore, #tpu.memory_space<semaphore_mem>> -> memref<1x!tpu.dma_semaphore, #tpu.memory_space<semaphore_mem>>
    %dma_start3A_702 = tpu.memref_squeeze %dma_start3A_701 : memref<1x!tpu.dma_semaphore, #tpu.memory_space<semaphore_mem>> -> memref<!tpu.dma_semaphore, #tpu.memory_space<semaphore_mem>>
    %dma_start3A_703 = arith.constant 0 : i32
    %dma_start3A_704 = tpu.memref_slice %arg8[%dma_start3A_694, %dma_start3A_695, %dma_start3A_703] : memref<5x2x40xi32, #tpu.memory_space<vmem>> -> memref<1x1x40xi32, #tpu.memory_space<vmem>>
    %dma_start3A_705 = tpu.memref_squeeze %dma_start3A_704 : memref<1x1x40xi32, #tpu.memory_space<vmem>> -> memref<40xi32, #tpu.memory_space<vmem>>
    %dma_start3A_706 = tpu.memref_slice %arg2[%add3A_693] : memref<320000xi32, #tpu.memory_space<hbm>> -> memref<40xi32, #tpu.memory_space<hbm>>
    tpu.enqueue_dma source(%dma_start3A_706 : memref<40xi32, #tpu.memory_space<hbm>>) target(%dma_start3A_705 : memref<40xi32, #tpu.memory_space<vmem>>) target_semaphore(%dma_start3A_702 : memref<!tpu.dma_semaphore, #tpu.memory_space<semaphore_mem>>)
    %dma_start3A_707 = arith.constant 1 : i32
    %dma_start3A_708 = arith.constant 0 : i32
    %dma_start3A_709 = arith.constant 1 : i32
    %dma_start3A_710 = arith.constant 0 : i32
    %dma_start3A_711 = tpu.memref_slice %arg9[%dma_start3A_707, %dma_start3A_708, %dma_start3A_710] : memref<5x2x40xi32, #tpu.memory_space<vmem>> -> memref<1x1x40xi32, #tpu.memory_space<vmem>>
    %dma_start3A_712 = tpu.memref_squeeze %dma_start3A_711 : memref<1x1x40xi32, #tpu.memory_space<vmem>> -> memref<40xi32, #tpu.memory_space<vmem>>
    %dma_start3A_713 = tpu.memref_slice %arg3[%add3A_693] : memref<320000xi32, #tpu.memory_space<hbm>> -> memref<40xi32, #tpu.memory_space<hbm>>
    %dma_start3A_714 = tpu.memref_slice %arg14[%dma_start3A_709] : memref<5x!tpu.dma_semaphore, #tpu.memory_space<semaphore_mem>> -> memref<1x!tpu.dma_semaphore, #tpu.memory_space<semaphore_mem>>
    %dma_start3A_715 = tpu.memref_squeeze %dma_start3A_714 : memref<1x!tpu.dma_semaphore, #tpu.memory_space<semaphore_mem>> -> memref<!tpu.dma_semaphore, #tpu.memory_space<semaphore_mem>>
    %dma_start3A_716 = arith.constant 0 : i32
    %dma_start3A_717 = tpu.memref_slice %arg9[%dma_start3A_707, %dma_start3A_708, %dma_start3A_716] : memref<5x2x40xi32, #tpu.memory_space<vmem>> -> memref<1x1x40xi32, #tpu.memory_space<vmem>>
    %dma_start3A_718 = tpu.memref_squeeze %dma_start3A_717 : memref<1x1x40xi32, #tpu.memory_space<vmem>> -> memref<40xi32, #tpu.memory_space<vmem>>
    %dma_start3A_719 = tpu.memref_slice %arg3[%add3A_693] : memref<320000xi32, #tpu.memory_space<hbm>> -> memref<40xi32, #tpu.memory_space<hbm>>
    tpu.enqueue_dma source(%dma_start3A_719 : memref<40xi32, #tpu.memory_space<hbm>>) target(%dma_start3A_718 : memref<40xi32, #tpu.memory_space<vmem>>) target_semaphore(%dma_start3A_715 : memref<!tpu.dma_semaphore, #tpu.memory_space<semaphore_mem>>)
    %scan3A = arith.constant 1 : i32
    %scan3A_720 = arith.constant 47 : i32
    %scan3A_721 = arith.addi %scan3A, %scan3A_720 : i32
    %scan3A_722 = arith.constant 1 : i32
    scf.for %scan3A_1581 = %scan3A to %scan3A_721 step %scan3A_722  : i32 {
      %rem3A = arith.constant 2 : i32
      %rem3A_1582 = arith.remsi %scan3A_1581, %rem3A : i32
      %sub3A = arith.constant 1 : i32
      %sub3A_1583 = arith.subi %sub3A, %rem3A_1582 : i32
      %dma_wait3A_1584 = arith.constant 0 : i32
      %dma_wait3A_1585 = arith.constant 0 : i32
      %dma_wait3A_1586 = arith.constant 0 : i32
      %dma_wait3A_1587 = arith.constant 0 : i32
      %dma_wait3A_1588 = arith.constant 0 : i32
      %dma_wait3A_1589 = arith.constant 0 : i32
      %dma_wait3A_1590 = tpu.memref_slice %arg10[%dma_wait3A_1586, %dma_wait3A_1588, %dma_wait3A_1589] : memref<5x40x128xf32, #tpu.memory_space<vmem>> -> memref<1x40x128xf32, #tpu.memory_space<vmem>>
      %dma_wait3A_1591 = tpu.memref_squeeze %dma_wait3A_1590 : memref<1x40x128xf32, #tpu.memory_space<vmem>> -> memref<40x128xf32, #tpu.memory_space<vmem>>
      %dma_wait3A_1592 = arith.constant 0 : i32
      %dma_wait3A_1593 = tpu.memref_slice %arg8[%dma_wait3A_1584, %dma_wait3A_1585, %dma_wait3A_1592] : memref<5x2x40xi32, #tpu.memory_space<vmem>> -> memref<1x1x40xi32, #tpu.memory_space<vmem>>
      %dma_wait3A_1594 = tpu.memref_squeeze %dma_wait3A_1593 : memref<1x1x40xi32, #tpu.memory_space<vmem>> -> memref<40xi32, #tpu.memory_space<vmem>>
      %dma_wait3A_1595 = arith.constant 0 : i32
      %dma_wait3A_1596 = arith.constant 0 : i32
      %dma_wait3A_1597 = tpu.memref_slice %arg4[%dma_wait3A_1595, %dma_wait3A_1596] : memref<10000x128xf32, #tpu.memory_space<hbm>> -> memref<10000x128xf32, #tpu.memory_space<hbm>>
      %dma_wait3A_1598 = tpu.memref_slice %arg11[%dma_wait3A_1587] : memref<5x!tpu.dma_semaphore, #tpu.memory_space<semaphore_mem>> -> memref<1x!tpu.dma_semaphore, #tpu.memory_space<semaphore_mem>>
      %dma_wait3A_1599 = tpu.memref_squeeze %dma_wait3A_1598 : memref<1x!tpu.dma_semaphore, #tpu.memory_space<semaphore_mem>> -> memref<!tpu.dma_semaphore, #tpu.memory_space<semaphore_mem>>
      tpu.wait_indirect_dma semaphore(%dma_wait3A_1599 : memref<!tpu.dma_semaphore, #tpu.memory_space<semaphore_mem>>) src(%dma_wait3A_1597 : memref<10000x128xf32, #tpu.memory_space<hbm>>) dst(%dma_wait3A_1591 : memref<40x128xf32, #tpu.memory_space<vmem>>)
      %dma_start3A_1600 = arith.constant 0 : i32
      %dma_start3A_1601 = arith.constant 0 : i32
      %dma_start3A_1602 = arith.constant 0 : i32
      %dma_start3A_1603 = arith.constant 0 : i32
      %dma_start3A_1604 = arith.constant 0 : i32
      %dma_start3A_1605 = tpu.memref_slice %arg10[%dma_start3A_1600, %dma_start3A_1603, %dma_start3A_1604] : memref<5x40x128xf32, #tpu.memory_space<vmem>> -> memref<1x40x128xf32, #tpu.memory_space<vmem>>
      %dma_start3A_1606 = tpu.memref_squeeze %dma_start3A_1605 : memref<1x40x128xf32, #tpu.memory_space<vmem>> -> memref<40x128xf32, #tpu.memory_space<vmem>>
      %dma_start3A_1607 = arith.constant 0 : i32
      %dma_start3A_1608 = tpu.memref_slice %arg9[%dma_start3A_1601, %rem3A_1582, %dma_start3A_1607] : memref<5x2x40xi32, #tpu.memory_space<vmem>> -> memref<1x1x40xi32, #tpu.memory_space<vmem>>
      %dma_start3A_1609 = tpu.memref_squeeze %dma_start3A_1608 : memref<1x1x40xi32, #tpu.memory_space<vmem>> -> memref<40xi32, #tpu.memory_space<vmem>>
      %dma_start3A_1610 = arith.constant 0 : i32
      %dma_start3A_1611 = arith.constant 0 : i32
      %dma_start3A_1612 = tpu.memref_slice %arg7[%dma_start3A_1610, %dma_start3A_1611] : memref<10240x128xf32, #tpu.memory_space<vmem_shared>> -> memref<10240x128xf32, #tpu.memory_space<vmem_shared>>
      %dma_start3A_1613 = tpu.memref_slice %arg12[%dma_start3A_1602] : memref<5x!tpu.dma_semaphore, #tpu.memory_space<semaphore_mem>> -> memref<1x!tpu.dma_semaphore, #tpu.memory_space<semaphore_mem>>
      %dma_start3A_1614 = tpu.memref_squeeze %dma_start3A_1613 : memref<1x!tpu.dma_semaphore, #tpu.memory_space<semaphore_mem>> -> memref<!tpu.dma_semaphore, #tpu.memory_space<semaphore_mem>>
      tpu.enqueue_indirect_dma source(%dma_start3A_1606 : memref<40x128xf32, #tpu.memory_space<vmem>>) target(%dma_start3A_1612 : memref<10240x128xf32, #tpu.memory_space<vmem_shared>>) offsets(%dma_start3A_1609 : memref<40xi32, #tpu.memory_space<vmem>>) semaphore(%dma_start3A_1614 : memref<!tpu.dma_semaphore, #tpu.memory_space<semaphore_mem>>) {add = true}
      %dma_wait3A_1615 = arith.constant 4 : i32
      %dma_wait3A_1616 = arith.constant 0 : i32
      %dma_wait3A_1617 = arith.constant 0 : i32
      %dma_wait3A_1618 = arith.constant 4 : i32
      %dma_wait3A_1619 = arith.constant 0 : i32
      %dma_wait3A_1620 = arith.constant 0 : i32
      %dma_wait3A_1621 = tpu.memref_slice %arg10[%dma_wait3A_1615, %dma_wait3A_1619, %dma_wait3A_1620] : memref<5x40x128xf32, #tpu.memory_space<vmem>> -> memref<1x40x128xf32, #tpu.memory_space<vmem>>
      %dma_wait3A_1622 = tpu.memref_squeeze %dma_wait3A_1621 : memref<1x40x128xf32, #tpu.memory_space<vmem>> -> memref<40x128xf32, #tpu.memory_space<vmem>>
      %dma_wait3A_1623 = arith.constant 0 : i32
      %dma_wait3A_1624 = tpu.memref_slice %arg9[%dma_wait3A_1616, %dma_wait3A_1617, %dma_wait3A_1623] : memref<5x2x40xi32, #tpu.memory_space<vmem>> -> memref<1x1x40xi32, #tpu.memory_space<vmem>>
      %dma_wait3A_1625 = tpu.memref_squeeze %dma_wait3A_1624 : memref<1x1x40xi32, #tpu.memory_space<vmem>> -> memref<40xi32, #tpu.memory_space<vmem>>
      %dma_wait3A_1626 = arith.constant 0 : i32
      %dma_wait3A_1627 = arith.constant 0 : i32
      %dma_wait3A_1628 = tpu.memref_slice %arg7[%dma_wait3A_1626, %dma_wait3A_1627] : memref<10240x128xf32, #tpu.memory_space<vmem_shared>> -> memref<10240x128xf32, #tpu.memory_space<vmem_shared>>
      %dma_wait3A_1629 = tpu.memref_slice %arg12[%dma_wait3A_1618] : memref<5x!tpu.dma_semaphore, #tpu.memory_space<semaphore_mem>> -> memref<1x!tpu.dma_semaphore, #tpu.memory_space<semaphore_mem>>
      %dma_wait3A_1630 = tpu.memref_squeeze %dma_wait3A_1629 : memref<1x!tpu.dma_semaphore, #tpu.memory_space<semaphore_mem>> -> memref<!tpu.dma_semaphore, #tpu.memory_space<semaphore_mem>>
      tpu.wait_indirect_dma semaphore(%dma_wait3A_1630 : memref<!tpu.dma_semaphore, #tpu.memory_space<semaphore_mem>>) src(%dma_wait3A_1622 : memref<40x128xf32, #tpu.memory_space<vmem>>) dst(%dma_wait3A_1628 : memref<10240x128xf32, #tpu.memory_space<vmem_shared>>)
      %dma_wait3A_1631 = arith.constant 4 : i32
      %dma_wait3A_1632 = arith.constant 4 : i32
      %dma_wait3A_1633 = arith.constant 0 : i32
      %dma_wait3A_1634 = tpu.memref_slice %arg8[%dma_wait3A_1631, %rem3A_1582, %dma_wait3A_1633] : memref<5x2x40xi32, #tpu.memory_space<vmem>> -> memref<1x1x40xi32, #tpu.memory_space<vmem>>
      %dma_wait3A_1635 = tpu.memref_squeeze %dma_wait3A_1634 : memref<1x1x40xi32, #tpu.memory_space<vmem>> -> memref<40xi32, #tpu.memory_space<vmem>>
      %dma_wait3A_1636 = arith.constant 0 : i32
      %dma_wait3A_1637 = tpu.memref_slice %arg2[%dma_wait3A_1636] : memref<320000xi32, #tpu.memory_space<hbm>> -> memref<40xi32, #tpu.memory_space<hbm>>
      %dma_wait3A_1638 = tpu.memref_slice %arg13[%dma_wait3A_1632] : memref<5x!tpu.dma_semaphore, #tpu.memory_space<semaphore_mem>> -> memref<1x!tpu.dma_semaphore, #tpu.memory_space<semaphore_mem>>
      %dma_wait3A_1639 = tpu.memref_squeeze %dma_wait3A_1638 : memref<1x!tpu.dma_semaphore, #tpu.memory_space<semaphore_mem>> -> memref<!tpu.dma_semaphore, #tpu.memory_space<semaphore_mem>>
      %dma_wait3A_1640 = arith.constant 0 : i32
      %dma_wait3A_1641 = tpu.memref_slice %arg8[%dma_wait3A_1631, %rem3A_1582, %dma_wait3A_1640] : memref<5x2x40xi32, #tpu.memory_space<vmem>> -> memref<1x1x40xi32, #tpu.memory_space<vmem>>
      %dma_wait3A_1642 = tpu.memref_squeeze %dma_wait3A_1641 : memref<1x1x40xi32, #tpu.memory_space<vmem>> -> memref<40xi32, #tpu.memory_space<vmem>>
      %dma_wait3A_1643 = arith.constant 0 : i32
      %dma_wait3A_1644 = tpu.memref_slice %arg2[%dma_wait3A_1643] : memref<320000xi32, #tpu.memory_space<hbm>> -> memref<40xi32, #tpu.memory_space<hbm>>
      tpu.wait_dma2 semaphore(%dma_wait3A_1639 : memref<!tpu.dma_semaphore, #tpu.memory_space<semaphore_mem>>) src(%dma_wait3A_1644 : memref<40xi32, #tpu.memory_space<hbm>>) dst(%dma_wait3A_1642 : memref<40xi32, #tpu.memory_space<vmem>>)
      %dma_wait3A_1645 = arith.constant 4 : i32
      %dma_wait3A_1646 = arith.constant 4 : i32
      %dma_wait3A_1647 = arith.constant 0 : i32
      %dma_wait3A_1648 = tpu.memref_slice %arg9[%dma_wait3A_1645, %rem3A_1582, %dma_wait3A_1647] : memref<5x2x40xi32, #tpu.memory_space<vmem>> -> memref<1x1x40xi32, #tpu.memory_space<vmem>>
      %dma_wait3A_1649 = tpu.memref_squeeze %dma_wait3A_1648 : memref<1x1x40xi32, #tpu.memory_space<vmem>> -> memref<40xi32, #tpu.memory_space<vmem>>
      %dma_wait3A_1650 = arith.constant 0 : i32
      %dma_wait3A_1651 = tpu.memref_slice %arg3[%dma_wait3A_1650] : memref<320000xi32, #tpu.memory_space<hbm>> -> memref<40xi32, #tpu.memory_space<hbm>>
      %dma_wait3A_1652 = tpu.memref_slice %arg14[%dma_wait3A_1646] : memref<5x!tpu.dma_semaphore, #tpu.memory_space<semaphore_mem>> -> memref<1x!tpu.dma_semaphore, #tpu.memory_space<semaphore_mem>>
      %dma_wait3A_1653 = tpu.memref_squeeze %dma_wait3A_1652 : memref<1x!tpu.dma_semaphore, #tpu.memory_space<semaphore_mem>> -> memref<!tpu.dma_semaphore, #tpu.memory_space<semaphore_mem>>
      %dma_wait3A_1654 = arith.constant 0 : i32
      %dma_wait3A_1655 = tpu.memref_slice %arg9[%dma_wait3A_1645, %rem3A_1582, %dma_wait3A_1654] : memref<5x2x40xi32, #tpu.memory_space<vmem>> -> memref<1x1x40xi32, #tpu.memory_space<vmem>>
      %dma_wait3A_1656 = tpu.memref_squeeze %dma_wait3A_1655 : memref<1x1x40xi32, #tpu.memory_space<vmem>> -> memref<40xi32, #tpu.memory_space<vmem>>
      %dma_wait3A_1657 = arith.constant 0 : i32
      %dma_wait3A_1658 = tpu.memref_slice %arg3[%dma_wait3A_1657] : memref<320000xi32, #tpu.memory_space<hbm>> -> memref<40xi32, #tpu.memory_space<hbm>>
      tpu.wait_dma2 semaphore(%dma_wait3A_1653 : memref<!tpu.dma_semaphore, #tpu.memory_space<semaphore_mem>>) src(%dma_wait3A_1658 : memref<40xi32, #tpu.memory_space<hbm>>) dst(%dma_wait3A_1656 : memref<40xi32, #tpu.memory_space<vmem>>)
      %dma_start3A_1659 = arith.constant 4 : i32
      %dma_start3A_1660 = arith.constant 4 : i32
      %dma_start3A_1661 = arith.constant 4 : i32
      %dma_start3A_1662 = arith.constant 0 : i32
      %dma_start3A_1663 = arith.constant 0 : i32
      %dma_start3A_1664 = tpu.memref_slice %arg10[%dma_start3A_1660, %dma_start3A_1662, %dma_start3A_1663] : memref<5x40x128xf32, #tpu.memory_space<vmem>> -> memref<1x40x128xf32, #tpu.memory_space<vmem>>
      %dma_start3A_1665 = tpu.memref_squeeze %dma_start3A_1664 : memref<1x40x128xf32, #tpu.memory_space<vmem>> -> memref<40x128xf32, #tpu.memory_space<vmem>>
      %dma_start3A_1666 = arith.constant 0 : i32
      %dma_start3A_1667 = tpu.memref_slice %arg8[%dma_start3A_1659, %rem3A_1582, %dma_start3A_1666] : memref<5x2x40xi32, #tpu.memory_space<vmem>> -> memref<1x1x40xi32, #tpu.memory_space<vmem>>
      %dma_start3A_1668 = tpu.memref_squeeze %dma_start3A_1667 : memref<1x1x40xi32, #tpu.memory_space<vmem>> -> memref<40xi32, #tpu.memory_space<vmem>>
      %dma_start3A_1669 = arith.constant 0 : i32
      %dma_start3A_1670 = arith.constant 0 : i32
      %dma_start3A_1671 = tpu.memref_slice %arg4[%dma_start3A_1669, %dma_start3A_1670] : memref<10000x128xf32, #tpu.memory_space<hbm>> -> memref<10000x128xf32, #tpu.memory_space<hbm>>
      %dma_start3A_1672 = tpu.memref_slice %arg11[%dma_start3A_1661] : memref<5x!tpu.dma_semaphore, #tpu.memory_space<semaphore_mem>> -> memref<1x!tpu.dma_semaphore, #tpu.memory_space<semaphore_mem>>
      %dma_start3A_1673 = tpu.memref_squeeze %dma_start3A_1672 : memref<1x!tpu.dma_semaphore, #tpu.memory_space<semaphore_mem>> -> memref<!tpu.dma_semaphore, #tpu.memory_space<semaphore_mem>>
      tpu.enqueue_indirect_dma source(%dma_start3A_1671 : memref<10000x128xf32, #tpu.memory_space<hbm>>) target(%dma_start3A_1665 : memref<40x128xf32, #tpu.memory_space<vmem>>) offsets(%dma_start3A_1668 : memref<40xi32, #tpu.memory_space<vmem>>) semaphore(%dma_start3A_1673 : memref<!tpu.dma_semaphore, #tpu.memory_space<semaphore_mem>>)
      %mul3A_1674 = arith.constant 5 : i32
      %mul3A_1675 = arith.muli %mul3A_1674, %scan3A_1581 : i32
      %add3A_1676 = arith.constant 0 : i32
      %add3A_1677 = arith.addi %mul3A_1675, %add3A_1676 : i32
      %add3A_1678 = arith.constant 7 : i32
      %add3A_1679 = arith.addi %add3A_1677, %add3A_1678 : i32
      %mul3A_1680 = arith.constant 40 : i32
      %mul3A_1681 = arith.muli %add3A_1679, %mul3A_1680 : i32
      %add3A_1682 = arith.addi %mul3A_2, %mul3A_1681 : i32
      %dma_start3A_1683 = arith.constant 2 : i32
      %dma_start3A_1684 = arith.constant 2 : i32
      %dma_start3A_1685 = arith.constant 0 : i32
      %dma_start3A_1686 = tpu.memref_slice %arg8[%dma_start3A_1683, %sub3A_1583, %dma_start3A_1685] : memref<5x2x40xi32, #tpu.memory_space<vmem>> -> memref<1x1x40xi32, #tpu.memory_space<vmem>>
      %dma_start3A_1687 = tpu.memref_squeeze %dma_start3A_1686 : memref<1x1x40xi32, #tpu.memory_space<vmem>> -> memref<40xi32, #tpu.memory_space<vmem>>
      %dma_start3A_1688 = tpu.memref_slice %arg2[%add3A_1682] : memref<320000xi32, #tpu.memory_space<hbm>> -> memref<40xi32, #tpu.memory_space<hbm>>
      %dma_start3A_1689 = tpu.memref_slice %arg13[%dma_start3A_1684] : memref<5x!tpu.dma_semaphore, #tpu.memory_space<semaphore_mem>> -> memref<1x!tpu.dma_semaphore, #tpu.memory_space<semaphore_mem>>
      %dma_start3A_1690 = tpu.memref_squeeze %dma_start3A_1689 : memref<1x!tpu.dma_semaphore, #tpu.memory_space<semaphore_mem>> -> memref<!tpu.dma_semaphore, #tpu.memory_space<semaphore_mem>>
      %dma_start3A_1691 = arith.constant 0 : i32
      %dma_start3A_1692 = tpu.memref_slice %arg8[%dma_start3A_1683, %sub3A_1583, %dma_start3A_1691] : memref<5x2x40xi32, #tpu.memory_space<vmem>> -> memref<1x1x40xi32, #tpu.memory_space<vmem>>
      %dma_start3A_1693 = tpu.memref_squeeze %dma_start3A_1692 : memref<1x1x40xi32, #tpu.memory_space<vmem>> -> memref<40xi32, #tpu.memory_space<vmem>>
      %dma_start3A_1694 = tpu.memref_slice %arg2[%add3A_1682] : memref<320000xi32, #tpu.memory_space<hbm>> -> memref<40xi32, #tpu.memory_space<hbm>>
      tpu.enqueue_dma source(%dma_start3A_1694 : memref<40xi32, #tpu.memory_space<hbm>>) target(%dma_start3A_1693 : memref<40xi32, #tpu.memory_space<vmem>>) target_semaphore(%dma_start3A_1690 : memref<!tpu.dma_semaphore, #tpu.memory_space<semaphore_mem>>)
      %dma_start3A_1695 = arith.constant 2 : i32
      %dma_start3A_1696 = arith.constant 2 : i32
      %dma_start3A_1697 = arith.constant 0 : i32
      %dma_start3A_1698 = tpu.memref_slice %arg9[%dma_start3A_1695, %sub3A_1583, %dma_start3A_1697] : memref<5x2x40xi32, #tpu.memory_space<vmem>> -> memref<1x1x40xi32, #tpu.memory_space<vmem>>
      %dma_start3A_1699 = tpu.memref_squeeze %dma_start3A_1698 : memref<1x1x40xi32, #tpu.memory_space<vmem>> -> memref<40xi32, #tpu.memory_space<vmem>>
      %dma_start3A_1700 = tpu.memref_slice %arg3[%add3A_1682] : memref<320000xi32, #tpu.memory_space<hbm>> -> memref<40xi32, #tpu.memory_space<hbm>>
      %dma_start3A_1701 = tpu.memref_slice %arg14[%dma_start3A_1696] : memref<5x!tpu.dma_semaphore, #tpu.memory_space<semaphore_mem>> -> memref<1x!tpu.dma_semaphore, #tpu.memory_space<semaphore_mem>>
      %dma_start3A_1702 = tpu.memref_squeeze %dma_start3A_1701 : memref<1x!tpu.dma_semaphore, #tpu.memory_space<semaphore_mem>> -> memref<!tpu.dma_semaphore, #tpu.memory_space<semaphore_mem>>
      %dma_start3A_1703 = arith.constant 0 : i32
      %dma_start3A_1704 = tpu.memref_slice %arg9[%dma_start3A_1695, %sub3A_1583, %dma_start3A_1703] : memref<5x2x40xi32, #tpu.memory_space<vmem>> -> memref<1x1x40xi32, #tpu.memory_space<vmem>>
      %dma_start3A_1705 = tpu.memref_squeeze %dma_start3A_1704 : memref<1x1x40xi32, #tpu.memory_space<vmem>> -> memref<40xi32, #tpu.memory_space<vmem>>
      %dma_start3A_1706 = tpu.memref_slice %arg3[%add3A_1682] : memref<320000xi32, #tpu.memory_space<hbm>> -> memref<40xi32, #tpu.memory_space<hbm>>
      tpu.enqueue_dma source(%dma_start3A_1706 : memref<40xi32, #tpu.memory_space<hbm>>) target(%dma_start3A_1705 : memref<40xi32, #tpu.memory_space<vmem>>) target_semaphore(%dma_start3A_1702 : memref<!tpu.dma_semaphore, #tpu.memory_space<semaphore_mem>>)
      %dma_wait3A_1707 = arith.constant 0 : i32
      %dma_wait3A_1708 = arith.constant 0 : i32
      %dma_wait3A_1709 = arith.constant 1 : i32
      %dma_wait3A_1710 = arith.constant 1 : i32
      %dma_wait3A_1711 = arith.constant 0 : i32
      %dma_wait3A_1712 = arith.constant 0 : i32
      %dma_wait3A_1713 = tpu.memref_slice %arg10[%dma_wait3A_1709, %dma_wait3A_1711, %dma_wait3A_1712] : memref<5x40x128xf32, #tpu.memory_space<vmem>> -> memref<1x40x128xf32, #tpu.memory_space<vmem>>
      %dma_wait3A_1714 = tpu.memref_squeeze %dma_wait3A_1713 : memref<1x40x128xf32, #tpu.memory_space<vmem>> -> memref<40x128xf32, #tpu.memory_space<vmem>>
      %dma_wait3A_1715 = arith.constant 0 : i32
      %dma_wait3A_1716 = tpu.memref_slice %arg8[%dma_wait3A_1707, %dma_wait3A_1708, %dma_wait3A_1715] : memref<5x2x40xi32, #tpu.memory_space<vmem>> -> memref<1x1x40xi32, #tpu.memory_space<vmem>>
      %dma_wait3A_1717 = tpu.memref_squeeze %dma_wait3A_1716 : memref<1x1x40xi32, #tpu.memory_space<vmem>> -> memref<40xi32, #tpu.memory_space<vmem>>
      %dma_wait3A_1718 = arith.constant 0 : i32
      %dma_wait3A_1719 = arith.constant 0 : i32
      %dma_wait3A_1720 = tpu.memref_slice %arg4[%dma_wait3A_1718, %dma_wait3A_1719] : memref<10000x128xf32, #tpu.memory_space<hbm>> -> memref<10000x128xf32, #tpu.memory_space<hbm>>
      %dma_wait3A_1721 = tpu.memref_slice %arg11[%dma_wait3A_1710] : memref<5x!tpu.dma_semaphore, #tpu.memory_space<semaphore_mem>> -> memref<1x!tpu.dma_semaphore, #tpu.memory_space<semaphore_mem>>
      %dma_wait3A_1722 = tpu.memref_squeeze %dma_wait3A_1721 : memref<1x!tpu.dma_semaphore, #tpu.memory_space<semaphore_mem>> -> memref<!tpu.dma_semaphore, #tpu.memory_space<semaphore_mem>>
      tpu.wait_indirect_dma semaphore(%dma_wait3A_1722 : memref<!tpu.dma_semaphore, #tpu.memory_space<semaphore_mem>>) src(%dma_wait3A_1720 : memref<10000x128xf32, #tpu.memory_space<hbm>>) dst(%dma_wait3A_1714 : memref<40x128xf32, #tpu.memory_space<vmem>>)
      %dma_start3A_1723 = arith.constant 1 : i32
      %dma_start3A_1724 = arith.constant 1 : i32
      %dma_start3A_1725 = arith.constant 1 : i32
      %dma_start3A_1726 = arith.constant 0 : i32
      %dma_start3A_1727 = arith.constant 0 : i32
      %dma_start3A_1728 = tpu.memref_slice %arg10[%dma_start3A_1723, %dma_start3A_1726, %dma_start3A_1727] : memref<5x40x128xf32, #tpu.memory_space<vmem>> -> memref<1x40x128xf32, #tpu.memory_space<vmem>>
      %dma_start3A_1729 = tpu.memref_squeeze %dma_start3A_1728 : memref<1x40x128xf32, #tpu.memory_space<vmem>> -> memref<40x128xf32, #tpu.memory_space<vmem>>
      %dma_start3A_1730 = arith.constant 0 : i32
      %dma_start3A_1731 = tpu.memref_slice %arg9[%dma_start3A_1724, %rem3A_1582, %dma_start3A_1730] : memref<5x2x40xi32, #tpu.memory_space<vmem>> -> memref<1x1x40xi32, #tpu.memory_space<vmem>>
      %dma_start3A_1732 = tpu.memref_squeeze %dma_start3A_1731 : memref<1x1x40xi32, #tpu.memory_space<vmem>> -> memref<40xi32, #tpu.memory_space<vmem>>
      %dma_start3A_1733 = arith.constant 0 : i32
      %dma_start3A_1734 = arith.constant 0 : i32
      %dma_start3A_1735 = tpu.memref_slice %arg7[%dma_start3A_1733, %dma_start3A_1734] : memref<10240x128xf32, #tpu.memory_space<vmem_shared>> -> memref<10240x128xf32, #tpu.memory_space<vmem_shared>>
      %dma_start3A_1736 = tpu.memref_slice %arg12[%dma_start3A_1725] : memref<5x!tpu.dma_semaphore, #tpu.memory_space<semaphore_mem>> -> memref<1x!tpu.dma_semaphore, #tpu.memory_space<semaphore_mem>>
      %dma_start3A_1737 = tpu.memref_squeeze %dma_start3A_1736 : memref<1x!tpu.dma_semaphore, #tpu.memory_space<semaphore_mem>> -> memref<!tpu.dma_semaphore, #tpu.memory_space<semaphore_mem>>
      tpu.enqueue_indirect_dma source(%dma_start3A_1729 : memref<40x128xf32, #tpu.memory_space<vmem>>) target(%dma_start3A_1735 : memref<10240x128xf32, #tpu.memory_space<vmem_shared>>) offsets(%dma_start3A_1732 : memref<40xi32, #tpu.memory_space<vmem>>) semaphore(%dma_start3A_1737 : memref<!tpu.dma_semaphore, #tpu.memory_space<semaphore_mem>>) {add = true}
      %dma_wait3A_1738 = arith.constant 0 : i32
      %dma_wait3A_1739 = arith.constant 0 : i32
      %dma_wait3A_1740 = arith.constant 0 : i32
      %dma_wait3A_1741 = arith.constant 0 : i32
      %dma_wait3A_1742 = arith.constant 0 : i32
      %dma_wait3A_1743 = arith.constant 0 : i32
      %dma_wait3A_1744 = tpu.memref_slice %arg10[%dma_wait3A_1738, %dma_wait3A_1742, %dma_wait3A_1743] : memref<5x40x128xf32, #tpu.memory_space<vmem>> -> memref<1x40x128xf32, #tpu.memory_space<vmem>>
      %dma_wait3A_1745 = tpu.memref_squeeze %dma_wait3A_1744 : memref<1x40x128xf32, #tpu.memory_space<vmem>> -> memref<40x128xf32, #tpu.memory_space<vmem>>
      %dma_wait3A_1746 = arith.constant 0 : i32
      %dma_wait3A_1747 = tpu.memref_slice %arg9[%dma_wait3A_1739, %dma_wait3A_1740, %dma_wait3A_1746] : memref<5x2x40xi32, #tpu.memory_space<vmem>> -> memref<1x1x40xi32, #tpu.memory_space<vmem>>
      %dma_wait3A_1748 = tpu.memref_squeeze %dma_wait3A_1747 : memref<1x1x40xi32, #tpu.memory_space<vmem>> -> memref<40xi32, #tpu.memory_space<vmem>>
      %dma_wait3A_1749 = arith.constant 0 : i32
      %dma_wait3A_1750 = arith.constant 0 : i32
      %dma_wait3A_1751 = tpu.memref_slice %arg7[%dma_wait3A_1749, %dma_wait3A_1750] : memref<10240x128xf32, #tpu.memory_space<vmem_shared>> -> memref<10240x128xf32, #tpu.memory_space<vmem_shared>>
      %dma_wait3A_1752 = tpu.memref_slice %arg12[%dma_wait3A_1741] : memref<5x!tpu.dma_semaphore, #tpu.memory_space<semaphore_mem>> -> memref<1x!tpu.dma_semaphore, #tpu.memory_space<semaphore_mem>>
      %dma_wait3A_1753 = tpu.memref_squeeze %dma_wait3A_1752 : memref<1x!tpu.dma_semaphore, #tpu.memory_space<semaphore_mem>> -> memref<!tpu.dma_semaphore, #tpu.memory_space<semaphore_mem>>
      tpu.wait_indirect_dma semaphore(%dma_wait3A_1753 : memref<!tpu.dma_semaphore, #tpu.memory_space<semaphore_mem>>) src(%dma_wait3A_1745 : memref<40x128xf32, #tpu.memory_space<vmem>>) dst(%dma_wait3A_1751 : memref<10240x128xf32, #tpu.memory_space<vmem_shared>>)
      %dma_wait3A_1754 = arith.constant 0 : i32
      %dma_wait3A_1755 = arith.constant 0 : i32
      %dma_wait3A_1756 = arith.constant 0 : i32
      %dma_wait3A_1757 = tpu.memref_slice %arg8[%dma_wait3A_1754, %sub3A_1583, %dma_wait3A_1756] : memref<5x2x40xi32, #tpu.memory_space<vmem>> -> memref<1x1x40xi32, #tpu.memory_space<vmem>>
      %dma_wait3A_1758 = tpu.memref_squeeze %dma_wait3A_1757 : memref<1x1x40xi32, #tpu.memory_space<vmem>> -> memref<40xi32, #tpu.memory_space<vmem>>
      %dma_wait3A_1759 = arith.constant 0 : i32
      %dma_wait3A_1760 = tpu.memref_slice %arg2[%dma_wait3A_1759] : memref<320000xi32, #tpu.memory_space<hbm>> -> memref<40xi32, #tpu.memory_space<hbm>>
      %dma_wait3A_1761 = tpu.memref_slice %arg13[%dma_wait3A_1755] : memref<5x!tpu.dma_semaphore, #tpu.memory_space<semaphore_mem>> -> memref<1x!tpu.dma_semaphore, #tpu.memory_space<semaphore_mem>>
      %dma_wait3A_1762 = tpu.memref_squeeze %dma_wait3A_1761 : memref<1x!tpu.dma_semaphore, #tpu.memory_space<semaphore_mem>> -> memref<!tpu.dma_semaphore, #tpu.memory_space<semaphore_mem>>
      %dma_wait3A_1763 = arith.constant 0 : i32
      %dma_wait3A_1764 = tpu.memref_slice %arg8[%dma_wait3A_1754, %sub3A_1583, %dma_wait3A_1763] : memref<5x2x40xi32, #tpu.memory_space<vmem>> -> memref<1x1x40xi32, #tpu.memory_space<vmem>>
      %dma_wait3A_1765 = tpu.memref_squeeze %dma_wait3A_1764 : memref<1x1x40xi32, #tpu.memory_space<vmem>> -> memref<40xi32, #tpu.memory_space<vmem>>
      %dma_wait3A_1766 = arith.constant 0 : i32
      %dma_wait3A_1767 = tpu.memref_slice %arg2[%dma_wait3A_1766] : memref<320000xi32, #tpu.memory_space<hbm>> -> memref<40xi32, #tpu.memory_space<hbm>>
      tpu.wait_dma2 semaphore(%dma_wait3A_1762 : memref<!tpu.dma_semaphore, #tpu.memory_space<semaphore_mem>>) src(%dma_wait3A_1767 : memref<40xi32, #tpu.memory_space<hbm>>) dst(%dma_wait3A_1765 : memref<40xi32, #tpu.memory_space<vmem>>)
      %dma_wait3A_1768 = arith.constant 0 : i32
      %dma_wait3A_1769 = arith.constant 0 : i32
      %dma_wait3A_1770 = arith.constant 0 : i32
      %dma_wait3A_1771 = tpu.memref_slice %arg9[%dma_wait3A_1768, %sub3A_1583, %dma_wait3A_1770] : memref<5x2x40xi32, #tpu.memory_space<vmem>> -> memref<1x1x40xi32, #tpu.memory_space<vmem>>
      %dma_wait3A_1772 = tpu.memref_squeeze %dma_wait3A_1771 : memref<1x1x40xi32, #tpu.memory_space<vmem>> -> memref<40xi32, #tpu.memory_space<vmem>>
      %dma_wait3A_1773 = arith.constant 0 : i32
      %dma_wait3A_1774 = tpu.memref_slice %arg3[%dma_wait3A_1773] : memref<320000xi32, #tpu.memory_space<hbm>> -> memref<40xi32, #tpu.memory_space<hbm>>
      %dma_wait3A_1775 = tpu.memref_slice %arg14[%dma_wait3A_1769] : memref<5x!tpu.dma_semaphore, #tpu.memory_space<semaphore_mem>> -> memref<1x!tpu.dma_semaphore, #tpu.memory_space<semaphore_mem>>
      %dma_wait3A_1776 = tpu.memref_squeeze %dma_wait3A_1775 : memref<1x!tpu.dma_semaphore, #tpu.memory_space<semaphore_mem>> -> memref<!tpu.dma_semaphore, #tpu.memory_space<semaphore_mem>>
      %dma_wait3A_1777 = arith.constant 0 : i32
      %dma_wait3A_1778 = tpu.memref_slice %arg9[%dma_wait3A_1768, %sub3A_1583, %dma_wait3A_1777] : memref<5x2x40xi32, #tpu.memory_space<vmem>> -> memref<1x1x40xi32, #tpu.memory_space<vmem>>
      %dma_wait3A_1779 = tpu.memref_squeeze %dma_wait3A_1778 : memref<1x1x40xi32, #tpu.memory_space<vmem>> -> memref<40xi32, #tpu.memory_space<vmem>>
      %dma_wait3A_1780 = arith.constant 0 : i32
      %dma_wait3A_1781 = tpu.memref_slice %arg3[%dma_wait3A_1780] : memref<320000xi32, #tpu.memory_space<hbm>> -> memref<40xi32, #tpu.memory_space<hbm>>
      tpu.wait_dma2 semaphore(%dma_wait3A_1776 : memref<!tpu.dma_semaphore, #tpu.memory_space<semaphore_mem>>) src(%dma_wait3A_1781 : memref<40xi32, #tpu.memory_space<hbm>>) dst(%dma_wait3A_1779 : memref<40xi32, #tpu.memory_space<vmem>>)
      %dma_start3A_1782 = arith.constant 0 : i32
      %dma_start3A_1783 = arith.constant 0 : i32
      %dma_start3A_1784 = arith.constant 0 : i32
      %dma_start3A_1785 = arith.constant 0 : i32
      %dma_start3A_1786 = arith.constant 0 : i32
      %dma_start3A_1787 = tpu.memref_slice %arg10[%dma_start3A_1783, %dma_start3A_1785, %dma_start3A_1786] : memref<5x40x128xf32, #tpu.memory_space<vmem>> -> memref<1x40x128xf32, #tpu.memory_space<vmem>>
      %dma_start3A_1788 = tpu.memref_squeeze %dma_start3A_1787 : memref<1x40x128xf32, #tpu.memory_space<vmem>> -> memref<40x128xf32, #tpu.memory_space<vmem>>
      %dma_start3A_1789 = arith.constant 0 : i32
      %dma_start3A_1790 = tpu.memref_slice %arg8[%dma_start3A_1782, %sub3A_1583, %dma_start3A_1789] : memref<5x2x40xi32, #tpu.memory_space<vmem>> -> memref<1x1x40xi32, #tpu.memory_space<vmem>>
      %dma_start3A_1791 = tpu.memref_squeeze %dma_start3A_1790 : memref<1x1x40xi32, #tpu.memory_space<vmem>> -> memref<40xi32, #tpu.memory_space<vmem>>
      %dma_start3A_1792 = arith.constant 0 : i32
      %dma_start3A_1793 = arith.constant 0 : i32
      %dma_start3A_1794 = tpu.memref_slice %arg4[%dma_start3A_1792, %dma_start3A_1793] : memref<10000x128xf32, #tpu.memory_space<hbm>> -> memref<10000x128xf32, #tpu.memory_space<hbm>>
      %dma_start3A_1795 = tpu.memref_slice %arg11[%dma_start3A_1784] : memref<5x!tpu.dma_semaphore, #tpu.memory_space<semaphore_mem>> -> memref<1x!tpu.dma_semaphore, #tpu.memory_space<semaphore_mem>>
      %dma_start3A_1796 = tpu.memref_squeeze %dma_start3A_1795 : memref<1x!tpu.dma_semaphore, #tpu.memory_space<semaphore_mem>> -> memref<!tpu.dma_semaphore, #tpu.memory_space<semaphore_mem>>
      tpu.enqueue_indirect_dma source(%dma_start3A_1794 : memref<10000x128xf32, #tpu.memory_space<hbm>>) target(%dma_start3A_1788 : memref<40x128xf32, #tpu.memory_space<vmem>>) offsets(%dma_start3A_1791 : memref<40xi32, #tpu.memory_space<vmem>>) semaphore(%dma_start3A_1796 : memref<!tpu.dma_semaphore, #tpu.memory_space<semaphore_mem>>)
      %mul3A_1797 = arith.constant 5 : i32
      %mul3A_1798 = arith.muli %mul3A_1797, %scan3A_1581 : i32
      %add3A_1799 = arith.constant 1 : i32
      %add3A_1800 = arith.addi %mul3A_1798, %add3A_1799 : i32
      %add3A_1801 = arith.constant 7 : i32
      %add3A_1802 = arith.addi %add3A_1800, %add3A_1801 : i32
      %mul3A_1803 = arith.constant 40 : i32
      %mul3A_1804 = arith.muli %add3A_1802, %mul3A_1803 : i32
      %add3A_1805 = arith.addi %mul3A_2, %mul3A_1804 : i32
      %dma_start3A_1806 = arith.constant 3 : i32
      %dma_start3A_1807 = arith.constant 3 : i32
      %dma_start3A_1808 = arith.constant 0 : i32
      %dma_start3A_1809 = tpu.memref_slice %arg8[%dma_start3A_1806, %sub3A_1583, %dma_start3A_1808] : memref<5x2x40xi32, #tpu.memory_space<vmem>> -> memref<1x1x40xi32, #tpu.memory_space<vmem>>
      %dma_start3A_1810 = tpu.memref_squeeze %dma_start3A_1809 : memref<1x1x40xi32, #tpu.memory_space<vmem>> -> memref<40xi32, #tpu.memory_space<vmem>>
      %dma_start3A_1811 = tpu.memref_slice %arg2[%add3A_1805] : memref<320000xi32, #tpu.memory_space<hbm>> -> memref<40xi32, #tpu.memory_space<hbm>>
      %dma_start3A_1812 = tpu.memref_slice %arg13[%dma_start3A_1807] : memref<5x!tpu.dma_semaphore, #tpu.memory_space<semaphore_mem>> -> memref<1x!tpu.dma_semaphore, #tpu.memory_space<semaphore_mem>>
      %dma_start3A_1813 = tpu.memref_squeeze %dma_start3A_1812 : memref<1x!tpu.dma_semaphore, #tpu.memory_space<semaphore_mem>> -> memref<!tpu.dma_semaphore, #tpu.memory_space<semaphore_mem>>
      %dma_start3A_1814 = arith.constant 0 : i32
      %dma_start3A_1815 = tpu.memref_slice %arg8[%dma_start3A_1806, %sub3A_1583, %dma_start3A_1814] : memref<5x2x40xi32, #tpu.memory_space<vmem>> -> memref<1x1x40xi32, #tpu.memory_space<vmem>>
      %dma_start3A_1816 = tpu.memref_squeeze %dma_start3A_1815 : memref<1x1x40xi32, #tpu.memory_space<vmem>> -> memref<40xi32, #tpu.memory_space<vmem>>
      %dma_start3A_1817 = tpu.memref_slice %arg2[%add3A_1805] : memref<320000xi32, #tpu.memory_space<hbm>> -> memref<40xi32, #tpu.memory_space<hbm>>
      tpu.enqueue_dma source(%dma_start3A_1817 : memref<40xi32, #tpu.memory_space<hbm>>) target(%dma_start3A_1816 : memref<40xi32, #tpu.memory_space<vmem>>) target_semaphore(%dma_start3A_1813 : memref<!tpu.dma_semaphore, #tpu.memory_space<semaphore_mem>>)
      %dma_start3A_1818 = arith.constant 3 : i32
      %dma_start3A_1819 = arith.constant 3 : i32
      %dma_start3A_1820 = arith.constant 0 : i32
      %dma_start3A_1821 = tpu.memref_slice %arg9[%dma_start3A_1818, %sub3A_1583, %dma_start3A_1820] : memref<5x2x40xi32, #tpu.memory_space<vmem>> -> memref<1x1x40xi32, #tpu.memory_space<vmem>>
      %dma_start3A_1822 = tpu.memref_squeeze %dma_start3A_1821 : memref<1x1x40xi32, #tpu.memory_space<vmem>> -> memref<40xi32, #tpu.memory_space<vmem>>
      %dma_start3A_1823 = tpu.memref_slice %arg3[%add3A_1805] : memref<320000xi32, #tpu.memory_space<hbm>> -> memref<40xi32, #tpu.memory_space<hbm>>
      %dma_start3A_1824 = tpu.memref_slice %arg14[%dma_start3A_1819] : memref<5x!tpu.dma_semaphore, #tpu.memory_space<semaphore_mem>> -> memref<1x!tpu.dma_semaphore, #tpu.memory_space<semaphore_mem>>
      %dma_start3A_1825 = tpu.memref_squeeze %dma_start3A_1824 : memref<1x!tpu.dma_semaphore, #tpu.memory_space<semaphore_mem>> -> memref<!tpu.dma_semaphore, #tpu.memory_space<semaphore_mem>>
      %dma_start3A_1826 = arith.constant 0 : i32
      %dma_start3A_1827 = tpu.memref_slice %arg9[%dma_start3A_1818, %sub3A_1583, %dma_start3A_1826] : memref<5x2x40xi32, #tpu.memory_space<vmem>> -> memref<1x1x40xi32, #tpu.memory_space<vmem>>
      %dma_start3A_1828 = tpu.memref_squeeze %dma_start3A_1827 : memref<1x1x40xi32, #tpu.memory_space<vmem>> -> memref<40xi32, #tpu.memory_space<vmem>>
      %dma_start3A_1829 = tpu.memref_slice %arg3[%add3A_1805] : memref<320000xi32, #tpu.memory_space<hbm>> -> memref<40xi32, #tpu.memory_space<hbm>>
      tpu.enqueue_dma source(%dma_start3A_1829 : memref<40xi32, #tpu.memory_space<hbm>>) target(%dma_start3A_1828 : memref<40xi32, #tpu.memory_space<vmem>>) target_semaphore(%dma_start3A_1825 : memref<!tpu.dma_semaphore, #tpu.memory_space<semaphore_mem>>)
      %dma_wait3A_1830 = arith.constant 0 : i32
      %dma_wait3A_1831 = arith.constant 0 : i32
      %dma_wait3A_1832 = arith.constant 2 : i32
      %dma_wait3A_1833 = arith.constant 2 : i32
      %dma_wait3A_1834 = arith.constant 0 : i32
      %dma_wait3A_1835 = arith.constant 0 : i32
      %dma_wait3A_1836 = tpu.memref_slice %arg10[%dma_wait3A_1832, %dma_wait3A_1834, %dma_wait3A_1835] : memref<5x40x128xf32, #tpu.memory_space<vmem>> -> memref<1x40x128xf32, #tpu.memory_space<vmem>>
      %dma_wait3A_1837 = tpu.memref_squeeze %dma_wait3A_1836 : memref<1x40x128xf32, #tpu.memory_space<vmem>> -> memref<40x128xf32, #tpu.memory_space<vmem>>
      %dma_wait3A_1838 = arith.constant 0 : i32
      %dma_wait3A_1839 = tpu.memref_slice %arg8[%dma_wait3A_1830, %dma_wait3A_1831, %dma_wait3A_1838] : memref<5x2x40xi32, #tpu.memory_space<vmem>> -> memref<1x1x40xi32, #tpu.memory_space<vmem>>
      %dma_wait3A_1840 = tpu.memref_squeeze %dma_wait3A_1839 : memref<1x1x40xi32, #tpu.memory_space<vmem>> -> memref<40xi32, #tpu.memory_space<vmem>>
      %dma_wait3A_1841 = arith.constant 0 : i32
      %dma_wait3A_1842 = arith.constant 0 : i32
      %dma_wait3A_1843 = tpu.memref_slice %arg4[%dma_wait3A_1841, %dma_wait3A_1842] : memref<10000x128xf32, #tpu.memory_space<hbm>> -> memref<10000x128xf32, #tpu.memory_space<hbm>>
      %dma_wait3A_1844 = tpu.memref_slice %arg11[%dma_wait3A_1833] : memref<5x!tpu.dma_semaphore, #tpu.memory_space<semaphore_mem>> -> memref<1x!tpu.dma_semaphore, #tpu.memory_space<semaphore_mem>>
      %dma_wait3A_1845 = tpu.memref_squeeze %dma_wait3A_1844 : memref<1x!tpu.dma_semaphore, #tpu.memory_space<semaphore_mem>> -> memref<!tpu.dma_semaphore, #tpu.memory_space<semaphore_mem>>
      tpu.wait_indirect_dma semaphore(%dma_wait3A_1845 : memref<!tpu.dma_semaphore, #tpu.memory_space<semaphore_mem>>) src(%dma_wait3A_1843 : memref<10000x128xf32, #tpu.memory_space<hbm>>) dst(%dma_wait3A_1837 : memref<40x128xf32, #tpu.memory_space<vmem>>)
      %dma_start3A_1846 = arith.constant 2 : i32
      %dma_start3A_1847 = arith.constant 2 : i32
      %dma_start3A_1848 = arith.constant 2 : i32
      %dma_start3A_1849 = arith.constant 0 : i32
      %dma_start3A_1850 = arith.constant 0 : i32
      %dma_start3A_1851 = tpu.memref_slice %arg10[%dma_start3A_1846, %dma_start3A_1849, %dma_start3A_1850] : memref<5x40x128xf32, #tpu.memory_space<vmem>> -> memref<1x40x128xf32, #tpu.memory_space<vmem>>
      %dma_start3A_1852 = tpu.memref_squeeze %dma_start3A_1851 : memref<1x40x128xf32, #tpu.memory_space<vmem>> -> memref<40x128xf32, #tpu.memory_space<vmem>>
      %dma_start3A_1853 = arith.constant 0 : i32
      %dma_start3A_1854 = tpu.memref_slice %arg9[%dma_start3A_1847, %rem3A_1582, %dma_start3A_1853] : memref<5x2x40xi32, #tpu.memory_space<vmem>> -> memref<1x1x40xi32, #tpu.memory_space<vmem>>
      %dma_start3A_1855 = tpu.memref_squeeze %dma_start3A_1854 : memref<1x1x40xi32, #tpu.memory_space<vmem>> -> memref<40xi32, #tpu.memory_space<vmem>>
      %dma_start3A_1856 = arith.constant 0 : i32
      %dma_start3A_1857 = arith.constant 0 : i32
      %dma_start3A_1858 = tpu.memref_slice %arg7[%dma_start3A_1856, %dma_start3A_1857] : memref<10240x128xf32, #tpu.memory_space<vmem_shared>> -> memref<10240x128xf32, #tpu.memory_space<vmem_shared>>
      %dma_start3A_1859 = tpu.memref_slice %arg12[%dma_start3A_1848] : memref<5x!tpu.dma_semaphore, #tpu.memory_space<semaphore_mem>> -> memref<1x!tpu.dma_semaphore, #tpu.memory_space<semaphore_mem>>
      %dma_start3A_1860 = tpu.memref_squeeze %dma_start3A_1859 : memref<1x!tpu.dma_semaphore, #tpu.memory_space<semaphore_mem>> -> memref<!tpu.dma_semaphore, #tpu.memory_space<semaphore_mem>>
      tpu.enqueue_indirect_dma source(%dma_start3A_1852 : memref<40x128xf32, #tpu.memory_space<vmem>>) target(%dma_start3A_1858 : memref<10240x128xf32, #tpu.memory_space<vmem_shared>>) offsets(%dma_start3A_1855 : memref<40xi32, #tpu.memory_space<vmem>>) semaphore(%dma_start3A_1860 : memref<!tpu.dma_semaphore, #tpu.memory_space<semaphore_mem>>) {add = true}
      %dma_wait3A_1861 = arith.constant 1 : i32
      %dma_wait3A_1862 = arith.constant 0 : i32
      %dma_wait3A_1863 = arith.constant 0 : i32
      %dma_wait3A_1864 = arith.constant 1 : i32
      %dma_wait3A_1865 = arith.constant 0 : i32
      %dma_wait3A_1866 = arith.constant 0 : i32
      %dma_wait3A_1867 = tpu.memref_slice %arg10[%dma_wait3A_1861, %dma_wait3A_1865, %dma_wait3A_1866] : memref<5x40x128xf32, #tpu.memory_space<vmem>> -> memref<1x40x128xf32, #tpu.memory_space<vmem>>
      %dma_wait3A_1868 = tpu.memref_squeeze %dma_wait3A_1867 : memref<1x40x128xf32, #tpu.memory_space<vmem>> -> memref<40x128xf32, #tpu.memory_space<vmem>>
      %dma_wait3A_1869 = arith.constant 0 : i32
      %dma_wait3A_1870 = tpu.memref_slice %arg9[%dma_wait3A_1862, %dma_wait3A_1863, %dma_wait3A_1869] : memref<5x2x40xi32, #tpu.memory_space<vmem>> -> memref<1x1x40xi32, #tpu.memory_space<vmem>>
      %dma_wait3A_1871 = tpu.memref_squeeze %dma_wait3A_1870 : memref<1x1x40xi32, #tpu.memory_space<vmem>> -> memref<40xi32, #tpu.memory_space<vmem>>
      %dma_wait3A_1872 = arith.constant 0 : i32
      %dma_wait3A_1873 = arith.constant 0 : i32
      %dma_wait3A_1874 = tpu.memref_slice %arg7[%dma_wait3A_1872, %dma_wait3A_1873] : memref<10240x128xf32, #tpu.memory_space<vmem_shared>> -> memref<10240x128xf32, #tpu.memory_space<vmem_shared>>
      %dma_wait3A_1875 = tpu.memref_slice %arg12[%dma_wait3A_1864] : memref<5x!tpu.dma_semaphore, #tpu.memory_space<semaphore_mem>> -> memref<1x!tpu.dma_semaphore, #tpu.memory_space<semaphore_mem>>
      %dma_wait3A_1876 = tpu.memref_squeeze %dma_wait3A_1875 : memref<1x!tpu.dma_semaphore, #tpu.memory_space<semaphore_mem>> -> memref<!tpu.dma_semaphore, #tpu.memory_space<semaphore_mem>>
      tpu.wait_indirect_dma semaphore(%dma_wait3A_1876 : memref<!tpu.dma_semaphore, #tpu.memory_space<semaphore_mem>>) src(%dma_wait3A_1868 : memref<40x128xf32, #tpu.memory_space<vmem>>) dst(%dma_wait3A_1874 : memref<10240x128xf32, #tpu.memory_space<vmem_shared>>)
      %dma_wait3A_1877 = arith.constant 1 : i32
      %dma_wait3A_1878 = arith.constant 1 : i32
      %dma_wait3A_1879 = arith.constant 0 : i32
      %dma_wait3A_1880 = tpu.memref_slice %arg8[%dma_wait3A_1877, %sub3A_1583, %dma_wait3A_1879] : memref<5x2x40xi32, #tpu.memory_space<vmem>> -> memref<1x1x40xi32, #tpu.memory_space<vmem>>
      %dma_wait3A_1881 = tpu.memref_squeeze %dma_wait3A_1880 : memref<1x1x40xi32, #tpu.memory_space<vmem>> -> memref<40xi32, #tpu.memory_space<vmem>>
      %dma_wait3A_1882 = arith.constant 0 : i32
      %dma_wait3A_1883 = tpu.memref_slice %arg2[%dma_wait3A_1882] : memref<320000xi32, #tpu.memory_space<hbm>> -> memref<40xi32, #tpu.memory_space<hbm>>
      %dma_wait3A_1884 = tpu.memref_slice %arg13[%dma_wait3A_1878] : memref<5x!tpu.dma_semaphore, #tpu.memory_space<semaphore_mem>> -> memref<1x!tpu.dma_semaphore, #tpu.memory_space<semaphore_mem>>
      %dma_wait3A_1885 = tpu.memref_squeeze %dma_wait3A_1884 : memref<1x!tpu.dma_semaphore, #tpu.memory_space<semaphore_mem>> -> memref<!tpu.dma_semaphore, #tpu.memory_space<semaphore_mem>>
      %dma_wait3A_1886 = arith.constant 0 : i32
      %dma_wait3A_1887 = tpu.memref_slice %arg8[%dma_wait3A_1877, %sub3A_1583, %dma_wait3A_1886] : memref<5x2x40xi32, #tpu.memory_space<vmem>> -> memref<1x1x40xi32, #tpu.memory_space<vmem>>
      %dma_wait3A_1888 = tpu.memref_squeeze %dma_wait3A_1887 : memref<1x1x40xi32, #tpu.memory_space<vmem>> -> memref<40xi32, #tpu.memory_space<vmem>>
      %dma_wait3A_1889 = arith.constant 0 : i32
      %dma_wait3A_1890 = tpu.memref_slice %arg2[%dma_wait3A_1889] : memref<320000xi32, #tpu.memory_space<hbm>> -> memref<40xi32, #tpu.memory_space<hbm>>
      tpu.wait_dma2 semaphore(%dma_wait3A_1885 : memref<!tpu.dma_semaphore, #tpu.memory_space<semaphore_mem>>) src(%dma_wait3A_1890 : memref<40xi32, #tpu.memory_space<hbm>>) dst(%dma_wait3A_1888 : memref<40xi32, #tpu.memory_space<vmem>>)
      %dma_wait3A_1891 = arith.constant 1 : i32
      %dma_wait3A_1892 = arith.constant 1 : i32
      %dma_wait3A_1893 = arith.constant 0 : i32
      %dma_wait3A_1894 = tpu.memref_slice %arg9[%dma_wait3A_1891, %sub3A_1583, %dma_wait3A_1893] : memref<5x2x40xi32, #tpu.memory_space<vmem>> -> memref<1x1x40xi32, #tpu.memory_space<vmem>>
      %dma_wait3A_1895 = tpu.memref_squeeze %dma_wait3A_1894 : memref<1x1x40xi32, #tpu.memory_space<vmem>> -> memref<40xi32, #tpu.memory_space<vmem>>
      %dma_wait3A_1896 = arith.constant 0 : i32
      %dma_wait3A_1897 = tpu.memref_slice %arg3[%dma_wait3A_1896] : memref<320000xi32, #tpu.memory_space<hbm>> -> memref<40xi32, #tpu.memory_space<hbm>>
      %dma_wait3A_1898 = tpu.memref_slice %arg14[%dma_wait3A_1892] : memref<5x!tpu.dma_semaphore, #tpu.memory_space<semaphore_mem>> -> memref<1x!tpu.dma_semaphore, #tpu.memory_space<semaphore_mem>>
      %dma_wait3A_1899 = tpu.memref_squeeze %dma_wait3A_1898 : memref<1x!tpu.dma_semaphore, #tpu.memory_space<semaphore_mem>> -> memref<!tpu.dma_semaphore, #tpu.memory_space<semaphore_mem>>
      %dma_wait3A_1900 = arith.constant 0 : i32
      %dma_wait3A_1901 = tpu.memref_slice %arg9[%dma_wait3A_1891, %sub3A_1583, %dma_wait3A_1900] : memref<5x2x40xi32, #tpu.memory_space<vmem>> -> memref<1x1x40xi32, #tpu.memory_space<vmem>>
      %dma_wait3A_1902 = tpu.memref_squeeze %dma_wait3A_1901 : memref<1x1x40xi32, #tpu.memory_space<vmem>> -> memref<40xi32, #tpu.memory_space<vmem>>
      %dma_wait3A_1903 = arith.constant 0 : i32
      %dma_wait3A_1904 = tpu.memref_slice %arg3[%dma_wait3A_1903] : memref<320000xi32, #tpu.memory_space<hbm>> -> memref<40xi32, #tpu.memory_space<hbm>>
      tpu.wait_dma2 semaphore(%dma_wait3A_1899 : memref<!tpu.dma_semaphore, #tpu.memory_space<semaphore_mem>>) src(%dma_wait3A_1904 : memref<40xi32, #tpu.memory_space<hbm>>) dst(%dma_wait3A_1902 : memref<40xi32, #tpu.memory_space<vmem>>)
      %dma_start3A_1905 = arith.constant 1 : i32
      %dma_start3A_1906 = arith.constant 1 : i32
      %dma_start3A_1907 = arith.constant 1 : i32
      %dma_start3A_1908 = arith.constant 0 : i32
      %dma_start3A_1909 = arith.constant 0 : i32
      %dma_start3A_1910 = tpu.memref_slice %arg10[%dma_start3A_1906, %dma_start3A_1908, %dma_start3A_1909] : memref<5x40x128xf32, #tpu.memory_space<vmem>> -> memref<1x40x128xf32, #tpu.memory_space<vmem>>
      %dma_start3A_1911 = tpu.memref_squeeze %dma_start3A_1910 : memref<1x40x128xf32, #tpu.memory_space<vmem>> -> memref<40x128xf32, #tpu.memory_space<vmem>>
      %dma_start3A_1912 = arith.constant 0 : i32
      %dma_start3A_1913 = tpu.memref_slice %arg8[%dma_start3A_1905, %sub3A_1583, %dma_start3A_1912] : memref<5x2x40xi32, #tpu.memory_space<vmem>> -> memref<1x1x40xi32, #tpu.memory_space<vmem>>
      %dma_start3A_1914 = tpu.memref_squeeze %dma_start3A_1913 : memref<1x1x40xi32, #tpu.memory_space<vmem>> -> memref<40xi32, #tpu.memory_space<vmem>>
      %dma_start3A_1915 = arith.constant 0 : i32
      %dma_start3A_1916 = arith.constant 0 : i32
      %dma_start3A_1917 = tpu.memref_slice %arg4[%dma_start3A_1915, %dma_start3A_1916] : memref<10000x128xf32, #tpu.memory_space<hbm>> -> memref<10000x128xf32, #tpu.memory_space<hbm>>
      %dma_start3A_1918 = tpu.memref_slice %arg11[%dma_start3A_1907] : memref<5x!tpu.dma_semaphore, #tpu.memory_space<semaphore_mem>> -> memref<1x!tpu.dma_semaphore, #tpu.memory_space<semaphore_mem>>
      %dma_start3A_1919 = tpu.memref_squeeze %dma_start3A_1918 : memref<1x!tpu.dma_semaphore, #tpu.memory_space<semaphore_mem>> -> memref<!tpu.dma_semaphore, #tpu.memory_space<semaphore_mem>>
      tpu.enqueue_indirect_dma source(%dma_start3A_1917 : memref<10000x128xf32, #tpu.memory_space<hbm>>) target(%dma_start3A_1911 : memref<40x128xf32, #tpu.memory_space<vmem>>) offsets(%dma_start3A_1914 : memref<40xi32, #tpu.memory_space<vmem>>) semaphore(%dma_start3A_1919 : memref<!tpu.dma_semaphore, #tpu.memory_space<semaphore_mem>>)
      %mul3A_1920 = arith.constant 5 : i32
      %mul3A_1921 = arith.muli %mul3A_1920, %scan3A_1581 : i32
      %add3A_1922 = arith.constant 2 : i32
      %add3A_1923 = arith.addi %mul3A_1921, %add3A_1922 : i32
      %add3A_1924 = arith.constant 7 : i32
      %add3A_1925 = arith.addi %add3A_1923, %add3A_1924 : i32
      %mul3A_1926 = arith.constant 40 : i32
      %mul3A_1927 = arith.muli %add3A_1925, %mul3A_1926 : i32
      %add3A_1928 = arith.addi %mul3A_2, %mul3A_1927 : i32
      %dma_start3A_1929 = arith.constant 4 : i32
      %dma_start3A_1930 = arith.constant 4 : i32
      %dma_start3A_1931 = arith.constant 0 : i32
      %dma_start3A_1932 = tpu.memref_slice %arg8[%dma_start3A_1929, %sub3A_1583, %dma_start3A_1931] : memref<5x2x40xi32, #tpu.memory_space<vmem>> -> memref<1x1x40xi32, #tpu.memory_space<vmem>>
      %dma_start3A_1933 = tpu.memref_squeeze %dma_start3A_1932 : memref<1x1x40xi32, #tpu.memory_space<vmem>> -> memref<40xi32, #tpu.memory_space<vmem>>
      %dma_start3A_1934 = tpu.memref_slice %arg2[%add3A_1928] : memref<320000xi32, #tpu.memory_space<hbm>> -> memref<40xi32, #tpu.memory_space<hbm>>
      %dma_start3A_1935 = tpu.memref_slice %arg13[%dma_start3A_1930] : memref<5x!tpu.dma_semaphore, #tpu.memory_space<semaphore_mem>> -> memref<1x!tpu.dma_semaphore, #tpu.memory_space<semaphore_mem>>
      %dma_start3A_1936 = tpu.memref_squeeze %dma_start3A_1935 : memref<1x!tpu.dma_semaphore, #tpu.memory_space<semaphore_mem>> -> memref<!tpu.dma_semaphore, #tpu.memory_space<semaphore_mem>>
      %dma_start3A_1937 = arith.constant 0 : i32
      %dma_start3A_1938 = tpu.memref_slice %arg8[%dma_start3A_1929, %sub3A_1583, %dma_start3A_1937] : memref<5x2x40xi32, #tpu.memory_space<vmem>> -> memref<1x1x40xi32, #tpu.memory_space<vmem>>
      %dma_start3A_1939 = tpu.memref_squeeze %dma_start3A_1938 : memref<1x1x40xi32, #tpu.memory_space<vmem>> -> memref<40xi32, #tpu.memory_space<vmem>>
      %dma_start3A_1940 = tpu.memref_slice %arg2[%add3A_1928] : memref<320000xi32, #tpu.memory_space<hbm>> -> memref<40xi32, #tpu.memory_space<hbm>>
      tpu.enqueue_dma source(%dma_start3A_1940 : memref<40xi32, #tpu.memory_space<hbm>>) target(%dma_start3A_1939 : memref<40xi32, #tpu.memory_space<vmem>>) target_semaphore(%dma_start3A_1936 : memref<!tpu.dma_semaphore, #tpu.memory_space<semaphore_mem>>)
      %dma_start3A_1941 = arith.constant 4 : i32
      %dma_start3A_1942 = arith.constant 4 : i32
      %dma_start3A_1943 = arith.constant 0 : i32
      %dma_start3A_1944 = tpu.memref_slice %arg9[%dma_start3A_1941, %sub3A_1583, %dma_start3A_1943] : memref<5x2x40xi32, #tpu.memory_space<vmem>> -> memref<1x1x40xi32, #tpu.memory_space<vmem>>
      %dma_start3A_1945 = tpu.memref_squeeze %dma_start3A_1944 : memref<1x1x40xi32, #tpu.memory_space<vmem>> -> memref<40xi32, #tpu.memory_space<vmem>>
      %dma_start3A_1946 = tpu.memref_slice %arg3[%add3A_1928] : memref<320000xi32, #tpu.memory_space<hbm>> -> memref<40xi32, #tpu.memory_space<hbm>>
      %dma_start3A_1947 = tpu.memref_slice %arg14[%dma_start3A_1942] : memref<5x!tpu.dma_semaphore, #tpu.memory_space<semaphore_mem>> -> memref<1x!tpu.dma_semaphore, #tpu.memory_space<semaphore_mem>>
      %dma_start3A_1948 = tpu.memref_squeeze %dma_start3A_1947 : memref<1x!tpu.dma_semaphore, #tpu.memory_space<semaphore_mem>> -> memref<!tpu.dma_semaphore, #tpu.memory_space<semaphore_mem>>
      %dma_start3A_1949 = arith.constant 0 : i32
      %dma_start3A_1950 = tpu.memref_slice %arg9[%dma_start3A_1941, %sub3A_1583, %dma_start3A_1949] : memref<5x2x40xi32, #tpu.memory_space<vmem>> -> memref<1x1x40xi32, #tpu.memory_space<vmem>>
      %dma_start3A_1951 = tpu.memref_squeeze %dma_start3A_1950 : memref<1x1x40xi32, #tpu.memory_space<vmem>> -> memref<40xi32, #tpu.memory_space<vmem>>
      %dma_start3A_1952 = tpu.memref_slice %arg3[%add3A_1928] : memref<320000xi32, #tpu.memory_space<hbm>> -> memref<40xi32, #tpu.memory_space<hbm>>
      tpu.enqueue_dma source(%dma_start3A_1952 : memref<40xi32, #tpu.memory_space<hbm>>) target(%dma_start3A_1951 : memref<40xi32, #tpu.memory_space<vmem>>) target_semaphore(%dma_start3A_1948 : memref<!tpu.dma_semaphore, #tpu.memory_space<semaphore_mem>>)
      %dma_wait3A_1953 = arith.constant 0 : i32
      %dma_wait3A_1954 = arith.constant 0 : i32
      %dma_wait3A_1955 = arith.constant 3 : i32
      %dma_wait3A_1956 = arith.constant 3 : i32
      %dma_wait3A_1957 = arith.constant 0 : i32
      %dma_wait3A_1958 = arith.constant 0 : i32
      %dma_wait3A_1959 = tpu.memref_slice %arg10[%dma_wait3A_1955, %dma_wait3A_1957, %dma_wait3A_1958] : memref<5x40x128xf32, #tpu.memory_space<vmem>> -> memref<1x40x128xf32, #tpu.memory_space<vmem>>
      %dma_wait3A_1960 = tpu.memref_squeeze %dma_wait3A_1959 : memref<1x40x128xf32, #tpu.memory_space<vmem>> -> memref<40x128xf32, #tpu.memory_space<vmem>>
      %dma_wait3A_1961 = arith.constant 0 : i32
      %dma_wait3A_1962 = tpu.memref_slice %arg8[%dma_wait3A_1953, %dma_wait3A_1954, %dma_wait3A_1961] : memref<5x2x40xi32, #tpu.memory_space<vmem>> -> memref<1x1x40xi32, #tpu.memory_space<vmem>>
      %dma_wait3A_1963 = tpu.memref_squeeze %dma_wait3A_1962 : memref<1x1x40xi32, #tpu.memory_space<vmem>> -> memref<40xi32, #tpu.memory_space<vmem>>
      %dma_wait3A_1964 = arith.constant 0 : i32
      %dma_wait3A_1965 = arith.constant 0 : i32
      %dma_wait3A_1966 = tpu.memref_slice %arg4[%dma_wait3A_1964, %dma_wait3A_1965] : memref<10000x128xf32, #tpu.memory_space<hbm>> -> memref<10000x128xf32, #tpu.memory_space<hbm>>
      %dma_wait3A_1967 = tpu.memref_slice %arg11[%dma_wait3A_1956] : memref<5x!tpu.dma_semaphore, #tpu.memory_space<semaphore_mem>> -> memref<1x!tpu.dma_semaphore, #tpu.memory_space<semaphore_mem>>
      %dma_wait3A_1968 = tpu.memref_squeeze %dma_wait3A_1967 : memref<1x!tpu.dma_semaphore, #tpu.memory_space<semaphore_mem>> -> memref<!tpu.dma_semaphore, #tpu.memory_space<semaphore_mem>>
      tpu.wait_indirect_dma semaphore(%dma_wait3A_1968 : memref<!tpu.dma_semaphore, #tpu.memory_space<semaphore_mem>>) src(%dma_wait3A_1966 : memref<10000x128xf32, #tpu.memory_space<hbm>>) dst(%dma_wait3A_1960 : memref<40x128xf32, #tpu.memory_space<vmem>>)
      %dma_start3A_1969 = arith.constant 3 : i32
      %dma_start3A_1970 = arith.constant 3 : i32
      %dma_start3A_1971 = arith.constant 3 : i32
      %dma_start3A_1972 = arith.constant 0 : i32
      %dma_start3A_1973 = arith.constant 0 : i32
      %dma_start3A_1974 = tpu.memref_slice %arg10[%dma_start3A_1969, %dma_start3A_1972, %dma_start3A_1973] : memref<5x40x128xf32, #tpu.memory_space<vmem>> -> memref<1x40x128xf32, #tpu.memory_space<vmem>>
      %dma_start3A_1975 = tpu.memref_squeeze %dma_start3A_1974 : memref<1x40x128xf32, #tpu.memory_space<vmem>> -> memref<40x128xf32, #tpu.memory_space<vmem>>
      %dma_start3A_1976 = arith.constant 0 : i32
      %dma_start3A_1977 = tpu.memref_slice %arg9[%dma_start3A_1970, %rem3A_1582, %dma_start3A_1976] : memref<5x2x40xi32, #tpu.memory_space<vmem>> -> memref<1x1x40xi32, #tpu.memory_space<vmem>>
      %dma_start3A_1978 = tpu.memref_squeeze %dma_start3A_1977 : memref<1x1x40xi32, #tpu.memory_space<vmem>> -> memref<40xi32, #tpu.memory_space<vmem>>
      %dma_start3A_1979 = arith.constant 0 : i32
      %dma_start3A_1980 = arith.constant 0 : i32
      %dma_start3A_1981 = tpu.memref_slice %arg7[%dma_start3A_1979, %dma_start3A_1980] : memref<10240x128xf32, #tpu.memory_space<vmem_shared>> -> memref<10240x128xf32, #tpu.memory_space<vmem_shared>>
      %dma_start3A_1982 = tpu.memref_slice %arg12[%dma_start3A_1971] : memref<5x!tpu.dma_semaphore, #tpu.memory_space<semaphore_mem>> -> memref<1x!tpu.dma_semaphore, #tpu.memory_space<semaphore_mem>>
      %dma_start3A_1983 = tpu.memref_squeeze %dma_start3A_1982 : memref<1x!tpu.dma_semaphore, #tpu.memory_space<semaphore_mem>> -> memref<!tpu.dma_semaphore, #tpu.memory_space<semaphore_mem>>
      tpu.enqueue_indirect_dma source(%dma_start3A_1975 : memref<40x128xf32, #tpu.memory_space<vmem>>) target(%dma_start3A_1981 : memref<10240x128xf32, #tpu.memory_space<vmem_shared>>) offsets(%dma_start3A_1978 : memref<40xi32, #tpu.memory_space<vmem>>) semaphore(%dma_start3A_1983 : memref<!tpu.dma_semaphore, #tpu.memory_space<semaphore_mem>>) {add = true}
      %dma_wait3A_1984 = arith.constant 2 : i32
      %dma_wait3A_1985 = arith.constant 0 : i32
      %dma_wait3A_1986 = arith.constant 0 : i32
      %dma_wait3A_1987 = arith.constant 2 : i32
      %dma_wait3A_1988 = arith.constant 0 : i32
      %dma_wait3A_1989 = arith.constant 0 : i32
      %dma_wait3A_1990 = tpu.memref_slice %arg10[%dma_wait3A_1984, %dma_wait3A_1988, %dma_wait3A_1989] : memref<5x40x128xf32, #tpu.memory_space<vmem>> -> memref<1x40x128xf32, #tpu.memory_space<vmem>>
      %dma_wait3A_1991 = tpu.memref_squeeze %dma_wait3A_1990 : memref<1x40x128xf32, #tpu.memory_space<vmem>> -> memref<40x128xf32, #tpu.memory_space<vmem>>
      %dma_wait3A_1992 = arith.constant 0 : i32
      %dma_wait3A_1993 = tpu.memref_slice %arg9[%dma_wait3A_1985, %dma_wait3A_1986, %dma_wait3A_1992] : memref<5x2x40xi32, #tpu.memory_space<vmem>> -> memref<1x1x40xi32, #tpu.memory_space<vmem>>
      %dma_wait3A_1994 = tpu.memref_squeeze %dma_wait3A_1993 : memref<1x1x40xi32, #tpu.memory_space<vmem>> -> memref<40xi32, #tpu.memory_space<vmem>>
      %dma_wait3A_1995 = arith.constant 0 : i32
      %dma_wait3A_1996 = arith.constant 0 : i32
      %dma_wait3A_1997 = tpu.memref_slice %arg7[%dma_wait3A_1995, %dma_wait3A_1996] : memref<10240x128xf32, #tpu.memory_space<vmem_shared>> -> memref<10240x128xf32, #tpu.memory_space<vmem_shared>>
      %dma_wait3A_1998 = tpu.memref_slice %arg12[%dma_wait3A_1987] : memref<5x!tpu.dma_semaphore, #tpu.memory_space<semaphore_mem>> -> memref<1x!tpu.dma_semaphore, #tpu.memory_space<semaphore_mem>>
      %dma_wait3A_1999 = tpu.memref_squeeze %dma_wait3A_1998 : memref<1x!tpu.dma_semaphore, #tpu.memory_space<semaphore_mem>> -> memref<!tpu.dma_semaphore, #tpu.memory_space<semaphore_mem>>
      tpu.wait_indirect_dma semaphore(%dma_wait3A_1999 : memref<!tpu.dma_semaphore, #tpu.memory_space<semaphore_mem>>) src(%dma_wait3A_1991 : memref<40x128xf32, #tpu.memory_space<vmem>>) dst(%dma_wait3A_1997 : memref<10240x128xf32, #tpu.memory_space<vmem_shared>>)
      %dma_wait3A_2000 = arith.constant 2 : i32
      %dma_wait3A_2001 = arith.constant 2 : i32
      %dma_wait3A_2002 = arith.constant 0 : i32
      %dma_wait3A_2003 = tpu.memref_slice %arg8[%dma_wait3A_2000, %sub3A_1583, %dma_wait3A_2002] : memref<5x2x40xi32, #tpu.memory_space<vmem>> -> memref<1x1x40xi32, #tpu.memory_space<vmem>>
      %dma_wait3A_2004 = tpu.memref_squeeze %dma_wait3A_2003 : memref<1x1x40xi32, #tpu.memory_space<vmem>> -> memref<40xi32, #tpu.memory_space<vmem>>
      %dma_wait3A_2005 = arith.constant 0 : i32
      %dma_wait3A_2006 = tpu.memref_slice %arg2[%dma_wait3A_2005] : memref<320000xi32, #tpu.memory_space<hbm>> -> memref<40xi32, #tpu.memory_space<hbm>>
      %dma_wait3A_2007 = tpu.memref_slice %arg13[%dma_wait3A_2001] : memref<5x!tpu.dma_semaphore, #tpu.memory_space<semaphore_mem>> -> memref<1x!tpu.dma_semaphore, #tpu.memory_space<semaphore_mem>>
      %dma_wait3A_2008 = tpu.memref_squeeze %dma_wait3A_2007 : memref<1x!tpu.dma_semaphore, #tpu.memory_space<semaphore_mem>> -> memref<!tpu.dma_semaphore, #tpu.memory_space<semaphore_mem>>
      %dma_wait3A_2009 = arith.constant 0 : i32
      %dma_wait3A_2010 = tpu.memref_slice %arg8[%dma_wait3A_2000, %sub3A_1583, %dma_wait3A_2009] : memref<5x2x40xi32, #tpu.memory_space<vmem>> -> memref<1x1x40xi32, #tpu.memory_space<vmem>>
      %dma_wait3A_2011 = tpu.memref_squeeze %dma_wait3A_2010 : memref<1x1x40xi32, #tpu.memory_space<vmem>> -> memref<40xi32, #tpu.memory_space<vmem>>
      %dma_wait3A_2012 = arith.constant 0 : i32
      %dma_wait3A_2013 = tpu.memref_slice %arg2[%dma_wait3A_2012] : memref<320000xi32, #tpu.memory_space<hbm>> -> memref<40xi32, #tpu.memory_space<hbm>>
      tpu.wait_dma2 semaphore(%dma_wait3A_2008 : memref<!tpu.dma_semaphore, #tpu.memory_space<semaphore_mem>>) src(%dma_wait3A_2013 : memref<40xi32, #tpu.memory_space<hbm>>) dst(%dma_wait3A_2011 : memref<40xi32, #tpu.memory_space<vmem>>)
      %dma_wait3A_2014 = arith.constant 2 : i32
      %dma_wait3A_2015 = arith.constant 2 : i32
      %dma_wait3A_2016 = arith.constant 0 : i32
      %dma_wait3A_2017 = tpu.memref_slice %arg9[%dma_wait3A_2014, %sub3A_1583, %dma_wait3A_2016] : memref<5x2x40xi32, #tpu.memory_space<vmem>> -> memref<1x1x40xi32, #tpu.memory_space<vmem>>
      %dma_wait3A_2018 = tpu.memref_squeeze %dma_wait3A_2017 : memref<1x1x40xi32, #tpu.memory_space<vmem>> -> memref<40xi32, #tpu.memory_space<vmem>>
      %dma_wait3A_2019 = arith.constant 0 : i32
      %dma_wait3A_2020 = tpu.memref_slice %arg3[%dma_wait3A_2019] : memref<320000xi32, #tpu.memory_space<hbm>> -> memref<40xi32, #tpu.memory_space<hbm>>
      %dma_wait3A_2021 = tpu.memref_slice %arg14[%dma_wait3A_2015] : memref<5x!tpu.dma_semaphore, #tpu.memory_space<semaphore_mem>> -> memref<1x!tpu.dma_semaphore, #tpu.memory_space<semaphore_mem>>
      %dma_wait3A_2022 = tpu.memref_squeeze %dma_wait3A_2021 : memref<1x!tpu.dma_semaphore, #tpu.memory_space<semaphore_mem>> -> memref<!tpu.dma_semaphore, #tpu.memory_space<semaphore_mem>>
      %dma_wait3A_2023 = arith.constant 0 : i32
      %dma_wait3A_2024 = tpu.memref_slice %arg9[%dma_wait3A_2014, %sub3A_1583, %dma_wait3A_2023] : memref<5x2x40xi32, #tpu.memory_space<vmem>> -> memref<1x1x40xi32, #tpu.memory_space<vmem>>
      %dma_wait3A_2025 = tpu.memref_squeeze %dma_wait3A_2024 : memref<1x1x40xi32, #tpu.memory_space<vmem>> -> memref<40xi32, #tpu.memory_space<vmem>>
      %dma_wait3A_2026 = arith.constant 0 : i32
      %dma_wait3A_2027 = tpu.memref_slice %arg3[%dma_wait3A_2026] : memref<320000xi32, #tpu.memory_space<hbm>> -> memref<40xi32, #tpu.memory_space<hbm>>
      tpu.wait_dma2 semaphore(%dma_wait3A_2022 : memref<!tpu.dma_semaphore, #tpu.memory_space<semaphore_mem>>) src(%dma_wait3A_2027 : memref<40xi32, #tpu.memory_space<hbm>>) dst(%dma_wait3A_2025 : memref<40xi32, #tpu.memory_space<vmem>>)
      %dma_start3A_2028 = arith.constant 2 : i32
      %dma_start3A_2029 = arith.constant 2 : i32
      %dma_start3A_2030 = arith.constant 2 : i32
      %dma_start3A_2031 = arith.constant 0 : i32
      %dma_start3A_2032 = arith.constant 0 : i32
      %dma_start3A_2033 = tpu.memref_slice %arg10[%dma_start3A_2029, %dma_start3A_2031, %dma_start3A_2032] : memref<5x40x128xf32, #tpu.memory_space<vmem>> -> memref<1x40x128xf32, #tpu.memory_space<vmem>>
      %dma_start3A_2034 = tpu.memref_squeeze %dma_start3A_2033 : memref<1x40x128xf32, #tpu.memory_space<vmem>> -> memref<40x128xf32, #tpu.memory_space<vmem>>
      %dma_start3A_2035 = arith.constant 0 : i32
      %dma_start3A_2036 = tpu.memref_slice %arg8[%dma_start3A_2028, %sub3A_1583, %dma_start3A_2035] : memref<5x2x40xi32, #tpu.memory_space<vmem>> -> memref<1x1x40xi32, #tpu.memory_space<vmem>>
      %dma_start3A_2037 = tpu.memref_squeeze %dma_start3A_2036 : memref<1x1x40xi32, #tpu.memory_space<vmem>> -> memref<40xi32, #tpu.memory_space<vmem>>
      %dma_start3A_2038 = arith.constant 0 : i32
      %dma_start3A_2039 = arith.constant 0 : i32
      %dma_start3A_2040 = tpu.memref_slice %arg4[%dma_start3A_2038, %dma_start3A_2039] : memref<10000x128xf32, #tpu.memory_space<hbm>> -> memref<10000x128xf32, #tpu.memory_space<hbm>>
      %dma_start3A_2041 = tpu.memref_slice %arg11[%dma_start3A_2030] : memref<5x!tpu.dma_semaphore, #tpu.memory_space<semaphore_mem>> -> memref<1x!tpu.dma_semaphore, #tpu.memory_space<semaphore_mem>>
      %dma_start3A_2042 = tpu.memref_squeeze %dma_start3A_2041 : memref<1x!tpu.dma_semaphore, #tpu.memory_space<semaphore_mem>> -> memref<!tpu.dma_semaphore, #tpu.memory_space<semaphore_mem>>
      tpu.enqueue_indirect_dma source(%dma_start3A_2040 : memref<10000x128xf32, #tpu.memory_space<hbm>>) target(%dma_start3A_2034 : memref<40x128xf32, #tpu.memory_space<vmem>>) offsets(%dma_start3A_2037 : memref<40xi32, #tpu.memory_space<vmem>>) semaphore(%dma_start3A_2042 : memref<!tpu.dma_semaphore, #tpu.memory_space<semaphore_mem>>)
      %mul3A_2043 = arith.constant 5 : i32
      %mul3A_2044 = arith.muli %mul3A_2043, %scan3A_1581 : i32
      %add3A_2045 = arith.constant 3 : i32
      %add3A_2046 = arith.addi %mul3A_2044, %add3A_2045 : i32
      %add3A_2047 = arith.constant 7 : i32
      %add3A_2048 = arith.addi %add3A_2046, %add3A_2047 : i32
      %mul3A_2049 = arith.constant 40 : i32
      %mul3A_2050 = arith.muli %add3A_2048, %mul3A_2049 : i32
      %add3A_2051 = arith.addi %mul3A_2, %mul3A_2050 : i32
      %dma_start3A_2052 = arith.constant 0 : i32
      %dma_start3A_2053 = arith.constant 0 : i32
      %dma_start3A_2054 = arith.constant 0 : i32
      %dma_start3A_2055 = tpu.memref_slice %arg8[%dma_start3A_2052, %rem3A_1582, %dma_start3A_2054] : memref<5x2x40xi32, #tpu.memory_space<vmem>> -> memref<1x1x40xi32, #tpu.memory_space<vmem>>
      %dma_start3A_2056 = tpu.memref_squeeze %dma_start3A_2055 : memref<1x1x40xi32, #tpu.memory_space<vmem>> -> memref<40xi32, #tpu.memory_space<vmem>>
      %dma_start3A_2057 = tpu.memref_slice %arg2[%add3A_2051] : memref<320000xi32, #tpu.memory_space<hbm>> -> memref<40xi32, #tpu.memory_space<hbm>>
      %dma_start3A_2058 = tpu.memref_slice %arg13[%dma_start3A_2053] : memref<5x!tpu.dma_semaphore, #tpu.memory_space<semaphore_mem>> -> memref<1x!tpu.dma_semaphore, #tpu.memory_space<semaphore_mem>>
      %dma_start3A_2059 = tpu.memref_squeeze %dma_start3A_2058 : memref<1x!tpu.dma_semaphore, #tpu.memory_space<semaphore_mem>> -> memref<!tpu.dma_semaphore, #tpu.memory_space<semaphore_mem>>
      %dma_start3A_2060 = arith.constant 0 : i32
      %dma_start3A_2061 = tpu.memref_slice %arg8[%dma_start3A_2052, %rem3A_1582, %dma_start3A_2060] : memref<5x2x40xi32, #tpu.memory_space<vmem>> -> memref<1x1x40xi32, #tpu.memory_space<vmem>>
      %dma_start3A_2062 = tpu.memref_squeeze %dma_start3A_2061 : memref<1x1x40xi32, #tpu.memory_space<vmem>> -> memref<40xi32, #tpu.memory_space<vmem>>
      %dma_start3A_2063 = tpu.memref_slice %arg2[%add3A_2051] : memref<320000xi32, #tpu.memory_space<hbm>> -> memref<40xi32, #tpu.memory_space<hbm>>
      tpu.enqueue_dma source(%dma_start3A_2063 : memref<40xi32, #tpu.memory_space<hbm>>) target(%dma_start3A_2062 : memref<40xi32, #tpu.memory_space<vmem>>) target_semaphore(%dma_start3A_2059 : memref<!tpu.dma_semaphore, #tpu.memory_space<semaphore_mem>>)
      %dma_start3A_2064 = arith.constant 0 : i32
      %dma_start3A_2065 = arith.constant 0 : i32
      %dma_start3A_2066 = arith.constant 0 : i32
      %dma_start3A_2067 = tpu.memref_slice %arg9[%dma_start3A_2064, %rem3A_1582, %dma_start3A_2066] : memref<5x2x40xi32, #tpu.memory_space<vmem>> -> memref<1x1x40xi32, #tpu.memory_space<vmem>>
      %dma_start3A_2068 = tpu.memref_squeeze %dma_start3A_2067 : memref<1x1x40xi32, #tpu.memory_space<vmem>> -> memref<40xi32, #tpu.memory_space<vmem>>
      %dma_start3A_2069 = tpu.memref_slice %arg3[%add3A_2051] : memref<320000xi32, #tpu.memory_space<hbm>> -> memref<40xi32, #tpu.memory_space<hbm>>
      %dma_start3A_2070 = tpu.memref_slice %arg14[%dma_start3A_2065] : memref<5x!tpu.dma_semaphore, #tpu.memory_space<semaphore_mem>> -> memref<1x!tpu.dma_semaphore, #tpu.memory_space<semaphore_mem>>
      %dma_start3A_2071 = tpu.memref_squeeze %dma_start3A_2070 : memref<1x!tpu.dma_semaphore, #tpu.memory_space<semaphore_mem>> -> memref<!tpu.dma_semaphore, #tpu.memory_space<semaphore_mem>>
      %dma_start3A_2072 = arith.constant 0 : i32
      %dma_start3A_2073 = tpu.memref_slice %arg9[%dma_start3A_2064, %rem3A_1582, %dma_start3A_2072] : memref<5x2x40xi32, #tpu.memory_space<vmem>> -> memref<1x1x40xi32, #tpu.memory_space<vmem>>
      %dma_start3A_2074 = tpu.memref_squeeze %dma_start3A_2073 : memref<1x1x40xi32, #tpu.memory_space<vmem>> -> memref<40xi32, #tpu.memory_space<vmem>>
      %dma_start3A_2075 = tpu.memref_slice %arg3[%add3A_2051] : memref<320000xi32, #tpu.memory_space<hbm>> -> memref<40xi32, #tpu.memory_space<hbm>>
      tpu.enqueue_dma source(%dma_start3A_2075 : memref<40xi32, #tpu.memory_space<hbm>>) target(%dma_start3A_2074 : memref<40xi32, #tpu.memory_space<vmem>>) target_semaphore(%dma_start3A_2071 : memref<!tpu.dma_semaphore, #tpu.memory_space<semaphore_mem>>)
      %dma_wait3A_2076 = arith.constant 0 : i32
      %dma_wait3A_2077 = arith.constant 0 : i32
      %dma_wait3A_2078 = arith.constant 4 : i32
      %dma_wait3A_2079 = arith.constant 4 : i32
      %dma_wait3A_2080 = arith.constant 0 : i32
      %dma_wait3A_2081 = arith.constant 0 : i32
      %dma_wait3A_2082 = tpu.memref_slice %arg10[%dma_wait3A_2078, %dma_wait3A_2080, %dma_wait3A_2081] : memref<5x40x128xf32, #tpu.memory_space<vmem>> -> memref<1x40x128xf32, #tpu.memory_space<vmem>>
      %dma_wait3A_2083 = tpu.memref_squeeze %dma_wait3A_2082 : memref<1x40x128xf32, #tpu.memory_space<vmem>> -> memref<40x128xf32, #tpu.memory_space<vmem>>
      %dma_wait3A_2084 = arith.constant 0 : i32
      %dma_wait3A_2085 = tpu.memref_slice %arg8[%dma_wait3A_2076, %dma_wait3A_2077, %dma_wait3A_2084] : memref<5x2x40xi32, #tpu.memory_space<vmem>> -> memref<1x1x40xi32, #tpu.memory_space<vmem>>
      %dma_wait3A_2086 = tpu.memref_squeeze %dma_wait3A_2085 : memref<1x1x40xi32, #tpu.memory_space<vmem>> -> memref<40xi32, #tpu.memory_space<vmem>>
      %dma_wait3A_2087 = arith.constant 0 : i32
      %dma_wait3A_2088 = arith.constant 0 : i32
      %dma_wait3A_2089 = tpu.memref_slice %arg4[%dma_wait3A_2087, %dma_wait3A_2088] : memref<10000x128xf32, #tpu.memory_space<hbm>> -> memref<10000x128xf32, #tpu.memory_space<hbm>>
      %dma_wait3A_2090 = tpu.memref_slice %arg11[%dma_wait3A_2079] : memref<5x!tpu.dma_semaphore, #tpu.memory_space<semaphore_mem>> -> memref<1x!tpu.dma_semaphore, #tpu.memory_space<semaphore_mem>>
      %dma_wait3A_2091 = tpu.memref_squeeze %dma_wait3A_2090 : memref<1x!tpu.dma_semaphore, #tpu.memory_space<semaphore_mem>> -> memref<!tpu.dma_semaphore, #tpu.memory_space<semaphore_mem>>
      tpu.wait_indirect_dma semaphore(%dma_wait3A_2091 : memref<!tpu.dma_semaphore, #tpu.memory_space<semaphore_mem>>) src(%dma_wait3A_2089 : memref<10000x128xf32, #tpu.memory_space<hbm>>) dst(%dma_wait3A_2083 : memref<40x128xf32, #tpu.memory_space<vmem>>)
      %dma_start3A_2092 = arith.constant 4 : i32
      %dma_start3A_2093 = arith.constant 4 : i32
      %dma_start3A_2094 = arith.constant 4 : i32
      %dma_start3A_2095 = arith.constant 0 : i32
      %dma_start3A_2096 = arith.constant 0 : i32
      %dma_start3A_2097 = tpu.memref_slice %arg10[%dma_start3A_2092, %dma_start3A_2095, %dma_start3A_2096] : memref<5x40x128xf32, #tpu.memory_space<vmem>> -> memref<1x40x128xf32, #tpu.memory_space<vmem>>
      %dma_start3A_2098 = tpu.memref_squeeze %dma_start3A_2097 : memref<1x40x128xf32, #tpu.memory_space<vmem>> -> memref<40x128xf32, #tpu.memory_space<vmem>>
      %dma_start3A_2099 = arith.constant 0 : i32
      %dma_start3A_2100 = tpu.memref_slice %arg9[%dma_start3A_2093, %rem3A_1582, %dma_start3A_2099] : memref<5x2x40xi32, #tpu.memory_space<vmem>> -> memref<1x1x40xi32, #tpu.memory_space<vmem>>
      %dma_start3A_2101 = tpu.memref_squeeze %dma_start3A_2100 : memref<1x1x40xi32, #tpu.memory_space<vmem>> -> memref<40xi32, #tpu.memory_space<vmem>>
      %dma_start3A_2102 = arith.constant 0 : i32
      %dma_start3A_2103 = arith.constant 0 : i32
      %dma_start3A_2104 = tpu.memref_slice %arg7[%dma_start3A_2102, %dma_start3A_2103] : memref<10240x128xf32, #tpu.memory_space<vmem_shared>> -> memref<10240x128xf32, #tpu.memory_space<vmem_shared>>
      %dma_start3A_2105 = tpu.memref_slice %arg12[%dma_start3A_2094] : memref<5x!tpu.dma_semaphore, #tpu.memory_space<semaphore_mem>> -> memref<1x!tpu.dma_semaphore, #tpu.memory_space<semaphore_mem>>
      %dma_start3A_2106 = tpu.memref_squeeze %dma_start3A_2105 : memref<1x!tpu.dma_semaphore, #tpu.memory_space<semaphore_mem>> -> memref<!tpu.dma_semaphore, #tpu.memory_space<semaphore_mem>>
      tpu.enqueue_indirect_dma source(%dma_start3A_2098 : memref<40x128xf32, #tpu.memory_space<vmem>>) target(%dma_start3A_2104 : memref<10240x128xf32, #tpu.memory_space<vmem_shared>>) offsets(%dma_start3A_2101 : memref<40xi32, #tpu.memory_space<vmem>>) semaphore(%dma_start3A_2106 : memref<!tpu.dma_semaphore, #tpu.memory_space<semaphore_mem>>) {add = true}
      %dma_wait3A_2107 = arith.constant 3 : i32
      %dma_wait3A_2108 = arith.constant 0 : i32
      %dma_wait3A_2109 = arith.constant 0 : i32
      %dma_wait3A_2110 = arith.constant 3 : i32
      %dma_wait3A_2111 = arith.constant 0 : i32
      %dma_wait3A_2112 = arith.constant 0 : i32
      %dma_wait3A_2113 = tpu.memref_slice %arg10[%dma_wait3A_2107, %dma_wait3A_2111, %dma_wait3A_2112] : memref<5x40x128xf32, #tpu.memory_space<vmem>> -> memref<1x40x128xf32, #tpu.memory_space<vmem>>
      %dma_wait3A_2114 = tpu.memref_squeeze %dma_wait3A_2113 : memref<1x40x128xf32, #tpu.memory_space<vmem>> -> memref<40x128xf32, #tpu.memory_space<vmem>>
      %dma_wait3A_2115 = arith.constant 0 : i32
      %dma_wait3A_2116 = tpu.memref_slice %arg9[%dma_wait3A_2108, %dma_wait3A_2109, %dma_wait3A_2115] : memref<5x2x40xi32, #tpu.memory_space<vmem>> -> memref<1x1x40xi32, #tpu.memory_space<vmem>>
      %dma_wait3A_2117 = tpu.memref_squeeze %dma_wait3A_2116 : memref<1x1x40xi32, #tpu.memory_space<vmem>> -> memref<40xi32, #tpu.memory_space<vmem>>
      %dma_wait3A_2118 = arith.constant 0 : i32
      %dma_wait3A_2119 = arith.constant 0 : i32
      %dma_wait3A_2120 = tpu.memref_slice %arg7[%dma_wait3A_2118, %dma_wait3A_2119] : memref<10240x128xf32, #tpu.memory_space<vmem_shared>> -> memref<10240x128xf32, #tpu.memory_space<vmem_shared>>
      %dma_wait3A_2121 = tpu.memref_slice %arg12[%dma_wait3A_2110] : memref<5x!tpu.dma_semaphore, #tpu.memory_space<semaphore_mem>> -> memref<1x!tpu.dma_semaphore, #tpu.memory_space<semaphore_mem>>
      %dma_wait3A_2122 = tpu.memref_squeeze %dma_wait3A_2121 : memref<1x!tpu.dma_semaphore, #tpu.memory_space<semaphore_mem>> -> memref<!tpu.dma_semaphore, #tpu.memory_space<semaphore_mem>>
      tpu.wait_indirect_dma semaphore(%dma_wait3A_2122 : memref<!tpu.dma_semaphore, #tpu.memory_space<semaphore_mem>>) src(%dma_wait3A_2114 : memref<40x128xf32, #tpu.memory_space<vmem>>) dst(%dma_wait3A_2120 : memref<10240x128xf32, #tpu.memory_space<vmem_shared>>)
      %dma_wait3A_2123 = arith.constant 3 : i32
      %dma_wait3A_2124 = arith.constant 3 : i32
      %dma_wait3A_2125 = arith.constant 0 : i32
      %dma_wait3A_2126 = tpu.memref_slice %arg8[%dma_wait3A_2123, %sub3A_1583, %dma_wait3A_2125] : memref<5x2x40xi32, #tpu.memory_space<vmem>> -> memref<1x1x40xi32, #tpu.memory_space<vmem>>
      %dma_wait3A_2127 = tpu.memref_squeeze %dma_wait3A_2126 : memref<1x1x40xi32, #tpu.memory_space<vmem>> -> memref<40xi32, #tpu.memory_space<vmem>>
      %dma_wait3A_2128 = arith.constant 0 : i32
      %dma_wait3A_2129 = tpu.memref_slice %arg2[%dma_wait3A_2128] : memref<320000xi32, #tpu.memory_space<hbm>> -> memref<40xi32, #tpu.memory_space<hbm>>
      %dma_wait3A_2130 = tpu.memref_slice %arg13[%dma_wait3A_2124] : memref<5x!tpu.dma_semaphore, #tpu.memory_space<semaphore_mem>> -> memref<1x!tpu.dma_semaphore, #tpu.memory_space<semaphore_mem>>
      %dma_wait3A_2131 = tpu.memref_squeeze %dma_wait3A_2130 : memref<1x!tpu.dma_semaphore, #tpu.memory_space<semaphore_mem>> -> memref<!tpu.dma_semaphore, #tpu.memory_space<semaphore_mem>>
      %dma_wait3A_2132 = arith.constant 0 : i32
      %dma_wait3A_2133 = tpu.memref_slice %arg8[%dma_wait3A_2123, %sub3A_1583, %dma_wait3A_2132] : memref<5x2x40xi32, #tpu.memory_space<vmem>> -> memref<1x1x40xi32, #tpu.memory_space<vmem>>
      %dma_wait3A_2134 = tpu.memref_squeeze %dma_wait3A_2133 : memref<1x1x40xi32, #tpu.memory_space<vmem>> -> memref<40xi32, #tpu.memory_space<vmem>>
      %dma_wait3A_2135 = arith.constant 0 : i32
      %dma_wait3A_2136 = tpu.memref_slice %arg2[%dma_wait3A_2135] : memref<320000xi32, #tpu.memory_space<hbm>> -> memref<40xi32, #tpu.memory_space<hbm>>
      tpu.wait_dma2 semaphore(%dma_wait3A_2131 : memref<!tpu.dma_semaphore, #tpu.memory_space<semaphore_mem>>) src(%dma_wait3A_2136 : memref<40xi32, #tpu.memory_space<hbm>>) dst(%dma_wait3A_2134 : memref<40xi32, #tpu.memory_space<vmem>>)
      %dma_wait3A_2137 = arith.constant 3 : i32
      %dma_wait3A_2138 = arith.constant 3 : i32
      %dma_wait3A_2139 = arith.constant 0 : i32
      %dma_wait3A_2140 = tpu.memref_slice %arg9[%dma_wait3A_2137, %sub3A_1583, %dma_wait3A_2139] : memref<5x2x40xi32, #tpu.memory_space<vmem>> -> memref<1x1x40xi32, #tpu.memory_space<vmem>>
      %dma_wait3A_2141 = tpu.memref_squeeze %dma_wait3A_2140 : memref<1x1x40xi32, #tpu.memory_space<vmem>> -> memref<40xi32, #tpu.memory_space<vmem>>
      %dma_wait3A_2142 = arith.constant 0 : i32
      %dma_wait3A_2143 = tpu.memref_slice %arg3[%dma_wait3A_2142] : memref<320000xi32, #tpu.memory_space<hbm>> -> memref<40xi32, #tpu.memory_space<hbm>>
      %dma_wait3A_2144 = tpu.memref_slice %arg14[%dma_wait3A_2138] : memref<5x!tpu.dma_semaphore, #tpu.memory_space<semaphore_mem>> -> memref<1x!tpu.dma_semaphore, #tpu.memory_space<semaphore_mem>>
      %dma_wait3A_2145 = tpu.memref_squeeze %dma_wait3A_2144 : memref<1x!tpu.dma_semaphore, #tpu.memory_space<semaphore_mem>> -> memref<!tpu.dma_semaphore, #tpu.memory_space<semaphore_mem>>
      %dma_wait3A_2146 = arith.constant 0 : i32
      %dma_wait3A_2147 = tpu.memref_slice %arg9[%dma_wait3A_2137, %sub3A_1583, %dma_wait3A_2146] : memref<5x2x40xi32, #tpu.memory_space<vmem>> -> memref<1x1x40xi32, #tpu.memory_space<vmem>>
      %dma_wait3A_2148 = tpu.memref_squeeze %dma_wait3A_2147 : memref<1x1x40xi32, #tpu.memory_space<vmem>> -> memref<40xi32, #tpu.memory_space<vmem>>
      %dma_wait3A_2149 = arith.constant 0 : i32
      %dma_wait3A_2150 = tpu.memref_slice %arg3[%dma_wait3A_2149] : memref<320000xi32, #tpu.memory_space<hbm>> -> memref<40xi32, #tpu.memory_space<hbm>>
      tpu.wait_dma2 semaphore(%dma_wait3A_2145 : memref<!tpu.dma_semaphore, #tpu.memory_space<semaphore_mem>>) src(%dma_wait3A_2150 : memref<40xi32, #tpu.memory_space<hbm>>) dst(%dma_wait3A_2148 : memref<40xi32, #tpu.memory_space<vmem>>)
      %dma_start3A_2151 = arith.constant 3 : i32
      %dma_start3A_2152 = arith.constant 3 : i32
      %dma_start3A_2153 = arith.constant 3 : i32
      %dma_start3A_2154 = arith.constant 0 : i32
      %dma_start3A_2155 = arith.constant 0 : i32
      %dma_start3A_2156 = tpu.memref_slice %arg10[%dma_start3A_2152, %dma_start3A_2154, %dma_start3A_2155] : memref<5x40x128xf32, #tpu.memory_space<vmem>> -> memref<1x40x128xf32, #tpu.memory_space<vmem>>
      %dma_start3A_2157 = tpu.memref_squeeze %dma_start3A_2156 : memref<1x40x128xf32, #tpu.memory_space<vmem>> -> memref<40x128xf32, #tpu.memory_space<vmem>>
      %dma_start3A_2158 = arith.constant 0 : i32
      %dma_start3A_2159 = tpu.memref_slice %arg8[%dma_start3A_2151, %sub3A_1583, %dma_start3A_2158] : memref<5x2x40xi32, #tpu.memory_space<vmem>> -> memref<1x1x40xi32, #tpu.memory_space<vmem>>
      %dma_start3A_2160 = tpu.memref_squeeze %dma_start3A_2159 : memref<1x1x40xi32, #tpu.memory_space<vmem>> -> memref<40xi32, #tpu.memory_space<vmem>>
      %dma_start3A_2161 = arith.constant 0 : i32
      %dma_start3A_2162 = arith.constant 0 : i32
      %dma_start3A_2163 = tpu.memref_slice %arg4[%dma_start3A_2161, %dma_start3A_2162] : memref<10000x128xf32, #tpu.memory_space<hbm>> -> memref<10000x128xf32, #tpu.memory_space<hbm>>
      %dma_start3A_2164 = tpu.memref_slice %arg11[%dma_start3A_2153] : memref<5x!tpu.dma_semaphore, #tpu.memory_space<semaphore_mem>> -> memref<1x!tpu.dma_semaphore, #tpu.memory_space<semaphore_mem>>
      %dma_start3A_2165 = tpu.memref_squeeze %dma_start3A_2164 : memref<1x!tpu.dma_semaphore, #tpu.memory_space<semaphore_mem>> -> memref<!tpu.dma_semaphore, #tpu.memory_space<semaphore_mem>>
      tpu.enqueue_indirect_dma source(%dma_start3A_2163 : memref<10000x128xf32, #tpu.memory_space<hbm>>) target(%dma_start3A_2157 : memref<40x128xf32, #tpu.memory_space<vmem>>) offsets(%dma_start3A_2160 : memref<40xi32, #tpu.memory_space<vmem>>) semaphore(%dma_start3A_2165 : memref<!tpu.dma_semaphore, #tpu.memory_space<semaphore_mem>>)
      %mul3A_2166 = arith.constant 5 : i32
      %mul3A_2167 = arith.muli %mul3A_2166, %scan3A_1581 : i32
      %add3A_2168 = arith.constant 4 : i32
      %add3A_2169 = arith.addi %mul3A_2167, %add3A_2168 : i32
      %add3A_2170 = arith.constant 7 : i32
      %add3A_2171 = arith.addi %add3A_2169, %add3A_2170 : i32
      %mul3A_2172 = arith.constant 40 : i32
      %mul3A_2173 = arith.muli %add3A_2171, %mul3A_2172 : i32
      %add3A_2174 = arith.addi %mul3A_2, %mul3A_2173 : i32
      %dma_start3A_2175 = arith.constant 1 : i32
      %dma_start3A_2176 = arith.constant 1 : i32
      %dma_start3A_2177 = arith.constant 0 : i32
      %dma_start3A_2178 = tpu.memref_slice %arg8[%dma_start3A_2175, %rem3A_1582, %dma_start3A_2177] : memref<5x2x40xi32, #tpu.memory_space<vmem>> -> memref<1x1x40xi32, #tpu.memory_space<vmem>>
      %dma_start3A_2179 = tpu.memref_squeeze %dma_start3A_2178 : memref<1x1x40xi32, #tpu.memory_space<vmem>> -> memref<40xi32, #tpu.memory_space<vmem>>
      %dma_start3A_2180 = tpu.memref_slice %arg2[%add3A_2174] : memref<320000xi32, #tpu.memory_space<hbm>> -> memref<40xi32, #tpu.memory_space<hbm>>
      %dma_start3A_2181 = tpu.memref_slice %arg13[%dma_start3A_2176] : memref<5x!tpu.dma_semaphore, #tpu.memory_space<semaphore_mem>> -> memref<1x!tpu.dma_semaphore, #tpu.memory_space<semaphore_mem>>
      %dma_start3A_2182 = tpu.memref_squeeze %dma_start3A_2181 : memref<1x!tpu.dma_semaphore, #tpu.memory_space<semaphore_mem>> -> memref<!tpu.dma_semaphore, #tpu.memory_space<semaphore_mem>>
      %dma_start3A_2183 = arith.constant 0 : i32
      %dma_start3A_2184 = tpu.memref_slice %arg8[%dma_start3A_2175, %rem3A_1582, %dma_start3A_2183] : memref<5x2x40xi32, #tpu.memory_space<vmem>> -> memref<1x1x40xi32, #tpu.memory_space<vmem>>
      %dma_start3A_2185 = tpu.memref_squeeze %dma_start3A_2184 : memref<1x1x40xi32, #tpu.memory_space<vmem>> -> memref<40xi32, #tpu.memory_space<vmem>>
      %dma_start3A_2186 = tpu.memref_slice %arg2[%add3A_2174] : memref<320000xi32, #tpu.memory_space<hbm>> -> memref<40xi32, #tpu.memory_space<hbm>>
      tpu.enqueue_dma source(%dma_start3A_2186 : memref<40xi32, #tpu.memory_space<hbm>>) target(%dma_start3A_2185 : memref<40xi32, #tpu.memory_space<vmem>>) target_semaphore(%dma_start3A_2182 : memref<!tpu.dma_semaphore, #tpu.memory_space<semaphore_mem>>)
      %dma_start3A_2187 = arith.constant 1 : i32
      %dma_start3A_2188 = arith.constant 1 : i32
      %dma_start3A_2189 = arith.constant 0 : i32
      %dma_start3A_2190 = tpu.memref_slice %arg9[%dma_start3A_2187, %rem3A_1582, %dma_start3A_2189] : memref<5x2x40xi32, #tpu.memory_space<vmem>> -> memref<1x1x40xi32, #tpu.memory_space<vmem>>
      %dma_start3A_2191 = tpu.memref_squeeze %dma_start3A_2190 : memref<1x1x40xi32, #tpu.memory_space<vmem>> -> memref<40xi32, #tpu.memory_space<vmem>>
      %dma_start3A_2192 = tpu.memref_slice %arg3[%add3A_2174] : memref<320000xi32, #tpu.memory_space<hbm>> -> memref<40xi32, #tpu.memory_space<hbm>>
      %dma_start3A_2193 = tpu.memref_slice %arg14[%dma_start3A_2188] : memref<5x!tpu.dma_semaphore, #tpu.memory_space<semaphore_mem>> -> memref<1x!tpu.dma_semaphore, #tpu.memory_space<semaphore_mem>>
      %dma_start3A_2194 = tpu.memref_squeeze %dma_start3A_2193 : memref<1x!tpu.dma_semaphore, #tpu.memory_space<semaphore_mem>> -> memref<!tpu.dma_semaphore, #tpu.memory_space<semaphore_mem>>
      %dma_start3A_2195 = arith.constant 0 : i32
      %dma_start3A_2196 = tpu.memref_slice %arg9[%dma_start3A_2187, %rem3A_1582, %dma_start3A_2195] : memref<5x2x40xi32, #tpu.memory_space<vmem>> -> memref<1x1x40xi32, #tpu.memory_space<vmem>>
      %dma_start3A_2197 = tpu.memref_squeeze %dma_start3A_2196 : memref<1x1x40xi32, #tpu.memory_space<vmem>> -> memref<40xi32, #tpu.memory_space<vmem>>
      %dma_start3A_2198 = tpu.memref_slice %arg3[%add3A_2174] : memref<320000xi32, #tpu.memory_space<hbm>> -> memref<40xi32, #tpu.memory_space<hbm>>
      tpu.enqueue_dma source(%dma_start3A_2198 : memref<40xi32, #tpu.memory_space<hbm>>) target(%dma_start3A_2197 : memref<40xi32, #tpu.memory_space<vmem>>) target_semaphore(%dma_start3A_2194 : memref<!tpu.dma_semaphore, #tpu.memory_space<semaphore_mem>>)
    }
    %scan3A_723 = arith.constant 47 : i32
    %dma_wait3A_724 = arith.constant 0 : i32
    %dma_wait3A_725 = arith.constant 0 : i32
    %dma_wait3A_726 = arith.constant 0 : i32
    %dma_wait3A_727 = arith.constant 0 : i32
    %dma_wait3A_728 = arith.constant 0 : i32
    %dma_wait3A_729 = arith.constant 0 : i32
    %dma_wait3A_730 = tpu.memref_slice %arg10[%dma_wait3A_726, %dma_wait3A_728, %dma_wait3A_729] : memref<5x40x128xf32, #tpu.memory_space<vmem>> -> memref<1x40x128xf32, #tpu.memory_space<vmem>>
    %dma_wait3A_731 = tpu.memref_squeeze %dma_wait3A_730 : memref<1x40x128xf32, #tpu.memory_space<vmem>> -> memref<40x128xf32, #tpu.memory_space<vmem>>
    %dma_wait3A_732 = arith.constant 0 : i32
    %dma_wait3A_733 = tpu.memref_slice %arg8[%dma_wait3A_724, %dma_wait3A_725, %dma_wait3A_732] : memref<5x2x40xi32, #tpu.memory_space<vmem>> -> memref<1x1x40xi32, #tpu.memory_space<vmem>>
    %dma_wait3A_734 = tpu.memref_squeeze %dma_wait3A_733 : memref<1x1x40xi32, #tpu.memory_space<vmem>> -> memref<40xi32, #tpu.memory_space<vmem>>
    %dma_wait3A_735 = arith.constant 0 : i32
    %dma_wait3A_736 = arith.constant 0 : i32
    %dma_wait3A_737 = tpu.memref_slice %arg4[%dma_wait3A_735, %dma_wait3A_736] : memref<10000x128xf32, #tpu.memory_space<hbm>> -> memref<10000x128xf32, #tpu.memory_space<hbm>>
    %dma_wait3A_738 = tpu.memref_slice %arg11[%dma_wait3A_727] : memref<5x!tpu.dma_semaphore, #tpu.memory_space<semaphore_mem>> -> memref<1x!tpu.dma_semaphore, #tpu.memory_space<semaphore_mem>>
    %dma_wait3A_739 = tpu.memref_squeeze %dma_wait3A_738 : memref<1x!tpu.dma_semaphore, #tpu.memory_space<semaphore_mem>> -> memref<!tpu.dma_semaphore, #tpu.memory_space<semaphore_mem>>
    tpu.wait_indirect_dma semaphore(%dma_wait3A_739 : memref<!tpu.dma_semaphore, #tpu.memory_space<semaphore_mem>>) src(%dma_wait3A_737 : memref<10000x128xf32, #tpu.memory_space<hbm>>) dst(%dma_wait3A_731 : memref<40x128xf32, #tpu.memory_space<vmem>>)
    %dma_start3A_740 = arith.constant 0 : i32
    %dma_start3A_741 = arith.constant 0 : i32
    %dma_start3A_742 = arith.constant 0 : i32
    %dma_start3A_743 = arith.constant 0 : i32
    %dma_start3A_744 = arith.constant 0 : i32
    %dma_start3A_745 = arith.constant 0 : i32
    %dma_start3A_746 = tpu.memref_slice %arg10[%dma_start3A_740, %dma_start3A_744, %dma_start3A_745] : memref<5x40x128xf32, #tpu.memory_space<vmem>> -> memref<1x40x128xf32, #tpu.memory_space<vmem>>
    %dma_start3A_747 = tpu.memref_squeeze %dma_start3A_746 : memref<1x40x128xf32, #tpu.memory_space<vmem>> -> memref<40x128xf32, #tpu.memory_space<vmem>>
    %dma_start3A_748 = arith.constant 0 : i32
    %dma_start3A_749 = tpu.memref_slice %arg9[%dma_start3A_741, %dma_start3A_742, %dma_start3A_748] : memref<5x2x40xi32, #tpu.memory_space<vmem>> -> memref<1x1x40xi32, #tpu.memory_space<vmem>>
    %dma_start3A_750 = tpu.memref_squeeze %dma_start3A_749 : memref<1x1x40xi32, #tpu.memory_space<vmem>> -> memref<40xi32, #tpu.memory_space<vmem>>
    %dma_start3A_751 = arith.constant 0 : i32
    %dma_start3A_752 = arith.constant 0 : i32
    %dma_start3A_753 = tpu.memref_slice %arg7[%dma_start3A_751, %dma_start3A_752] : memref<10240x128xf32, #tpu.memory_space<vmem_shared>> -> memref<10240x128xf32, #tpu.memory_space<vmem_shared>>
    %dma_start3A_754 = tpu.memref_slice %arg12[%dma_start3A_743] : memref<5x!tpu.dma_semaphore, #tpu.memory_space<semaphore_mem>> -> memref<1x!tpu.dma_semaphore, #tpu.memory_space<semaphore_mem>>
    %dma_start3A_755 = tpu.memref_squeeze %dma_start3A_754 : memref<1x!tpu.dma_semaphore, #tpu.memory_space<semaphore_mem>> -> memref<!tpu.dma_semaphore, #tpu.memory_space<semaphore_mem>>
    tpu.enqueue_indirect_dma source(%dma_start3A_747 : memref<40x128xf32, #tpu.memory_space<vmem>>) target(%dma_start3A_753 : memref<10240x128xf32, #tpu.memory_space<vmem_shared>>) offsets(%dma_start3A_750 : memref<40xi32, #tpu.memory_space<vmem>>) semaphore(%dma_start3A_755 : memref<!tpu.dma_semaphore, #tpu.memory_space<semaphore_mem>>) {add = true}
    %dma_wait3A_756 = arith.constant 4 : i32
    %dma_wait3A_757 = arith.constant 0 : i32
    %dma_wait3A_758 = arith.constant 0 : i32
    %dma_wait3A_759 = arith.constant 4 : i32
    %dma_wait3A_760 = arith.constant 0 : i32
    %dma_wait3A_761 = arith.constant 0 : i32
    %dma_wait3A_762 = tpu.memref_slice %arg10[%dma_wait3A_756, %dma_wait3A_760, %dma_wait3A_761] : memref<5x40x128xf32, #tpu.memory_space<vmem>> -> memref<1x40x128xf32, #tpu.memory_space<vmem>>
    %dma_wait3A_763 = tpu.memref_squeeze %dma_wait3A_762 : memref<1x40x128xf32, #tpu.memory_space<vmem>> -> memref<40x128xf32, #tpu.memory_space<vmem>>
    %dma_wait3A_764 = arith.constant 0 : i32
    %dma_wait3A_765 = tpu.memref_slice %arg9[%dma_wait3A_757, %dma_wait3A_758, %dma_wait3A_764] : memref<5x2x40xi32, #tpu.memory_space<vmem>> -> memref<1x1x40xi32, #tpu.memory_space<vmem>>
    %dma_wait3A_766 = tpu.memref_squeeze %dma_wait3A_765 : memref<1x1x40xi32, #tpu.memory_space<vmem>> -> memref<40xi32, #tpu.memory_space<vmem>>
    %dma_wait3A_767 = arith.constant 0 : i32
    %dma_wait3A_768 = arith.constant 0 : i32
    %dma_wait3A_769 = tpu.memref_slice %arg7[%dma_wait3A_767, %dma_wait3A_768] : memref<10240x128xf32, #tpu.memory_space<vmem_shared>> -> memref<10240x128xf32, #tpu.memory_space<vmem_shared>>
    %dma_wait3A_770 = tpu.memref_slice %arg12[%dma_wait3A_759] : memref<5x!tpu.dma_semaphore, #tpu.memory_space<semaphore_mem>> -> memref<1x!tpu.dma_semaphore, #tpu.memory_space<semaphore_mem>>
    %dma_wait3A_771 = tpu.memref_squeeze %dma_wait3A_770 : memref<1x!tpu.dma_semaphore, #tpu.memory_space<semaphore_mem>> -> memref<!tpu.dma_semaphore, #tpu.memory_space<semaphore_mem>>
    tpu.wait_indirect_dma semaphore(%dma_wait3A_771 : memref<!tpu.dma_semaphore, #tpu.memory_space<semaphore_mem>>) src(%dma_wait3A_763 : memref<40x128xf32, #tpu.memory_space<vmem>>) dst(%dma_wait3A_769 : memref<10240x128xf32, #tpu.memory_space<vmem_shared>>)
    %dma_wait3A_772 = arith.constant 4 : i32
    %dma_wait3A_773 = arith.constant 0 : i32
    %dma_wait3A_774 = arith.constant 4 : i32
    %dma_wait3A_775 = arith.constant 0 : i32
    %dma_wait3A_776 = tpu.memref_slice %arg8[%dma_wait3A_772, %dma_wait3A_773, %dma_wait3A_775] : memref<5x2x40xi32, #tpu.memory_space<vmem>> -> memref<1x1x40xi32, #tpu.memory_space<vmem>>
    %dma_wait3A_777 = tpu.memref_squeeze %dma_wait3A_776 : memref<1x1x40xi32, #tpu.memory_space<vmem>> -> memref<40xi32, #tpu.memory_space<vmem>>
    %dma_wait3A_778 = arith.constant 0 : i32
    %dma_wait3A_779 = tpu.memref_slice %arg2[%dma_wait3A_778] : memref<320000xi32, #tpu.memory_space<hbm>> -> memref<40xi32, #tpu.memory_space<hbm>>
    %dma_wait3A_780 = tpu.memref_slice %arg13[%dma_wait3A_774] : memref<5x!tpu.dma_semaphore, #tpu.memory_space<semaphore_mem>> -> memref<1x!tpu.dma_semaphore, #tpu.memory_space<semaphore_mem>>
    %dma_wait3A_781 = tpu.memref_squeeze %dma_wait3A_780 : memref<1x!tpu.dma_semaphore, #tpu.memory_space<semaphore_mem>> -> memref<!tpu.dma_semaphore, #tpu.memory_space<semaphore_mem>>
    %dma_wait3A_782 = arith.constant 0 : i32
    %dma_wait3A_783 = tpu.memref_slice %arg8[%dma_wait3A_772, %dma_wait3A_773, %dma_wait3A_782] : memref<5x2x40xi32, #tpu.memory_space<vmem>> -> memref<1x1x40xi32, #tpu.memory_space<vmem>>
    %dma_wait3A_784 = tpu.memref_squeeze %dma_wait3A_783 : memref<1x1x40xi32, #tpu.memory_space<vmem>> -> memref<40xi32, #tpu.memory_space<vmem>>
    %dma_wait3A_785 = arith.constant 0 : i32
    %dma_wait3A_786 = tpu.memref_slice %arg2[%dma_wait3A_785] : memref<320000xi32, #tpu.memory_space<hbm>> -> memref<40xi32, #tpu.memory_space<hbm>>
    tpu.wait_dma2 semaphore(%dma_wait3A_781 : memref<!tpu.dma_semaphore, #tpu.memory_space<semaphore_mem>>) src(%dma_wait3A_786 : memref<40xi32, #tpu.memory_space<hbm>>) dst(%dma_wait3A_784 : memref<40xi32, #tpu.memory_space<vmem>>)
    %dma_wait3A_787 = arith.constant 4 : i32
    %dma_wait3A_788 = arith.constant 0 : i32
    %dma_wait3A_789 = arith.constant 4 : i32
    %dma_wait3A_790 = arith.constant 0 : i32
    %dma_wait3A_791 = tpu.memref_slice %arg9[%dma_wait3A_787, %dma_wait3A_788, %dma_wait3A_790] : memref<5x2x40xi32, #tpu.memory_space<vmem>> -> memref<1x1x40xi32, #tpu.memory_space<vmem>>
    %dma_wait3A_792 = tpu.memref_squeeze %dma_wait3A_791 : memref<1x1x40xi32, #tpu.memory_space<vmem>> -> memref<40xi32, #tpu.memory_space<vmem>>
    %dma_wait3A_793 = arith.constant 0 : i32
    %dma_wait3A_794 = tpu.memref_slice %arg3[%dma_wait3A_793] : memref<320000xi32, #tpu.memory_space<hbm>> -> memref<40xi32, #tpu.memory_space<hbm>>
    %dma_wait3A_795 = tpu.memref_slice %arg14[%dma_wait3A_789] : memref<5x!tpu.dma_semaphore, #tpu.memory_space<semaphore_mem>> -> memref<1x!tpu.dma_semaphore, #tpu.memory_space<semaphore_mem>>
    %dma_wait3A_796 = tpu.memref_squeeze %dma_wait3A_795 : memref<1x!tpu.dma_semaphore, #tpu.memory_space<semaphore_mem>> -> memref<!tpu.dma_semaphore, #tpu.memory_space<semaphore_mem>>
    %dma_wait3A_797 = arith.constant 0 : i32
    %dma_wait3A_798 = tpu.memref_slice %arg9[%dma_wait3A_787, %dma_wait3A_788, %dma_wait3A_797] : memref<5x2x40xi32, #tpu.memory_space<vmem>> -> memref<1x1x40xi32, #tpu.memory_space<vmem>>
    %dma_wait3A_799 = tpu.memref_squeeze %dma_wait3A_798 : memref<1x1x40xi32, #tpu.memory_space<vmem>> -> memref<40xi32, #tpu.memory_space<vmem>>
    %dma_wait3A_800 = arith.constant 0 : i32
    %dma_wait3A_801 = tpu.memref_slice %arg3[%dma_wait3A_800] : memref<320000xi32, #tpu.memory_space<hbm>> -> memref<40xi32, #tpu.memory_space<hbm>>
    tpu.wait_dma2 semaphore(%dma_wait3A_796 : memref<!tpu.dma_semaphore, #tpu.memory_space<semaphore_mem>>) src(%dma_wait3A_801 : memref<40xi32, #tpu.memory_space<hbm>>) dst(%dma_wait3A_799 : memref<40xi32, #tpu.memory_space<vmem>>)
    %dma_start3A_802 = arith.constant 4 : i32
    %dma_start3A_803 = arith.constant 0 : i32
    %dma_start3A_804 = arith.constant 4 : i32
    %dma_start3A_805 = arith.constant 4 : i32
    %dma_start3A_806 = arith.constant 0 : i32
    %dma_start3A_807 = arith.constant 0 : i32
    %dma_start3A_808 = tpu.memref_slice %arg10[%dma_start3A_804, %dma_start3A_806, %dma_start3A_807] : memref<5x40x128xf32, #tpu.memory_space<vmem>> -> memref<1x40x128xf32, #tpu.memory_space<vmem>>
    %dma_start3A_809 = tpu.memref_squeeze %dma_start3A_808 : memref<1x40x128xf32, #tpu.memory_space<vmem>> -> memref<40x128xf32, #tpu.memory_space<vmem>>
    %dma_start3A_810 = arith.constant 0 : i32
    %dma_start3A_811 = tpu.memref_slice %arg8[%dma_start3A_802, %dma_start3A_803, %dma_start3A_810] : memref<5x2x40xi32, #tpu.memory_space<vmem>> -> memref<1x1x40xi32, #tpu.memory_space<vmem>>
    %dma_start3A_812 = tpu.memref_squeeze %dma_start3A_811 : memref<1x1x40xi32, #tpu.memory_space<vmem>> -> memref<40xi32, #tpu.memory_space<vmem>>
    %dma_start3A_813 = arith.constant 0 : i32
    %dma_start3A_814 = arith.constant 0 : i32
    %dma_start3A_815 = tpu.memref_slice %arg4[%dma_start3A_813, %dma_start3A_814] : memref<10000x128xf32, #tpu.memory_space<hbm>> -> memref<10000x128xf32, #tpu.memory_space<hbm>>
    %dma_start3A_816 = tpu.memref_slice %arg11[%dma_start3A_805] : memref<5x!tpu.dma_semaphore, #tpu.memory_space<semaphore_mem>> -> memref<1x!tpu.dma_semaphore, #tpu.memory_space<semaphore_mem>>
    %dma_start3A_817 = tpu.memref_squeeze %dma_start3A_816 : memref<1x!tpu.dma_semaphore, #tpu.memory_space<semaphore_mem>> -> memref<!tpu.dma_semaphore, #tpu.memory_space<semaphore_mem>>
    tpu.enqueue_indirect_dma source(%dma_start3A_815 : memref<10000x128xf32, #tpu.memory_space<hbm>>) target(%dma_start3A_809 : memref<40x128xf32, #tpu.memory_space<vmem>>) offsets(%dma_start3A_812 : memref<40xi32, #tpu.memory_space<vmem>>) semaphore(%dma_start3A_817 : memref<!tpu.dma_semaphore, #tpu.memory_space<semaphore_mem>>)
    %add3A_818 = arith.constant 9880 : i32
    %add3A_819 = arith.addi %mul3A_2, %add3A_818 : i32
    %dma_start3A_820 = arith.constant 2 : i32
    %dma_start3A_821 = arith.constant 1 : i32
    %dma_start3A_822 = arith.constant 2 : i32
    %dma_start3A_823 = arith.constant 0 : i32
    %dma_start3A_824 = tpu.memref_slice %arg8[%dma_start3A_820, %dma_start3A_821, %dma_start3A_823] : memref<5x2x40xi32, #tpu.memory_space<vmem>> -> memref<1x1x40xi32, #tpu.memory_space<vmem>>
    %dma_start3A_825 = tpu.memref_squeeze %dma_start3A_824 : memref<1x1x40xi32, #tpu.memory_space<vmem>> -> memref<40xi32, #tpu.memory_space<vmem>>
    %dma_start3A_826 = tpu.memref_slice %arg2[%add3A_819] : memref<320000xi32, #tpu.memory_space<hbm>> -> memref<40xi32, #tpu.memory_space<hbm>>
    %dma_start3A_827 = tpu.memref_slice %arg13[%dma_start3A_822] : memref<5x!tpu.dma_semaphore, #tpu.memory_space<semaphore_mem>> -> memref<1x!tpu.dma_semaphore, #tpu.memory_space<semaphore_mem>>
    %dma_start3A_828 = tpu.memref_squeeze %dma_start3A_827 : memref<1x!tpu.dma_semaphore, #tpu.memory_space<semaphore_mem>> -> memref<!tpu.dma_semaphore, #tpu.memory_space<semaphore_mem>>
    %dma_start3A_829 = arith.constant 0 : i32
    %dma_start3A_830 = tpu.memref_slice %arg8[%dma_start3A_820, %dma_start3A_821, %dma_start3A_829] : memref<5x2x40xi32, #tpu.memory_space<vmem>> -> memref<1x1x40xi32, #tpu.memory_space<vmem>>
    %dma_start3A_831 = tpu.memref_squeeze %dma_start3A_830 : memref<1x1x40xi32, #tpu.memory_space<vmem>> -> memref<40xi32, #tpu.memory_space<vmem>>
    %dma_start3A_832 = tpu.memref_slice %arg2[%add3A_819] : memref<320000xi32, #tpu.memory_space<hbm>> -> memref<40xi32, #tpu.memory_space<hbm>>
    tpu.enqueue_dma source(%dma_start3A_832 : memref<40xi32, #tpu.memory_space<hbm>>) target(%dma_start3A_831 : memref<40xi32, #tpu.memory_space<vmem>>) target_semaphore(%dma_start3A_828 : memref<!tpu.dma_semaphore, #tpu.memory_space<semaphore_mem>>)
    %dma_start3A_833 = arith.constant 2 : i32
    %dma_start3A_834 = arith.constant 1 : i32
    %dma_start3A_835 = arith.constant 2 : i32
    %dma_start3A_836 = arith.constant 0 : i32
    %dma_start3A_837 = tpu.memref_slice %arg9[%dma_start3A_833, %dma_start3A_834, %dma_start3A_836] : memref<5x2x40xi32, #tpu.memory_space<vmem>> -> memref<1x1x40xi32, #tpu.memory_space<vmem>>
    %dma_start3A_838 = tpu.memref_squeeze %dma_start3A_837 : memref<1x1x40xi32, #tpu.memory_space<vmem>> -> memref<40xi32, #tpu.memory_space<vmem>>
    %dma_start3A_839 = tpu.memref_slice %arg3[%add3A_819] : memref<320000xi32, #tpu.memory_space<hbm>> -> memref<40xi32, #tpu.memory_space<hbm>>
    %dma_start3A_840 = tpu.memref_slice %arg14[%dma_start3A_835] : memref<5x!tpu.dma_semaphore, #tpu.memory_space<semaphore_mem>> -> memref<1x!tpu.dma_semaphore, #tpu.memory_space<semaphore_mem>>
    %dma_start3A_841 = tpu.memref_squeeze %dma_start3A_840 : memref<1x!tpu.dma_semaphore, #tpu.memory_space<semaphore_mem>> -> memref<!tpu.dma_semaphore, #tpu.memory_space<semaphore_mem>>
    %dma_start3A_842 = arith.constant 0 : i32
    %dma_start3A_843 = tpu.memref_slice %arg9[%dma_start3A_833, %dma_start3A_834, %dma_start3A_842] : memref<5x2x40xi32, #tpu.memory_space<vmem>> -> memref<1x1x40xi32, #tpu.memory_space<vmem>>
    %dma_start3A_844 = tpu.memref_squeeze %dma_start3A_843 : memref<1x1x40xi32, #tpu.memory_space<vmem>> -> memref<40xi32, #tpu.memory_space<vmem>>
    %dma_start3A_845 = tpu.memref_slice %arg3[%add3A_819] : memref<320000xi32, #tpu.memory_space<hbm>> -> memref<40xi32, #tpu.memory_space<hbm>>
    tpu.enqueue_dma source(%dma_start3A_845 : memref<40xi32, #tpu.memory_space<hbm>>) target(%dma_start3A_844 : memref<40xi32, #tpu.memory_space<vmem>>) target_semaphore(%dma_start3A_841 : memref<!tpu.dma_semaphore, #tpu.memory_space<semaphore_mem>>)
    %dma_wait3A_846 = arith.constant 0 : i32
    %dma_wait3A_847 = arith.constant 0 : i32
    %dma_wait3A_848 = arith.constant 1 : i32
    %dma_wait3A_849 = arith.constant 1 : i32
    %dma_wait3A_850 = arith.constant 0 : i32
    %dma_wait3A_851 = arith.constant 0 : i32
    %dma_wait3A_852 = tpu.memref_slice %arg10[%dma_wait3A_848, %dma_wait3A_850, %dma_wait3A_851] : memref<5x40x128xf32, #tpu.memory_space<vmem>> -> memref<1x40x128xf32, #tpu.memory_space<vmem>>
    %dma_wait3A_853 = tpu.memref_squeeze %dma_wait3A_852 : memref<1x40x128xf32, #tpu.memory_space<vmem>> -> memref<40x128xf32, #tpu.memory_space<vmem>>
    %dma_wait3A_854 = arith.constant 0 : i32
    %dma_wait3A_855 = tpu.memref_slice %arg8[%dma_wait3A_846, %dma_wait3A_847, %dma_wait3A_854] : memref<5x2x40xi32, #tpu.memory_space<vmem>> -> memref<1x1x40xi32, #tpu.memory_space<vmem>>
    %dma_wait3A_856 = tpu.memref_squeeze %dma_wait3A_855 : memref<1x1x40xi32, #tpu.memory_space<vmem>> -> memref<40xi32, #tpu.memory_space<vmem>>
    %dma_wait3A_857 = arith.constant 0 : i32
    %dma_wait3A_858 = arith.constant 0 : i32
    %dma_wait3A_859 = tpu.memref_slice %arg4[%dma_wait3A_857, %dma_wait3A_858] : memref<10000x128xf32, #tpu.memory_space<hbm>> -> memref<10000x128xf32, #tpu.memory_space<hbm>>
    %dma_wait3A_860 = tpu.memref_slice %arg11[%dma_wait3A_849] : memref<5x!tpu.dma_semaphore, #tpu.memory_space<semaphore_mem>> -> memref<1x!tpu.dma_semaphore, #tpu.memory_space<semaphore_mem>>
    %dma_wait3A_861 = tpu.memref_squeeze %dma_wait3A_860 : memref<1x!tpu.dma_semaphore, #tpu.memory_space<semaphore_mem>> -> memref<!tpu.dma_semaphore, #tpu.memory_space<semaphore_mem>>
    tpu.wait_indirect_dma semaphore(%dma_wait3A_861 : memref<!tpu.dma_semaphore, #tpu.memory_space<semaphore_mem>>) src(%dma_wait3A_859 : memref<10000x128xf32, #tpu.memory_space<hbm>>) dst(%dma_wait3A_853 : memref<40x128xf32, #tpu.memory_space<vmem>>)
    %dma_start3A_862 = arith.constant 1 : i32
    %dma_start3A_863 = arith.constant 1 : i32
    %dma_start3A_864 = arith.constant 0 : i32
    %dma_start3A_865 = arith.constant 1 : i32
    %dma_start3A_866 = arith.constant 0 : i32
    %dma_start3A_867 = arith.constant 0 : i32
    %dma_start3A_868 = tpu.memref_slice %arg10[%dma_start3A_862, %dma_start3A_866, %dma_start3A_867] : memref<5x40x128xf32, #tpu.memory_space<vmem>> -> memref<1x40x128xf32, #tpu.memory_space<vmem>>
    %dma_start3A_869 = tpu.memref_squeeze %dma_start3A_868 : memref<1x40x128xf32, #tpu.memory_space<vmem>> -> memref<40x128xf32, #tpu.memory_space<vmem>>
    %dma_start3A_870 = arith.constant 0 : i32
    %dma_start3A_871 = tpu.memref_slice %arg9[%dma_start3A_863, %dma_start3A_864, %dma_start3A_870] : memref<5x2x40xi32, #tpu.memory_space<vmem>> -> memref<1x1x40xi32, #tpu.memory_space<vmem>>
    %dma_start3A_872 = tpu.memref_squeeze %dma_start3A_871 : memref<1x1x40xi32, #tpu.memory_space<vmem>> -> memref<40xi32, #tpu.memory_space<vmem>>
    %dma_start3A_873 = arith.constant 0 : i32
    %dma_start3A_874 = arith.constant 0 : i32
    %dma_start3A_875 = tpu.memref_slice %arg7[%dma_start3A_873, %dma_start3A_874] : memref<10240x128xf32, #tpu.memory_space<vmem_shared>> -> memref<10240x128xf32, #tpu.memory_space<vmem_shared>>
    %dma_start3A_876 = tpu.memref_slice %arg12[%dma_start3A_865] : memref<5x!tpu.dma_semaphore, #tpu.memory_space<semaphore_mem>> -> memref<1x!tpu.dma_semaphore, #tpu.memory_space<semaphore_mem>>
    %dma_start3A_877 = tpu.memref_squeeze %dma_start3A_876 : memref<1x!tpu.dma_semaphore, #tpu.memory_space<semaphore_mem>> -> memref<!tpu.dma_semaphore, #tpu.memory_space<semaphore_mem>>
    tpu.enqueue_indirect_dma source(%dma_start3A_869 : memref<40x128xf32, #tpu.memory_space<vmem>>) target(%dma_start3A_875 : memref<10240x128xf32, #tpu.memory_space<vmem_shared>>) offsets(%dma_start3A_872 : memref<40xi32, #tpu.memory_space<vmem>>) semaphore(%dma_start3A_877 : memref<!tpu.dma_semaphore, #tpu.memory_space<semaphore_mem>>) {add = true}
    %dma_wait3A_878 = arith.constant 0 : i32
    %dma_wait3A_879 = arith.constant 0 : i32
    %dma_wait3A_880 = arith.constant 0 : i32
    %dma_wait3A_881 = arith.constant 0 : i32
    %dma_wait3A_882 = arith.constant 0 : i32
    %dma_wait3A_883 = arith.constant 0 : i32
    %dma_wait3A_884 = tpu.memref_slice %arg10[%dma_wait3A_878, %dma_wait3A_882, %dma_wait3A_883] : memref<5x40x128xf32, #tpu.memory_space<vmem>> -> memref<1x40x128xf32, #tpu.memory_space<vmem>>
    %dma_wait3A_885 = tpu.memref_squeeze %dma_wait3A_884 : memref<1x40x128xf32, #tpu.memory_space<vmem>> -> memref<40x128xf32, #tpu.memory_space<vmem>>
    %dma_wait3A_886 = arith.constant 0 : i32
    %dma_wait3A_887 = tpu.memref_slice %arg9[%dma_wait3A_879, %dma_wait3A_880, %dma_wait3A_886] : memref<5x2x40xi32, #tpu.memory_space<vmem>> -> memref<1x1x40xi32, #tpu.memory_space<vmem>>
    %dma_wait3A_888 = tpu.memref_squeeze %dma_wait3A_887 : memref<1x1x40xi32, #tpu.memory_space<vmem>> -> memref<40xi32, #tpu.memory_space<vmem>>
    %dma_wait3A_889 = arith.constant 0 : i32
    %dma_wait3A_890 = arith.constant 0 : i32
    %dma_wait3A_891 = tpu.memref_slice %arg7[%dma_wait3A_889, %dma_wait3A_890] : memref<10240x128xf32, #tpu.memory_space<vmem_shared>> -> memref<10240x128xf32, #tpu.memory_space<vmem_shared>>
    %dma_wait3A_892 = tpu.memref_slice %arg12[%dma_wait3A_881] : memref<5x!tpu.dma_semaphore, #tpu.memory_space<semaphore_mem>> -> memref<1x!tpu.dma_semaphore, #tpu.memory_space<semaphore_mem>>
    %dma_wait3A_893 = tpu.memref_squeeze %dma_wait3A_892 : memref<1x!tpu.dma_semaphore, #tpu.memory_space<semaphore_mem>> -> memref<!tpu.dma_semaphore, #tpu.memory_space<semaphore_mem>>
    tpu.wait_indirect_dma semaphore(%dma_wait3A_893 : memref<!tpu.dma_semaphore, #tpu.memory_space<semaphore_mem>>) src(%dma_wait3A_885 : memref<40x128xf32, #tpu.memory_space<vmem>>) dst(%dma_wait3A_891 : memref<10240x128xf32, #tpu.memory_space<vmem_shared>>)
    %dma_wait3A_894 = arith.constant 0 : i32
    %dma_wait3A_895 = arith.constant 1 : i32
    %dma_wait3A_896 = arith.constant 0 : i32
    %dma_wait3A_897 = arith.constant 0 : i32
    %dma_wait3A_898 = tpu.memref_slice %arg8[%dma_wait3A_894, %dma_wait3A_895, %dma_wait3A_897] : memref<5x2x40xi32, #tpu.memory_space<vmem>> -> memref<1x1x40xi32, #tpu.memory_space<vmem>>
    %dma_wait3A_899 = tpu.memref_squeeze %dma_wait3A_898 : memref<1x1x40xi32, #tpu.memory_space<vmem>> -> memref<40xi32, #tpu.memory_space<vmem>>
    %dma_wait3A_900 = arith.constant 0 : i32
    %dma_wait3A_901 = tpu.memref_slice %arg2[%dma_wait3A_900] : memref<320000xi32, #tpu.memory_space<hbm>> -> memref<40xi32, #tpu.memory_space<hbm>>
    %dma_wait3A_902 = tpu.memref_slice %arg13[%dma_wait3A_896] : memref<5x!tpu.dma_semaphore, #tpu.memory_space<semaphore_mem>> -> memref<1x!tpu.dma_semaphore, #tpu.memory_space<semaphore_mem>>
    %dma_wait3A_903 = tpu.memref_squeeze %dma_wait3A_902 : memref<1x!tpu.dma_semaphore, #tpu.memory_space<semaphore_mem>> -> memref<!tpu.dma_semaphore, #tpu.memory_space<semaphore_mem>>
    %dma_wait3A_904 = arith.constant 0 : i32
    %dma_wait3A_905 = tpu.memref_slice %arg8[%dma_wait3A_894, %dma_wait3A_895, %dma_wait3A_904] : memref<5x2x40xi32, #tpu.memory_space<vmem>> -> memref<1x1x40xi32, #tpu.memory_space<vmem>>
    %dma_wait3A_906 = tpu.memref_squeeze %dma_wait3A_905 : memref<1x1x40xi32, #tpu.memory_space<vmem>> -> memref<40xi32, #tpu.memory_space<vmem>>
    %dma_wait3A_907 = arith.constant 0 : i32
    %dma_wait3A_908 = tpu.memref_slice %arg2[%dma_wait3A_907] : memref<320000xi32, #tpu.memory_space<hbm>> -> memref<40xi32, #tpu.memory_space<hbm>>
    tpu.wait_dma2 semaphore(%dma_wait3A_903 : memref<!tpu.dma_semaphore, #tpu.memory_space<semaphore_mem>>) src(%dma_wait3A_908 : memref<40xi32, #tpu.memory_space<hbm>>) dst(%dma_wait3A_906 : memref<40xi32, #tpu.memory_space<vmem>>)
    %dma_wait3A_909 = arith.constant 0 : i32
    %dma_wait3A_910 = arith.constant 1 : i32
    %dma_wait3A_911 = arith.constant 0 : i32
    %dma_wait3A_912 = arith.constant 0 : i32
    %dma_wait3A_913 = tpu.memref_slice %arg9[%dma_wait3A_909, %dma_wait3A_910, %dma_wait3A_912] : memref<5x2x40xi32, #tpu.memory_space<vmem>> -> memref<1x1x40xi32, #tpu.memory_space<vmem>>
    %dma_wait3A_914 = tpu.memref_squeeze %dma_wait3A_913 : memref<1x1x40xi32, #tpu.memory_space<vmem>> -> memref<40xi32, #tpu.memory_space<vmem>>
    %dma_wait3A_915 = arith.constant 0 : i32
    %dma_wait3A_916 = tpu.memref_slice %arg3[%dma_wait3A_915] : memref<320000xi32, #tpu.memory_space<hbm>> -> memref<40xi32, #tpu.memory_space<hbm>>
    %dma_wait3A_917 = tpu.memref_slice %arg14[%dma_wait3A_911] : memref<5x!tpu.dma_semaphore, #tpu.memory_space<semaphore_mem>> -> memref<1x!tpu.dma_semaphore, #tpu.memory_space<semaphore_mem>>
    %dma_wait3A_918 = tpu.memref_squeeze %dma_wait3A_917 : memref<1x!tpu.dma_semaphore, #tpu.memory_space<semaphore_mem>> -> memref<!tpu.dma_semaphore, #tpu.memory_space<semaphore_mem>>
    %dma_wait3A_919 = arith.constant 0 : i32
    %dma_wait3A_920 = tpu.memref_slice %arg9[%dma_wait3A_909, %dma_wait3A_910, %dma_wait3A_919] : memref<5x2x40xi32, #tpu.memory_space<vmem>> -> memref<1x1x40xi32, #tpu.memory_space<vmem>>
    %dma_wait3A_921 = tpu.memref_squeeze %dma_wait3A_920 : memref<1x1x40xi32, #tpu.memory_space<vmem>> -> memref<40xi32, #tpu.memory_space<vmem>>
    %dma_wait3A_922 = arith.constant 0 : i32
    %dma_wait3A_923 = tpu.memref_slice %arg3[%dma_wait3A_922] : memref<320000xi32, #tpu.memory_space<hbm>> -> memref<40xi32, #tpu.memory_space<hbm>>
    tpu.wait_dma2 semaphore(%dma_wait3A_918 : memref<!tpu.dma_semaphore, #tpu.memory_space<semaphore_mem>>) src(%dma_wait3A_923 : memref<40xi32, #tpu.memory_space<hbm>>) dst(%dma_wait3A_921 : memref<40xi32, #tpu.memory_space<vmem>>)
    %dma_start3A_924 = arith.constant 0 : i32
    %dma_start3A_925 = arith.constant 1 : i32
    %dma_start3A_926 = arith.constant 0 : i32
    %dma_start3A_927 = arith.constant 0 : i32
    %dma_start3A_928 = arith.constant 0 : i32
    %dma_start3A_929 = arith.constant 0 : i32
    %dma_start3A_930 = tpu.memref_slice %arg10[%dma_start3A_926, %dma_start3A_928, %dma_start3A_929] : memref<5x40x128xf32, #tpu.memory_space<vmem>> -> memref<1x40x128xf32, #tpu.memory_space<vmem>>
    %dma_start3A_931 = tpu.memref_squeeze %dma_start3A_930 : memref<1x40x128xf32, #tpu.memory_space<vmem>> -> memref<40x128xf32, #tpu.memory_space<vmem>>
    %dma_start3A_932 = arith.constant 0 : i32
    %dma_start3A_933 = tpu.memref_slice %arg8[%dma_start3A_924, %dma_start3A_925, %dma_start3A_932] : memref<5x2x40xi32, #tpu.memory_space<vmem>> -> memref<1x1x40xi32, #tpu.memory_space<vmem>>
    %dma_start3A_934 = tpu.memref_squeeze %dma_start3A_933 : memref<1x1x40xi32, #tpu.memory_space<vmem>> -> memref<40xi32, #tpu.memory_space<vmem>>
    %dma_start3A_935 = arith.constant 0 : i32
    %dma_start3A_936 = arith.constant 0 : i32
    %dma_start3A_937 = tpu.memref_slice %arg4[%dma_start3A_935, %dma_start3A_936] : memref<10000x128xf32, #tpu.memory_space<hbm>> -> memref<10000x128xf32, #tpu.memory_space<hbm>>
    %dma_start3A_938 = tpu.memref_slice %arg11[%dma_start3A_927] : memref<5x!tpu.dma_semaphore, #tpu.memory_space<semaphore_mem>> -> memref<1x!tpu.dma_semaphore, #tpu.memory_space<semaphore_mem>>
    %dma_start3A_939 = tpu.memref_squeeze %dma_start3A_938 : memref<1x!tpu.dma_semaphore, #tpu.memory_space<semaphore_mem>> -> memref<!tpu.dma_semaphore, #tpu.memory_space<semaphore_mem>>
    tpu.enqueue_indirect_dma source(%dma_start3A_937 : memref<10000x128xf32, #tpu.memory_space<hbm>>) target(%dma_start3A_931 : memref<40x128xf32, #tpu.memory_space<vmem>>) offsets(%dma_start3A_934 : memref<40xi32, #tpu.memory_space<vmem>>) semaphore(%dma_start3A_939 : memref<!tpu.dma_semaphore, #tpu.memory_space<semaphore_mem>>)
    %add3A_940 = arith.constant 9920 : i32
    %add3A_941 = arith.addi %mul3A_2, %add3A_940 : i32
    %dma_start3A_942 = arith.constant 3 : i32
    %dma_start3A_943 = arith.constant 1 : i32
    %dma_start3A_944 = arith.constant 3 : i32
    %dma_start3A_945 = arith.constant 0 : i32
    %dma_start3A_946 = tpu.memref_slice %arg8[%dma_start3A_942, %dma_start3A_943, %dma_start3A_945] : memref<5x2x40xi32, #tpu.memory_space<vmem>> -> memref<1x1x40xi32, #tpu.memory_space<vmem>>
    %dma_start3A_947 = tpu.memref_squeeze %dma_start3A_946 : memref<1x1x40xi32, #tpu.memory_space<vmem>> -> memref<40xi32, #tpu.memory_space<vmem>>
    %dma_start3A_948 = tpu.memref_slice %arg2[%add3A_941] : memref<320000xi32, #tpu.memory_space<hbm>> -> memref<40xi32, #tpu.memory_space<hbm>>
    %dma_start3A_949 = tpu.memref_slice %arg13[%dma_start3A_944] : memref<5x!tpu.dma_semaphore, #tpu.memory_space<semaphore_mem>> -> memref<1x!tpu.dma_semaphore, #tpu.memory_space<semaphore_mem>>
    %dma_start3A_950 = tpu.memref_squeeze %dma_start3A_949 : memref<1x!tpu.dma_semaphore, #tpu.memory_space<semaphore_mem>> -> memref<!tpu.dma_semaphore, #tpu.memory_space<semaphore_mem>>
    %dma_start3A_951 = arith.constant 0 : i32
    %dma_start3A_952 = tpu.memref_slice %arg8[%dma_start3A_942, %dma_start3A_943, %dma_start3A_951] : memref<5x2x40xi32, #tpu.memory_space<vmem>> -> memref<1x1x40xi32, #tpu.memory_space<vmem>>
    %dma_start3A_953 = tpu.memref_squeeze %dma_start3A_952 : memref<1x1x40xi32, #tpu.memory_space<vmem>> -> memref<40xi32, #tpu.memory_space<vmem>>
    %dma_start3A_954 = tpu.memref_slice %arg2[%add3A_941] : memref<320000xi32, #tpu.memory_space<hbm>> -> memref<40xi32, #tpu.memory_space<hbm>>
    tpu.enqueue_dma source(%dma_start3A_954 : memref<40xi32, #tpu.memory_space<hbm>>) target(%dma_start3A_953 : memref<40xi32, #tpu.memory_space<vmem>>) target_semaphore(%dma_start3A_950 : memref<!tpu.dma_semaphore, #tpu.memory_space<semaphore_mem>>)
    %dma_start3A_955 = arith.constant 3 : i32
    %dma_start3A_956 = arith.constant 1 : i32
    %dma_start3A_957 = arith.constant 3 : i32
    %dma_start3A_958 = arith.constant 0 : i32
    %dma_start3A_959 = tpu.memref_slice %arg9[%dma_start3A_955, %dma_start3A_956, %dma_start3A_958] : memref<5x2x40xi32, #tpu.memory_space<vmem>> -> memref<1x1x40xi32, #tpu.memory_space<vmem>>
    %dma_start3A_960 = tpu.memref_squeeze %dma_start3A_959 : memref<1x1x40xi32, #tpu.memory_space<vmem>> -> memref<40xi32, #tpu.memory_space<vmem>>
    %dma_start3A_961 = tpu.memref_slice %arg3[%add3A_941] : memref<320000xi32, #tpu.memory_space<hbm>> -> memref<40xi32, #tpu.memory_space<hbm>>
    %dma_start3A_962 = tpu.memref_slice %arg14[%dma_start3A_957] : memref<5x!tpu.dma_semaphore, #tpu.memory_space<semaphore_mem>> -> memref<1x!tpu.dma_semaphore, #tpu.memory_space<semaphore_mem>>
    %dma_start3A_963 = tpu.memref_squeeze %dma_start3A_962 : memref<1x!tpu.dma_semaphore, #tpu.memory_space<semaphore_mem>> -> memref<!tpu.dma_semaphore, #tpu.memory_space<semaphore_mem>>
    %dma_start3A_964 = arith.constant 0 : i32
    %dma_start3A_965 = tpu.memref_slice %arg9[%dma_start3A_955, %dma_start3A_956, %dma_start3A_964] : memref<5x2x40xi32, #tpu.memory_space<vmem>> -> memref<1x1x40xi32, #tpu.memory_space<vmem>>
    %dma_start3A_966 = tpu.memref_squeeze %dma_start3A_965 : memref<1x1x40xi32, #tpu.memory_space<vmem>> -> memref<40xi32, #tpu.memory_space<vmem>>
    %dma_start3A_967 = tpu.memref_slice %arg3[%add3A_941] : memref<320000xi32, #tpu.memory_space<hbm>> -> memref<40xi32, #tpu.memory_space<hbm>>
    tpu.enqueue_dma source(%dma_start3A_967 : memref<40xi32, #tpu.memory_space<hbm>>) target(%dma_start3A_966 : memref<40xi32, #tpu.memory_space<vmem>>) target_semaphore(%dma_start3A_963 : memref<!tpu.dma_semaphore, #tpu.memory_space<semaphore_mem>>)
    %dma_wait3A_968 = arith.constant 0 : i32
    %dma_wait3A_969 = arith.constant 0 : i32
    %dma_wait3A_970 = arith.constant 2 : i32
    %dma_wait3A_971 = arith.constant 2 : i32
    %dma_wait3A_972 = arith.constant 0 : i32
    %dma_wait3A_973 = arith.constant 0 : i32
    %dma_wait3A_974 = tpu.memref_slice %arg10[%dma_wait3A_970, %dma_wait3A_972, %dma_wait3A_973] : memref<5x40x128xf32, #tpu.memory_space<vmem>> -> memref<1x40x128xf32, #tpu.memory_space<vmem>>
    %dma_wait3A_975 = tpu.memref_squeeze %dma_wait3A_974 : memref<1x40x128xf32, #tpu.memory_space<vmem>> -> memref<40x128xf32, #tpu.memory_space<vmem>>
    %dma_wait3A_976 = arith.constant 0 : i32
    %dma_wait3A_977 = tpu.memref_slice %arg8[%dma_wait3A_968, %dma_wait3A_969, %dma_wait3A_976] : memref<5x2x40xi32, #tpu.memory_space<vmem>> -> memref<1x1x40xi32, #tpu.memory_space<vmem>>
    %dma_wait3A_978 = tpu.memref_squeeze %dma_wait3A_977 : memref<1x1x40xi32, #tpu.memory_space<vmem>> -> memref<40xi32, #tpu.memory_space<vmem>>
    %dma_wait3A_979 = arith.constant 0 : i32
    %dma_wait3A_980 = arith.constant 0 : i32
    %dma_wait3A_981 = tpu.memref_slice %arg4[%dma_wait3A_979, %dma_wait3A_980] : memref<10000x128xf32, #tpu.memory_space<hbm>> -> memref<10000x128xf32, #tpu.memory_space<hbm>>
    %dma_wait3A_982 = tpu.memref_slice %arg11[%dma_wait3A_971] : memref<5x!tpu.dma_semaphore, #tpu.memory_space<semaphore_mem>> -> memref<1x!tpu.dma_semaphore, #tpu.memory_space<semaphore_mem>>
    %dma_wait3A_983 = tpu.memref_squeeze %dma_wait3A_982 : memref<1x!tpu.dma_semaphore, #tpu.memory_space<semaphore_mem>> -> memref<!tpu.dma_semaphore, #tpu.memory_space<semaphore_mem>>
    tpu.wait_indirect_dma semaphore(%dma_wait3A_983 : memref<!tpu.dma_semaphore, #tpu.memory_space<semaphore_mem>>) src(%dma_wait3A_981 : memref<10000x128xf32, #tpu.memory_space<hbm>>) dst(%dma_wait3A_975 : memref<40x128xf32, #tpu.memory_space<vmem>>)
    %dma_start3A_984 = arith.constant 2 : i32
    %dma_start3A_985 = arith.constant 2 : i32
    %dma_start3A_986 = arith.constant 0 : i32
    %dma_start3A_987 = arith.constant 2 : i32
    %dma_start3A_988 = arith.constant 0 : i32
    %dma_start3A_989 = arith.constant 0 : i32
    %dma_start3A_990 = tpu.memref_slice %arg10[%dma_start3A_984, %dma_start3A_988, %dma_start3A_989] : memref<5x40x128xf32, #tpu.memory_space<vmem>> -> memref<1x40x128xf32, #tpu.memory_space<vmem>>
    %dma_start3A_991 = tpu.memref_squeeze %dma_start3A_990 : memref<1x40x128xf32, #tpu.memory_space<vmem>> -> memref<40x128xf32, #tpu.memory_space<vmem>>
    %dma_start3A_992 = arith.constant 0 : i32
    %dma_start3A_993 = tpu.memref_slice %arg9[%dma_start3A_985, %dma_start3A_986, %dma_start3A_992] : memref<5x2x40xi32, #tpu.memory_space<vmem>> -> memref<1x1x40xi32, #tpu.memory_space<vmem>>
    %dma_start3A_994 = tpu.memref_squeeze %dma_start3A_993 : memref<1x1x40xi32, #tpu.memory_space<vmem>> -> memref<40xi32, #tpu.memory_space<vmem>>
    %dma_start3A_995 = arith.constant 0 : i32
    %dma_start3A_996 = arith.constant 0 : i32
    %dma_start3A_997 = tpu.memref_slice %arg7[%dma_start3A_995, %dma_start3A_996] : memref<10240x128xf32, #tpu.memory_space<vmem_shared>> -> memref<10240x128xf32, #tpu.memory_space<vmem_shared>>
    %dma_start3A_998 = tpu.memref_slice %arg12[%dma_start3A_987] : memref<5x!tpu.dma_semaphore, #tpu.memory_space<semaphore_mem>> -> memref<1x!tpu.dma_semaphore, #tpu.memory_space<semaphore_mem>>
    %dma_start3A_999 = tpu.memref_squeeze %dma_start3A_998 : memref<1x!tpu.dma_semaphore, #tpu.memory_space<semaphore_mem>> -> memref<!tpu.dma_semaphore, #tpu.memory_space<semaphore_mem>>
    tpu.enqueue_indirect_dma source(%dma_start3A_991 : memref<40x128xf32, #tpu.memory_space<vmem>>) target(%dma_start3A_997 : memref<10240x128xf32, #tpu.memory_space<vmem_shared>>) offsets(%dma_start3A_994 : memref<40xi32, #tpu.memory_space<vmem>>) semaphore(%dma_start3A_999 : memref<!tpu.dma_semaphore, #tpu.memory_space<semaphore_mem>>) {add = true}
    %dma_wait3A_1000 = arith.constant 1 : i32
    %dma_wait3A_1001 = arith.constant 0 : i32
    %dma_wait3A_1002 = arith.constant 0 : i32
    %dma_wait3A_1003 = arith.constant 1 : i32
    %dma_wait3A_1004 = arith.constant 0 : i32
    %dma_wait3A_1005 = arith.constant 0 : i32
    %dma_wait3A_1006 = tpu.memref_slice %arg10[%dma_wait3A_1000, %dma_wait3A_1004, %dma_wait3A_1005] : memref<5x40x128xf32, #tpu.memory_space<vmem>> -> memref<1x40x128xf32, #tpu.memory_space<vmem>>
    %dma_wait3A_1007 = tpu.memref_squeeze %dma_wait3A_1006 : memref<1x40x128xf32, #tpu.memory_space<vmem>> -> memref<40x128xf32, #tpu.memory_space<vmem>>
    %dma_wait3A_1008 = arith.constant 0 : i32
    %dma_wait3A_1009 = tpu.memref_slice %arg9[%dma_wait3A_1001, %dma_wait3A_1002, %dma_wait3A_1008] : memref<5x2x40xi32, #tpu.memory_space<vmem>> -> memref<1x1x40xi32, #tpu.memory_space<vmem>>
    %dma_wait3A_1010 = tpu.memref_squeeze %dma_wait3A_1009 : memref<1x1x40xi32, #tpu.memory_space<vmem>> -> memref<40xi32, #tpu.memory_space<vmem>>
    %dma_wait3A_1011 = arith.constant 0 : i32
    %dma_wait3A_1012 = arith.constant 0 : i32
    %dma_wait3A_1013 = tpu.memref_slice %arg7[%dma_wait3A_1011, %dma_wait3A_1012] : memref<10240x128xf32, #tpu.memory_space<vmem_shared>> -> memref<10240x128xf32, #tpu.memory_space<vmem_shared>>
    %dma_wait3A_1014 = tpu.memref_slice %arg12[%dma_wait3A_1003] : memref<5x!tpu.dma_semaphore, #tpu.memory_space<semaphore_mem>> -> memref<1x!tpu.dma_semaphore, #tpu.memory_space<semaphore_mem>>
    %dma_wait3A_1015 = tpu.memref_squeeze %dma_wait3A_1014 : memref<1x!tpu.dma_semaphore, #tpu.memory_space<semaphore_mem>> -> memref<!tpu.dma_semaphore, #tpu.memory_space<semaphore_mem>>
    tpu.wait_indirect_dma semaphore(%dma_wait3A_1015 : memref<!tpu.dma_semaphore, #tpu.memory_space<semaphore_mem>>) src(%dma_wait3A_1007 : memref<40x128xf32, #tpu.memory_space<vmem>>) dst(%dma_wait3A_1013 : memref<10240x128xf32, #tpu.memory_space<vmem_shared>>)
    %dma_wait3A_1016 = arith.constant 1 : i32
    %dma_wait3A_1017 = arith.constant 1 : i32
    %dma_wait3A_1018 = arith.constant 1 : i32
    %dma_wait3A_1019 = arith.constant 0 : i32
    %dma_wait3A_1020 = tpu.memref_slice %arg8[%dma_wait3A_1016, %dma_wait3A_1017, %dma_wait3A_1019] : memref<5x2x40xi32, #tpu.memory_space<vmem>> -> memref<1x1x40xi32, #tpu.memory_space<vmem>>
    %dma_wait3A_1021 = tpu.memref_squeeze %dma_wait3A_1020 : memref<1x1x40xi32, #tpu.memory_space<vmem>> -> memref<40xi32, #tpu.memory_space<vmem>>
    %dma_wait3A_1022 = arith.constant 0 : i32
    %dma_wait3A_1023 = tpu.memref_slice %arg2[%dma_wait3A_1022] : memref<320000xi32, #tpu.memory_space<hbm>> -> memref<40xi32, #tpu.memory_space<hbm>>
    %dma_wait3A_1024 = tpu.memref_slice %arg13[%dma_wait3A_1018] : memref<5x!tpu.dma_semaphore, #tpu.memory_space<semaphore_mem>> -> memref<1x!tpu.dma_semaphore, #tpu.memory_space<semaphore_mem>>
    %dma_wait3A_1025 = tpu.memref_squeeze %dma_wait3A_1024 : memref<1x!tpu.dma_semaphore, #tpu.memory_space<semaphore_mem>> -> memref<!tpu.dma_semaphore, #tpu.memory_space<semaphore_mem>>
    %dma_wait3A_1026 = arith.constant 0 : i32
    %dma_wait3A_1027 = tpu.memref_slice %arg8[%dma_wait3A_1016, %dma_wait3A_1017, %dma_wait3A_1026] : memref<5x2x40xi32, #tpu.memory_space<vmem>> -> memref<1x1x40xi32, #tpu.memory_space<vmem>>
    %dma_wait3A_1028 = tpu.memref_squeeze %dma_wait3A_1027 : memref<1x1x40xi32, #tpu.memory_space<vmem>> -> memref<40xi32, #tpu.memory_space<vmem>>
    %dma_wait3A_1029 = arith.constant 0 : i32
    %dma_wait3A_1030 = tpu.memref_slice %arg2[%dma_wait3A_1029] : memref<320000xi32, #tpu.memory_space<hbm>> -> memref<40xi32, #tpu.memory_space<hbm>>
    tpu.wait_dma2 semaphore(%dma_wait3A_1025 : memref<!tpu.dma_semaphore, #tpu.memory_space<semaphore_mem>>) src(%dma_wait3A_1030 : memref<40xi32, #tpu.memory_space<hbm>>) dst(%dma_wait3A_1028 : memref<40xi32, #tpu.memory_space<vmem>>)
    %dma_wait3A_1031 = arith.constant 1 : i32
    %dma_wait3A_1032 = arith.constant 1 : i32
    %dma_wait3A_1033 = arith.constant 1 : i32
    %dma_wait3A_1034 = arith.constant 0 : i32
    %dma_wait3A_1035 = tpu.memref_slice %arg9[%dma_wait3A_1031, %dma_wait3A_1032, %dma_wait3A_1034] : memref<5x2x40xi32, #tpu.memory_space<vmem>> -> memref<1x1x40xi32, #tpu.memory_space<vmem>>
    %dma_wait3A_1036 = tpu.memref_squeeze %dma_wait3A_1035 : memref<1x1x40xi32, #tpu.memory_space<vmem>> -> memref<40xi32, #tpu.memory_space<vmem>>
    %dma_wait3A_1037 = arith.constant 0 : i32
    %dma_wait3A_1038 = tpu.memref_slice %arg3[%dma_wait3A_1037] : memref<320000xi32, #tpu.memory_space<hbm>> -> memref<40xi32, #tpu.memory_space<hbm>>
    %dma_wait3A_1039 = tpu.memref_slice %arg14[%dma_wait3A_1033] : memref<5x!tpu.dma_semaphore, #tpu.memory_space<semaphore_mem>> -> memref<1x!tpu.dma_semaphore, #tpu.memory_space<semaphore_mem>>
    %dma_wait3A_1040 = tpu.memref_squeeze %dma_wait3A_1039 : memref<1x!tpu.dma_semaphore, #tpu.memory_space<semaphore_mem>> -> memref<!tpu.dma_semaphore, #tpu.memory_space<semaphore_mem>>
    %dma_wait3A_1041 = arith.constant 0 : i32
    %dma_wait3A_1042 = tpu.memref_slice %arg9[%dma_wait3A_1031, %dma_wait3A_1032, %dma_wait3A_1041] : memref<5x2x40xi32, #tpu.memory_space<vmem>> -> memref<1x1x40xi32, #tpu.memory_space<vmem>>
    %dma_wait3A_1043 = tpu.memref_squeeze %dma_wait3A_1042 : memref<1x1x40xi32, #tpu.memory_space<vmem>> -> memref<40xi32, #tpu.memory_space<vmem>>
    %dma_wait3A_1044 = arith.constant 0 : i32
    %dma_wait3A_1045 = tpu.memref_slice %arg3[%dma_wait3A_1044] : memref<320000xi32, #tpu.memory_space<hbm>> -> memref<40xi32, #tpu.memory_space<hbm>>
    tpu.wait_dma2 semaphore(%dma_wait3A_1040 : memref<!tpu.dma_semaphore, #tpu.memory_space<semaphore_mem>>) src(%dma_wait3A_1045 : memref<40xi32, #tpu.memory_space<hbm>>) dst(%dma_wait3A_1043 : memref<40xi32, #tpu.memory_space<vmem>>)
    %dma_start3A_1046 = arith.constant 1 : i32
    %dma_start3A_1047 = arith.constant 1 : i32
    %dma_start3A_1048 = arith.constant 1 : i32
    %dma_start3A_1049 = arith.constant 1 : i32
    %dma_start3A_1050 = arith.constant 0 : i32
    %dma_start3A_1051 = arith.constant 0 : i32
    %dma_start3A_1052 = tpu.memref_slice %arg10[%dma_start3A_1048, %dma_start3A_1050, %dma_start3A_1051] : memref<5x40x128xf32, #tpu.memory_space<vmem>> -> memref<1x40x128xf32, #tpu.memory_space<vmem>>
    %dma_start3A_1053 = tpu.memref_squeeze %dma_start3A_1052 : memref<1x40x128xf32, #tpu.memory_space<vmem>> -> memref<40x128xf32, #tpu.memory_space<vmem>>
    %dma_start3A_1054 = arith.constant 0 : i32
    %dma_start3A_1055 = tpu.memref_slice %arg8[%dma_start3A_1046, %dma_start3A_1047, %dma_start3A_1054] : memref<5x2x40xi32, #tpu.memory_space<vmem>> -> memref<1x1x40xi32, #tpu.memory_space<vmem>>
    %dma_start3A_1056 = tpu.memref_squeeze %dma_start3A_1055 : memref<1x1x40xi32, #tpu.memory_space<vmem>> -> memref<40xi32, #tpu.memory_space<vmem>>
    %dma_start3A_1057 = arith.constant 0 : i32
    %dma_start3A_1058 = arith.constant 0 : i32
    %dma_start3A_1059 = tpu.memref_slice %arg4[%dma_start3A_1057, %dma_start3A_1058] : memref<10000x128xf32, #tpu.memory_space<hbm>> -> memref<10000x128xf32, #tpu.memory_space<hbm>>
    %dma_start3A_1060 = tpu.memref_slice %arg11[%dma_start3A_1049] : memref<5x!tpu.dma_semaphore, #tpu.memory_space<semaphore_mem>> -> memref<1x!tpu.dma_semaphore, #tpu.memory_space<semaphore_mem>>
    %dma_start3A_1061 = tpu.memref_squeeze %dma_start3A_1060 : memref<1x!tpu.dma_semaphore, #tpu.memory_space<semaphore_mem>> -> memref<!tpu.dma_semaphore, #tpu.memory_space<semaphore_mem>>
    tpu.enqueue_indirect_dma source(%dma_start3A_1059 : memref<10000x128xf32, #tpu.memory_space<hbm>>) target(%dma_start3A_1053 : memref<40x128xf32, #tpu.memory_space<vmem>>) offsets(%dma_start3A_1056 : memref<40xi32, #tpu.memory_space<vmem>>) semaphore(%dma_start3A_1061 : memref<!tpu.dma_semaphore, #tpu.memory_space<semaphore_mem>>)
    %add3A_1062 = arith.constant 9960 : i32
    %add3A_1063 = arith.addi %mul3A_2, %add3A_1062 : i32
    %dma_start3A_1064 = arith.constant 4 : i32
    %dma_start3A_1065 = arith.constant 1 : i32
    %dma_start3A_1066 = arith.constant 4 : i32
    %dma_start3A_1067 = arith.constant 0 : i32
    %dma_start3A_1068 = tpu.memref_slice %arg8[%dma_start3A_1064, %dma_start3A_1065, %dma_start3A_1067] : memref<5x2x40xi32, #tpu.memory_space<vmem>> -> memref<1x1x40xi32, #tpu.memory_space<vmem>>
    %dma_start3A_1069 = tpu.memref_squeeze %dma_start3A_1068 : memref<1x1x40xi32, #tpu.memory_space<vmem>> -> memref<40xi32, #tpu.memory_space<vmem>>
    %dma_start3A_1070 = tpu.memref_slice %arg2[%add3A_1063] : memref<320000xi32, #tpu.memory_space<hbm>> -> memref<40xi32, #tpu.memory_space<hbm>>
    %dma_start3A_1071 = tpu.memref_slice %arg13[%dma_start3A_1066] : memref<5x!tpu.dma_semaphore, #tpu.memory_space<semaphore_mem>> -> memref<1x!tpu.dma_semaphore, #tpu.memory_space<semaphore_mem>>
    %dma_start3A_1072 = tpu.memref_squeeze %dma_start3A_1071 : memref<1x!tpu.dma_semaphore, #tpu.memory_space<semaphore_mem>> -> memref<!tpu.dma_semaphore, #tpu.memory_space<semaphore_mem>>
    %dma_start3A_1073 = arith.constant 0 : i32
    %dma_start3A_1074 = tpu.memref_slice %arg8[%dma_start3A_1064, %dma_start3A_1065, %dma_start3A_1073] : memref<5x2x40xi32, #tpu.memory_space<vmem>> -> memref<1x1x40xi32, #tpu.memory_space<vmem>>
    %dma_start3A_1075 = tpu.memref_squeeze %dma_start3A_1074 : memref<1x1x40xi32, #tpu.memory_space<vmem>> -> memref<40xi32, #tpu.memory_space<vmem>>
    %dma_start3A_1076 = tpu.memref_slice %arg2[%add3A_1063] : memref<320000xi32, #tpu.memory_space<hbm>> -> memref<40xi32, #tpu.memory_space<hbm>>
    tpu.enqueue_dma source(%dma_start3A_1076 : memref<40xi32, #tpu.memory_space<hbm>>) target(%dma_start3A_1075 : memref<40xi32, #tpu.memory_space<vmem>>) target_semaphore(%dma_start3A_1072 : memref<!tpu.dma_semaphore, #tpu.memory_space<semaphore_mem>>)
    %dma_start3A_1077 = arith.constant 4 : i32
    %dma_start3A_1078 = arith.constant 1 : i32
    %dma_start3A_1079 = arith.constant 4 : i32
    %dma_start3A_1080 = arith.constant 0 : i32
    %dma_start3A_1081 = tpu.memref_slice %arg9[%dma_start3A_1077, %dma_start3A_1078, %dma_start3A_1080] : memref<5x2x40xi32, #tpu.memory_space<vmem>> -> memref<1x1x40xi32, #tpu.memory_space<vmem>>
    %dma_start3A_1082 = tpu.memref_squeeze %dma_start3A_1081 : memref<1x1x40xi32, #tpu.memory_space<vmem>> -> memref<40xi32, #tpu.memory_space<vmem>>
    %dma_start3A_1083 = tpu.memref_slice %arg3[%add3A_1063] : memref<320000xi32, #tpu.memory_space<hbm>> -> memref<40xi32, #tpu.memory_space<hbm>>
    %dma_start3A_1084 = tpu.memref_slice %arg14[%dma_start3A_1079] : memref<5x!tpu.dma_semaphore, #tpu.memory_space<semaphore_mem>> -> memref<1x!tpu.dma_semaphore, #tpu.memory_space<semaphore_mem>>
    %dma_start3A_1085 = tpu.memref_squeeze %dma_start3A_1084 : memref<1x!tpu.dma_semaphore, #tpu.memory_space<semaphore_mem>> -> memref<!tpu.dma_semaphore, #tpu.memory_space<semaphore_mem>>
    %dma_start3A_1086 = arith.constant 0 : i32
    %dma_start3A_1087 = tpu.memref_slice %arg9[%dma_start3A_1077, %dma_start3A_1078, %dma_start3A_1086] : memref<5x2x40xi32, #tpu.memory_space<vmem>> -> memref<1x1x40xi32, #tpu.memory_space<vmem>>
    %dma_start3A_1088 = tpu.memref_squeeze %dma_start3A_1087 : memref<1x1x40xi32, #tpu.memory_space<vmem>> -> memref<40xi32, #tpu.memory_space<vmem>>
    %dma_start3A_1089 = tpu.memref_slice %arg3[%add3A_1063] : memref<320000xi32, #tpu.memory_space<hbm>> -> memref<40xi32, #tpu.memory_space<hbm>>
    tpu.enqueue_dma source(%dma_start3A_1089 : memref<40xi32, #tpu.memory_space<hbm>>) target(%dma_start3A_1088 : memref<40xi32, #tpu.memory_space<vmem>>) target_semaphore(%dma_start3A_1085 : memref<!tpu.dma_semaphore, #tpu.memory_space<semaphore_mem>>)
    %dma_wait3A_1090 = arith.constant 0 : i32
    %dma_wait3A_1091 = arith.constant 0 : i32
    %dma_wait3A_1092 = arith.constant 3 : i32
    %dma_wait3A_1093 = arith.constant 3 : i32
    %dma_wait3A_1094 = arith.constant 0 : i32
    %dma_wait3A_1095 = arith.constant 0 : i32
    %dma_wait3A_1096 = tpu.memref_slice %arg10[%dma_wait3A_1092, %dma_wait3A_1094, %dma_wait3A_1095] : memref<5x40x128xf32, #tpu.memory_space<vmem>> -> memref<1x40x128xf32, #tpu.memory_space<vmem>>
    %dma_wait3A_1097 = tpu.memref_squeeze %dma_wait3A_1096 : memref<1x40x128xf32, #tpu.memory_space<vmem>> -> memref<40x128xf32, #tpu.memory_space<vmem>>
    %dma_wait3A_1098 = arith.constant 0 : i32
    %dma_wait3A_1099 = tpu.memref_slice %arg8[%dma_wait3A_1090, %dma_wait3A_1091, %dma_wait3A_1098] : memref<5x2x40xi32, #tpu.memory_space<vmem>> -> memref<1x1x40xi32, #tpu.memory_space<vmem>>
    %dma_wait3A_1100 = tpu.memref_squeeze %dma_wait3A_1099 : memref<1x1x40xi32, #tpu.memory_space<vmem>> -> memref<40xi32, #tpu.memory_space<vmem>>
    %dma_wait3A_1101 = arith.constant 0 : i32
    %dma_wait3A_1102 = arith.constant 0 : i32
    %dma_wait3A_1103 = tpu.memref_slice %arg4[%dma_wait3A_1101, %dma_wait3A_1102] : memref<10000x128xf32, #tpu.memory_space<hbm>> -> memref<10000x128xf32, #tpu.memory_space<hbm>>
    %dma_wait3A_1104 = tpu.memref_slice %arg11[%dma_wait3A_1093] : memref<5x!tpu.dma_semaphore, #tpu.memory_space<semaphore_mem>> -> memref<1x!tpu.dma_semaphore, #tpu.memory_space<semaphore_mem>>
    %dma_wait3A_1105 = tpu.memref_squeeze %dma_wait3A_1104 : memref<1x!tpu.dma_semaphore, #tpu.memory_space<semaphore_mem>> -> memref<!tpu.dma_semaphore, #tpu.memory_space<semaphore_mem>>
    tpu.wait_indirect_dma semaphore(%dma_wait3A_1105 : memref<!tpu.dma_semaphore, #tpu.memory_space<semaphore_mem>>) src(%dma_wait3A_1103 : memref<10000x128xf32, #tpu.memory_space<hbm>>) dst(%dma_wait3A_1097 : memref<40x128xf32, #tpu.memory_space<vmem>>)
    %dma_start3A_1106 = arith.constant 3 : i32
    %dma_start3A_1107 = arith.constant 3 : i32
    %dma_start3A_1108 = arith.constant 0 : i32
    %dma_start3A_1109 = arith.constant 3 : i32
    %dma_start3A_1110 = arith.constant 0 : i32
    %dma_start3A_1111 = arith.constant 0 : i32
    %dma_start3A_1112 = tpu.memref_slice %arg10[%dma_start3A_1106, %dma_start3A_1110, %dma_start3A_1111] : memref<5x40x128xf32, #tpu.memory_space<vmem>> -> memref<1x40x128xf32, #tpu.memory_space<vmem>>
    %dma_start3A_1113 = tpu.memref_squeeze %dma_start3A_1112 : memref<1x40x128xf32, #tpu.memory_space<vmem>> -> memref<40x128xf32, #tpu.memory_space<vmem>>
    %dma_start3A_1114 = arith.constant 0 : i32
    %dma_start3A_1115 = tpu.memref_slice %arg9[%dma_start3A_1107, %dma_start3A_1108, %dma_start3A_1114] : memref<5x2x40xi32, #tpu.memory_space<vmem>> -> memref<1x1x40xi32, #tpu.memory_space<vmem>>
    %dma_start3A_1116 = tpu.memref_squeeze %dma_start3A_1115 : memref<1x1x40xi32, #tpu.memory_space<vmem>> -> memref<40xi32, #tpu.memory_space<vmem>>
    %dma_start3A_1117 = arith.constant 0 : i32
    %dma_start3A_1118 = arith.constant 0 : i32
    %dma_start3A_1119 = tpu.memref_slice %arg7[%dma_start3A_1117, %dma_start3A_1118] : memref<10240x128xf32, #tpu.memory_space<vmem_shared>> -> memref<10240x128xf32, #tpu.memory_space<vmem_shared>>
    %dma_start3A_1120 = tpu.memref_slice %arg12[%dma_start3A_1109] : memref<5x!tpu.dma_semaphore, #tpu.memory_space<semaphore_mem>> -> memref<1x!tpu.dma_semaphore, #tpu.memory_space<semaphore_mem>>
    %dma_start3A_1121 = tpu.memref_squeeze %dma_start3A_1120 : memref<1x!tpu.dma_semaphore, #tpu.memory_space<semaphore_mem>> -> memref<!tpu.dma_semaphore, #tpu.memory_space<semaphore_mem>>
    tpu.enqueue_indirect_dma source(%dma_start3A_1113 : memref<40x128xf32, #tpu.memory_space<vmem>>) target(%dma_start3A_1119 : memref<10240x128xf32, #tpu.memory_space<vmem_shared>>) offsets(%dma_start3A_1116 : memref<40xi32, #tpu.memory_space<vmem>>) semaphore(%dma_start3A_1121 : memref<!tpu.dma_semaphore, #tpu.memory_space<semaphore_mem>>) {add = true}
    %dma_wait3A_1122 = arith.constant 2 : i32
    %dma_wait3A_1123 = arith.constant 0 : i32
    %dma_wait3A_1124 = arith.constant 0 : i32
    %dma_wait3A_1125 = arith.constant 2 : i32
    %dma_wait3A_1126 = arith.constant 0 : i32
    %dma_wait3A_1127 = arith.constant 0 : i32
    %dma_wait3A_1128 = tpu.memref_slice %arg10[%dma_wait3A_1122, %dma_wait3A_1126, %dma_wait3A_1127] : memref<5x40x128xf32, #tpu.memory_space<vmem>> -> memref<1x40x128xf32, #tpu.memory_space<vmem>>
    %dma_wait3A_1129 = tpu.memref_squeeze %dma_wait3A_1128 : memref<1x40x128xf32, #tpu.memory_space<vmem>> -> memref<40x128xf32, #tpu.memory_space<vmem>>
    %dma_wait3A_1130 = arith.constant 0 : i32
    %dma_wait3A_1131 = tpu.memref_slice %arg9[%dma_wait3A_1123, %dma_wait3A_1124, %dma_wait3A_1130] : memref<5x2x40xi32, #tpu.memory_space<vmem>> -> memref<1x1x40xi32, #tpu.memory_space<vmem>>
    %dma_wait3A_1132 = tpu.memref_squeeze %dma_wait3A_1131 : memref<1x1x40xi32, #tpu.memory_space<vmem>> -> memref<40xi32, #tpu.memory_space<vmem>>
    %dma_wait3A_1133 = arith.constant 0 : i32
    %dma_wait3A_1134 = arith.constant 0 : i32
    %dma_wait3A_1135 = tpu.memref_slice %arg7[%dma_wait3A_1133, %dma_wait3A_1134] : memref<10240x128xf32, #tpu.memory_space<vmem_shared>> -> memref<10240x128xf32, #tpu.memory_space<vmem_shared>>
    %dma_wait3A_1136 = tpu.memref_slice %arg12[%dma_wait3A_1125] : memref<5x!tpu.dma_semaphore, #tpu.memory_space<semaphore_mem>> -> memref<1x!tpu.dma_semaphore, #tpu.memory_space<semaphore_mem>>
    %dma_wait3A_1137 = tpu.memref_squeeze %dma_wait3A_1136 : memref<1x!tpu.dma_semaphore, #tpu.memory_space<semaphore_mem>> -> memref<!tpu.dma_semaphore, #tpu.memory_space<semaphore_mem>>
    tpu.wait_indirect_dma semaphore(%dma_wait3A_1137 : memref<!tpu.dma_semaphore, #tpu.memory_space<semaphore_mem>>) src(%dma_wait3A_1129 : memref<40x128xf32, #tpu.memory_space<vmem>>) dst(%dma_wait3A_1135 : memref<10240x128xf32, #tpu.memory_space<vmem_shared>>)
    %dma_wait3A_1138 = arith.constant 2 : i32
    %dma_wait3A_1139 = arith.constant 1 : i32
    %dma_wait3A_1140 = arith.constant 2 : i32
    %dma_wait3A_1141 = arith.constant 0 : i32
    %dma_wait3A_1142 = tpu.memref_slice %arg8[%dma_wait3A_1138, %dma_wait3A_1139, %dma_wait3A_1141] : memref<5x2x40xi32, #tpu.memory_space<vmem>> -> memref<1x1x40xi32, #tpu.memory_space<vmem>>
    %dma_wait3A_1143 = tpu.memref_squeeze %dma_wait3A_1142 : memref<1x1x40xi32, #tpu.memory_space<vmem>> -> memref<40xi32, #tpu.memory_space<vmem>>
    %dma_wait3A_1144 = arith.constant 0 : i32
    %dma_wait3A_1145 = tpu.memref_slice %arg2[%dma_wait3A_1144] : memref<320000xi32, #tpu.memory_space<hbm>> -> memref<40xi32, #tpu.memory_space<hbm>>
    %dma_wait3A_1146 = tpu.memref_slice %arg13[%dma_wait3A_1140] : memref<5x!tpu.dma_semaphore, #tpu.memory_space<semaphore_mem>> -> memref<1x!tpu.dma_semaphore, #tpu.memory_space<semaphore_mem>>
    %dma_wait3A_1147 = tpu.memref_squeeze %dma_wait3A_1146 : memref<1x!tpu.dma_semaphore, #tpu.memory_space<semaphore_mem>> -> memref<!tpu.dma_semaphore, #tpu.memory_space<semaphore_mem>>
    %dma_wait3A_1148 = arith.constant 0 : i32
    %dma_wait3A_1149 = tpu.memref_slice %arg8[%dma_wait3A_1138, %dma_wait3A_1139, %dma_wait3A_1148] : memref<5x2x40xi32, #tpu.memory_space<vmem>> -> memref<1x1x40xi32, #tpu.memory_space<vmem>>
    %dma_wait3A_1150 = tpu.memref_squeeze %dma_wait3A_1149 : memref<1x1x40xi32, #tpu.memory_space<vmem>> -> memref<40xi32, #tpu.memory_space<vmem>>
    %dma_wait3A_1151 = arith.constant 0 : i32
    %dma_wait3A_1152 = tpu.memref_slice %arg2[%dma_wait3A_1151] : memref<320000xi32, #tpu.memory_space<hbm>> -> memref<40xi32, #tpu.memory_space<hbm>>
    tpu.wait_dma2 semaphore(%dma_wait3A_1147 : memref<!tpu.dma_semaphore, #tpu.memory_space<semaphore_mem>>) src(%dma_wait3A_1152 : memref<40xi32, #tpu.memory_space<hbm>>) dst(%dma_wait3A_1150 : memref<40xi32, #tpu.memory_space<vmem>>)
    %dma_wait3A_1153 = arith.constant 2 : i32
    %dma_wait3A_1154 = arith.constant 1 : i32
    %dma_wait3A_1155 = arith.constant 2 : i32
    %dma_wait3A_1156 = arith.constant 0 : i32
    %dma_wait3A_1157 = tpu.memref_slice %arg9[%dma_wait3A_1153, %dma_wait3A_1154, %dma_wait3A_1156] : memref<5x2x40xi32, #tpu.memory_space<vmem>> -> memref<1x1x40xi32, #tpu.memory_space<vmem>>
    %dma_wait3A_1158 = tpu.memref_squeeze %dma_wait3A_1157 : memref<1x1x40xi32, #tpu.memory_space<vmem>> -> memref<40xi32, #tpu.memory_space<vmem>>
    %dma_wait3A_1159 = arith.constant 0 : i32
    %dma_wait3A_1160 = tpu.memref_slice %arg3[%dma_wait3A_1159] : memref<320000xi32, #tpu.memory_space<hbm>> -> memref<40xi32, #tpu.memory_space<hbm>>
    %dma_wait3A_1161 = tpu.memref_slice %arg14[%dma_wait3A_1155] : memref<5x!tpu.dma_semaphore, #tpu.memory_space<semaphore_mem>> -> memref<1x!tpu.dma_semaphore, #tpu.memory_space<semaphore_mem>>
    %dma_wait3A_1162 = tpu.memref_squeeze %dma_wait3A_1161 : memref<1x!tpu.dma_semaphore, #tpu.memory_space<semaphore_mem>> -> memref<!tpu.dma_semaphore, #tpu.memory_space<semaphore_mem>>
    %dma_wait3A_1163 = arith.constant 0 : i32
    %dma_wait3A_1164 = tpu.memref_slice %arg9[%dma_wait3A_1153, %dma_wait3A_1154, %dma_wait3A_1163] : memref<5x2x40xi32, #tpu.memory_space<vmem>> -> memref<1x1x40xi32, #tpu.memory_space<vmem>>
    %dma_wait3A_1165 = tpu.memref_squeeze %dma_wait3A_1164 : memref<1x1x40xi32, #tpu.memory_space<vmem>> -> memref<40xi32, #tpu.memory_space<vmem>>
    %dma_wait3A_1166 = arith.constant 0 : i32
    %dma_wait3A_1167 = tpu.memref_slice %arg3[%dma_wait3A_1166] : memref<320000xi32, #tpu.memory_space<hbm>> -> memref<40xi32, #tpu.memory_space<hbm>>
    tpu.wait_dma2 semaphore(%dma_wait3A_1162 : memref<!tpu.dma_semaphore, #tpu.memory_space<semaphore_mem>>) src(%dma_wait3A_1167 : memref<40xi32, #tpu.memory_space<hbm>>) dst(%dma_wait3A_1165 : memref<40xi32, #tpu.memory_space<vmem>>)
    %dma_start3A_1168 = arith.constant 2 : i32
    %dma_start3A_1169 = arith.constant 1 : i32
    %dma_start3A_1170 = arith.constant 2 : i32
    %dma_start3A_1171 = arith.constant 2 : i32
    %dma_start3A_1172 = arith.constant 0 : i32
    %dma_start3A_1173 = arith.constant 0 : i32
    %dma_start3A_1174 = tpu.memref_slice %arg10[%dma_start3A_1170, %dma_start3A_1172, %dma_start3A_1173] : memref<5x40x128xf32, #tpu.memory_space<vmem>> -> memref<1x40x128xf32, #tpu.memory_space<vmem>>
    %dma_start3A_1175 = tpu.memref_squeeze %dma_start3A_1174 : memref<1x40x128xf32, #tpu.memory_space<vmem>> -> memref<40x128xf32, #tpu.memory_space<vmem>>
    %dma_start3A_1176 = arith.constant 0 : i32
    %dma_start3A_1177 = tpu.memref_slice %arg8[%dma_start3A_1168, %dma_start3A_1169, %dma_start3A_1176] : memref<5x2x40xi32, #tpu.memory_space<vmem>> -> memref<1x1x40xi32, #tpu.memory_space<vmem>>
    %dma_start3A_1178 = tpu.memref_squeeze %dma_start3A_1177 : memref<1x1x40xi32, #tpu.memory_space<vmem>> -> memref<40xi32, #tpu.memory_space<vmem>>
    %dma_start3A_1179 = arith.constant 0 : i32
    %dma_start3A_1180 = arith.constant 0 : i32
    %dma_start3A_1181 = tpu.memref_slice %arg4[%dma_start3A_1179, %dma_start3A_1180] : memref<10000x128xf32, #tpu.memory_space<hbm>> -> memref<10000x128xf32, #tpu.memory_space<hbm>>
    %dma_start3A_1182 = tpu.memref_slice %arg11[%dma_start3A_1171] : memref<5x!tpu.dma_semaphore, #tpu.memory_space<semaphore_mem>> -> memref<1x!tpu.dma_semaphore, #tpu.memory_space<semaphore_mem>>
    %dma_start3A_1183 = tpu.memref_squeeze %dma_start3A_1182 : memref<1x!tpu.dma_semaphore, #tpu.memory_space<semaphore_mem>> -> memref<!tpu.dma_semaphore, #tpu.memory_space<semaphore_mem>>
    tpu.enqueue_indirect_dma source(%dma_start3A_1181 : memref<10000x128xf32, #tpu.memory_space<hbm>>) target(%dma_start3A_1175 : memref<40x128xf32, #tpu.memory_space<vmem>>) offsets(%dma_start3A_1178 : memref<40xi32, #tpu.memory_space<vmem>>) semaphore(%dma_start3A_1183 : memref<!tpu.dma_semaphore, #tpu.memory_space<semaphore_mem>>)
    %dma_wait3A_1184 = arith.constant 0 : i32
    %dma_wait3A_1185 = arith.constant 0 : i32
    %dma_wait3A_1186 = arith.constant 4 : i32
    %dma_wait3A_1187 = arith.constant 4 : i32
    %dma_wait3A_1188 = arith.constant 0 : i32
    %dma_wait3A_1189 = arith.constant 0 : i32
    %dma_wait3A_1190 = tpu.memref_slice %arg10[%dma_wait3A_1186, %dma_wait3A_1188, %dma_wait3A_1189] : memref<5x40x128xf32, #tpu.memory_space<vmem>> -> memref<1x40x128xf32, #tpu.memory_space<vmem>>
    %dma_wait3A_1191 = tpu.memref_squeeze %dma_wait3A_1190 : memref<1x40x128xf32, #tpu.memory_space<vmem>> -> memref<40x128xf32, #tpu.memory_space<vmem>>
    %dma_wait3A_1192 = arith.constant 0 : i32
    %dma_wait3A_1193 = tpu.memref_slice %arg8[%dma_wait3A_1184, %dma_wait3A_1185, %dma_wait3A_1192] : memref<5x2x40xi32, #tpu.memory_space<vmem>> -> memref<1x1x40xi32, #tpu.memory_space<vmem>>
    %dma_wait3A_1194 = tpu.memref_squeeze %dma_wait3A_1193 : memref<1x1x40xi32, #tpu.memory_space<vmem>> -> memref<40xi32, #tpu.memory_space<vmem>>
    %dma_wait3A_1195 = arith.constant 0 : i32
    %dma_wait3A_1196 = arith.constant 0 : i32
    %dma_wait3A_1197 = tpu.memref_slice %arg4[%dma_wait3A_1195, %dma_wait3A_1196] : memref<10000x128xf32, #tpu.memory_space<hbm>> -> memref<10000x128xf32, #tpu.memory_space<hbm>>
    %dma_wait3A_1198 = tpu.memref_slice %arg11[%dma_wait3A_1187] : memref<5x!tpu.dma_semaphore, #tpu.memory_space<semaphore_mem>> -> memref<1x!tpu.dma_semaphore, #tpu.memory_space<semaphore_mem>>
    %dma_wait3A_1199 = tpu.memref_squeeze %dma_wait3A_1198 : memref<1x!tpu.dma_semaphore, #tpu.memory_space<semaphore_mem>> -> memref<!tpu.dma_semaphore, #tpu.memory_space<semaphore_mem>>
    tpu.wait_indirect_dma semaphore(%dma_wait3A_1199 : memref<!tpu.dma_semaphore, #tpu.memory_space<semaphore_mem>>) src(%dma_wait3A_1197 : memref<10000x128xf32, #tpu.memory_space<hbm>>) dst(%dma_wait3A_1191 : memref<40x128xf32, #tpu.memory_space<vmem>>)
    %dma_start3A_1200 = arith.constant 4 : i32
    %dma_start3A_1201 = arith.constant 4 : i32
    %dma_start3A_1202 = arith.constant 0 : i32
    %dma_start3A_1203 = arith.constant 4 : i32
    %dma_start3A_1204 = arith.constant 0 : i32
    %dma_start3A_1205 = arith.constant 0 : i32
    %dma_start3A_1206 = tpu.memref_slice %arg10[%dma_start3A_1200, %dma_start3A_1204, %dma_start3A_1205] : memref<5x40x128xf32, #tpu.memory_space<vmem>> -> memref<1x40x128xf32, #tpu.memory_space<vmem>>
    %dma_start3A_1207 = tpu.memref_squeeze %dma_start3A_1206 : memref<1x40x128xf32, #tpu.memory_space<vmem>> -> memref<40x128xf32, #tpu.memory_space<vmem>>
    %dma_start3A_1208 = arith.constant 0 : i32
    %dma_start3A_1209 = tpu.memref_slice %arg9[%dma_start3A_1201, %dma_start3A_1202, %dma_start3A_1208] : memref<5x2x40xi32, #tpu.memory_space<vmem>> -> memref<1x1x40xi32, #tpu.memory_space<vmem>>
    %dma_start3A_1210 = tpu.memref_squeeze %dma_start3A_1209 : memref<1x1x40xi32, #tpu.memory_space<vmem>> -> memref<40xi32, #tpu.memory_space<vmem>>
    %dma_start3A_1211 = arith.constant 0 : i32
    %dma_start3A_1212 = arith.constant 0 : i32
    %dma_start3A_1213 = tpu.memref_slice %arg7[%dma_start3A_1211, %dma_start3A_1212] : memref<10240x128xf32, #tpu.memory_space<vmem_shared>> -> memref<10240x128xf32, #tpu.memory_space<vmem_shared>>
    %dma_start3A_1214 = tpu.memref_slice %arg12[%dma_start3A_1203] : memref<5x!tpu.dma_semaphore, #tpu.memory_space<semaphore_mem>> -> memref<1x!tpu.dma_semaphore, #tpu.memory_space<semaphore_mem>>
    %dma_start3A_1215 = tpu.memref_squeeze %dma_start3A_1214 : memref<1x!tpu.dma_semaphore, #tpu.memory_space<semaphore_mem>> -> memref<!tpu.dma_semaphore, #tpu.memory_space<semaphore_mem>>
    tpu.enqueue_indirect_dma source(%dma_start3A_1207 : memref<40x128xf32, #tpu.memory_space<vmem>>) target(%dma_start3A_1213 : memref<10240x128xf32, #tpu.memory_space<vmem_shared>>) offsets(%dma_start3A_1210 : memref<40xi32, #tpu.memory_space<vmem>>) semaphore(%dma_start3A_1215 : memref<!tpu.dma_semaphore, #tpu.memory_space<semaphore_mem>>) {add = true}
    %dma_wait3A_1216 = arith.constant 3 : i32
    %dma_wait3A_1217 = arith.constant 0 : i32
    %dma_wait3A_1218 = arith.constant 0 : i32
    %dma_wait3A_1219 = arith.constant 3 : i32
    %dma_wait3A_1220 = arith.constant 0 : i32
    %dma_wait3A_1221 = arith.constant 0 : i32
    %dma_wait3A_1222 = tpu.memref_slice %arg10[%dma_wait3A_1216, %dma_wait3A_1220, %dma_wait3A_1221] : memref<5x40x128xf32, #tpu.memory_space<vmem>> -> memref<1x40x128xf32, #tpu.memory_space<vmem>>
    %dma_wait3A_1223 = tpu.memref_squeeze %dma_wait3A_1222 : memref<1x40x128xf32, #tpu.memory_space<vmem>> -> memref<40x128xf32, #tpu.memory_space<vmem>>
    %dma_wait3A_1224 = arith.constant 0 : i32
    %dma_wait3A_1225 = tpu.memref_slice %arg9[%dma_wait3A_1217, %dma_wait3A_1218, %dma_wait3A_1224] : memref<5x2x40xi32, #tpu.memory_space<vmem>> -> memref<1x1x40xi32, #tpu.memory_space<vmem>>
    %dma_wait3A_1226 = tpu.memref_squeeze %dma_wait3A_1225 : memref<1x1x40xi32, #tpu.memory_space<vmem>> -> memref<40xi32, #tpu.memory_space<vmem>>
    %dma_wait3A_1227 = arith.constant 0 : i32
    %dma_wait3A_1228 = arith.constant 0 : i32
    %dma_wait3A_1229 = tpu.memref_slice %arg7[%dma_wait3A_1227, %dma_wait3A_1228] : memref<10240x128xf32, #tpu.memory_space<vmem_shared>> -> memref<10240x128xf32, #tpu.memory_space<vmem_shared>>
    %dma_wait3A_1230 = tpu.memref_slice %arg12[%dma_wait3A_1219] : memref<5x!tpu.dma_semaphore, #tpu.memory_space<semaphore_mem>> -> memref<1x!tpu.dma_semaphore, #tpu.memory_space<semaphore_mem>>
    %dma_wait3A_1231 = tpu.memref_squeeze %dma_wait3A_1230 : memref<1x!tpu.dma_semaphore, #tpu.memory_space<semaphore_mem>> -> memref<!tpu.dma_semaphore, #tpu.memory_space<semaphore_mem>>
    tpu.wait_indirect_dma semaphore(%dma_wait3A_1231 : memref<!tpu.dma_semaphore, #tpu.memory_space<semaphore_mem>>) src(%dma_wait3A_1223 : memref<40x128xf32, #tpu.memory_space<vmem>>) dst(%dma_wait3A_1229 : memref<10240x128xf32, #tpu.memory_space<vmem_shared>>)
    %dma_wait3A_1232 = arith.constant 3 : i32
    %dma_wait3A_1233 = arith.constant 1 : i32
    %dma_wait3A_1234 = arith.constant 3 : i32
    %dma_wait3A_1235 = arith.constant 0 : i32
    %dma_wait3A_1236 = tpu.memref_slice %arg8[%dma_wait3A_1232, %dma_wait3A_1233, %dma_wait3A_1235] : memref<5x2x40xi32, #tpu.memory_space<vmem>> -> memref<1x1x40xi32, #tpu.memory_space<vmem>>
    %dma_wait3A_1237 = tpu.memref_squeeze %dma_wait3A_1236 : memref<1x1x40xi32, #tpu.memory_space<vmem>> -> memref<40xi32, #tpu.memory_space<vmem>>
    %dma_wait3A_1238 = arith.constant 0 : i32
    %dma_wait3A_1239 = tpu.memref_slice %arg2[%dma_wait3A_1238] : memref<320000xi32, #tpu.memory_space<hbm>> -> memref<40xi32, #tpu.memory_space<hbm>>
    %dma_wait3A_1240 = tpu.memref_slice %arg13[%dma_wait3A_1234] : memref<5x!tpu.dma_semaphore, #tpu.memory_space<semaphore_mem>> -> memref<1x!tpu.dma_semaphore, #tpu.memory_space<semaphore_mem>>
    %dma_wait3A_1241 = tpu.memref_squeeze %dma_wait3A_1240 : memref<1x!tpu.dma_semaphore, #tpu.memory_space<semaphore_mem>> -> memref<!tpu.dma_semaphore, #tpu.memory_space<semaphore_mem>>
    %dma_wait3A_1242 = arith.constant 0 : i32
    %dma_wait3A_1243 = tpu.memref_slice %arg8[%dma_wait3A_1232, %dma_wait3A_1233, %dma_wait3A_1242] : memref<5x2x40xi32, #tpu.memory_space<vmem>> -> memref<1x1x40xi32, #tpu.memory_space<vmem>>
    %dma_wait3A_1244 = tpu.memref_squeeze %dma_wait3A_1243 : memref<1x1x40xi32, #tpu.memory_space<vmem>> -> memref<40xi32, #tpu.memory_space<vmem>>
    %dma_wait3A_1245 = arith.constant 0 : i32
    %dma_wait3A_1246 = tpu.memref_slice %arg2[%dma_wait3A_1245] : memref<320000xi32, #tpu.memory_space<hbm>> -> memref<40xi32, #tpu.memory_space<hbm>>
    tpu.wait_dma2 semaphore(%dma_wait3A_1241 : memref<!tpu.dma_semaphore, #tpu.memory_space<semaphore_mem>>) src(%dma_wait3A_1246 : memref<40xi32, #tpu.memory_space<hbm>>) dst(%dma_wait3A_1244 : memref<40xi32, #tpu.memory_space<vmem>>)
    %dma_wait3A_1247 = arith.constant 3 : i32
    %dma_wait3A_1248 = arith.constant 1 : i32
    %dma_wait3A_1249 = arith.constant 3 : i32
    %dma_wait3A_1250 = arith.constant 0 : i32
    %dma_wait3A_1251 = tpu.memref_slice %arg9[%dma_wait3A_1247, %dma_wait3A_1248, %dma_wait3A_1250] : memref<5x2x40xi32, #tpu.memory_space<vmem>> -> memref<1x1x40xi32, #tpu.memory_space<vmem>>
    %dma_wait3A_1252 = tpu.memref_squeeze %dma_wait3A_1251 : memref<1x1x40xi32, #tpu.memory_space<vmem>> -> memref<40xi32, #tpu.memory_space<vmem>>
    %dma_wait3A_1253 = arith.constant 0 : i32
    %dma_wait3A_1254 = tpu.memref_slice %arg3[%dma_wait3A_1253] : memref<320000xi32, #tpu.memory_space<hbm>> -> memref<40xi32, #tpu.memory_space<hbm>>
    %dma_wait3A_1255 = tpu.memref_slice %arg14[%dma_wait3A_1249] : memref<5x!tpu.dma_semaphore, #tpu.memory_space<semaphore_mem>> -> memref<1x!tpu.dma_semaphore, #tpu.memory_space<semaphore_mem>>
    %dma_wait3A_1256 = tpu.memref_squeeze %dma_wait3A_1255 : memref<1x!tpu.dma_semaphore, #tpu.memory_space<semaphore_mem>> -> memref<!tpu.dma_semaphore, #tpu.memory_space<semaphore_mem>>
    %dma_wait3A_1257 = arith.constant 0 : i32
    %dma_wait3A_1258 = tpu.memref_slice %arg9[%dma_wait3A_1247, %dma_wait3A_1248, %dma_wait3A_1257] : memref<5x2x40xi32, #tpu.memory_space<vmem>> -> memref<1x1x40xi32, #tpu.memory_space<vmem>>
    %dma_wait3A_1259 = tpu.memref_squeeze %dma_wait3A_1258 : memref<1x1x40xi32, #tpu.memory_space<vmem>> -> memref<40xi32, #tpu.memory_space<vmem>>
    %dma_wait3A_1260 = arith.constant 0 : i32
    %dma_wait3A_1261 = tpu.memref_slice %arg3[%dma_wait3A_1260] : memref<320000xi32, #tpu.memory_space<hbm>> -> memref<40xi32, #tpu.memory_space<hbm>>
    tpu.wait_dma2 semaphore(%dma_wait3A_1256 : memref<!tpu.dma_semaphore, #tpu.memory_space<semaphore_mem>>) src(%dma_wait3A_1261 : memref<40xi32, #tpu.memory_space<hbm>>) dst(%dma_wait3A_1259 : memref<40xi32, #tpu.memory_space<vmem>>)
    %dma_start3A_1262 = arith.constant 3 : i32
    %dma_start3A_1263 = arith.constant 1 : i32
    %dma_start3A_1264 = arith.constant 3 : i32
    %dma_start3A_1265 = arith.constant 3 : i32
    %dma_start3A_1266 = arith.constant 0 : i32
    %dma_start3A_1267 = arith.constant 0 : i32
    %dma_start3A_1268 = tpu.memref_slice %arg10[%dma_start3A_1264, %dma_start3A_1266, %dma_start3A_1267] : memref<5x40x128xf32, #tpu.memory_space<vmem>> -> memref<1x40x128xf32, #tpu.memory_space<vmem>>
    %dma_start3A_1269 = tpu.memref_squeeze %dma_start3A_1268 : memref<1x40x128xf32, #tpu.memory_space<vmem>> -> memref<40x128xf32, #tpu.memory_space<vmem>>
    %dma_start3A_1270 = arith.constant 0 : i32
    %dma_start3A_1271 = tpu.memref_slice %arg8[%dma_start3A_1262, %dma_start3A_1263, %dma_start3A_1270] : memref<5x2x40xi32, #tpu.memory_space<vmem>> -> memref<1x1x40xi32, #tpu.memory_space<vmem>>
    %dma_start3A_1272 = tpu.memref_squeeze %dma_start3A_1271 : memref<1x1x40xi32, #tpu.memory_space<vmem>> -> memref<40xi32, #tpu.memory_space<vmem>>
    %dma_start3A_1273 = arith.constant 0 : i32
    %dma_start3A_1274 = arith.constant 0 : i32
    %dma_start3A_1275 = tpu.memref_slice %arg4[%dma_start3A_1273, %dma_start3A_1274] : memref<10000x128xf32, #tpu.memory_space<hbm>> -> memref<10000x128xf32, #tpu.memory_space<hbm>>
    %dma_start3A_1276 = tpu.memref_slice %arg11[%dma_start3A_1265] : memref<5x!tpu.dma_semaphore, #tpu.memory_space<semaphore_mem>> -> memref<1x!tpu.dma_semaphore, #tpu.memory_space<semaphore_mem>>
    %dma_start3A_1277 = tpu.memref_squeeze %dma_start3A_1276 : memref<1x!tpu.dma_semaphore, #tpu.memory_space<semaphore_mem>> -> memref<!tpu.dma_semaphore, #tpu.memory_space<semaphore_mem>>
    tpu.enqueue_indirect_dma source(%dma_start3A_1275 : memref<10000x128xf32, #tpu.memory_space<hbm>>) target(%dma_start3A_1269 : memref<40x128xf32, #tpu.memory_space<vmem>>) offsets(%dma_start3A_1272 : memref<40xi32, #tpu.memory_space<vmem>>) semaphore(%dma_start3A_1277 : memref<!tpu.dma_semaphore, #tpu.memory_space<semaphore_mem>>)
    %dma_wait3A_1278 = arith.constant 0 : i32
    %dma_wait3A_1279 = arith.constant 0 : i32
    %dma_wait3A_1280 = arith.constant 0 : i32
    %dma_wait3A_1281 = arith.constant 0 : i32
    %dma_wait3A_1282 = arith.constant 0 : i32
    %dma_wait3A_1283 = arith.constant 0 : i32
    %dma_wait3A_1284 = tpu.memref_slice %arg10[%dma_wait3A_1280, %dma_wait3A_1282, %dma_wait3A_1283] : memref<5x40x128xf32, #tpu.memory_space<vmem>> -> memref<1x40x128xf32, #tpu.memory_space<vmem>>
    %dma_wait3A_1285 = tpu.memref_squeeze %dma_wait3A_1284 : memref<1x40x128xf32, #tpu.memory_space<vmem>> -> memref<40x128xf32, #tpu.memory_space<vmem>>
    %dma_wait3A_1286 = arith.constant 0 : i32
    %dma_wait3A_1287 = tpu.memref_slice %arg8[%dma_wait3A_1278, %dma_wait3A_1279, %dma_wait3A_1286] : memref<5x2x40xi32, #tpu.memory_space<vmem>> -> memref<1x1x40xi32, #tpu.memory_space<vmem>>
    %dma_wait3A_1288 = tpu.memref_squeeze %dma_wait3A_1287 : memref<1x1x40xi32, #tpu.memory_space<vmem>> -> memref<40xi32, #tpu.memory_space<vmem>>
    %dma_wait3A_1289 = arith.constant 0 : i32
    %dma_wait3A_1290 = arith.constant 0 : i32
    %dma_wait3A_1291 = tpu.memref_slice %arg4[%dma_wait3A_1289, %dma_wait3A_1290] : memref<10000x128xf32, #tpu.memory_space<hbm>> -> memref<10000x128xf32, #tpu.memory_space<hbm>>
    %dma_wait3A_1292 = tpu.memref_slice %arg11[%dma_wait3A_1281] : memref<5x!tpu.dma_semaphore, #tpu.memory_space<semaphore_mem>> -> memref<1x!tpu.dma_semaphore, #tpu.memory_space<semaphore_mem>>
    %dma_wait3A_1293 = tpu.memref_squeeze %dma_wait3A_1292 : memref<1x!tpu.dma_semaphore, #tpu.memory_space<semaphore_mem>> -> memref<!tpu.dma_semaphore, #tpu.memory_space<semaphore_mem>>
    tpu.wait_indirect_dma semaphore(%dma_wait3A_1293 : memref<!tpu.dma_semaphore, #tpu.memory_space<semaphore_mem>>) src(%dma_wait3A_1291 : memref<10000x128xf32, #tpu.memory_space<hbm>>) dst(%dma_wait3A_1285 : memref<40x128xf32, #tpu.memory_space<vmem>>)
    %dma_start3A_1294 = arith.constant 0 : i32
    %dma_start3A_1295 = arith.constant 0 : i32
    %dma_start3A_1296 = arith.constant 1 : i32
    %dma_start3A_1297 = arith.constant 0 : i32
    %dma_start3A_1298 = arith.constant 0 : i32
    %dma_start3A_1299 = arith.constant 0 : i32
    %dma_start3A_1300 = tpu.memref_slice %arg10[%dma_start3A_1294, %dma_start3A_1298, %dma_start3A_1299] : memref<5x40x128xf32, #tpu.memory_space<vmem>> -> memref<1x40x128xf32, #tpu.memory_space<vmem>>
    %dma_start3A_1301 = tpu.memref_squeeze %dma_start3A_1300 : memref<1x40x128xf32, #tpu.memory_space<vmem>> -> memref<40x128xf32, #tpu.memory_space<vmem>>
    %dma_start3A_1302 = arith.constant 0 : i32
    %dma_start3A_1303 = tpu.memref_slice %arg9[%dma_start3A_1295, %dma_start3A_1296, %dma_start3A_1302] : memref<5x2x40xi32, #tpu.memory_space<vmem>> -> memref<1x1x40xi32, #tpu.memory_space<vmem>>
    %dma_start3A_1304 = tpu.memref_squeeze %dma_start3A_1303 : memref<1x1x40xi32, #tpu.memory_space<vmem>> -> memref<40xi32, #tpu.memory_space<vmem>>
    %dma_start3A_1305 = arith.constant 0 : i32
    %dma_start3A_1306 = arith.constant 0 : i32
    %dma_start3A_1307 = tpu.memref_slice %arg7[%dma_start3A_1305, %dma_start3A_1306] : memref<10240x128xf32, #tpu.memory_space<vmem_shared>> -> memref<10240x128xf32, #tpu.memory_space<vmem_shared>>
    %dma_start3A_1308 = tpu.memref_slice %arg12[%dma_start3A_1297] : memref<5x!tpu.dma_semaphore, #tpu.memory_space<semaphore_mem>> -> memref<1x!tpu.dma_semaphore, #tpu.memory_space<semaphore_mem>>
    %dma_start3A_1309 = tpu.memref_squeeze %dma_start3A_1308 : memref<1x!tpu.dma_semaphore, #tpu.memory_space<semaphore_mem>> -> memref<!tpu.dma_semaphore, #tpu.memory_space<semaphore_mem>>
    tpu.enqueue_indirect_dma source(%dma_start3A_1301 : memref<40x128xf32, #tpu.memory_space<vmem>>) target(%dma_start3A_1307 : memref<10240x128xf32, #tpu.memory_space<vmem_shared>>) offsets(%dma_start3A_1304 : memref<40xi32, #tpu.memory_space<vmem>>) semaphore(%dma_start3A_1309 : memref<!tpu.dma_semaphore, #tpu.memory_space<semaphore_mem>>) {add = true}
    %dma_wait3A_1310 = arith.constant 4 : i32
    %dma_wait3A_1311 = arith.constant 0 : i32
    %dma_wait3A_1312 = arith.constant 0 : i32
    %dma_wait3A_1313 = arith.constant 4 : i32
    %dma_wait3A_1314 = arith.constant 0 : i32
    %dma_wait3A_1315 = arith.constant 0 : i32
    %dma_wait3A_1316 = tpu.memref_slice %arg10[%dma_wait3A_1310, %dma_wait3A_1314, %dma_wait3A_1315] : memref<5x40x128xf32, #tpu.memory_space<vmem>> -> memref<1x40x128xf32, #tpu.memory_space<vmem>>
    %dma_wait3A_1317 = tpu.memref_squeeze %dma_wait3A_1316 : memref<1x40x128xf32, #tpu.memory_space<vmem>> -> memref<40x128xf32, #tpu.memory_space<vmem>>
    %dma_wait3A_1318 = arith.constant 0 : i32
    %dma_wait3A_1319 = tpu.memref_slice %arg9[%dma_wait3A_1311, %dma_wait3A_1312, %dma_wait3A_1318] : memref<5x2x40xi32, #tpu.memory_space<vmem>> -> memref<1x1x40xi32, #tpu.memory_space<vmem>>
    %dma_wait3A_1320 = tpu.memref_squeeze %dma_wait3A_1319 : memref<1x1x40xi32, #tpu.memory_space<vmem>> -> memref<40xi32, #tpu.memory_space<vmem>>
    %dma_wait3A_1321 = arith.constant 0 : i32
    %dma_wait3A_1322 = arith.constant 0 : i32
    %dma_wait3A_1323 = tpu.memref_slice %arg7[%dma_wait3A_1321, %dma_wait3A_1322] : memref<10240x128xf32, #tpu.memory_space<vmem_shared>> -> memref<10240x128xf32, #tpu.memory_space<vmem_shared>>
    %dma_wait3A_1324 = tpu.memref_slice %arg12[%dma_wait3A_1313] : memref<5x!tpu.dma_semaphore, #tpu.memory_space<semaphore_mem>> -> memref<1x!tpu.dma_semaphore, #tpu.memory_space<semaphore_mem>>
    %dma_wait3A_1325 = tpu.memref_squeeze %dma_wait3A_1324 : memref<1x!tpu.dma_semaphore, #tpu.memory_space<semaphore_mem>> -> memref<!tpu.dma_semaphore, #tpu.memory_space<semaphore_mem>>
    tpu.wait_indirect_dma semaphore(%dma_wait3A_1325 : memref<!tpu.dma_semaphore, #tpu.memory_space<semaphore_mem>>) src(%dma_wait3A_1317 : memref<40x128xf32, #tpu.memory_space<vmem>>) dst(%dma_wait3A_1323 : memref<10240x128xf32, #tpu.memory_space<vmem_shared>>)
    %dma_wait3A_1326 = arith.constant 4 : i32
    %dma_wait3A_1327 = arith.constant 1 : i32
    %dma_wait3A_1328 = arith.constant 4 : i32
    %dma_wait3A_1329 = arith.constant 0 : i32
    %dma_wait3A_1330 = tpu.memref_slice %arg8[%dma_wait3A_1326, %dma_wait3A_1327, %dma_wait3A_1329] : memref<5x2x40xi32, #tpu.memory_space<vmem>> -> memref<1x1x40xi32, #tpu.memory_space<vmem>>
    %dma_wait3A_1331 = tpu.memref_squeeze %dma_wait3A_1330 : memref<1x1x40xi32, #tpu.memory_space<vmem>> -> memref<40xi32, #tpu.memory_space<vmem>>
    %dma_wait3A_1332 = arith.constant 0 : i32
    %dma_wait3A_1333 = tpu.memref_slice %arg2[%dma_wait3A_1332] : memref<320000xi32, #tpu.memory_space<hbm>> -> memref<40xi32, #tpu.memory_space<hbm>>
    %dma_wait3A_1334 = tpu.memref_slice %arg13[%dma_wait3A_1328] : memref<5x!tpu.dma_semaphore, #tpu.memory_space<semaphore_mem>> -> memref<1x!tpu.dma_semaphore, #tpu.memory_space<semaphore_mem>>
    %dma_wait3A_1335 = tpu.memref_squeeze %dma_wait3A_1334 : memref<1x!tpu.dma_semaphore, #tpu.memory_space<semaphore_mem>> -> memref<!tpu.dma_semaphore, #tpu.memory_space<semaphore_mem>>
    %dma_wait3A_1336 = arith.constant 0 : i32
    %dma_wait3A_1337 = tpu.memref_slice %arg8[%dma_wait3A_1326, %dma_wait3A_1327, %dma_wait3A_1336] : memref<5x2x40xi32, #tpu.memory_space<vmem>> -> memref<1x1x40xi32, #tpu.memory_space<vmem>>
    %dma_wait3A_1338 = tpu.memref_squeeze %dma_wait3A_1337 : memref<1x1x40xi32, #tpu.memory_space<vmem>> -> memref<40xi32, #tpu.memory_space<vmem>>
    %dma_wait3A_1339 = arith.constant 0 : i32
    %dma_wait3A_1340 = tpu.memref_slice %arg2[%dma_wait3A_1339] : memref<320000xi32, #tpu.memory_space<hbm>> -> memref<40xi32, #tpu.memory_space<hbm>>
    tpu.wait_dma2 semaphore(%dma_wait3A_1335 : memref<!tpu.dma_semaphore, #tpu.memory_space<semaphore_mem>>) src(%dma_wait3A_1340 : memref<40xi32, #tpu.memory_space<hbm>>) dst(%dma_wait3A_1338 : memref<40xi32, #tpu.memory_space<vmem>>)
    %dma_wait3A_1341 = arith.constant 4 : i32
    %dma_wait3A_1342 = arith.constant 1 : i32
    %dma_wait3A_1343 = arith.constant 4 : i32
    %dma_wait3A_1344 = arith.constant 0 : i32
    %dma_wait3A_1345 = tpu.memref_slice %arg9[%dma_wait3A_1341, %dma_wait3A_1342, %dma_wait3A_1344] : memref<5x2x40xi32, #tpu.memory_space<vmem>> -> memref<1x1x40xi32, #tpu.memory_space<vmem>>
    %dma_wait3A_1346 = tpu.memref_squeeze %dma_wait3A_1345 : memref<1x1x40xi32, #tpu.memory_space<vmem>> -> memref<40xi32, #tpu.memory_space<vmem>>
    %dma_wait3A_1347 = arith.constant 0 : i32
    %dma_wait3A_1348 = tpu.memref_slice %arg3[%dma_wait3A_1347] : memref<320000xi32, #tpu.memory_space<hbm>> -> memref<40xi32, #tpu.memory_space<hbm>>
    %dma_wait3A_1349 = tpu.memref_slice %arg14[%dma_wait3A_1343] : memref<5x!tpu.dma_semaphore, #tpu.memory_space<semaphore_mem>> -> memref<1x!tpu.dma_semaphore, #tpu.memory_space<semaphore_mem>>
    %dma_wait3A_1350 = tpu.memref_squeeze %dma_wait3A_1349 : memref<1x!tpu.dma_semaphore, #tpu.memory_space<semaphore_mem>> -> memref<!tpu.dma_semaphore, #tpu.memory_space<semaphore_mem>>
    %dma_wait3A_1351 = arith.constant 0 : i32
    %dma_wait3A_1352 = tpu.memref_slice %arg9[%dma_wait3A_1341, %dma_wait3A_1342, %dma_wait3A_1351] : memref<5x2x40xi32, #tpu.memory_space<vmem>> -> memref<1x1x40xi32, #tpu.memory_space<vmem>>
    %dma_wait3A_1353 = tpu.memref_squeeze %dma_wait3A_1352 : memref<1x1x40xi32, #tpu.memory_space<vmem>> -> memref<40xi32, #tpu.memory_space<vmem>>
    %dma_wait3A_1354 = arith.constant 0 : i32
    %dma_wait3A_1355 = tpu.memref_slice %arg3[%dma_wait3A_1354] : memref<320000xi32, #tpu.memory_space<hbm>> -> memref<40xi32, #tpu.memory_space<hbm>>
    tpu.wait_dma2 semaphore(%dma_wait3A_1350 : memref<!tpu.dma_semaphore, #tpu.memory_space<semaphore_mem>>) src(%dma_wait3A_1355 : memref<40xi32, #tpu.memory_space<hbm>>) dst(%dma_wait3A_1353 : memref<40xi32, #tpu.memory_space<vmem>>)
    %dma_start3A_1356 = arith.constant 4 : i32
    %dma_start3A_1357 = arith.constant 1 : i32
    %dma_start3A_1358 = arith.constant 4 : i32
    %dma_start3A_1359 = arith.constant 4 : i32
    %dma_start3A_1360 = arith.constant 0 : i32
    %dma_start3A_1361 = arith.constant 0 : i32
    %dma_start3A_1362 = tpu.memref_slice %arg10[%dma_start3A_1358, %dma_start3A_1360, %dma_start3A_1361] : memref<5x40x128xf32, #tpu.memory_space<vmem>> -> memref<1x40x128xf32, #tpu.memory_space<vmem>>
    %dma_start3A_1363 = tpu.memref_squeeze %dma_start3A_1362 : memref<1x40x128xf32, #tpu.memory_space<vmem>> -> memref<40x128xf32, #tpu.memory_space<vmem>>
    %dma_start3A_1364 = arith.constant 0 : i32
    %dma_start3A_1365 = tpu.memref_slice %arg8[%dma_start3A_1356, %dma_start3A_1357, %dma_start3A_1364] : memref<5x2x40xi32, #tpu.memory_space<vmem>> -> memref<1x1x40xi32, #tpu.memory_space<vmem>>
    %dma_start3A_1366 = tpu.memref_squeeze %dma_start3A_1365 : memref<1x1x40xi32, #tpu.memory_space<vmem>> -> memref<40xi32, #tpu.memory_space<vmem>>
    %dma_start3A_1367 = arith.constant 0 : i32
    %dma_start3A_1368 = arith.constant 0 : i32
    %dma_start3A_1369 = tpu.memref_slice %arg4[%dma_start3A_1367, %dma_start3A_1368] : memref<10000x128xf32, #tpu.memory_space<hbm>> -> memref<10000x128xf32, #tpu.memory_space<hbm>>
    %dma_start3A_1370 = tpu.memref_slice %arg11[%dma_start3A_1359] : memref<5x!tpu.dma_semaphore, #tpu.memory_space<semaphore_mem>> -> memref<1x!tpu.dma_semaphore, #tpu.memory_space<semaphore_mem>>
    %dma_start3A_1371 = tpu.memref_squeeze %dma_start3A_1370 : memref<1x!tpu.dma_semaphore, #tpu.memory_space<semaphore_mem>> -> memref<!tpu.dma_semaphore, #tpu.memory_space<semaphore_mem>>
    tpu.enqueue_indirect_dma source(%dma_start3A_1369 : memref<10000x128xf32, #tpu.memory_space<hbm>>) target(%dma_start3A_1363 : memref<40x128xf32, #tpu.memory_space<vmem>>) offsets(%dma_start3A_1366 : memref<40xi32, #tpu.memory_space<vmem>>) semaphore(%dma_start3A_1371 : memref<!tpu.dma_semaphore, #tpu.memory_space<semaphore_mem>>)
    %dma_wait3A_1372 = arith.constant 0 : i32
    %dma_wait3A_1373 = arith.constant 0 : i32
    %dma_wait3A_1374 = arith.constant 1 : i32
    %dma_wait3A_1375 = arith.constant 1 : i32
    %dma_wait3A_1376 = arith.constant 0 : i32
    %dma_wait3A_1377 = arith.constant 0 : i32
    %dma_wait3A_1378 = tpu.memref_slice %arg10[%dma_wait3A_1374, %dma_wait3A_1376, %dma_wait3A_1377] : memref<5x40x128xf32, #tpu.memory_space<vmem>> -> memref<1x40x128xf32, #tpu.memory_space<vmem>>
    %dma_wait3A_1379 = tpu.memref_squeeze %dma_wait3A_1378 : memref<1x40x128xf32, #tpu.memory_space<vmem>> -> memref<40x128xf32, #tpu.memory_space<vmem>>
    %dma_wait3A_1380 = arith.constant 0 : i32
    %dma_wait3A_1381 = tpu.memref_slice %arg8[%dma_wait3A_1372, %dma_wait3A_1373, %dma_wait3A_1380] : memref<5x2x40xi32, #tpu.memory_space<vmem>> -> memref<1x1x40xi32, #tpu.memory_space<vmem>>
    %dma_wait3A_1382 = tpu.memref_squeeze %dma_wait3A_1381 : memref<1x1x40xi32, #tpu.memory_space<vmem>> -> memref<40xi32, #tpu.memory_space<vmem>>
    %dma_wait3A_1383 = arith.constant 0 : i32
    %dma_wait3A_1384 = arith.constant 0 : i32
    %dma_wait3A_1385 = tpu.memref_slice %arg4[%dma_wait3A_1383, %dma_wait3A_1384] : memref<10000x128xf32, #tpu.memory_space<hbm>> -> memref<10000x128xf32, #tpu.memory_space<hbm>>
    %dma_wait3A_1386 = tpu.memref_slice %arg11[%dma_wait3A_1375] : memref<5x!tpu.dma_semaphore, #tpu.memory_space<semaphore_mem>> -> memref<1x!tpu.dma_semaphore, #tpu.memory_space<semaphore_mem>>
    %dma_wait3A_1387 = tpu.memref_squeeze %dma_wait3A_1386 : memref<1x!tpu.dma_semaphore, #tpu.memory_space<semaphore_mem>> -> memref<!tpu.dma_semaphore, #tpu.memory_space<semaphore_mem>>
    tpu.wait_indirect_dma semaphore(%dma_wait3A_1387 : memref<!tpu.dma_semaphore, #tpu.memory_space<semaphore_mem>>) src(%dma_wait3A_1385 : memref<10000x128xf32, #tpu.memory_space<hbm>>) dst(%dma_wait3A_1379 : memref<40x128xf32, #tpu.memory_space<vmem>>)
    %dma_start3A_1388 = arith.constant 1 : i32
    %dma_start3A_1389 = arith.constant 1 : i32
    %dma_start3A_1390 = arith.constant 1 : i32
    %dma_start3A_1391 = arith.constant 1 : i32
    %dma_start3A_1392 = arith.constant 0 : i32
    %dma_start3A_1393 = arith.constant 0 : i32
    %dma_start3A_1394 = tpu.memref_slice %arg10[%dma_start3A_1388, %dma_start3A_1392, %dma_start3A_1393] : memref<5x40x128xf32, #tpu.memory_space<vmem>> -> memref<1x40x128xf32, #tpu.memory_space<vmem>>
    %dma_start3A_1395 = tpu.memref_squeeze %dma_start3A_1394 : memref<1x40x128xf32, #tpu.memory_space<vmem>> -> memref<40x128xf32, #tpu.memory_space<vmem>>
    %dma_start3A_1396 = arith.constant 0 : i32
    %dma_start3A_1397 = tpu.memref_slice %arg9[%dma_start3A_1389, %dma_start3A_1390, %dma_start3A_1396] : memref<5x2x40xi32, #tpu.memory_space<vmem>> -> memref<1x1x40xi32, #tpu.memory_space<vmem>>
    %dma_start3A_1398 = tpu.memref_squeeze %dma_start3A_1397 : memref<1x1x40xi32, #tpu.memory_space<vmem>> -> memref<40xi32, #tpu.memory_space<vmem>>
    %dma_start3A_1399 = arith.constant 0 : i32
    %dma_start3A_1400 = arith.constant 0 : i32
    %dma_start3A_1401 = tpu.memref_slice %arg7[%dma_start3A_1399, %dma_start3A_1400] : memref<10240x128xf32, #tpu.memory_space<vmem_shared>> -> memref<10240x128xf32, #tpu.memory_space<vmem_shared>>
    %dma_start3A_1402 = tpu.memref_slice %arg12[%dma_start3A_1391] : memref<5x!tpu.dma_semaphore, #tpu.memory_space<semaphore_mem>> -> memref<1x!tpu.dma_semaphore, #tpu.memory_space<semaphore_mem>>
    %dma_start3A_1403 = tpu.memref_squeeze %dma_start3A_1402 : memref<1x!tpu.dma_semaphore, #tpu.memory_space<semaphore_mem>> -> memref<!tpu.dma_semaphore, #tpu.memory_space<semaphore_mem>>
    tpu.enqueue_indirect_dma source(%dma_start3A_1395 : memref<40x128xf32, #tpu.memory_space<vmem>>) target(%dma_start3A_1401 : memref<10240x128xf32, #tpu.memory_space<vmem_shared>>) offsets(%dma_start3A_1398 : memref<40xi32, #tpu.memory_space<vmem>>) semaphore(%dma_start3A_1403 : memref<!tpu.dma_semaphore, #tpu.memory_space<semaphore_mem>>) {add = true}
    %dma_wait3A_1404 = arith.constant 0 : i32
    %dma_wait3A_1405 = arith.constant 0 : i32
    %dma_wait3A_1406 = arith.constant 0 : i32
    %dma_wait3A_1407 = arith.constant 0 : i32
    %dma_wait3A_1408 = arith.constant 0 : i32
    %dma_wait3A_1409 = arith.constant 0 : i32
    %dma_wait3A_1410 = tpu.memref_slice %arg10[%dma_wait3A_1404, %dma_wait3A_1408, %dma_wait3A_1409] : memref<5x40x128xf32, #tpu.memory_space<vmem>> -> memref<1x40x128xf32, #tpu.memory_space<vmem>>
    %dma_wait3A_1411 = tpu.memref_squeeze %dma_wait3A_1410 : memref<1x40x128xf32, #tpu.memory_space<vmem>> -> memref<40x128xf32, #tpu.memory_space<vmem>>
    %dma_wait3A_1412 = arith.constant 0 : i32
    %dma_wait3A_1413 = tpu.memref_slice %arg9[%dma_wait3A_1405, %dma_wait3A_1406, %dma_wait3A_1412] : memref<5x2x40xi32, #tpu.memory_space<vmem>> -> memref<1x1x40xi32, #tpu.memory_space<vmem>>
    %dma_wait3A_1414 = tpu.memref_squeeze %dma_wait3A_1413 : memref<1x1x40xi32, #tpu.memory_space<vmem>> -> memref<40xi32, #tpu.memory_space<vmem>>
    %dma_wait3A_1415 = arith.constant 0 : i32
    %dma_wait3A_1416 = arith.constant 0 : i32
    %dma_wait3A_1417 = tpu.memref_slice %arg7[%dma_wait3A_1415, %dma_wait3A_1416] : memref<10240x128xf32, #tpu.memory_space<vmem_shared>> -> memref<10240x128xf32, #tpu.memory_space<vmem_shared>>
    %dma_wait3A_1418 = tpu.memref_slice %arg12[%dma_wait3A_1407] : memref<5x!tpu.dma_semaphore, #tpu.memory_space<semaphore_mem>> -> memref<1x!tpu.dma_semaphore, #tpu.memory_space<semaphore_mem>>
    %dma_wait3A_1419 = tpu.memref_squeeze %dma_wait3A_1418 : memref<1x!tpu.dma_semaphore, #tpu.memory_space<semaphore_mem>> -> memref<!tpu.dma_semaphore, #tpu.memory_space<semaphore_mem>>
    tpu.wait_indirect_dma semaphore(%dma_wait3A_1419 : memref<!tpu.dma_semaphore, #tpu.memory_space<semaphore_mem>>) src(%dma_wait3A_1411 : memref<40x128xf32, #tpu.memory_space<vmem>>) dst(%dma_wait3A_1417 : memref<10240x128xf32, #tpu.memory_space<vmem_shared>>)
    %dma_wait3A_1420 = arith.constant 0 : i32
    %dma_wait3A_1421 = arith.constant 0 : i32
    %dma_wait3A_1422 = arith.constant 2 : i32
    %dma_wait3A_1423 = arith.constant 2 : i32
    %dma_wait3A_1424 = arith.constant 0 : i32
    %dma_wait3A_1425 = arith.constant 0 : i32
    %dma_wait3A_1426 = tpu.memref_slice %arg10[%dma_wait3A_1422, %dma_wait3A_1424, %dma_wait3A_1425] : memref<5x40x128xf32, #tpu.memory_space<vmem>> -> memref<1x40x128xf32, #tpu.memory_space<vmem>>
    %dma_wait3A_1427 = tpu.memref_squeeze %dma_wait3A_1426 : memref<1x40x128xf32, #tpu.memory_space<vmem>> -> memref<40x128xf32, #tpu.memory_space<vmem>>
    %dma_wait3A_1428 = arith.constant 0 : i32
    %dma_wait3A_1429 = tpu.memref_slice %arg8[%dma_wait3A_1420, %dma_wait3A_1421, %dma_wait3A_1428] : memref<5x2x40xi32, #tpu.memory_space<vmem>> -> memref<1x1x40xi32, #tpu.memory_space<vmem>>
    %dma_wait3A_1430 = tpu.memref_squeeze %dma_wait3A_1429 : memref<1x1x40xi32, #tpu.memory_space<vmem>> -> memref<40xi32, #tpu.memory_space<vmem>>
    %dma_wait3A_1431 = arith.constant 0 : i32
    %dma_wait3A_1432 = arith.constant 0 : i32
    %dma_wait3A_1433 = tpu.memref_slice %arg4[%dma_wait3A_1431, %dma_wait3A_1432] : memref<10000x128xf32, #tpu.memory_space<hbm>> -> memref<10000x128xf32, #tpu.memory_space<hbm>>
    %dma_wait3A_1434 = tpu.memref_slice %arg11[%dma_wait3A_1423] : memref<5x!tpu.dma_semaphore, #tpu.memory_space<semaphore_mem>> -> memref<1x!tpu.dma_semaphore, #tpu.memory_space<semaphore_mem>>
    %dma_wait3A_1435 = tpu.memref_squeeze %dma_wait3A_1434 : memref<1x!tpu.dma_semaphore, #tpu.memory_space<semaphore_mem>> -> memref<!tpu.dma_semaphore, #tpu.memory_space<semaphore_mem>>
    tpu.wait_indirect_dma semaphore(%dma_wait3A_1435 : memref<!tpu.dma_semaphore, #tpu.memory_space<semaphore_mem>>) src(%dma_wait3A_1433 : memref<10000x128xf32, #tpu.memory_space<hbm>>) dst(%dma_wait3A_1427 : memref<40x128xf32, #tpu.memory_space<vmem>>)
    %dma_start3A_1436 = arith.constant 2 : i32
    %dma_start3A_1437 = arith.constant 2 : i32
    %dma_start3A_1438 = arith.constant 1 : i32
    %dma_start3A_1439 = arith.constant 2 : i32
    %dma_start3A_1440 = arith.constant 0 : i32
    %dma_start3A_1441 = arith.constant 0 : i32
    %dma_start3A_1442 = tpu.memref_slice %arg10[%dma_start3A_1436, %dma_start3A_1440, %dma_start3A_1441] : memref<5x40x128xf32, #tpu.memory_space<vmem>> -> memref<1x40x128xf32, #tpu.memory_space<vmem>>
    %dma_start3A_1443 = tpu.memref_squeeze %dma_start3A_1442 : memref<1x40x128xf32, #tpu.memory_space<vmem>> -> memref<40x128xf32, #tpu.memory_space<vmem>>
    %dma_start3A_1444 = arith.constant 0 : i32
    %dma_start3A_1445 = tpu.memref_slice %arg9[%dma_start3A_1437, %dma_start3A_1438, %dma_start3A_1444] : memref<5x2x40xi32, #tpu.memory_space<vmem>> -> memref<1x1x40xi32, #tpu.memory_space<vmem>>
    %dma_start3A_1446 = tpu.memref_squeeze %dma_start3A_1445 : memref<1x1x40xi32, #tpu.memory_space<vmem>> -> memref<40xi32, #tpu.memory_space<vmem>>
    %dma_start3A_1447 = arith.constant 0 : i32
    %dma_start3A_1448 = arith.constant 0 : i32
    %dma_start3A_1449 = tpu.memref_slice %arg7[%dma_start3A_1447, %dma_start3A_1448] : memref<10240x128xf32, #tpu.memory_space<vmem_shared>> -> memref<10240x128xf32, #tpu.memory_space<vmem_shared>>
    %dma_start3A_1450 = tpu.memref_slice %arg12[%dma_start3A_1439] : memref<5x!tpu.dma_semaphore, #tpu.memory_space<semaphore_mem>> -> memref<1x!tpu.dma_semaphore, #tpu.memory_space<semaphore_mem>>
    %dma_start3A_1451 = tpu.memref_squeeze %dma_start3A_1450 : memref<1x!tpu.dma_semaphore, #tpu.memory_space<semaphore_mem>> -> memref<!tpu.dma_semaphore, #tpu.memory_space<semaphore_mem>>
    tpu.enqueue_indirect_dma source(%dma_start3A_1443 : memref<40x128xf32, #tpu.memory_space<vmem>>) target(%dma_start3A_1449 : memref<10240x128xf32, #tpu.memory_space<vmem_shared>>) offsets(%dma_start3A_1446 : memref<40xi32, #tpu.memory_space<vmem>>) semaphore(%dma_start3A_1451 : memref<!tpu.dma_semaphore, #tpu.memory_space<semaphore_mem>>) {add = true}
    %dma_wait3A_1452 = arith.constant 1 : i32
    %dma_wait3A_1453 = arith.constant 0 : i32
    %dma_wait3A_1454 = arith.constant 0 : i32
    %dma_wait3A_1455 = arith.constant 1 : i32
    %dma_wait3A_1456 = arith.constant 0 : i32
    %dma_wait3A_1457 = arith.constant 0 : i32
    %dma_wait3A_1458 = tpu.memref_slice %arg10[%dma_wait3A_1452, %dma_wait3A_1456, %dma_wait3A_1457] : memref<5x40x128xf32, #tpu.memory_space<vmem>> -> memref<1x40x128xf32, #tpu.memory_space<vmem>>
    %dma_wait3A_1459 = tpu.memref_squeeze %dma_wait3A_1458 : memref<1x40x128xf32, #tpu.memory_space<vmem>> -> memref<40x128xf32, #tpu.memory_space<vmem>>
    %dma_wait3A_1460 = arith.constant 0 : i32
    %dma_wait3A_1461 = tpu.memref_slice %arg9[%dma_wait3A_1453, %dma_wait3A_1454, %dma_wait3A_1460] : memref<5x2x40xi32, #tpu.memory_space<vmem>> -> memref<1x1x40xi32, #tpu.memory_space<vmem>>
    %dma_wait3A_1462 = tpu.memref_squeeze %dma_wait3A_1461 : memref<1x1x40xi32, #tpu.memory_space<vmem>> -> memref<40xi32, #tpu.memory_space<vmem>>
    %dma_wait3A_1463 = arith.constant 0 : i32
    %dma_wait3A_1464 = arith.constant 0 : i32
    %dma_wait3A_1465 = tpu.memref_slice %arg7[%dma_wait3A_1463, %dma_wait3A_1464] : memref<10240x128xf32, #tpu.memory_space<vmem_shared>> -> memref<10240x128xf32, #tpu.memory_space<vmem_shared>>
    %dma_wait3A_1466 = tpu.memref_slice %arg12[%dma_wait3A_1455] : memref<5x!tpu.dma_semaphore, #tpu.memory_space<semaphore_mem>> -> memref<1x!tpu.dma_semaphore, #tpu.memory_space<semaphore_mem>>
    %dma_wait3A_1467 = tpu.memref_squeeze %dma_wait3A_1466 : memref<1x!tpu.dma_semaphore, #tpu.memory_space<semaphore_mem>> -> memref<!tpu.dma_semaphore, #tpu.memory_space<semaphore_mem>>
    tpu.wait_indirect_dma semaphore(%dma_wait3A_1467 : memref<!tpu.dma_semaphore, #tpu.memory_space<semaphore_mem>>) src(%dma_wait3A_1459 : memref<40x128xf32, #tpu.memory_space<vmem>>) dst(%dma_wait3A_1465 : memref<10240x128xf32, #tpu.memory_space<vmem_shared>>)
    %dma_wait3A_1468 = arith.constant 0 : i32
    %dma_wait3A_1469 = arith.constant 0 : i32
    %dma_wait3A_1470 = arith.constant 3 : i32
    %dma_wait3A_1471 = arith.constant 3 : i32
    %dma_wait3A_1472 = arith.constant 0 : i32
    %dma_wait3A_1473 = arith.constant 0 : i32
    %dma_wait3A_1474 = tpu.memref_slice %arg10[%dma_wait3A_1470, %dma_wait3A_1472, %dma_wait3A_1473] : memref<5x40x128xf32, #tpu.memory_space<vmem>> -> memref<1x40x128xf32, #tpu.memory_space<vmem>>
    %dma_wait3A_1475 = tpu.memref_squeeze %dma_wait3A_1474 : memref<1x40x128xf32, #tpu.memory_space<vmem>> -> memref<40x128xf32, #tpu.memory_space<vmem>>
    %dma_wait3A_1476 = arith.constant 0 : i32
    %dma_wait3A_1477 = tpu.memref_slice %arg8[%dma_wait3A_1468, %dma_wait3A_1469, %dma_wait3A_1476] : memref<5x2x40xi32, #tpu.memory_space<vmem>> -> memref<1x1x40xi32, #tpu.memory_space<vmem>>
    %dma_wait3A_1478 = tpu.memref_squeeze %dma_wait3A_1477 : memref<1x1x40xi32, #tpu.memory_space<vmem>> -> memref<40xi32, #tpu.memory_space<vmem>>
    %dma_wait3A_1479 = arith.constant 0 : i32
    %dma_wait3A_1480 = arith.constant 0 : i32
    %dma_wait3A_1481 = tpu.memref_slice %arg4[%dma_wait3A_1479, %dma_wait3A_1480] : memref<10000x128xf32, #tpu.memory_space<hbm>> -> memref<10000x128xf32, #tpu.memory_space<hbm>>
    %dma_wait3A_1482 = tpu.memref_slice %arg11[%dma_wait3A_1471] : memref<5x!tpu.dma_semaphore, #tpu.memory_space<semaphore_mem>> -> memref<1x!tpu.dma_semaphore, #tpu.memory_space<semaphore_mem>>
    %dma_wait3A_1483 = tpu.memref_squeeze %dma_wait3A_1482 : memref<1x!tpu.dma_semaphore, #tpu.memory_space<semaphore_mem>> -> memref<!tpu.dma_semaphore, #tpu.memory_space<semaphore_mem>>
    tpu.wait_indirect_dma semaphore(%dma_wait3A_1483 : memref<!tpu.dma_semaphore, #tpu.memory_space<semaphore_mem>>) src(%dma_wait3A_1481 : memref<10000x128xf32, #tpu.memory_space<hbm>>) dst(%dma_wait3A_1475 : memref<40x128xf32, #tpu.memory_space<vmem>>)
    %dma_start3A_1484 = arith.constant 3 : i32
    %dma_start3A_1485 = arith.constant 3 : i32
    %dma_start3A_1486 = arith.constant 1 : i32
    %dma_start3A_1487 = arith.constant 3 : i32
    %dma_start3A_1488 = arith.constant 0 : i32
    %dma_start3A_1489 = arith.constant 0 : i32
    %dma_start3A_1490 = tpu.memref_slice %arg10[%dma_start3A_1484, %dma_start3A_1488, %dma_start3A_1489] : memref<5x40x128xf32, #tpu.memory_space<vmem>> -> memref<1x40x128xf32, #tpu.memory_space<vmem>>
    %dma_start3A_1491 = tpu.memref_squeeze %dma_start3A_1490 : memref<1x40x128xf32, #tpu.memory_space<vmem>> -> memref<40x128xf32, #tpu.memory_space<vmem>>
    %dma_start3A_1492 = arith.constant 0 : i32
    %dma_start3A_1493 = tpu.memref_slice %arg9[%dma_start3A_1485, %dma_start3A_1486, %dma_start3A_1492] : memref<5x2x40xi32, #tpu.memory_space<vmem>> -> memref<1x1x40xi32, #tpu.memory_space<vmem>>
    %dma_start3A_1494 = tpu.memref_squeeze %dma_start3A_1493 : memref<1x1x40xi32, #tpu.memory_space<vmem>> -> memref<40xi32, #tpu.memory_space<vmem>>
    %dma_start3A_1495 = arith.constant 0 : i32
    %dma_start3A_1496 = arith.constant 0 : i32
    %dma_start3A_1497 = tpu.memref_slice %arg7[%dma_start3A_1495, %dma_start3A_1496] : memref<10240x128xf32, #tpu.memory_space<vmem_shared>> -> memref<10240x128xf32, #tpu.memory_space<vmem_shared>>
    %dma_start3A_1498 = tpu.memref_slice %arg12[%dma_start3A_1487] : memref<5x!tpu.dma_semaphore, #tpu.memory_space<semaphore_mem>> -> memref<1x!tpu.dma_semaphore, #tpu.memory_space<semaphore_mem>>
    %dma_start3A_1499 = tpu.memref_squeeze %dma_start3A_1498 : memref<1x!tpu.dma_semaphore, #tpu.memory_space<semaphore_mem>> -> memref<!tpu.dma_semaphore, #tpu.memory_space<semaphore_mem>>
    tpu.enqueue_indirect_dma source(%dma_start3A_1491 : memref<40x128xf32, #tpu.memory_space<vmem>>) target(%dma_start3A_1497 : memref<10240x128xf32, #tpu.memory_space<vmem_shared>>) offsets(%dma_start3A_1494 : memref<40xi32, #tpu.memory_space<vmem>>) semaphore(%dma_start3A_1499 : memref<!tpu.dma_semaphore, #tpu.memory_space<semaphore_mem>>) {add = true}
    %dma_wait3A_1500 = arith.constant 2 : i32
    %dma_wait3A_1501 = arith.constant 0 : i32
    %dma_wait3A_1502 = arith.constant 0 : i32
    %dma_wait3A_1503 = arith.constant 2 : i32
    %dma_wait3A_1504 = arith.constant 0 : i32
    %dma_wait3A_1505 = arith.constant 0 : i32
    %dma_wait3A_1506 = tpu.memref_slice %arg10[%dma_wait3A_1500, %dma_wait3A_1504, %dma_wait3A_1505] : memref<5x40x128xf32, #tpu.memory_space<vmem>> -> memref<1x40x128xf32, #tpu.memory_space<vmem>>
    %dma_wait3A_1507 = tpu.memref_squeeze %dma_wait3A_1506 : memref<1x40x128xf32, #tpu.memory_space<vmem>> -> memref<40x128xf32, #tpu.memory_space<vmem>>
    %dma_wait3A_1508 = arith.constant 0 : i32
    %dma_wait3A_1509 = tpu.memref_slice %arg9[%dma_wait3A_1501, %dma_wait3A_1502, %dma_wait3A_1508] : memref<5x2x40xi32, #tpu.memory_space<vmem>> -> memref<1x1x40xi32, #tpu.memory_space<vmem>>
    %dma_wait3A_1510 = tpu.memref_squeeze %dma_wait3A_1509 : memref<1x1x40xi32, #tpu.memory_space<vmem>> -> memref<40xi32, #tpu.memory_space<vmem>>
    %dma_wait3A_1511 = arith.constant 0 : i32
    %dma_wait3A_1512 = arith.constant 0 : i32
    %dma_wait3A_1513 = tpu.memref_slice %arg7[%dma_wait3A_1511, %dma_wait3A_1512] : memref<10240x128xf32, #tpu.memory_space<vmem_shared>> -> memref<10240x128xf32, #tpu.memory_space<vmem_shared>>
    %dma_wait3A_1514 = tpu.memref_slice %arg12[%dma_wait3A_1503] : memref<5x!tpu.dma_semaphore, #tpu.memory_space<semaphore_mem>> -> memref<1x!tpu.dma_semaphore, #tpu.memory_space<semaphore_mem>>
    %dma_wait3A_1515 = tpu.memref_squeeze %dma_wait3A_1514 : memref<1x!tpu.dma_semaphore, #tpu.memory_space<semaphore_mem>> -> memref<!tpu.dma_semaphore, #tpu.memory_space<semaphore_mem>>
    tpu.wait_indirect_dma semaphore(%dma_wait3A_1515 : memref<!tpu.dma_semaphore, #tpu.memory_space<semaphore_mem>>) src(%dma_wait3A_1507 : memref<40x128xf32, #tpu.memory_space<vmem>>) dst(%dma_wait3A_1513 : memref<10240x128xf32, #tpu.memory_space<vmem_shared>>)
    %dma_wait3A_1516 = arith.constant 0 : i32
    %dma_wait3A_1517 = arith.constant 0 : i32
    %dma_wait3A_1518 = arith.constant 4 : i32
    %dma_wait3A_1519 = arith.constant 4 : i32
    %dma_wait3A_1520 = arith.constant 0 : i32
    %dma_wait3A_1521 = arith.constant 0 : i32
    %dma_wait3A_1522 = tpu.memref_slice %arg10[%dma_wait3A_1518, %dma_wait3A_1520, %dma_wait3A_1521] : memref<5x40x128xf32, #tpu.memory_space<vmem>> -> memref<1x40x128xf32, #tpu.memory_space<vmem>>
    %dma_wait3A_1523 = tpu.memref_squeeze %dma_wait3A_1522 : memref<1x40x128xf32, #tpu.memory_space<vmem>> -> memref<40x128xf32, #tpu.memory_space<vmem>>
    %dma_wait3A_1524 = arith.constant 0 : i32
    %dma_wait3A_1525 = tpu.memref_slice %arg8[%dma_wait3A_1516, %dma_wait3A_1517, %dma_wait3A_1524] : memref<5x2x40xi32, #tpu.memory_space<vmem>> -> memref<1x1x40xi32, #tpu.memory_space<vmem>>
    %dma_wait3A_1526 = tpu.memref_squeeze %dma_wait3A_1525 : memref<1x1x40xi32, #tpu.memory_space<vmem>> -> memref<40xi32, #tpu.memory_space<vmem>>
    %dma_wait3A_1527 = arith.constant 0 : i32
    %dma_wait3A_1528 = arith.constant 0 : i32
    %dma_wait3A_1529 = tpu.memref_slice %arg4[%dma_wait3A_1527, %dma_wait3A_1528] : memref<10000x128xf32, #tpu.memory_space<hbm>> -> memref<10000x128xf32, #tpu.memory_space<hbm>>
    %dma_wait3A_1530 = tpu.memref_slice %arg11[%dma_wait3A_1519] : memref<5x!tpu.dma_semaphore, #tpu.memory_space<semaphore_mem>> -> memref<1x!tpu.dma_semaphore, #tpu.memory_space<semaphore_mem>>
    %dma_wait3A_1531 = tpu.memref_squeeze %dma_wait3A_1530 : memref<1x!tpu.dma_semaphore, #tpu.memory_space<semaphore_mem>> -> memref<!tpu.dma_semaphore, #tpu.memory_space<semaphore_mem>>
    tpu.wait_indirect_dma semaphore(%dma_wait3A_1531 : memref<!tpu.dma_semaphore, #tpu.memory_space<semaphore_mem>>) src(%dma_wait3A_1529 : memref<10000x128xf32, #tpu.memory_space<hbm>>) dst(%dma_wait3A_1523 : memref<40x128xf32, #tpu.memory_space<vmem>>)
    %dma_start3A_1532 = arith.constant 4 : i32
    %dma_start3A_1533 = arith.constant 4 : i32
    %dma_start3A_1534 = arith.constant 1 : i32
    %dma_start3A_1535 = arith.constant 4 : i32
    %dma_start3A_1536 = arith.constant 0 : i32
    %dma_start3A_1537 = arith.constant 0 : i32
    %dma_start3A_1538 = tpu.memref_slice %arg10[%dma_start3A_1532, %dma_start3A_1536, %dma_start3A_1537] : memref<5x40x128xf32, #tpu.memory_space<vmem>> -> memref<1x40x128xf32, #tpu.memory_space<vmem>>
    %dma_start3A_1539 = tpu.memref_squeeze %dma_start3A_1538 : memref<1x40x128xf32, #tpu.memory_space<vmem>> -> memref<40x128xf32, #tpu.memory_space<vmem>>
    %dma_start3A_1540 = arith.constant 0 : i32
    %dma_start3A_1541 = tpu.memref_slice %arg9[%dma_start3A_1533, %dma_start3A_1534, %dma_start3A_1540] : memref<5x2x40xi32, #tpu.memory_space<vmem>> -> memref<1x1x40xi32, #tpu.memory_space<vmem>>
    %dma_start3A_1542 = tpu.memref_squeeze %dma_start3A_1541 : memref<1x1x40xi32, #tpu.memory_space<vmem>> -> memref<40xi32, #tpu.memory_space<vmem>>
    %dma_start3A_1543 = arith.constant 0 : i32
    %dma_start3A_1544 = arith.constant 0 : i32
    %dma_start3A_1545 = tpu.memref_slice %arg7[%dma_start3A_1543, %dma_start3A_1544] : memref<10240x128xf32, #tpu.memory_space<vmem_shared>> -> memref<10240x128xf32, #tpu.memory_space<vmem_shared>>
    %dma_start3A_1546 = tpu.memref_slice %arg12[%dma_start3A_1535] : memref<5x!tpu.dma_semaphore, #tpu.memory_space<semaphore_mem>> -> memref<1x!tpu.dma_semaphore, #tpu.memory_space<semaphore_mem>>
    %dma_start3A_1547 = tpu.memref_squeeze %dma_start3A_1546 : memref<1x!tpu.dma_semaphore, #tpu.memory_space<semaphore_mem>> -> memref<!tpu.dma_semaphore, #tpu.memory_space<semaphore_mem>>
    tpu.enqueue_indirect_dma source(%dma_start3A_1539 : memref<40x128xf32, #tpu.memory_space<vmem>>) target(%dma_start3A_1545 : memref<10240x128xf32, #tpu.memory_space<vmem_shared>>) offsets(%dma_start3A_1542 : memref<40xi32, #tpu.memory_space<vmem>>) semaphore(%dma_start3A_1547 : memref<!tpu.dma_semaphore, #tpu.memory_space<semaphore_mem>>) {add = true}
    %dma_wait3A_1548 = arith.constant 3 : i32
    %dma_wait3A_1549 = arith.constant 0 : i32
    %dma_wait3A_1550 = arith.constant 0 : i32
    %dma_wait3A_1551 = arith.constant 3 : i32
    %dma_wait3A_1552 = arith.constant 0 : i32
    %dma_wait3A_1553 = arith.constant 0 : i32
    %dma_wait3A_1554 = tpu.memref_slice %arg10[%dma_wait3A_1548, %dma_wait3A_1552, %dma_wait3A_1553] : memref<5x40x128xf32, #tpu.memory_space<vmem>> -> memref<1x40x128xf32, #tpu.memory_space<vmem>>
    %dma_wait3A_1555 = tpu.memref_squeeze %dma_wait3A_1554 : memref<1x40x128xf32, #tpu.memory_space<vmem>> -> memref<40x128xf32, #tpu.memory_space<vmem>>
    %dma_wait3A_1556 = arith.constant 0 : i32
    %dma_wait3A_1557 = tpu.memref_slice %arg9[%dma_wait3A_1549, %dma_wait3A_1550, %dma_wait3A_1556] : memref<5x2x40xi32, #tpu.memory_space<vmem>> -> memref<1x1x40xi32, #tpu.memory_space<vmem>>
    %dma_wait3A_1558 = tpu.memref_squeeze %dma_wait3A_1557 : memref<1x1x40xi32, #tpu.memory_space<vmem>> -> memref<40xi32, #tpu.memory_space<vmem>>
    %dma_wait3A_1559 = arith.constant 0 : i32
    %dma_wait3A_1560 = arith.constant 0 : i32
    %dma_wait3A_1561 = tpu.memref_slice %arg7[%dma_wait3A_1559, %dma_wait3A_1560] : memref<10240x128xf32, #tpu.memory_space<vmem_shared>> -> memref<10240x128xf32, #tpu.memory_space<vmem_shared>>
    %dma_wait3A_1562 = tpu.memref_slice %arg12[%dma_wait3A_1551] : memref<5x!tpu.dma_semaphore, #tpu.memory_space<semaphore_mem>> -> memref<1x!tpu.dma_semaphore, #tpu.memory_space<semaphore_mem>>
    %dma_wait3A_1563 = tpu.memref_squeeze %dma_wait3A_1562 : memref<1x!tpu.dma_semaphore, #tpu.memory_space<semaphore_mem>> -> memref<!tpu.dma_semaphore, #tpu.memory_space<semaphore_mem>>
    tpu.wait_indirect_dma semaphore(%dma_wait3A_1563 : memref<!tpu.dma_semaphore, #tpu.memory_space<semaphore_mem>>) src(%dma_wait3A_1555 : memref<40x128xf32, #tpu.memory_space<vmem>>) dst(%dma_wait3A_1561 : memref<10240x128xf32, #tpu.memory_space<vmem_shared>>)
    %dma_wait3A_1564 = arith.constant 4 : i32
    %dma_wait3A_1565 = arith.constant 0 : i32
    %dma_wait3A_1566 = arith.constant 0 : i32
    %dma_wait3A_1567 = arith.constant 4 : i32
    %dma_wait3A_1568 = arith.constant 0 : i32
    %dma_wait3A_1569 = arith.constant 0 : i32
    %dma_wait3A_1570 = tpu.memref_slice %arg10[%dma_wait3A_1564, %dma_wait3A_1568, %dma_wait3A_1569] : memref<5x40x128xf32, #tpu.memory_space<vmem>> -> memref<1x40x128xf32, #tpu.memory_space<vmem>>
    %dma_wait3A_1571 = tpu.memref_squeeze %dma_wait3A_1570 : memref<1x40x128xf32, #tpu.memory_space<vmem>> -> memref<40x128xf32, #tpu.memory_space<vmem>>
    %dma_wait3A_1572 = arith.constant 0 : i32
    %dma_wait3A_1573 = tpu.memref_slice %arg9[%dma_wait3A_1565, %dma_wait3A_1566, %dma_wait3A_1572] : memref<5x2x40xi32, #tpu.memory_space<vmem>> -> memref<1x1x40xi32, #tpu.memory_space<vmem>>
    %dma_wait3A_1574 = tpu.memref_squeeze %dma_wait3A_1573 : memref<1x1x40xi32, #tpu.memory_space<vmem>> -> memref<40xi32, #tpu.memory_space<vmem>>
    %dma_wait3A_1575 = arith.constant 0 : i32
    %dma_wait3A_1576 = arith.constant 0 : i32
    %dma_wait3A_1577 = tpu.memref_slice %arg7[%dma_wait3A_1575, %dma_wait3A_1576] : memref<10240x128xf32, #tpu.memory_space<vmem_shared>> -> memref<10240x128xf32, #tpu.memory_space<vmem_shared>>
    %dma_wait3A_1578 = tpu.memref_slice %arg12[%dma_wait3A_1567] : memref<5x!tpu.dma_semaphore, #tpu.memory_space<semaphore_mem>> -> memref<1x!tpu.dma_semaphore, #tpu.memory_space<semaphore_mem>>
    %dma_wait3A_1579 = tpu.memref_squeeze %dma_wait3A_1578 : memref<1x!tpu.dma_semaphore, #tpu.memory_space<semaphore_mem>> -> memref<!tpu.dma_semaphore, #tpu.memory_space<semaphore_mem>>
    tpu.wait_indirect_dma semaphore(%dma_wait3A_1579 : memref<!tpu.dma_semaphore, #tpu.memory_space<semaphore_mem>>) src(%dma_wait3A_1571 : memref<40x128xf32, #tpu.memory_space<vmem>>) dst(%dma_wait3A_1577 : memref<10240x128xf32, #tpu.memory_space<vmem_shared>>)
    %barrier3A_1580 = arith.constant 0 : index
    tpu.barrier barrier_id(%barrier3A_1580)
    "tpu.region"() ({
      %run_scoped3A_1581 = tpu.sem_alloc : memref<!tpu.dma_semaphore, #tpu.memory_space<semaphore_mem>>
      %dma_start3A_1582 = arith.constant 0 : i32
      %dma_start3A_1583 = tpu.memref_slice %arg6[%arg0, %mul3A_4, %dma_start3A_1582] : memref<2x10240x128xf32, #tpu.memory_space<hbm>> -> memref<1x640x128xf32, #tpu.memory_space<hbm>>
      %dma_start3A_1584 = tpu.memref_squeeze %dma_start3A_1583 : memref<1x640x128xf32, #tpu.memory_space<hbm>> -> memref<640x128xf32, #tpu.memory_space<hbm>>
      %dma_start3A_1585 = arith.constant 0 : i32
      %dma_start3A_1586 = tpu.memref_slice %arg7[%mul3A_4, %dma_start3A_1585] : memref<10240x128xf32, #tpu.memory_space<vmem_shared>> -> memref<640x128xf32, #tpu.memory_space<vmem_shared>>
      tpu.enqueue_dma source(%dma_start3A_1586 : memref<640x128xf32, #tpu.memory_space<vmem_shared>>) target(%dma_start3A_1584 : memref<640x128xf32, #tpu.memory_space<hbm>>) target_semaphore(%run_scoped3A_1581 : memref<!tpu.dma_semaphore, #tpu.memory_space<semaphore_mem>>)
      %dma_wait3A_1587 = arith.constant 0 : i32
      %dma_wait3A_1588 = tpu.memref_slice %arg6[%arg0, %mul3A_4, %dma_wait3A_1587] : memref<2x10240x128xf32, #tpu.memory_space<hbm>> -> memref<1x640x128xf32, #tpu.memory_space<hbm>>
      %dma_wait3A_1589 = tpu.memref_squeeze %dma_wait3A_1588 : memref<1x640x128xf32, #tpu.memory_space<hbm>> -> memref<640x128xf32, #tpu.memory_space<hbm>>
      %dma_wait3A_1590 = arith.constant 0 : i32
      %dma_wait3A_1591 = tpu.memref_slice %arg7[%mul3A_4, %dma_wait3A_1590] : memref<10240x128xf32, #tpu.memory_space<vmem_shared>> -> memref<640x128xf32, #tpu.memory_space<vmem_shared>>
      tpu.wait_dma2 semaphore(%run_scoped3A_1581 : memref<!tpu.dma_semaphore, #tpu.memory_space<semaphore_mem>>) src(%dma_wait3A_1591 : memref<640x128xf32, #tpu.memory_space<vmem_shared>>) dst(%dma_wait3A_1589 : memref<640x128xf32, #tpu.memory_space<hbm>>)
      tpu.yield
    }) : () -> ()
    return
  }
}

module attributes {stable_mosaic.version = 14 : i64} {
  func.func @_tc_body(%arg0: i32, %arg1: memref<2x1000x128xf32, #tpu.memory_space<vmem>>, %arg2: memref<128x128xf32, #tpu.memory_space<vmem>>, %arg3: memref<1000x128xf32, #tpu.memory_space<vmem>>, %arg4: memref<1000x128xf32, #tpu.memory_space<vmem>>) attributes {dimension_semantics = [#tpu.dimension_semantics<arbitrary>], iteration_bounds = array<i64: 10>, scalar_prefetch = 0 : i64, scratch_operands = 0 : i64, tpu.core_type = #tpu.core_type<tc>, window_params = [{transform_indices = @transform_0, window_bounds = array<i64: 2, 1000, 128>}, {pipeline_mode = #tpu.pipeline_mode<synchronous>, transform_indices = @transform_1, window_bounds = array<i64: 128, 128>}, {transform_indices = @transform_2, window_bounds = array<i64: 1000, 128>}, {transform_indices = @transform_3, window_bounds = array<i64: 1000, 128>}]} {
    %get3A = arith.constant 0 : index
    %get3A_0 = arith.constant 0 : index
    %get3A_1 = vector.load %arg2[%get3A, %get3A_0] : memref<128x128xf32, #tpu.memory_space<vmem>>, vector<128x128xf32>
    %dot_general3A = arith.constant dense<0.000000e+00> : vector<128x128xf32>
    %dot_general3A_2 = tpu.matmul %get3A_1, %get3A_1, %dot_general3A {dimension_numbers = #tpu.dot_dimension_numbers<[0], [0], [1], [1], [0, 1, 1, 1], [], []>, transpose_lhs_hint = false} : vector<128x128xf32>, vector<128x128xf32>, vector<128x128xf32> -> vector<128x128xf32>
    %mul3A = arith.mulf %dot_general3A_2, %dot_general3A_2 : vector<128x128xf32>
    %reduce_sum3A = vector.shape_cast %mul3A : vector<128x128xf32> to vector<1x128x128xf32>
    %reduce_sum3A_3 = arith.constant dense<0.000000e+00> : vector<1xf32>
    %reduce_sum3A_4 = vector.multi_reduction <add>, %reduce_sum3A, %reduce_sum3A_3 [1, 2] : vector<1x128x128xf32> to vector<1xf32>
    %reduce_sum3A_5 = vector.shape_cast %reduce_sum3A_4 : vector<1xf32> to vector<1x1x1xf32>
    %reduce_sum3A_6 = vector.extract %reduce_sum3A_5[0, 0, 0] : f32 from vector<1x1x1xf32>
    %sqrt3A = math.sqrt %reduce_sum3A_6 : f32
    %add3A = arith.constant 9.99999974E-6 : f32
    %add3A_7 = arith.addf %sqrt3A, %add3A : f32
    %div3A = vector.broadcast %add3A_7 : f32 to vector<128x128xf32>
    %div3A_8 = arith.divf %dot_general3A_2, %div3A : vector<128x128xf32>
    %get3A_9 = arith.constant 0 : index
    %get3A_10 = arith.constant 0 : index
    %get3A_11 = arith.constant 0 : index
    %get3A_12 = vector.load %arg1[%get3A_9, %get3A_10, %get3A_11] : memref<2x1000x128xf32, #tpu.memory_space<vmem>>, vector<1x1000x128xf32>
    %get3A_13 = vector.shape_cast %get3A_12 : vector<1x1000x128xf32> to vector<1000x128xf32>
    %get3A_14 = arith.constant 1 : index
    %get3A_15 = arith.constant 0 : index
    %get3A_16 = arith.constant 0 : index
    %get3A_17 = vector.load %arg1[%get3A_14, %get3A_15, %get3A_16] : memref<2x1000x128xf32, #tpu.memory_space<vmem>>, vector<1x1000x128xf32>
    %get3A_18 = vector.shape_cast %get3A_17 : vector<1x1000x128xf32> to vector<1000x128xf32>
    %add3A_19 = arith.addf %get3A_13, %get3A_18 : vector<1000x128xf32>
    %dot_general3A_20 = arith.constant dense<0.000000e+00> : vector<1000x128xf32>
    %dot_general3A_21 = tpu.matmul %add3A_19, %div3A_8, %dot_general3A_20 {dimension_numbers = #tpu.dot_dimension_numbers<[1], [0], [0], [1], [0, 0, 1, 1], [], []>, transpose_lhs_hint = false} : vector<1000x128xf32>, vector<128x128xf32>, vector<1000x128xf32> -> vector<1000x128xf32>
    %mul3A_22 = arith.constant 0.949999988 : f32
    %mul3A_23 = vector.broadcast %mul3A_22 : f32 to vector<1000x128xf32>
    %mul3A_24 = arith.mulf %mul3A_23, %dot_general3A_21 : vector<1000x128xf32>
    %get3A_25 = arith.constant 0 : index
    %get3A_26 = arith.constant 0 : index
    %get3A_27 = vector.load %arg3[%get3A_25, %get3A_26] : memref<1000x128xf32, #tpu.memory_space<vmem>>, vector<1000x128xf32>
    %add3A_28 = arith.addf %mul3A_24, %get3A_27 : vector<1000x128xf32>
    %swap3A = arith.constant 0 : index
    %swap3A_29 = arith.constant 0 : index
    %swap3A_30 = vector.load %arg4[%swap3A, %swap3A_29] : memref<1000x128xf32, #tpu.memory_space<vmem>>, vector<1000x128xf32>
    tpu.vector_store %arg4[%swap3A, %swap3A_29], %add3A_28 {strides = array<i32>} : memref<1000x128xf32, #tpu.memory_space<vmem>>, vector<1000x128xf32>,
    return
  }
  func.func @transform_0(%arg0: i32) -> (i32, i32, i32) {
    %c0_i32 = arith.constant 0 : i32
    %c0_i32_0 = arith.constant 0 : i32
    %c0_i32_1 = arith.constant 0 : i32
    return %c0_i32, %arg0, %c0_i32_0 : i32, i32, i32
  }
  func.func @transform_1(%arg0: i32) -> (i32, i32) {
    %c0_i32 = arith.constant 0 : i32
    %c0_i32_0 = arith.constant 0 : i32
    %c0_i32_1 = arith.constant 0 : i32
    return %c0_i32, %c0_i32_0 : i32, i32
  }
  func.func @transform_2(%arg0: i32) -> (i32, i32) {
    %c0_i32 = arith.constant 0 : i32
    %c0_i32_0 = arith.constant 0 : i32
    return %arg0, %c0_i32 : i32, i32
  }
  func.func @transform_3(%arg0: i32) -> (i32, i32) {
    %c0_i32 = arith.constant 0 : i32
    %c0_i32_0 = arith.constant 0 : i32
    return %arg0, %c0_i32 : i32, i32
  }
}

</mosaic_0001>

<sc_bundles>
// kernel: kernel.4.cloned.1.call-start
scs
__scs_entry_jumppad:
0x0: {  	(pc) =	sbr.rel $0x88, $3  }
0x1: {  	(tag) =	ssettag $0x0;
	lr =	simm.s32 $0x1  }
0x2: {  	[smem:$0x3F9D] =	sst lr;
	_ =	strace $0xD0000000  }
0x3: {  	_ = 	snop  }
0x4: {  	_ = 	snop  }
0x5: {  	_ = 	snop  }
0x6: {  	_ = 	snop  }
0x7: {  	_ = 	snop  }
__scs_overlays_trampoline_lowered:
0x8: {  	[smem:$0x3FAC] =	sst s0  }
0x9: {  	[smem:$0x3FAD] =	sst s1  }
0xa: {  	[smem:$0x3FAE] =	sst s2  }
0xb: {  	[smem:$0x3FAF] =	sst s3  }
0xc: {  	[smem:$0x3FB0] =	sst s4  }
0xd: {  	[smem:$0x3FB1] =	sst s5  }
0xe: {  	[smem:$0x3FB2] =	sst s6  }
0xf: {  	[smem:$0x3FB3] =	sst s7  }
0x10: {  	[smem:$0x3FB4] =	sst s8  }
0x11: {  	[smem:$0x3FB5] =	sst s9;
	s0 =	simm.s32 @!p0 $0x0  }
0x12: {  	s1 =	sld [smem:$0x3F9B];
	s0 =	simm.s32 @p0 $0x1  }
0x13: {  	[smem:$0x3FB6] =	sst s0;
	s0 =	simm.s32 @!p1 $0x0  }
0x14: {  	s2 =	sld [smem:$0x3F9A];
	s0 =	simm.s32 @p1 $0x1  }
0x15: {  	[smem:$0x3FB7] =	sst s0;
	s0 =	simm.s32 @!p2 $0x0  }
0x16: {  	s3 =	sld [smem:$0x3FDB];
	s0 =	simm.s32 @p2 $0x1  }
0x17: {  	s4 =	simm.s32 $0x1BF5;
	[smem:$0x3FB9] =	sst s0  }
0x18: {  	s0 =	sld [smem:$0x3F9C];
	_ =	swait.ge [sflag:s4], $0x0  }
0x19: {  	s7 =	sld [smem:$0x3F9D]  }
0x1a: {  	s8 =	sadd.s32 $0xFFFFE003, lr  }
0x1b: {  	s9 =	sadd.s32 $0xFFFFFEF7, lr;
	s5 =	simm.s32 $0xFFFFFFFF;
	p2 =	slt.u32 s8, $0xFFFFF086  }
0x1c: {  	p1 =	slt.u32 s9, $0xF7A;
	s5 =	simm.s32 @!p2 $0x0  }
0x1d: {  	s5 =	simm.s32 @p1 $0x1;
	p0 =	seq.s32 s7, s2  }
0x1e: {  	s7 =	smul.u32 @!p0 $0xF7A, s2;
	p2 =	seq.s32 @!p0 s5, $0x0  }
0x1f: {  	s9 =	smul.u32 $0xF7A, s1;
	s8 =	simm.s32 @!p0 $0x1BF5;
	p2 =	por !p2, p0  }
0x20: {  	[sflag:s8] =	ssyncset.s32 @!p0 $0xFFFFF086;
	s6 =	sadd.s32 @!p0 s3, s7;
	s7 =	simm.s32 @!p0 $0x108  }
0x21: {  	s3 =	sadd.s32 s3, s9;
	s6 =	sadd.s32 @!p0 $0x88, s6;
	s7 =	simm.s32 @p2 $0x1082  }
0x22: {  	[simem:s7], [sflag:s8] =	dma.local @!p0 [hbm:s6], $0xF7A  }
0x23: {  	s9 =	sor.u32 $0xD0000000, s2;
	s6 =	simm.s32 $0x108;
	_ =	swait.ge @!p0 [sflag:s8], $0x0  }
0x24: {  	s3 =	sadd.s32 $0x88, s3;
	s6 =	simm.s32 @!p1 $0x1082;
	[sflag:s4] =	ssyncset.s32 $0xFFFFF086  }
0x25: {  	[simem:s6], [sflag:s4] =	dma.local [hbm:s3], $0xF7A  }
0x26: {  	[smem:$0x3F9D] =	sst s1;
	(tag) =	ssettag s2;
	_ =	strace s9  }
0x27: {  	s1 =	sld [smem:$0x3FAD]  }
0x28: {  	s2 =	sld [smem:$0x3FAE]  }
0x29: {  	s4 =	sld [smem:$0x3FB0]  }
0x2a: {  	p0 =	seq.s32 s5, $0x0;
	s5 =	sld [smem:$0x3FB1]  }
0x2b: {  	s6 =	sld [smem:$0x3FB2]  }
0x2c: {  	s7 =	sld [smem:$0x3FB3]  }
0x2d: {  	s3 =	simm.s32 $0x108;
	s8 =	sld [smem:$0x3FB4]  }
0x2e: {  	s3 =	simm.s32 @!p0 $0x1082;
	s9 =	sld [smem:$0x3FB5]  }
0x2f: {  	lr =	sadd.s32 s0, s3;
	s0 =	sld [smem:$0x3FAC]  }
0x30: {  	s3 =	sld [smem:$0x3FAF]  }
0x31: {  	[smem:$0x3FB8] =	sst s10  }
0x32: {  	s10 =	sld [smem:$0x3FB6];
	_ =	sdelay $0x3  }
0x33: {  	p0 =	seq.s32 s10, $0x1;
	s10 =	sld [smem:$0x3FB8];
	_ =	sdelay $0x3  }
0x34: {  	[smem:$0x3FB8] =	sst s10  }
0x35: {  	s10 =	sld [smem:$0x3FB7];
	_ =	sdelay $0x3  }
0x36: {  	p1 =	seq.s32 s10, $0x1;
	s10 =	sld [smem:$0x3FB8];
	_ =	sdelay $0x3  }
0x37: {  	[smem:$0x3FB8] =	sst s10  }
0x38: {  	s10 =	sld [smem:$0x3FB9]  }
0x39: {  	_ = 	snop;
	(pc) =	sbr.ind lr, $3  }
0x3a: {  	_ = 	snop  }
0x3b: {  	_ = 	snop  }
0x3c: {  	p2 =	seq.s32 s10, $0x1;
	s10 =	sld [smem:$0x3FB8]  }
0x3d: {  	_ =	shalt  }
0x3e: {  	_ =	shalt  }
0x3f: {  	_ =	shalt  }
0x40: {  	_ =	shalt  }
0x41: {  	_ =	shalt  }
0x42: {  	_ =	shalt  }
0x43: {  	_ =	shalt  }
0x44: {  	_ =	shalt  }
0x45: {  	_ =	shalt  }
0x46: {  	_ =	shalt  }
0x47: {  	_ =	shalt  }
0x48: {  	_ =	shalt  }
0x49: {  	_ =	shalt  }
0x4a: {  	_ =	shalt  }
0x4b: {  	_ =	shalt  }
0x4c: {  	_ =	shalt  }
0x4d: {  	_ =	shalt  }
0x4e: {  	_ =	shalt  }
0x4f: {  	_ =	shalt  }
0x50: {  	_ =	shalt  }
0x51: {  	_ =	shalt  }
0x52: {  	_ =	shalt  }
0x53: {  	_ =	shalt  }
0x54: {  	_ =	shalt  }
0x55: {  	_ =	shalt  }
0x56: {  	_ =	shalt  }
0x57: {  	_ =	shalt  }
0x58: {  	_ =	shalt  }
0x59: {  	_ =	shalt  }
0x5a: {  	_ =	shalt  }
0x5b: {  	_ =	shalt  }
0x5c: {  	_ =	shalt  }
0x5d: {  	_ =	shalt  }
0x5e: {  	_ =	shalt  }
0x5f: {  	_ =	shalt  }
0x60: {  	_ =	shalt  }
0x61: {  	_ =	shalt  }
0x62: {  	_ =	shalt  }
0x63: {  	_ =	shalt  }
0x64: {  	_ =	shalt  }
0x65: {  	_ =	shalt  }
0x66: {  	_ =	shalt  }
0x67: {  	_ =	shalt  }
0x68: {  	_ =	shalt  }
0x69: {  	_ =	shalt  }
0x6a: {  	_ =	shalt  }
0x6b: {  	_ =	shalt  }
0x6c: {  	_ =	shalt  }
0x6d: {  	_ =	shalt  }
0x6e: {  	_ =	shalt  }
0x6f: {  	_ =	shalt  }
0x70: {  	_ =	shalt  }
0x71: {  	_ =	shalt  }
0x72: {  	_ =	shalt  }
0x73: {  	_ =	shalt  }
0x74: {  	_ =	shalt  }
0x75: {  	_ =	shalt  }
0x76: {  	_ =	shalt  }
0x77: {  	_ =	shalt  }
0x78: {  	_ =	shalt  }
0x79: {  	_ =	shalt  }
0x7a: {  	_ =	shalt  }
0x7b: {  	_ =	shalt  }
0x7c: {  	_ =	shalt  }
0x7d: {  	_ =	shalt  }
0x7e: {  	_ =	shalt  }
0x7f: {  	_ =	shalt  }
0x80: {  	_ =	shalt  }
0x81: {  	_ =	shalt  }
0x82: {  	_ =	shalt  }
0x83: {  	_ =	shalt  }
0x84: {  	_ =	shalt  }
0x85: {  	_ =	shalt  }
0x86: {  	_ =	shalt  }
0x87: {  	_ =	shalt  }
.Lfunc_end0:
.L_simem_size_0:
called_computation_lowered:
.L_overlay_start_0:
0x88: {  	s2 =	sld [smem:$0x3FD9]  }
0x89: {  	s3 =	sld [smem:$0x3FFE];
	_ =	sdelay $0x1  }
0x8a: {  	s1 =	srdreg.scid  }
0x8b: {  	s0 =	sand.u32 $0x1, s1  }
0x8c: {  	s17 =	sshll.u32 s0, $0xA;
	s2 =	sadd.s32 s3, s2  }
0x8d: {  	s2 =	sadd.s32 s2, s17  }
0x8e: {  	[smem:$0x3FC4] =	sst s2  }
0x8f: {  	_ = 	snop  }
0x90: {  	s2 =	sld [smem:$0x3FC8]  }
0x91: {  	s18 =	sld [smem:$0x3FD0];
	(tm) =	ssettm $0x1  }
0x92: {  	s4 =	sld [smem:$0x3FFB];
	_ =	sdelay $0x3  }
0x93: {  	_ =	strace s4  }
0x94: {  	s4 =	sld [smem:$0x3FFC];
	_ =	sdelay $0x3  }
0x95: {  	_ =	strace s4  }
0x96: {  	s4 =	sld [smem:$0x3FFD];
	_ =	sdelay $0x3  }
0x97: {  	_ =	strace s4  }
0x98: {  	_ =	strace $0x8FFFFFFF  }
0x99: {  	s19 =	sld [smem:$0x3FDB];
	_ =	sdelay $0x1  }
0x9a: {  	s5 =	simm.s32 $_scs_section_size  }
0x9b: {  	s6 =	simm.s32 $_size__tile_overlayer_lowered;
	s7 =	simm.s32 $_tile_overlayer_lowered  }
0x9c: {  	s22 =	simm.s32 $0x1BFF;
	s21 =	sshll.u32 s7, $0x1;
	s4 =	sadd.s32 s5, s19  }
0x9d: {  	s8 =	simm.s32 $0x0;
	s20 =	sshll.u32 s6, $0x1;
	s6 =	sadd.s32 s21, s4  }
0x9e: {  	[timem:s8], [sflag:s22] =	dma.local [hbm:s6], s20  }
0x9f: {  	_ =	swait.ge [sflag:s22], s20  }
0xa0: {  	s5 =	ssub.s32 $0x0, s20;
	[sflag:s22] =	ssyncset.done $0x0  }
0xa1: {  	[sflag:s22] =	ssyncadd.s32 s5;
	_ =	sdelay $0x1  }
0xa2: {  	s23 =	simm.s32 $0x1B8B  }
0xa3: {  	_ =	swait.ge [sflag:s23], $0x1  }
0xa4: {  	[sflag:s23] =	ssyncset.done $0x0  }
0xa5: {  	s25 =	simm.s32 $0x1B8E;
	s24 =	sld [smem:$0x3FFE];
	[sflag:s23] =	ssyncadd.s32 $0xFFFFFFFF  }
0xa6: {  	s26 =	simm.s32 $execute0_lowered;
	[smem:$0x3FD2] =	sst s25  }
0xa7: {  	s6 =	sshll.u32 s26, $0x1;
	_ =	strace $0x80000046;
	[dreg:$0x1] =	wrdreg $0xFFFFFFFF  }
0xa8: {  	s28 =	simm.s32 $_size_execute0_lowered;
	s4 =	sadd.s32 s4, s6;
	[dreg:$0x0] =	wrdreg $0x0  }
0xa9: {  	s6 =	sshll.u32 s28, $0x1;
	[dreg:$0x2] =	wrdreg s4  }
0xaa: {  	[dreg:$0x3] =	wrdreg s6  }
0xab: {  	[dreg:$0x4] =	wrdreg $0xC0  }
0xac: {  	_ =	task [dreg:s8], $0x5FFFF  }
0xad: {  	[dreg:$0x1] =	wrdreg $0xFFFFFFFF  }
0xae: {  	[dreg:$0x0] =	wrdreg $0x60  }
0xaf: {  	[dreg:$0x2] =	wrdreg s24  }
0xb0: {  	[dreg:$0x3] =	wrdreg s18  }
0xb1: {  	[dreg:$0x4] =	wrdreg s2  }
0xb2: {  	[dreg:$0x5] =	wrdreg $0x0  }
0xb3: {  	[dreg:$0x6] =	wrdreg $0x9  }
0xb4: {  	_ =	task.clear_ibuf [dreg:s8], $0x7FFFF;
	_ =	strace $0x90000046  }
0xb5: {  	s29 =	simm.s32 $0x9;
	_ =	strace $0x80000048  }
0xb6: {  	_ =	swait.ge [sflag:s29], $0x1  }
0xb7: {  	[sflag:s29] =	ssyncadd.s32 $0xFFFFFFFF  }
0xb8: {  	_ =	strace $0x90000048  }
0xb9: {  	_ =	sfence  }
0xba: {  	s30 =	sld [smem:$0x0];
	_ =	sdelay $0x2  }
0xbb: {  	s31 =	sshll.u32 s1, $0xD;
	s1 =	sshrl.u32 s1, $0x2  }
0xbc: {  	s3 =	sand.u32 $0x4000, s31;
	s1 =	sadd.s32 s1, s30  }
0xbd: {  	s0 =	sor.u32 s3, s0;
	s1 =	sshll.u32 s1, $0x11  }
0xbe: {  	s0 =	sor.u32 s1, s0  }
0xbf: {  	s0 =	sadd.s32 $0x8F2B, s0  }
0xc0: {  	[sflag:s0] =	ssyncadd.remote.s32 $0x1  }
0xc1: {  	_ =	sfence.sel $0xFFFF  }
0xc2: {  	[dreg:$0x0] =	wrdreg $0xFFFFFFFF;
	(pc) =	sbr.abs _section_cstart, $3  }
0xc3: {  	[dreg:$0x1] =	wrdreg $0xFFFFFFFF  }
0xc4: {  	_ =	task.clear_ibuf [dreg:s8], $0x2FFFF;
	_ =	strace $0x9FFFFFFF  }
0xc5: {  	(tm) =	ssettm $0x7FFFFFFF  }
tec
execute0_lowered:
.L_overlay_start_1:
0x0: {  	(tag) =	ssettag $0x1  }
0x1: {  	s0 =	rddreg [dreg:$0x0]  }
0x2: {  	s2 =	rddreg [dreg:$0x1]  }
0x3: {  	s1 =	rddreg [dreg:$0x2]  }
0x4: {  	s4 =	srdreg.scid;
	s15 =	stileid.u32  }
0x5: {  	s3 =	rddreg [dreg:$0x3];
	s23 =	smul.u32 $0x14000, s15  }
0x6: {  	s31 =	simm.s32 $0x14400;
	s10 =	sand.u32 $0x1, s4;
	s13 =	smul.u32 $0x2710, s15  }
0x7: {  	s30 =	simm.s32 $0x28;
	s4 =	simm.s32 $0x0;
	s6 =	smul.u32 $0x140000, s10  }
0x8: {  	s5 =	sshll.u32 s10, $0x4;
	s9 =	ssub.s32 $0x2, s10;
	s10 =	smul.u32 $0x27100, s10  }
0x9: {  	s7 =	sadd.s32 $0x800, s0;
	[smem:$0x7FF] =	sst s4;
	s5 =	sor.u32 s15, s5  }
0xa: {  	_ =	strace $0x80000047;
	s24 =	sshrl.u32 s9, $0x1;
	s10 =	sadd.s32 s13, s10  }
0xb: {  	s8 =	smul.u32 $0x2710, s5;
	s6 =	sadd.s32 s23, s6;
	s13 =	sadd.s32 $0x280, s10  }
0xc: {  	s5 =	ssub.s32 s9, s24;
	s23 =	sadd.s32 $0x258, s10;
	s20 =	sshrl.u32 s13, $0x3  }
0xd: {  	s11 =	sadd.s32 $0x28, s8;
	s24 =	sshrl.u32 s23, $0x3;
	s22 =	sadd.s32 s20, s2  }
0xe: {  	s11 =	sshrl.u32 s11, $0x3;
	s13 =	sadd.s32 s24, s7;
	[dreg:$0x5] =	wrdreg s22  }
0xf: {  	s9 =	sshrl.u32 s8, $0x3;
	s12 =	sadd.s32 s7, s11;
	[dreg:$0x8] =	wrdreg s13  }
0x10: {  	s26 =	sadd.s32 $0xA, s9;
	s11 =	sadd.s32 s2, s11;
	[dreg:$0xf] =	wrdreg s12  }
0x11: {  	s17 =	sadd.s32 $0x14, s9;
	s14 =	sadd.s32 s7, s26;
	[dreg:$0x10] =	wrdreg s11  }
0x12: {  	s29 =	simm.s32 $0x12;
	s18 =	sadd.s32 s7, s17;
	[dreg:$0x11] =	wrdreg s14  }
0x13: {  	s25 =	sadd.s32 $0x78, s8;
	s12 =	sadd.s32 s2, s26;
	[dreg:$0x15] =	wrdreg s18  }
0x14: {  	s11 =	sshrl.u32 s25, $0x3;
	s25 =	sadd.s32 s24, s2;
	[dreg:$0x12] =	wrdreg s12  }
0x15: {  	s26 =	sadd.s32 $0x230, s10;
	s16 =	sadd.s32 s7, s11;
	[dreg:$0x7] =	wrdreg s25  }
0x16: {  	s18 =	sadd.s32 $0x208, s10;
	s11 =	sadd.s32 s2, s11;
	[dreg:$0x13] =	wrdreg s16  }
0x17: {  	s24 =	sadd.s32 $0x1E, s9;
	s12 =	sadd.s32 s20, s7;
	[dreg:$0x14] =	wrdreg s11  }
0x18: {  	s10 =	sadd.s32 $0x1E0, s10;
	s14 =	sadd.s32 s2, s24;
	[dreg:$0x6] =	wrdreg s12  }
0x19: {  	s20 =	sshrl.u32 s18, $0x3;
	s11 =	sadd.s32 s2, s17;
	[dreg:$0x1a] =	wrdreg s14  }
0x1a: {  	s10 =	sshrl.u32 s10, $0x3;
	s22 =	sadd.s32 s20, s7;
	[dreg:$0x16] =	wrdreg s11  }
0x1b: {  	s18 =	sadd.s32 $0x28, s9;
	s23 =	sadd.s32 s10, s2;
	[dreg:$0xc] =	wrdreg s22  }
0x1c: {  	s16 =	sshrl.u32 s26, $0x3;
	s26 =	sadd.s32 s7, s24;
	[dreg:$0xd] =	wrdreg s23  }
0x1d: {  	s28 =	simm.s32 $0x9;
	s12 =	sadd.s32 s2, s18;
	[dreg:$0x19] =	wrdreg s26  }
0x1e: {  	s19 =	sadd.s32 $0xC8, s8;
	s17 =	sadd.s32 s16, s2;
	[dreg:$0x1e] =	wrdreg s12  }
0x1f: {  	s11 =	sshrl.u32 s19, $0x3;
	s19 =	sadd.s32 s16, s7;
	[dreg:$0x9] =	wrdreg s17  }
0x20: {  	s25 =	sadd.s32 $0x118, s8;
	s21 =	sadd.s32 s7, s11;
	[dreg:$0xa] =	wrdreg s19  }
0x21: {  	s16 =	sshrl.u32 s25, $0x3;
	s11 =	sadd.s32 s2, s11;
	[dreg:$0x17] =	wrdreg s21  }
0x22: {  	s23 =	sadd.s32 $0x32, s9;
	s17 =	sadd.s32 s7, s16;
	[dreg:$0x18] =	wrdreg s11  }
0x23: {  	s25 =	sadd.s32 $0x1B8, s8;
	s24 =	sadd.s32 s7, s23;
	[dreg:$0x1b] =	wrdreg s17  }
0x24: {  	s26 =	sadd.s32 $0x2698, s8;
	s12 =	sadd.s32 s2, s23;
	[smem:$0x7EC] =	sst s24  }
0x25: {  	s19 =	sadd.s32 $0x168, s8;
	s21 =	sadd.s32 s20, s2;
	[smem:$0x7ED] =	sst s12  }
0x26: {  	s8 =	sadd.s32 $0x26E8, s8;
	s11 =	sadd.s32 s2, s16;
	[dreg:$0xb] =	wrdreg s21  }
0x27: {  	s20 =	sshrl.u32 s19, $0x3;
	s17 =	sadd.s32 s7, s9;
	[dreg:$0x1c] =	wrdreg s11  }
0x28: {  	s16 =	sshrl.u32 s26, $0x3;
	s26 =	smax.u32 s5, $0x1;
	[smem:$0x7F2] =	sst s17  }
0x29: {  	s8 =	sshrl.u32 s8, $0x3;
	s21 =	sadd.s32 s7, s18;
	[smem:$0x7FB] =	sst s26  }
0x2a: {  	s5 =	simm.s32 $0x16;
	s22 =	sadd.s32 s7, s20;
	[dreg:$0x1d] =	wrdreg s21  }
0x2b: {  	s11 =	sadd.s32 s2, s20;
	s12 =	sadd.s32 s7, s16;
	[dreg:$0x1f] =	wrdreg s22  }
0x2c: {  	s18 =	sadd.s32 s2, s9;
	s9 =	sadd.s32 $0x4D8, s9;
	[smem:$0x7EB] =	sst s11  }
0x2d: {  	s20 =	sadd.s32 s10, s7;
	s26 =	simm.s32 $0xD;
	[smem:$0x7F0] =	sst s12  }
0x2e: {  	s17 =	simm.s32 $0xF;
	s11 =	sshrl.u32 s25, $0x3;
	[smem:$0x7F3] =	sst s18  }
0x2f: {  	s19 =	sadd.s32 s7, s9;
	s9 =	sadd.s32 s2, s9;
	[dreg:$0xe] =	wrdreg s20  }
0x30: {  	s21 =	smul.u32 $0x50000, s15;
	s22 =	sshrl.u32 s6, $0x3;
	[smem:$0x7F4] =	sst s19  }
0x31: {  	s25 =	sshll.u32 s15, $0x6;
	s6 =	simm.s32 $0x14480;
	[smem:$0x7F5] =	sst s9  }
0x32: {  	s15 =	simm.s32 $0xA;
	s14 =	sadd.s32 s7, s11;
	[smem:$0x7FC] =	sst s25  }
0x33: {  	s18 =	simm.s32 $0x14;
	s11 =	sadd.s32 s2, s11;
	[smem:$0x7EE] =	sst s14  }
0x34: {  	s7 =	sadd.s32 s7, s8;
	s19 =	simm.s32 $0x11;
	[smem:$0x7EF] =	sst s11  }
0x35: {  	s11 =	sadd.s32 s2, s16;
	[smem:$0x7F6] =	sst s7;
	s2 =	sadd.s32 s2, s8  }
0x36: {  	s23 =	sshrl.u32 s21, $0x2;
	s7 =	simm.s32 $0x14280;
	s16 =	simm.s32 $0xC  }
0x37: {  	s8 =	simm.s32 $0x5;
	s21 =	simm.s32 $0xE;
	[smem:$0x7F1] =	sst s11  }
0x38: {  	[smem:$0x7F7] =	sst s2;
	s2 =	sadd.s32 s22, s0;
	s0 =	sadd.s32 $0xA600, s0  }
0x39: {  	s22 =	simm.s32 $0x13;
	[smem:$0x7F8] =	sst s0;
	s0 =	sadd.s32 s23, s3  }
0x3a: {  	s24 =	sadd.s32 $0xCE00, s2;
	s23 =	simm.s32 $0x4;
	[smem:$0x7F9] =	sst s0  }
0x3b: {  	s2 =	simm.s32 $0x0;
	[smem:$0x7FA] =	sst s24;
	s0 =	sor.u32 $0x1C15, s25  }
0x3c: {  	s25 =	simm.s32 $0x14800;
	s24 =	simm.s32 $0x8;
	[smem:$0x7FD] =	sst s0  }
.LBB2_1:
0x3d: {  	s0 =	sld [smem:$0x7F9]  }
0x3e: {  	s13 =	sld [smem:$0x7F8]  }
0x3f: {  	s14 =	sld [smem:$0x7FD]  }
0x40: {  	[smem:$0x7E9] =	sst s2;
	s9 =	sshrl.u32 s0, $0x3  }
0x41: {  	[smem:$0x7EA] =	sst s9  }
0x42: {  	[spmem:s9], [sflag:s14] =	dma.local [hbm:s13], $0x2800  }
0x43: {  	s0 =	sld [smem:$0x7F2];
	_ =	sdelay $0x1  }
0x44: {  	s20 =	simm.s32 $0x14000  }
0x45: {  	[tilespmem:s20], [sflag:$0x16] =	stream.linear.gather [hbm4b:s0+s4], $0x28, $0x38;
	[tilespmem:$0x1AE00] =	vst v63  }
0x46: {  	_ =	swait.ge [sflag:s5], $0x28  }
0x47: {  	s9 =	sld [smem:$0x7F3]  }
0x48: {  	[sflag:s5] =	ssyncset.done $0x0  }
0x49: {  	s10 =	simm.s32 $0x14500;
	[sflag:s5] =	ssyncadd.s32 $0xFFFFFFD8  }
0x4a: {  	[tilespmem:s10], [sflag:$0x16] =	stream.linear.gather [hbm4b:s9+s4], $0x28, $0x38;
	[tilespmem:$0x1AE00] =	vst v63  }
0x4b: {  	_ =	swait.ge [sflag:s5], $0x28  }
0x4c: {  	[sflag:s5] =	ssyncset.done $0x0  }
0x4d: {  	s12 =	simm.s32 $0x14100;
	s11 =	rddreg [dreg:$0xf];
	[sflag:s5] =	ssyncadd.s32 $0xFFFFFFD8  }
0x4e: {  	[tilespmem:s12], [sflag:$0x16] =	stream.linear.gather [hbm4b:s11+s4], $0x28, $0x38;
	[tilespmem:$0x1AE00] =	vst v63  }
0x4f: {  	_ =	swait.ge [sflag:s5], $0x28  }
0x50: {  	[sflag:s5] =	ssyncset.done $0x0  }
0x51: {  	s20 =	simm.s32 $0x14600;
	s13 =	rddreg [dreg:$0x10];
	[sflag:s5] =	ssyncadd.s32 $0xFFFFFFD8  }
0x52: {  	[tilespmem:s20], [sflag:$0x16] =	stream.linear.gather [hbm4b:s13+s4], $0x28, $0x38;
	[tilespmem:$0x1AE00] =	vst v63  }
0x53: {  	_ =	swait.ge [sflag:s5], $0x28  }
0x54: {  	[sflag:s5] =	ssyncset.done $0x0  }
0x55: {  	s11 =	simm.s32 $0x14200;
	s2 =	rddreg [dreg:$0x11];
	[sflag:s5] =	ssyncadd.s32 $0xFFFFFFD8  }
0x56: {  	[tilespmem:s11], [sflag:$0x16] =	stream.linear.gather [hbm4b:s2+s4], $0x28, $0x38;
	[tilespmem:$0x1AE00] =	vst v63  }
0x57: {  	_ =	swait.ge [sflag:s5], $0x28  }
0x58: {  	[sflag:s5] =	ssyncset.done $0x0  }
0x59: {  	s20 =	simm.s32 $0x14700;
	s13 =	rddreg [dreg:$0x12];
	[sflag:s5] =	ssyncadd.s32 $0xFFFFFFD8  }
0x5a: {  	[tilespmem:s20], [sflag:$0x16] =	stream.linear.gather [hbm4b:s13+s4], $0x28, $0x38;
	[tilespmem:$0x1AE00] =	vst v63  }
0x5b: {  	_ =	swait.ge [sflag:s5], $0x28  }
0x5c: {  	[sflag:s5] =	ssyncset.done $0x0  }
0x5d: {  	s20 =	simm.s32 $0x14300;
	s13 =	rddreg [dreg:$0x13];
	[sflag:s5] =	ssyncadd.s32 $0xFFFFFFD8  }
0x5e: {  	[tilespmem:s20], [sflag:$0x16] =	stream.linear.gather [hbm4b:s13+s4], $0x28, $0x38;
	[tilespmem:$0x1AE00] =	vst v63  }
0x5f: {  	_ =	swait.ge [sflag:s5], $0x28  }
0x60: {  	[sflag:s5] =	ssyncset.done $0x0  }
0x61: {  	s13 =	rddreg [dreg:$0x14];
	[sflag:s5] =	ssyncadd.s32 $0xFFFFFFD8  }
0x62: {  	[tilespmem:s25], [sflag:$0x16] =	stream.linear.gather [hbm4b:s13+s4], $0x28, $0x38;
	[tilespmem:$0x1AE00] =	vst v63  }
0x63: {  	_ =	swait.ge [sflag:s5], $0x28  }
0x64: {  	[sflag:s5] =	ssyncset.done $0x0  }
0x65: {  	s13 =	rddreg [dreg:$0x15];
	[sflag:s5] =	ssyncadd.s32 $0xFFFFFFD8  }
0x66: {  	[tilespmem:s31], [sflag:$0x16] =	stream.linear.gather [hbm4b:s13+s4], $0x28, $0x38;
	[tilespmem:$0x1AE00] =	vst v63  }
0x67: {  	_ =	swait.ge [sflag:s5], $0x28  }
0x68: {  	[sflag:s5] =	ssyncset.done $0x0  }
0x69: {  	s10 =	simm.s32 $0x14900;
	s13 =	rddreg [dreg:$0x16];
	[sflag:s5] =	ssyncadd.s32 $0xFFFFFFD8  }
0x6a: {  	[tilespmem:s10], [sflag:$0x16] =	stream.linear.gather [hbm4b:s13+s4], $0x28, $0x38;
	[tilespmem:$0x1AE00] =	vst v63  }
0x6b: {  	_ =	swait.ge [sflag:s5], $0x28  }
0x6c: {  	[sflag:s5] =	ssyncset.done $0x0  }
0x6d: {  	s9 =	simm.s32 $0x14080;
	[sflag:s5] =	ssyncadd.s32 $0xFFFFFFD8;
	s5 =	rddreg [dreg:$0x17]  }
0x6e: {  	[tilespmem:s9], [sflag:$0xB] =	stream.linear.gather [hbm4b:s5+s4], $0x28, $0x38;
	[tilespmem:$0x1AE00] =	vst v63  }
0x6f: {  	s10 =	simm.s32 $0x14580;
	s9 =	rddreg [dreg:$0x18]  }
0x70: {  	[tilespmem:s10], [sflag:$0x10] =	stream.linear.gather [hbm4b:s9+s4], $0x28, $0x38;
	[tilespmem:$0x1AE00] =	vst v63  }
0x71: {  	s14 =	simm.s32 $0x14180;
	s5 =	rddreg [dreg:$0x19]  }
0x72: {  	[tilespmem:s14], [sflag:$0xC] =	stream.linear.gather [hbm4b:s5+s4], $0x28, $0x38;
	[tilespmem:$0x1AE00] =	vst v63  }
0x73: {  	s9 =	rddreg [dreg:$0x1a];
	s10 =	simm.s32 $0x14680;
	s14 =	simm.s32 $0x15  }
0x74: {  	[tilespmem:s10], [sflag:$0x11] =	stream.linear.gather [hbm4b:s9+s4], $0x28, $0x38;
	[tilespmem:$0x1AE00] =	vst v63  }
0x75: {  	_ =	swait.ge [sflag:s14], $0x2800  }
0x76: {  	[sflag:s14] =	ssyncset.done $0x0  }
0x77: {  	[sflag:s14] =	ssyncadd.s32 $0xFFFFD800  }
0x78: {  	s5 =	simm.s32 $0x14000;
	s10 =	simm.s32 $0x14A00;
	[bflag:$0x0] =	sbarrier.arrive $0xFFFF  }
0x79: {  	[tilespmem:s10], [sflag:$0x1] =	stream.indirect.gather [hbm4b:s1+s30], $0x80, s5, s30, $0xb8;
	[tilespmem:$0x1AE00] =	vst v63  }
0x7a: {  	s12 =	simm.s32 $0x14100;
	s9 =	simm.s32 $0x15E00  }
0x7b: {  	[tilespmem:s9], [sflag:$0x2] =	stream.indirect.gather [hbm4b:s1+s30], $0x80, s12, s30, $0xb8;
	[tilespmem:$0x1AE00] =	vst v63  }
0x7c: {  	s14 =	simm.s32 $0x17200  }
0x7d: {  	[tilespmem:s14], [sflag:$0x3] =	stream.indirect.gather [hbm4b:s1+s30], $0x80, s11, s30, $0xb8;
	[tilespmem:$0x1AE00] =	vst v63  }
0x7e: {  	s5 =	simm.s32 $0x18600  }
0x7f: {  	[tilespmem:s5], [sflag:$0x4] =	stream.indirect.gather [hbm4b:s1+s30], $0x80, s20, s30, $0xb8;
	[tilespmem:$0x1AE00] =	vst v63  }
0x80: {  	s5 =	simm.s32 $0x1  }
0x81: {  	_ =	swait.ge [sflag:s5], $0x1400  }
0x82: {  	[sflag:s5] =	ssyncset.done $0x0  }
0x83: {  	s11 =	simm.s32 $0x14500;
	[sflag:s5] =	ssyncadd.s32 $0xFFFFEC00  }
0x84: {  	[spmem:s3] =	stream.indirect.scatter.add.f32 [tilespmem:s10], [sflag:$0x6], $0x80, s11, s30, $0xb8;
	[tilespmem:$0x1AE00] =	vst v63  }
0x85: {  	s12 =	simm.s32 $0x19A00  }
0x86: {  	[tilespmem:s12], [sflag:$0x5] =	stream.indirect.gather [hbm4b:s1+s30], $0x80, s31, s30, $0xb8;
	[tilespmem:$0x1AE00] =	vst v63  }
0x87: {  	s14 =	rddreg [dreg:$0x1b]  }
0x88: {  	[tilespmem:s7], [sflag:$0xD] =	stream.linear.gather [hbm4b:s14+s4], $0x28, $0x38;
	[tilespmem:$0x1AE00] =	vst v63  }
0x89: {  	s2 =	simm.s32 $0x14780;
	s20 =	rddreg [dreg:$0x1c];
	s31 =	simm.s32 $0x2  }
0x8a: {  	[tilespmem:s2], [sflag:$0x12] =	stream.linear.gather [hbm4b:s20+s4], $0x28, $0x38;
	[tilespmem:$0x1AE00] =	vst v63  }
0x8b: {  	_ =	swait.ge [sflag:s31], $0x1400  }
0x8c: {  	[sflag:s31] =	ssyncset.done $0x0  }
0x8d: {  	s9 =	simm.s32 $0x15E00;
	s10 =	simm.s32 $0x14600;
	[sflag:s31] =	ssyncadd.s32 $0xFFFFEC00  }
0x8e: {  	[spmem:s3] =	stream.indirect.scatter.add.f32 [tilespmem:s9], [sflag:$0x7], $0x80, s10, s30, $0xb8;
	[tilespmem:$0x1AE00] =	vst v63  }
0x8f: {  	s9 =	simm.s32 $0x6  }
0x90: {  	_ =	swait.ge [sflag:s9], $0x1400  }
0x91: {  	[sflag:s9] =	ssyncset.done $0x0  }
0x92: {  	s12 =	simm.s32 $0xB;
	[sflag:s9] =	ssyncadd.s32 $0xFFFFEC00  }
0x93: {  	_ =	swait.ge [sflag:s12], $0x28  }
0x94: {  	[sflag:s12] =	ssyncset.done $0x0  }
0x95: {  	s14 =	simm.s32 $0x10;
	[sflag:s12] =	ssyncadd.s32 $0xFFFFFFD8  }
0x96: {  	_ =	swait.ge [sflag:s14], $0x28  }
0x97: {  	[sflag:s14] =	ssyncset.done $0x0  }
0x98: {  	s13 =	simm.s32 $0x14080;
	s11 =	simm.s32 $0x14A00;
	[sflag:s14] =	ssyncadd.s32 $0xFFFFFFD8  }
0x99: {  	[tilespmem:s11], [sflag:$0x1] =	stream.indirect.gather [hbm4b:s1+s30], $0x80, s13, s30, $0xb8;
	[tilespmem:$0x1AE00] =	vst v63  }
0x9a: {  	s20 =	simm.s32 $0x14380;
	s11 =	rddreg [dreg:$0x1d]  }
0x9b: {  	[tilespmem:s20], [sflag:$0xE] =	stream.linear.gather [hbm4b:s11+s4], $0x28, $0x38;
	[tilespmem:$0x1AE00] =	vst v63  }
0x9c: {  	s2 =	simm.s32 $0x14880;
	s13 =	rddreg [dreg:$0x1e]  }
0x9d: {  	[tilespmem:s2], [sflag:$0x13] =	stream.linear.gather [hbm4b:s13+s4], $0x28, $0x38;
	[tilespmem:$0x1AE00] =	vst v63  }
0x9e: {  	s13 =	simm.s32 $0x3  }
0x9f: {  	_ =	swait.ge [sflag:s13], $0x1400  }
0xa0: {  	[sflag:s13] =	ssyncset.done $0x0  }
0xa1: {  	s11 =	simm.s32 $0x17200;
	s2 =	simm.s32 $0x14700;
	[sflag:s13] =	ssyncadd.s32 $0xFFFFEC00  }
0xa2: {  	[spmem:s3] =	stream.indirect.scatter.add.f32 [tilespmem:s11], [sflag:$0x8], $0x80, s2, s30, $0xb8;
	[tilespmem:$0x1AE00] =	vst v63  }
0xa3: {  	s2 =	simm.s32 $0x7  }
0xa4: {  	_ =	swait.ge [sflag:s2], $0x1400  }
0xa5: {  	[sflag:s2] =	ssyncset.done $0x0  }
0xa6: {  	[sflag:s2] =	ssyncadd.s32 $0xFFFFEC00  }
0xa7: {  	_ =	swait.ge [sflag:s16], $0x28  }
0xa8: {  	[sflag:s16] =	ssyncset.done $0x0  }
0xa9: {  	[sflag:s16] =	ssyncadd.s32 $0xFFFFFFD8  }
0xaa: {  	_ =	swait.ge [sflag:s19], $0x28  }
0xab: {  	[sflag:s19] =	ssyncset.done $0x0  }
0xac: {  	s0 =	simm.s32 $0x14180;
	s10 =	simm.s32 $0x15E00;
	[sflag:s19] =	ssyncadd.s32 $0xFFFFFFD8  }
0xad: {  	[tilespmem:s10], [sflag:$0x2] =	stream.indirect.gather [hbm4b:s1+s30], $0x80, s0, s30, $0xb8;
	[tilespmem:$0x1AE00] =	vst v63  }
0xae: {  	s10 =	rddreg [dreg:$0x1f]  }
0xaf: {  	[tilespmem:s6], [sflag:$0xF] =	stream.linear.gather [hbm4b:s10+s4], $0x28, $0x38;
	[tilespmem:$0x1AE00] =	vst v63  }
0xb0: {  	s6 =	sld [smem:$0x7EB];
	_ =	sdelay $0x1  }
0xb1: {  	s10 =	simm.s32 $0x14980  }
0xb2: {  	[tilespmem:s10], [sflag:$0x14] =	stream.linear.gather [hbm4b:s6+s4], $0x28, $0x38;
	[tilespmem:$0x1AE00] =	vst v63  }
0xb3: {  	_ =	swait.ge [sflag:s23], $0x1400  }
0xb4: {  	[sflag:s23] =	ssyncset.done $0x0  }
0xb5: {  	s6 =	simm.s32 $0x18600;
	[sflag:s23] =	ssyncadd.s32 $0xFFFFEC00  }
0xb6: {  	[spmem:s3] =	stream.indirect.scatter.add.f32 [tilespmem:s6], [sflag:$0x9], $0x80, s25, s30, $0xb8;
	[tilespmem:$0x1AE00] =	vst v63  }
0xb7: {  	_ =	swait.ge [sflag:s24], $0x1400  }
0xb8: {  	[sflag:s24] =	ssyncset.done $0x0  }
0xb9: {  	[sflag:s24] =	ssyncadd.s32 $0xFFFFEC00  }
0xba: {  	_ =	swait.ge [sflag:s26], $0x28  }
0xbb: {  	[sflag:s26] =	ssyncset.done $0x0  }
0xbc: {  	[sflag:s26] =	ssyncadd.s32 $0xFFFFFFD8  }
0xbd: {  	_ =	swait.ge [sflag:s29], $0x28  }
0xbe: {  	[sflag:s29] =	ssyncset.done $0x0  }
0xbf: {  	s11 =	simm.s32 $0x17200;
	[sflag:s29] =	ssyncadd.s32 $0xFFFFFFD8  }
0xc0: {  	[tilespmem:s11], [sflag:$0x3] =	stream.indirect.gather [hbm4b:s1+s30], $0x80, s7, s30, $0xb8;
	[tilespmem:$0x1AE00] =	vst v63  }
0xc1: {  	s11 =	sld [smem:$0x7EC];
	_ =	sdelay $0x1  }
0xc2: {  	s25 =	simm.s32 $0x14000;
	s7 =	sld [smem:$0x7ED]  }
0xc3: {  	[tilespmem:s25], [sflag:$0xB] =	stream.linear.gather [hbm4b:s11+s4], $0x28, $0x38;
	[tilespmem:$0x1AE00] =	vst v63  }
0xc4: {  	s10 =	simm.s32 $0x14500  }
0xc5: {  	[tilespmem:s10], [sflag:$0x10] =	stream.linear.gather [hbm4b:s7+s4], $0x28, $0x38;
	[tilespmem:$0x1AE00] =	vst v63  }
0xc6: {  	_ =	swait.ge [sflag:s8], $0x1400  }
0xc7: {  	[sflag:s8] =	ssyncset.done $0x0  }
0xc8: {  	s11 =	simm.s32 $0x14900;
	s25 =	simm.s32 $0x19A00;
	[sflag:s8] =	ssyncadd.s32 $0xFFFFEC00  }
0xc9: {  	[spmem:s3] =	stream.indirect.scatter.add.f32 [tilespmem:s25], [sflag:$0xA], $0x80, s11, s30, $0xb8;
	[tilespmem:$0x1AE00] =	vst v63  }
0xca: {  	_ =	swait.ge [sflag:s28], $0x1400  }
0xcb: {  	[sflag:s28] =	ssyncset.done $0x0  }
0xcc: {  	[sflag:s28] =	ssyncadd.s32 $0xFFFFEC00  }
0xcd: {  	_ =	swait.ge [sflag:s21], $0x28  }
0xce: {  	[sflag:s21] =	ssyncset.done $0x0  }
0xcf: {  	[sflag:s21] =	ssyncadd.s32 $0xFFFFFFD8  }
0xd0: {  	_ =	swait.ge [sflag:s22], $0x28  }
0xd1: {  	[sflag:s22] =	ssyncset.done $0x0  }
0xd2: {  	[sflag:s22] =	ssyncadd.s32 $0xFFFFFFD8  }
0xd3: {  	[tilespmem:s6], [sflag:$0x4] =	stream.indirect.gather [hbm4b:s1+s30], $0x80, s20, s30, $0xb8;
	[tilespmem:$0x1AE00] =	vst v63  }
0xd4: {  	s6 =	sld [smem:$0x7EE];
	_ =	sdelay $0x1  }
0xd5: {  	s7 =	simm.s32 $0x14100;
	s10 =	sld [smem:$0x7EF]  }
0xd6: {  	[tilespmem:s7], [sflag:$0xC] =	stream.linear.gather [hbm4b:s6+s4], $0x28, $0x38;
	[tilespmem:$0x1AE00] =	vst v63  }
0xd7: {  	s11 =	simm.s32 $0x14600  }
0xd8: {  	[tilespmem:s11], [sflag:$0x11] =	stream.linear.gather [hbm4b:s10+s4], $0x28, $0x38;
	[tilespmem:$0x1AE00] =	vst v63  }
0xd9: {  	s20 =	simm.s32 $0x80;
	_ =	swait.ge [sflag:s5], $0x1400  }
0xda: {  	s0 =	sand.u32 $0x80, s20;
	[sflag:s5] =	ssyncset.done $0x0  }
0xdb: {  	s6 =	simm.s32 $0x14A00;
	s10 =	sor.u32 $0x14500, s0;
	[sflag:s5] =	ssyncadd.s32 $0xFFFFEC00  }
0xdc: {  	[spmem:s3] =	stream.indirect.scatter.add.f32 [tilespmem:s6], [sflag:$0x6], $0x80, s10, s30, $0xb8;
	[tilespmem:$0x1AE00] =	vst v63  }
0xdd: {  	_ =	swait.ge [sflag:s15], $0x1400  }
0xde: {  	[sflag:s15] =	ssyncset.done $0x0  }
0xdf: {  	[sflag:s15] =	ssyncadd.s32 $0xFFFFEC00  }
0xe0: {  	_ =	swait.ge [sflag:s17], $0x28  }
0xe1: {  	[sflag:s17] =	ssyncset.done $0x0  }
0xe2: {  	[sflag:s17] =	ssyncadd.s32 $0xFFFFFFD8  }
0xe3: {  	_ =	swait.ge [sflag:s18], $0x28  }
0xe4: {  	s25 =	simm.s32 $0x19A00;
	[sflag:s18] =	ssyncset.done $0x0  }
0xe5: {  	s7 =	sor.u32 $0x14400, s0;
	s6 =	rddreg [dreg:$0xe];
	[sflag:s18] =	ssyncadd.s32 $0xFFFFFFD8  }
0xe6: {  	[tilespmem:s25], [sflag:$0x5] =	stream.indirect.gather [hbm4b:s1+s30], $0x80, s7, s30, $0xb8;
	[tilespmem:$0x1AE00] =	vst v63  }
0xe7: {  	s5 =	sxor.u32 $0x14280, s0;
	s20 =	rddreg [dreg:$0xd];
	s6 =	sadd.s32 $0x0, s6  }
0xe8: {  	[tilespmem:s5], [sflag:$0xD] =	stream.linear.gather [hbm4b:s6+s4], $0x28, $0x38;
	[tilespmem:$0x1AE00] =	vst v63  }
0xe9: {  	s25 =	sxor.u32 $0x14780, s0;
	s7 =	sadd.s32 $0x0, s20  }
0xea: {  	[tilespmem:s25], [sflag:$0x12] =	stream.linear.gather [hbm4b:s7+s4], $0x28, $0x38;
	[tilespmem:$0x1AE00] =	vst v63  }
0xeb: {  	_ =	swait.ge [sflag:s31], $0x1400  }
0xec: {  	[sflag:s31] =	ssyncset.done $0x0  }
0xed: {  	s20 =	simm.s32 $0x15E00;
	s25 =	sor.u32 $0x14600, s0;
	[sflag:s31] =	ssyncadd.s32 $0xFFFFEC00  }
0xee: {  	[spmem:s3] =	stream.indirect.scatter.add.f32 [tilespmem:s20], [sflag:$0x7], $0x80, s25, s30, $0xb8;
	[tilespmem:$0x1AE00] =	vst v63  }
0xef: {  	_ =	swait.ge [sflag:s9], $0x1400  }
0xf0: {  	[sflag:s9] =	ssyncset.done $0x0  }
0xf1: {  	[sflag:s9] =	ssyncadd.s32 $0xFFFFEC00  }
0xf2: {  	_ =	swait.ge [sflag:s12], $0x28  }
0xf3: {  	[sflag:s12] =	ssyncset.done $0x0  }
0xf4: {  	[sflag:s12] =	ssyncadd.s32 $0xFFFFFFD8  }
0xf5: {  	_ =	swait.ge [sflag:s14], $0x28  }
0xf6: {  	s11 =	simm.s32 $0x14A00;
	[sflag:s14] =	ssyncset.done $0x0  }
0xf7: {  	s12 =	sxor.u32 $0x14080, s0;
	s7 =	rddreg [dreg:$0xc];
	[sflag:s14] =	ssyncadd.s32 $0xFFFFFFD8  }
0xf8: {  	[tilespmem:s11], [sflag:$0x1] =	stream.indirect.gather [hbm4b:s1+s30], $0x80, s12, s30, $0xb8;
	[tilespmem:$0x1AE00] =	vst v63  }
0xf9: {  	s6 =	sxor.u32 $0x14380, s0;
	s9 =	rddreg [dreg:$0xb];
	s7 =	sadd.s32 $0x0, s7  }
0xfa: {  	[tilespmem:s6], [sflag:$0xE] =	stream.linear.gather [hbm4b:s7+s4], $0x28, $0x38;
	[tilespmem:$0x1AE00] =	vst v63  }
0xfb: {  	s14 =	sadd.s32 $0x0, s9;
	s12 =	sxor.u32 $0x14880, s0  }
0xfc: {  	[tilespmem:s12], [sflag:$0x13] =	stream.linear.gather [hbm4b:s14+s4], $0x28, $0x38;
	[tilespmem:$0x1AE00] =	vst v63  }
0xfd: {  	_ =	swait.ge [sflag:s13], $0x1400  }
0xfe: {  	[sflag:s13] =	ssyncset.done $0x0  }
0xff: {  	s14 =	simm.s32 $0x17200;
	[sflag:s13] =	ssyncadd.s32 $0xFFFFEC00;
	s13 =	sor.u32 $0x14700, s0  }
0x100: {  	[spmem:s3] =	stream.indirect.scatter.add.f32 [tilespmem:s14], [sflag:$0x8], $0x80, s13, s30, $0xb8;
	[tilespmem:$0x1AE00] =	vst v63  }
0x101: {  	_ =	swait.ge [sflag:s2], $0x1400  }
0x102: {  	[sflag:s2] =	ssyncset.done $0x0  }
0x103: {  	[sflag:s2] =	ssyncadd.s32 $0xFFFFEC00  }
0x104: {  	_ =	swait.ge [sflag:s16], $0x28  }
0x105: {  	[sflag:s16] =	ssyncset.done $0x0  }
0x106: {  	[sflag:s16] =	ssyncadd.s32 $0xFFFFFFD8  }
0x107: {  	_ =	swait.ge [sflag:s19], $0x28  }
0x108: {  	[sflag:s19] =	ssyncset.done $0x0  }
0x109: {  	s13 =	sxor.u32 $0x14180, s0;
	s11 =	rddreg [dreg:$0xa];
	[sflag:s19] =	ssyncadd.s32 $0xFFFFFFD8  }
0x10a: {  	[tilespmem:s20], [sflag:$0x2] =	stream.indirect.gather [hbm4b:s1+s30], $0x80, s13, s30, $0xb8;
	[tilespmem:$0x1AE00] =	vst v63  }
0x10b: {  	s2 =	sxor.u32 $0x14480, s0;
	s31 =	rddreg [dreg:$0x9];
	s7 =	sadd.s32 $0x0, s11  }
0x10c: {  	[tilespmem:s2], [sflag:$0xF] =	stream.linear.gather [hbm4b:s7+s4], $0x28, $0x38;
	[tilespmem:$0x1AE00] =	vst v63  }
0x10d: {  	s9 =	sxor.u32 $0x14980, s0;
	s11 =	sadd.s32 $0x0, s31  }
0x10e: {  	[tilespmem:s9], [sflag:$0x14] =	stream.linear.gather [hbm4b:s11+s4], $0x28, $0x38;
	[tilespmem:$0x1AE00] =	vst v63  }
0x10f: {  	_ =	swait.ge [sflag:s23], $0x1400  }
0x110: {  	[sflag:s23] =	ssyncset.done $0x0  }
0x111: {  	s13 =	sor.u32 $0x14800, s0;
	s9 =	simm.s32 $0x18600;
	[sflag:s23] =	ssyncadd.s32 $0xFFFFEC00  }
0x112: {  	[spmem:s3] =	stream.indirect.scatter.add.f32 [tilespmem:s9], [sflag:$0x9], $0x80, s13, s30, $0xb8;
	[tilespmem:$0x1AE00] =	vst v63  }
0x113: {  	_ =	swait.ge [sflag:s24], $0x1400  }
0x114: {  	[sflag:s24] =	ssyncset.done $0x0  }
0x115: {  	[sflag:s24] =	ssyncadd.s32 $0xFFFFEC00  }
0x116: {  	_ =	swait.ge [sflag:s26], $0x28  }
0x117: {  	[sflag:s26] =	ssyncset.done $0x0  }
0x118: {  	[sflag:s26] =	ssyncadd.s32 $0xFFFFFFD8  }
0x119: {  	_ =	swait.ge [sflag:s29], $0x28  }
0x11a: {  	[sflag:s29] =	ssyncset.done $0x0  }
0x11b: {  	s12 =	simm.s32 $0x17200;
	s14 =	rddreg [dreg:$0x8];
	[sflag:s29] =	ssyncadd.s32 $0xFFFFFFD8  }
0x11c: {  	[tilespmem:s12], [sflag:$0x3] =	stream.indirect.gather [hbm4b:s1+s30], $0x80, s5, s30, $0xb8;
	[tilespmem:$0x1AE00] =	vst v63  }
0x11d: {  	s2 =	sor.u32 $0x14000, s0;
	s20 =	rddreg [dreg:$0x7];
	s7 =	sadd.s32 $0x0, s14  }
0x11e: {  	[tilespmem:s2], [sflag:$0xB] =	stream.linear.gather [hbm4b:s7+s4], $0x28, $0x38;
	[tilespmem:$0x1AE00] =	vst v63  }
0x11f: {  	s11 =	sadd.s32 $0x0, s20  }
0x120: {  	[tilespmem:s10], [sflag:$0x10] =	stream.linear.gather [hbm4b:s11+s4], $0x28, $0x38;
	[tilespmem:$0x1AE00] =	vst v63  }
0x121: {  	_ =	swait.ge [sflag:s8], $0x1400  }
0x122: {  	[sflag:s8] =	ssyncset.done $0x0  }
0x123: {  	s13 =	simm.s32 $0x19A00;
	s12 =	sor.u32 $0x14900, s0;
	[sflag:s8] =	ssyncadd.s32 $0xFFFFEC00  }
0x124: {  	[spmem:s3] =	stream.indirect.scatter.add.f32 [tilespmem:s13], [sflag:$0xA], $0x80, s12, s30, $0xb8;
	[tilespmem:$0x1AE00] =	vst v63  }
0x125: {  	_ =	swait.ge [sflag:s28], $0x1400  }
0x126: {  	[sflag:s28] =	ssyncset.done $0x0  }
0x127: {  	[sflag:s28] =	ssyncadd.s32 $0xFFFFEC00  }
0x128: {  	_ =	swait.ge [sflag:s21], $0x28  }
0x129: {  	[sflag:s21] =	ssyncset.done $0x0  }
0x12a: {  	[sflag:s21] =	ssyncadd.s32 $0xFFFFFFD8  }
0x12b: {  	_ =	swait.ge [sflag:s22], $0x28  }
0x12c: {  	[sflag:s22] =	ssyncset.done $0x0  }
0x12d: {  	s14 =	rddreg [dreg:$0x6];
	[sflag:s22] =	ssyncadd.s32 $0xFFFFFFD8  }
0x12e: {  	[tilespmem:s9], [sflag:$0x4] =	stream.indirect.gather [hbm4b:s1+s30], $0x80, s6, s30, $0xb8;
	[tilespmem:$0x1AE00] =	vst v63  }
0x12f: {  	s0 =	sor.u32 $0x14100, s0;
	s20 =	rddreg [dreg:$0x5];
	s2 =	sadd.s32 $0x0, s14  }
0x130: {  	[tilespmem:s0], [sflag:$0xC] =	stream.linear.gather [hbm4b:s2+s4], $0x28, $0x38;
	[tilespmem:$0x1AE00] =	vst v63  }
0x131: {  	s31 =	simm.s32 $0x100;
	s14 =	simm.s32 $0x19;
	s0 =	sadd.s32 $0x0, s20  }
.LBB2_2:
0x132: {  	[tilespmem:s25], [sflag:$0x11] =	stream.linear.gather [hbm4b:s0+s4], $0x28, $0x38;
	[tilespmem:$0x1AE00] =	vst v63  }
0x133: {  	s5 =	simm.s32 $0x1  }
0x134: {  	_ =	swait.ge [sflag:s5], $0x1400  }
0x135: {  	s2 =	sand.u32 $0x80, s31;
	[sflag:s5] =	ssyncset.done $0x0  }
0x136: {  	s11 =	simm.s32 $0x14A00;
	[sflag:s5] =	ssyncadd.s32 $0xFFFFEC00;
	s5 =	sor.u32 $0x14500, s2  }
0x137: {  	[spmem:s3] =	stream.indirect.scatter.add.f32 [tilespmem:s11], [sflag:$0x6], $0x80, s5, s30, $0xb8;
	[tilespmem:$0x1AE00] =	vst v63  }
0x138: {  	_ =	swait.ge [sflag:s15], $0x1400  }
0x139: {  	[sflag:s15] =	ssyncset.done $0x0  }
0x13a: {  	[sflag:s15] =	ssyncadd.s32 $0xFFFFEC00  }
0x13b: {  	_ =	swait.ge [sflag:s17], $0x28  }
0x13c: {  	[sflag:s17] =	ssyncset.done $0x0  }
0x13d: {  	[sflag:s17] =	ssyncadd.s32 $0xFFFFFFD8  }
0x13e: {  	_ =	swait.ge [sflag:s18], $0x28  }
0x13f: {  	s0 =	smov.u32 s14;
	s13 =	simm.s32 $0x19A00;
	[sflag:s18] =	ssyncset.done $0x0  }
0x140: {  	s7 =	sor.u32 $0x14400, s2;
	s6 =	rddreg [dreg:$0xe];
	[sflag:s18] =	ssyncadd.s32 $0xFFFFFFD8  }
0x141: {  	[tilespmem:s13], [sflag:$0x5] =	stream.indirect.gather [hbm4b:s1+s30], $0x80, s7, s30, $0xb8;
	[tilespmem:$0x1AE00] =	vst v63  }
0x142: {  	s9 =	rddreg [dreg:$0xd];
	s6 =	sadd.s32 s0, s6;
	s7 =	sxor.u32 $0x14280, s2  }
0x143: {  	[tilespmem:s7], [sflag:$0xD] =	stream.linear.gather [hbm4b:s6+s4], $0x28, $0x38;
	[tilespmem:$0x1AE00] =	vst v63  }
0x144: {  	s12 =	simm.s32 $0x2;
	s10 =	sxor.u32 $0x14780, s2;
	s25 =	sadd.s32 s0, s9  }
0x145: {  	[tilespmem:s10], [sflag:$0x12] =	stream.linear.gather [hbm4b:s25+s4], $0x28, $0x38;
	[tilespmem:$0x1AE00] =	vst v63  }
0x146: {  	_ =	swait.ge [sflag:s12], $0x1400  }
0x147: {  	s20 =	simm.s32 $0x6;
	[sflag:s12] =	ssyncset.done $0x0  }
0x148: {  	s25 =	sor.u32 $0x14600, s2;
	[sflag:s12] =	ssyncadd.s32 $0xFFFFEC00;
	s12 =	simm.s32 $0x15E00  }
0x149: {  	[spmem:s3] =	stream.indirect.scatter.add.f32 [tilespmem:s12], [sflag:$0x7], $0x80, s25, s30, $0xb8;
	[tilespmem:$0x1AE00] =	vst v63  }
0x14a: {  	_ =	swait.ge [sflag:s20], $0x1400  }
0x14b: {  	[sflag:s20] =	ssyncset.done $0x0  }
0x14c: {  	s9 =	simm.s32 $0xB;
	[sflag:s20] =	ssyncadd.s32 $0xFFFFEC00  }
0x14d: {  	_ =	swait.ge [sflag:s9], $0x28  }
0x14e: {  	[sflag:s9] =	ssyncset.done $0x0  }
0x14f: {  	s10 =	simm.s32 $0x10;
	[sflag:s9] =	ssyncadd.s32 $0xFFFFFFD8  }
0x150: {  	_ =	swait.ge [sflag:s10], $0x28  }
0x151: {  	[sflag:s10] =	ssyncset.done $0x0  }
0x152: {  	s6 =	sxor.u32 $0x14080, s2;
	s9 =	rddreg [dreg:$0xc];
	[sflag:s10] =	ssyncadd.s32 $0xFFFFFFD8  }
0x153: {  	[tilespmem:s11], [sflag:$0x1] =	stream.indirect.gather [hbm4b:s1+s30], $0x80, s6, s30, $0xb8;
	[tilespmem:$0x1AE00] =	vst v63  }
0x154: {  	s20 =	rddreg [dreg:$0xb];
	s9 =	sadd.s32 s0, s9;
	s6 =	sxor.u32 $0x14380, s2  }
0x155: {  	[tilespmem:s6], [sflag:$0xE] =	stream.linear.gather [hbm4b:s9+s4], $0x28, $0x38;
	[tilespmem:$0x1AE00] =	vst v63  }
0x156: {  	s10 =	sxor.u32 $0x14880, s2;
	s20 =	sadd.s32 s0, s20;
	s11 =	simm.s32 $0x3  }
0x157: {  	[tilespmem:s10], [sflag:$0x13] =	stream.linear.gather [hbm4b:s20+s4], $0x28, $0x38;
	[tilespmem:$0x1AE00] =	vst v63  }
0x158: {  	_ =	swait.ge [sflag:s11], $0x1400  }
0x159: {  	s20 =	sor.u32 $0x14700, s2;
	[sflag:s11] =	ssyncset.done $0x0  }
0x15a: {  	s10 =	simm.s32 $0x17200;
	[sflag:s11] =	ssyncadd.s32 $0xFFFFEC00;
	s11 =	simm.s32 $0x7  }
0x15b: {  	[spmem:s3] =	stream.indirect.scatter.add.f32 [tilespmem:s10], [sflag:$0x8], $0x80, s20, s30, $0xb8;
	[tilespmem:$0x1AE00] =	vst v63  }
0x15c: {  	_ =	swait.ge [sflag:s11], $0x1400  }
0x15d: {  	[sflag:s11] =	ssyncset.done $0x0  }
0x15e: {  	[sflag:s11] =	ssyncadd.s32 $0xFFFFEC00  }
0x15f: {  	_ =	swait.ge [sflag:s16], $0x28  }
0x160: {  	[sflag:s16] =	ssyncset.done $0x0  }
0x161: {  	[sflag:s16] =	ssyncadd.s32 $0xFFFFFFD8  }
0x162: {  	_ =	swait.ge [sflag:s19], $0x28  }
0x163: {  	[sflag:s19] =	ssyncset.done $0x0  }
0x164: {  	s20 =	sxor.u32 $0x14180, s2;
	s9 =	rddreg [dreg:$0xa];
	[sflag:s19] =	ssyncadd.s32 $0xFFFFFFD8  }
0x165: {  	[tilespmem:s12], [sflag:$0x2] =	stream.indirect.gather [hbm4b:s1+s30], $0x80, s20, s30, $0xb8;
	[tilespmem:$0x1AE00] =	vst v63  }
0x166: {  	s11 =	rddreg [dreg:$0x9];
	s9 =	sadd.s32 s0, s9;
	s12 =	sxor.u32 $0x14480, s2  }
0x167: {  	[tilespmem:s12], [sflag:$0xF] =	stream.linear.gather [hbm4b:s9+s4], $0x28, $0x38;
	[tilespmem:$0x1AE00] =	vst v63  }
0x168: {  	s11 =	sadd.s32 s0, s11;
	s20 =	sxor.u32 $0x14980, s2  }
0x169: {  	[tilespmem:s20], [sflag:$0x14] =	stream.linear.gather [hbm4b:s11+s4], $0x28, $0x38;
	[tilespmem:$0x1AE00] =	vst v63  }
0x16a: {  	_ =	swait.ge [sflag:s23], $0x1400  }
0x16b: {  	[sflag:s23] =	ssyncset.done $0x0  }
0x16c: {  	s12 =	simm.s32 $0x18600;
	s11 =	sor.u32 $0x14800, s2;
	[sflag:s23] =	ssyncadd.s32 $0xFFFFEC00  }
0x16d: {  	[spmem:s3] =	stream.indirect.scatter.add.f32 [tilespmem:s12], [sflag:$0x9], $0x80, s11, s30, $0xb8;
	[tilespmem:$0x1AE00] =	vst v63  }
0x16e: {  	_ =	swait.ge [sflag:s24], $0x1400  }
0x16f: {  	[sflag:s24] =	ssyncset.done $0x0  }
0x170: {  	[sflag:s24] =	ssyncadd.s32 $0xFFFFEC00  }
0x171: {  	_ =	swait.ge [sflag:s26], $0x28  }
0x172: {  	[sflag:s26] =	ssyncset.done $0x0  }
0x173: {  	[sflag:s26] =	ssyncadd.s32 $0xFFFFFFD8  }
0x174: {  	_ =	swait.ge [sflag:s29], $0x28  }
0x175: {  	[sflag:s29] =	ssyncset.done $0x0  }
0x176: {  	s9 =	rddreg [dreg:$0x8];
	[sflag:s29] =	ssyncadd.s32 $0xFFFFFFD8  }
0x177: {  	[tilespmem:s10], [sflag:$0x3] =	stream.indirect.gather [hbm4b:s1+s30], $0x80, s7, s30, $0xb8;
	[tilespmem:$0x1AE00] =	vst v63  }
0x178: {  	s20 =	sor.u32 $0x14000, s2;
	s11 =	rddreg [dreg:$0x7];
	s9 =	sadd.s32 s0, s9  }
0x179: {  	[tilespmem:s20], [sflag:$0xB] =	stream.linear.gather [hbm4b:s9+s4], $0x28, $0x38;
	[tilespmem:$0x1AE00] =	vst v63  }
0x17a: {  	s10 =	sadd.s32 s0, s11  }
0x17b: {  	[tilespmem:s5], [sflag:$0x10] =	stream.linear.gather [hbm4b:s10+s4], $0x28, $0x38;
	[tilespmem:$0x1AE00] =	vst v63  }
0x17c: {  	_ =	swait.ge [sflag:s8], $0x1400  }
0x17d: {  	[sflag:s8] =	ssyncset.done $0x0  }
0x17e: {  	s11 =	sor.u32 $0x14900, s2;
	[sflag:s8] =	ssyncadd.s32 $0xFFFFEC00  }
0x17f: {  	[spmem:s3] =	stream.indirect.scatter.add.f32 [tilespmem:s13], [sflag:$0xA], $0x80, s11, s30, $0xb8;
	[tilespmem:$0x1AE00] =	vst v63  }
0x180: {  	_ =	swait.ge [sflag:s28], $0x1400  }
0x181: {  	[sflag:s28] =	ssyncset.done $0x0  }
0x182: {  	[sflag:s28] =	ssyncadd.s32 $0xFFFFEC00  }
0x183: {  	_ =	swait.ge [sflag:s21], $0x28  }
0x184: {  	[sflag:s21] =	ssyncset.done $0x0  }
0x185: {  	[sflag:s21] =	ssyncadd.s32 $0xFFFFFFD8  }
0x186: {  	p0 =	sne.s32 s14, $0x47E;
	s14 =	sadd.s32 $0x19, s14;
	_ =	swait.ge [sflag:s22], $0x28  }
.Ltmp0:
0x187: {  	[sflag:s22] =	ssyncset.done $0x0;
	s13 =	rddreg [dreg:$0x6];
	(pc) =	sbr.rel @p0 .LBB2_2-.Ltmp0, $4  }
0x188: {  	s31 =	sadd.s32 $0x80, s31;
	s20 =	rddreg [dreg:$0x5];
	[sflag:s22] =	ssyncadd.s32 $0xFFFFFFD8  }
0x189: {  	[tilespmem:s12], [sflag:$0x4] =	stream.indirect.gather [hbm4b:s1+s30], $0x80, s6, s30, $0xb8;
	[tilespmem:$0x1AE00] =	vst v63  }
0x18a: {  	s2 =	sor.u32 $0x14100, s2;
	s5 =	sadd.s32 s0, s13;
	s0 =	sadd.s32 s0, s20  }
0x18b: {  	[tilespmem:s2], [sflag:$0xC] =	stream.linear.gather [hbm4b:s5+s4], $0x28, $0x38;
	[tilespmem:$0x1AE00] =	vst v63  }
0x18c: {  	[tilespmem:s25], [sflag:$0x11] =	stream.linear.gather [hbm4b:s0+s4], $0x28, $0x38;
	[tilespmem:$0x1AE00] =	vst v63  }
0x18d: {  	s11 =	simm.s32 $0x1  }
0x18e: {  	_ =	swait.ge [sflag:s11], $0x1400  }
0x18f: {  	[sflag:s11] =	ssyncset.done $0x0  }
0x190: {  	s7 =	simm.s32 $0x14500;
	s2 =	simm.s32 $0x14A00;
	[sflag:s11] =	ssyncadd.s32 $0xFFFFEC00  }
0x191: {  	[spmem:s3] =	stream.indirect.scatter.add.f32 [tilespmem:s2], [sflag:$0x6], $0x80, s7, s30, $0xb8;
	[tilespmem:$0x1AE00] =	vst v63  }
0x192: {  	_ =	swait.ge [sflag:s15], $0x1400  }
0x193: {  	[sflag:s15] =	ssyncset.done $0x0  }
0x194: {  	[sflag:s15] =	ssyncadd.s32 $0xFFFFEC00  }
0x195: {  	_ =	swait.ge [sflag:s17], $0x28  }
0x196: {  	[sflag:s17] =	ssyncset.done $0x0  }
0x197: {  	[sflag:s17] =	ssyncadd.s32 $0xFFFFFFD8  }
0x198: {  	_ =	swait.ge [sflag:s18], $0x28  }
0x199: {  	s31 =	simm.s32 $0x14400;
	[sflag:s18] =	ssyncset.done $0x0  }
0x19a: {  	s9 =	simm.s32 $0x19A00;
	s10 =	sld [smem:$0x7F0];
	[sflag:s18] =	ssyncadd.s32 $0xFFFFFFD8  }
0x19b: {  	[tilespmem:s9], [sflag:$0x5] =	stream.indirect.gather [hbm4b:s1+s30], $0x80, s31, s30, $0xb8;
	[tilespmem:$0x1AE00] =	vst v63  }
0x19c: {  	s7 =	simm.s32 $0x14280;
	s12 =	sld [smem:$0x7F1]  }
0x19d: {  	[tilespmem:s7], [sflag:$0xD] =	stream.linear.gather [hbm4b:s10+s4], $0x28, $0x38;
	[tilespmem:$0x1AE00] =	vst v63  }
0x19e: {  	s13 =	simm.s32 $0x14780;
	s2 =	simm.s32 $0x2  }
0x19f: {  	[tilespmem:s13], [sflag:$0x12] =	stream.linear.gather [hbm4b:s12+s4], $0x28, $0x38;
	[tilespmem:$0x1AE00] =	vst v63  }
0x1a0: {  	_ =	swait.ge [sflag:s2], $0x1400  }
0x1a1: {  	s14 =	simm.s32 $0x14600;
	[sflag:s2] =	ssyncset.done $0x0  }
0x1a2: {  	s20 =	simm.s32 $0x15E00;
	s5 =	simm.s32 $0x6;
	[sflag:s2] =	ssyncadd.s32 $0xFFFFEC00  }
0x1a3: {  	[spmem:s3] =	stream.indirect.scatter.add.f32 [tilespmem:s20], [sflag:$0x7], $0x80, s14, s30, $0xb8;
	[tilespmem:$0x1AE00] =	vst v63  }
0x1a4: {  	_ =	swait.ge [sflag:s5], $0x1400  }
0x1a5: {  	[sflag:s5] =	ssyncset.done $0x0  }
0x1a6: {  	s25 =	simm.s32 $0xB;
	[sflag:s5] =	ssyncadd.s32 $0xFFFFEC00  }
0x1a7: {  	_ =	swait.ge [sflag:s25], $0x28  }
0x1a8: {  	[sflag:s25] =	ssyncset.done $0x0  }
0x1a9: {  	s9 =	simm.s32 $0x10;
	[sflag:s25] =	ssyncadd.s32 $0xFFFFFFD8  }
0x1aa: {  	_ =	swait.ge [sflag:s9], $0x28  }
0x1ab: {  	s6 =	simm.s32 $0x14A00;
	[sflag:s9] =	ssyncset.done $0x0  }
0x1ac: {  	s10 =	simm.s32 $0x14080;
	s12 =	sld [smem:$0x7F4];
	[sflag:s9] =	ssyncadd.s32 $0xFFFFFFD8  }
0x1ad: {  	[tilespmem:s6], [sflag:$0x1] =	stream.indirect.gather [hbm4b:s1+s30], $0x80, s10, s30, $0xb8;
	[tilespmem:$0x1AE00] =	vst v63  }
0x1ae: {  	s14 =	simm.s32 $0x14380;
	s13 =	sld [smem:$0x7F5]  }
0x1af: {  	[tilespmem:s14], [sflag:$0xE] =	stream.linear.gather [hbm4b:s12+s4], $0x28, $0x38;
	[tilespmem:$0x1AE00] =	vst v63  }
0x1b0: {  	s25 =	simm.s32 $0x14880  }
0x1b1: {  	[tilespmem:s25], [sflag:$0x13] =	stream.linear.gather [hbm4b:s13+s4], $0x28, $0x38;
	[tilespmem:$0x1AE00] =	vst v63  }
0x1b2: {  	s13 =	simm.s32 $0x3  }
0x1b3: {  	_ =	swait.ge [sflag:s13], $0x1400  }
0x1b4: {  	[sflag:s13] =	ssyncset.done $0x0  }
0x1b5: {  	s6 =	simm.s32 $0x14700;
	s12 =	simm.s32 $0x17200;
	[sflag:s13] =	ssyncadd.s32 $0xFFFFEC00  }
0x1b6: {  	[spmem:s3] =	stream.indirect.scatter.add.f32 [tilespmem:s12], [sflag:$0x8], $0x80, s6, s30, $0xb8;
	[tilespmem:$0x1AE00] =	vst v63  }
0x1b7: {  	s6 =	simm.s32 $0x7  }
0x1b8: {  	_ =	swait.ge [sflag:s6], $0x1400  }
0x1b9: {  	[sflag:s6] =	ssyncset.done $0x0  }
0x1ba: {  	[sflag:s6] =	ssyncadd.s32 $0xFFFFEC00  }
0x1bb: {  	_ =	swait.ge [sflag:s16], $0x28  }
0x1bc: {  	[sflag:s16] =	ssyncset.done $0x0  }
0x1bd: {  	[sflag:s16] =	ssyncadd.s32 $0xFFFFFFD8  }
0x1be: {  	_ =	swait.ge [sflag:s19], $0x28  }
0x1bf: {  	[sflag:s19] =	ssyncset.done $0x0  }
0x1c0: {  	s9 =	simm.s32 $0x14180;
	s10 =	sld [smem:$0x7F6];
	[sflag:s19] =	ssyncadd.s32 $0xFFFFFFD8  }
0x1c1: {  	[tilespmem:s20], [sflag:$0x2] =	stream.indirect.gather [hbm4b:s1+s30], $0x80, s9, s30, $0xb8;
	[tilespmem:$0x1AE00] =	vst v63  }
0x1c2: {  	s25 =	sld [smem:$0x7F7];
	s9 =	simm.s32 $0x14480  }
0x1c3: {  	[tilespmem:s9], [sflag:$0xF] =	stream.linear.gather [hbm4b:s10+s4], $0x28, $0x38;
	[tilespmem:$0x1AE00] =	vst v63  }
0x1c4: {  	s10 =	simm.s32 $0x14980  }
0x1c5: {  	[tilespmem:s10], [sflag:$0x14] =	stream.linear.gather [hbm4b:s25+s4], $0x28, $0x38;
	[tilespmem:$0x1AE00] =	vst v63  }
0x1c6: {  	_ =	swait.ge [sflag:s23], $0x1400  }
0x1c7: {  	[sflag:s23] =	ssyncset.done $0x0  }
0x1c8: {  	s25 =	simm.s32 $0x14800;
	s10 =	simm.s32 $0x18600;
	[sflag:s23] =	ssyncadd.s32 $0xFFFFEC00  }
0x1c9: {  	[spmem:s3] =	stream.indirect.scatter.add.f32 [tilespmem:s10], [sflag:$0x9], $0x80, s25, s30, $0xb8;
	[tilespmem:$0x1AE00] =	vst v63  }
0x1ca: {  	_ =	swait.ge [sflag:s24], $0x1400  }
0x1cb: {  	[sflag:s24] =	ssyncset.done $0x0  }
0x1cc: {  	[sflag:s24] =	ssyncadd.s32 $0xFFFFEC00  }
0x1cd: {  	_ =	swait.ge [sflag:s26], $0x28  }
0x1ce: {  	[sflag:s26] =	ssyncset.done $0x0  }
0x1cf: {  	[sflag:s26] =	ssyncadd.s32 $0xFFFFFFD8  }
0x1d0: {  	_ =	swait.ge [sflag:s29], $0x28  }
0x1d1: {  	[sflag:s29] =	ssyncset.done $0x0  }
0x1d2: {  	[sflag:s29] =	ssyncadd.s32 $0xFFFFFFD8  }
0x1d3: {  	[tilespmem:s12], [sflag:$0x3] =	stream.indirect.gather [hbm4b:s1+s30], $0x80, s7, s30, $0xb8;
	[tilespmem:$0x1AE00] =	vst v63  }
0x1d4: {  	_ =	swait.ge [sflag:s8], $0x1400  }
0x1d5: {  	[sflag:s8] =	ssyncset.done $0x0  }
0x1d6: {  	s0 =	simm.s32 $0x14900;
	s25 =	simm.s32 $0x19A00;
	[sflag:s8] =	ssyncadd.s32 $0xFFFFEC00  }
0x1d7: {  	[spmem:s3] =	stream.indirect.scatter.add.f32 [tilespmem:s25], [sflag:$0xA], $0x80, s0, s30, $0xb8;
	[tilespmem:$0x1AE00] =	vst v63  }
0x1d8: {  	_ =	swait.ge [sflag:s28], $0x1400  }
0x1d9: {  	[sflag:s28] =	ssyncset.done $0x0  }
0x1da: {  	[sflag:s28] =	ssyncadd.s32 $0xFFFFEC00  }
0x1db: {  	_ =	swait.ge [sflag:s21], $0x28  }
0x1dc: {  	[sflag:s21] =	ssyncset.done $0x0  }
0x1dd: {  	[sflag:s21] =	ssyncadd.s32 $0xFFFFFFD8  }
0x1de: {  	_ =	swait.ge [sflag:s22], $0x28  }
0x1df: {  	[sflag:s22] =	ssyncset.done $0x0  }
0x1e0: {  	[sflag:s22] =	ssyncadd.s32 $0xFFFFFFD8  }
0x1e1: {  	[tilespmem:s10], [sflag:$0x4] =	stream.indirect.gather [hbm4b:s1+s30], $0x80, s14, s30, $0xb8;
	[tilespmem:$0x1AE00] =	vst v63  }
0x1e2: {  	_ =	swait.ge [sflag:s11], $0x1400  }
0x1e3: {  	[sflag:s11] =	ssyncset.done $0x0  }
0x1e4: {  	s14 =	simm.s32 $0x14A00;
	[sflag:s11] =	ssyncadd.s32 $0xFFFFEC00;
	s11 =	simm.s32 $0x14580  }
0x1e5: {  	[spmem:s3] =	stream.indirect.scatter.add.f32 [tilespmem:s14], [sflag:$0x6], $0x80, s11, s30, $0xb8;
	[tilespmem:$0x1AE00] =	vst v63  }
0x1e6: {  	_ =	swait.ge [sflag:s15], $0x1400  }
0x1e7: {  	[sflag:s15] =	ssyncset.done $0x0  }
0x1e8: {  	[sflag:s15] =	ssyncadd.s32 $0xFFFFEC00  }
0x1e9: {  	_ =	swait.ge [sflag:s17], $0x28  }
0x1ea: {  	[sflag:s17] =	ssyncset.done $0x0  }
0x1eb: {  	[sflag:s17] =	ssyncadd.s32 $0xFFFFFFD8  }
0x1ec: {  	_ =	swait.ge [sflag:s18], $0x28  }
0x1ed: {  	[sflag:s18] =	ssyncset.done $0x0  }
0x1ee: {  	[sflag:s18] =	ssyncadd.s32 $0xFFFFFFD8  }
0x1ef: {  	[tilespmem:s25], [sflag:$0x5] =	stream.indirect.gather [hbm4b:s1+s30], $0x80, s9, s30, $0xb8;
	[tilespmem:$0x1AE00] =	vst v63  }
0x1f0: {  	_ =	swait.ge [sflag:s2], $0x1400  }
0x1f1: {  	[sflag:s2] =	ssyncset.done $0x0  }
0x1f2: {  	s14 =	simm.s32 $0x14680;
	[sflag:s2] =	ssyncadd.s32 $0xFFFFEC00  }
0x1f3: {  	[spmem:s3] =	stream.indirect.scatter.add.f32 [tilespmem:s20], [sflag:$0x7], $0x80, s14, s30, $0xb8;
	[tilespmem:$0x1AE00] =	vst v63  }
0x1f4: {  	_ =	swait.ge [sflag:s5], $0x1400  }
0x1f5: {  	[sflag:s5] =	ssyncset.done $0x0  }
0x1f6: {  	[sflag:s5] =	ssyncadd.s32 $0xFFFFEC00  }
0x1f7: {  	_ =	swait.ge [sflag:s13], $0x1400  }
0x1f8: {  	[sflag:s13] =	ssyncset.done $0x0  }
0x1f9: {  	s5 =	simm.s32 $0x14780;
	[sflag:s13] =	ssyncadd.s32 $0xFFFFEC00  }
0x1fa: {  	[spmem:s3] =	stream.indirect.scatter.add.f32 [tilespmem:s12], [sflag:$0x8], $0x80, s5, s30, $0xb8;
	[tilespmem:$0x1AE00] =	vst v63  }
0x1fb: {  	_ =	swait.ge [sflag:s6], $0x1400  }
0x1fc: {  	[sflag:s6] =	ssyncset.done $0x0  }
0x1fd: {  	[sflag:s6] =	ssyncadd.s32 $0xFFFFEC00  }
0x1fe: {  	_ =	swait.ge [sflag:s23], $0x1400  }
0x1ff: {  	[sflag:s23] =	ssyncset.done $0x0  }
0x200: {  	s20 =	simm.s32 $0x14880;
	[sflag:s23] =	ssyncadd.s32 $0xFFFFEC00  }
0x201: {  	[spmem:s3] =	stream.indirect.scatter.add.f32 [tilespmem:s10], [sflag:$0x9], $0x80, s20, s30, $0xb8;
	[tilespmem:$0x1AE00] =	vst v63  }
0x202: {  	_ =	swait.ge [sflag:s24], $0x1400  }
0x203: {  	[sflag:s24] =	ssyncset.done $0x0  }
0x204: {  	[sflag:s24] =	ssyncadd.s32 $0xFFFFEC00  }
0x205: {  	_ =	swait.ge [sflag:s8], $0x1400  }
0x206: {  	[sflag:s8] =	ssyncset.done $0x0  }
0x207: {  	s11 =	simm.s32 $0x19A00;
	s9 =	simm.s32 $0x14980;
	[sflag:s8] =	ssyncadd.s32 $0xFFFFEC00  }
0x208: {  	[spmem:s3] =	stream.indirect.scatter.add.f32 [tilespmem:s11], [sflag:$0xA], $0x80, s9, s30, $0xb8;
	[tilespmem:$0x1AE00] =	vst v63  }
0x209: {  	_ =	swait.ge [sflag:s28], $0x1400  }
0x20a: {  	[sflag:s28] =	ssyncset.done $0x0  }
0x20b: {  	[sflag:s28] =	ssyncadd.s32 $0xFFFFEC00  }
0x20c: {  	_ =	swait.ge [sflag:s15], $0x1400  }
0x20d: {  	[sflag:s15] =	ssyncset.done $0x0  }
0x20e: {  	[sflag:s15] =	ssyncadd.s32 $0xFFFFEC00  }
0x20f: {  	[bflag:$0x0] =	sbarrier.arrive $0xFFFF  }
0x210: {  	s11 =	sld [smem:$0x7FC]  }
0x211: {  	s12 =	sld [smem:$0x7FA]  }
0x212: {  	s13 =	sld [smem:$0x7EA];
	_ =	sdelay $0x1  }
0x213: {  	s5 =	simm.s32 $0x16;
	s0 =	sor.u32 $0x1C16, s11  }
0x214: {  	[hbm:s12], [sflag:s0] =	dma.local [spmem:s13], $0x2800  }
0x215: {  	_ =	swait.ge [sflag:s5], $0x2800  }
0x216: {  	s14 =	sld [smem:$0x7E9]  }
0x217: {  	s20 =	sld [smem:$0x7FB];
	_ =	sdelay $0x1  }
0x218: {  	s2 =	sadd.s32 $0x1, s14  }
0x219: {  	p0 =	sne.s32 s2, s20  }
.Ltmp1:
0x21a: {  	_ = 	snop;
	(pc) =	sbr.rel @p0 .LBB2_1-.Ltmp1, $3  }
0x21b: {  	_ =	sdelay $0x1  }
0x21c: {  	[sflag:s5] =	ssyncset.done $0x0  }
0x21d: {  	s25 =	simm.s32 $0x14800;
	s6 =	simm.s32 $0x14480;
	[sflag:s5] =	ssyncadd.s32 $0xFFFFD800  }
0x21e: {  	_ =	sfence.sel $0x180000  }
0x21f: {  	[bflag:$0x0] =	sbarrier.arrive $0xFFFF  }
0x220: {  	_ =	strace $0x90000047  }
0x221: {  	s0 =	stileid.u32;
	[bflag:$0x2] =	sbarrier.arrive $0xFFFF  }
0x222: {  	p0 =	sne.s32 s0, $0x0;
	s0 =	rddreg [dreg:$0x4]  }
0x223: {  	s0 =	sadd.s32 @!p0 $0x100000, s0  }
0x224: {  	[sflag:s0] =	ssyncadd.tile.s32 @!p0 $0x1;
	_ =	shalt  }
.Lfunc_end2:
_tile_overlayer_lowered:
.L_overlay_start_2:
0x225: {  	(tag) =	ssettag $0x2  }
0x226: {  	s0 =	rddreg [dreg:$0x0];
	s2 =	stileid.u32  }
0x227: {  	s1 =	rddreg [dreg:$0x1];
	p0 =	sne.s32 s2, $0x0  }
0x228: {  	s3 =	rddreg [dreg:$0x2];
	[bflag:$0x3] =	sbarrier.arrive $0xFFFF;
	s2 =	simm.s32 @!p0 $0x1C16  }
0x229: {  	[timem:s3], [sflag:s2] =	dma.local @!p0 [hbm:s0], s1  }
0x22a: {  	s0 =	simm.s32 @!p0 $0x16  }
0x22b: {  	_ =	swait.ge @!p0 [sflag:s0], s1  }
0x22c: {  	s1 =	ssub.s32 @!p0 $0x0, s1;
	[sflag:s0] =	ssyncset.done @!p0 $0x0  }
0x22d: {  	[sflag:s0] =	ssyncadd.s32 @!p0 s1  }
0x22e: {  	[bflag:$0x3] =	sbarrier.arrive $0xFFFF  }
0x22f: {  	_ =	shalt  }

</sc_bundles>
